<compile_context>
chip_gen: v7x
topology: tpu7x:2x2x1
jax: 0.10.2.dev20260603
libtpu: 0.0.44.dev20260713+nightly
codegen_flags: <defaults>
</compile_context>

<pallas_src>
import functools

import jax
import jax.numpy as jnp
from jax import lax
from jax.experimental import pallas as pl
from jax.experimental.pallas import tpu as pltpu
from jax.experimental.pallas import tpu_sc as plsc

_DIM = 2048
_NE = 64
_NT = 16384
_TILE = 1024

_NC, _NS, _L = 2, 16, 16
_NW = _NC * _NS
_TPW = _NT // _NW
_GROUPS = _TPW // _L


def _matmul_body(h_ref, w_ref, out_ref):
    out_ref[...] = lax.dot_general(h_ref[...], w_ref[...],
                                   (((1,), (1,)), ((), ())),
                                   preferred_element_type=jnp.float32)


def _gate_logits_chunk(hidden_states, gate_weight, start_blk, ntok):
    return pl.pallas_call(
        _matmul_body,
        grid=(ntok // _TILE,),
        in_specs=[
            pl.BlockSpec((_TILE, _DIM), lambda i: (start_blk + i, 0)),
            pl.BlockSpec((_NE, _DIM), lambda i: (0, 0)),
        ],
        out_specs=pl.BlockSpec((_TILE, _NE), lambda i: (i, 0)),
        out_shape=jax.ShapeDtypeStruct((ntok, _NE), jnp.float32),
    )(hidden_states, gate_weight)


def _topk_groups(lbuf, ibuf, sbuf, groups):
    lane = lax.iota(jnp.int32, _L)
    zero_i = jnp.zeros((_L,), jnp.int32)

    def group(g, carry):
        rbase = (g * _L + lane) * _NE
        m1 = plsc.load_gather(lbuf, [rbase])
        i1 = zero_i
        m2 = jnp.full((_L,), -jnp.inf, jnp.float32)
        i2 = zero_i
        for e in range(1, _NE):
            e_vec = jnp.full((_L,), e, jnp.int32)
            v = plsc.load_gather(lbuf, [rbase + e])
            gt1 = v > m1
            lo = jnp.where(gt1, m1, v)
            li = jnp.where(gt1, i1, e_vec)
            m1 = jnp.where(gt1, v, m1)
            i1 = jnp.where(gt1, e_vec, i1)
            gt2 = lo > m2
            m2 = jnp.where(gt2, lo, m2)
            i2 = jnp.where(gt2, li, i2)
        ex = jnp.exp(m2 - m1)
        s1 = 1.0 / (1.0 + ex)
        s2 = 1.0 - s1
        p0 = g * (2 * _L) + 2 * lane
        plsc.store_scatter(ibuf, [p0], i1)
        plsc.store_scatter(ibuf, [p0 + 1], i2)
        plsc.store_scatter(sbuf, [p0], s1)
        plsc.store_scatter(sbuf, [p0 + 1], s2)
        return carry

    lax.fori_loop(0, groups, group, 0)


def _make_topk_sc(ntok):
    tpw = ntok // _NW
    groups = tpw // _L

    def _topk_body(lg_hbm, idx_hbm, sc_hbm, lbuf, ibuf, sbuf):
        wid = lax.axis_index("s") * _NC + lax.axis_index("c")
        base = wid * tpw
        pltpu.sync_copy(lg_hbm.at[pl.ds(base * _NE, tpw * _NE)], lbuf)
        _topk_groups(lbuf, ibuf, sbuf, groups)
        pltpu.sync_copy(ibuf, idx_hbm.at[pl.ds(2 * base, 2 * tpw)])
        pltpu.sync_copy(sbuf, sc_hbm.at[pl.ds(2 * base, 2 * tpw)])

    return pl.kernel(
        _topk_body,
        out_type=[
            jax.ShapeDtypeStruct((2 * ntok,), jnp.int32),
            jax.ShapeDtypeStruct((2 * ntok,), jnp.float32),
        ],
        mesh=plsc.VectorSubcoreMesh(core_axis_name="c", subcore_axis_name="s"),
        compiler_params=pltpu.CompilerParams(needs_layout_passes=False),
        scratch_types=[
            pltpu.VMEM((tpw * _NE,), jnp.float32),
            pltpu.VMEM((2 * tpw,), jnp.int32),
            pltpu.VMEM((2 * tpw,), jnp.float32),
        ],
    )


_CHUNKS = (10240, 4096, 2048)
_TOPK_SC = {n: _make_topk_sc(n) for n in set(_CHUNKS)}


def kernel(hidden_states, gate_weight):
    idx_parts, sc_parts = [], []
    start = 0
    for ntok in _CHUNKS:
        logits = _gate_logits_chunk(hidden_states, gate_weight,
                                    start // _TILE, ntok)
        idx_flat, sc_flat = _TOPK_SC[ntok](logits.reshape(ntok * _NE))
        idx_parts.append(idx_flat.reshape(ntok, 2))
        sc_parts.append(sc_flat.reshape(ntok, 2))
        start += ntok
    return (jnp.concatenate(idx_parts, axis=0),
            jnp.concatenate(sc_parts, axis=0))

# --- scband reference (transcript-rebuilt; emitter-appended) ---
"""Pipeline reference for scband-top-krouter-86157043958337 (READ-ONLY COPY).

The authoritative reference and input builder live on the scoring server;
editing this copy changes nothing except your own understanding.
"""

import jax, jax.numpy as jnp
import numpy as np

DIM = 2048
NUM_EXPERTS = 64
TOP_K = 2
NUM_TOKENS = 16384


def setup_inputs(seed: int = 0) -> dict:
    key = jax.random.key(seed)
    k1, k2 = jax.random.split(key)
    hidden_states = jax.random.normal(k1, (NUM_TOKENS, DIM), dtype=jnp.float32)
    # nn.Linear(dim, num_experts, bias=False) weight: (num_experts, dim), kaiming-uniform-ish init
    bound = 1.0 / np.sqrt(DIM)
    gate_weight = jax.random.uniform(k2, (NUM_EXPERTS, DIM), dtype=jnp.float32, minval=-bound, maxval=bound)
    return {"hidden_states": hidden_states, "gate_weight": gate_weight}


def reference(hidden_states, gate_weight):
    # scores = self.gate(hidden_states)
    scores = hidden_states @ gate_weight.T
    # F.softmax(scores, dim=-1, dtype=torch.float32)
    scores = jax.nn.softmax(scores.astype(jnp.float32), axis=-1)
    # expert_bias is None -> topk over softmax probabilities directly
    scores, selected_experts_indices = jax.lax.top_k(scores, TOP_K)
    # renormalize selected probabilities to sum to 1
    denominator = jnp.sum(scores, axis=-1, keepdims=True) + 1e-20
    scores = scores / denominator
    return (selected_experts_indices, scores)

if __name__ == "__main__":
    import jax
    _d = setup_inputs()
    print(jax.jit(kernel)(*tuple(_d.values())))

</pallas_src>

<mosaic_0001>
#map = affine_map<(d0, d1) -> (0)>
module attributes {stable_mosaic.version = 14 : i64} {
  func.func @_topk_body(%arg0: i32, %arg1: i32, %arg2: memref<655360xf32, #tpu.memory_space<hbm>>, %arg3: memref<20480xi32, #tpu.memory_space<hbm>>, %arg4: memref<20480xf32, #tpu.memory_space<hbm>>, %arg5: memref<20480xf32, #tpu.memory_space<vmem>>, %arg6: memref<640xi32, #tpu.memory_space<vmem>>, %arg7: memref<640xf32, #tpu.memory_space<vmem>>) attributes {dimension_semantics = [#tpu.dimension_semantics<core_parallel>, #tpu.dimension_semantics<subcore_parallel>], iteration_bounds = array<i64: 2, 16>, scalar_prefetch = 0 : i64, scratch_operands = 3 : i64, tpu.core_type = #tpu.core_type<sc_vector_subcore>, window_params = [{transform_indices = #map}, {transform_indices = #map}, {transform_indices = #map}]} {
    %mul3A = arith.constant 2 : i32
    %mul3A_0 = arith.muli %arg1, %mul3A : i32
    %add3A = arith.addi %mul3A_0, %arg0 : i32
    %mul3A_1 = arith.constant 320 : i32
    %mul3A_2 = arith.muli %add3A, %mul3A_1 : i32
    %mul3A_3 = arith.constant 64 : i32
    %mul3A_4 = arith.muli %mul3A_2, %mul3A_3 : i32
    "tpu.region"() ({
      %run_scoped3A = tpu.sem_alloc : memref<!tpu.dma_semaphore, #tpu.memory_space<semaphore_mem>>
      %dma_start3A = tpu.memref_slice %arg2[%mul3A_4] : memref<655360xf32, #tpu.memory_space<hbm>> -> memref<20480xf32, #tpu.memory_space<hbm>>
      %dma_start3A_15 = tpu.memref_slice %arg2[%mul3A_4] : memref<655360xf32, #tpu.memory_space<hbm>> -> memref<20480xf32, #tpu.memory_space<hbm>>
      tpu.enqueue_dma source(%dma_start3A_15 : memref<20480xf32, #tpu.memory_space<hbm>>) target(%arg5 : memref<20480xf32, #tpu.memory_space<vmem>>) target_semaphore(%run_scoped3A : memref<!tpu.dma_semaphore, #tpu.memory_space<semaphore_mem>>)
      %dma_wait3A = tpu.memref_slice %arg2[%mul3A_4] : memref<655360xf32, #tpu.memory_space<hbm>> -> memref<20480xf32, #tpu.memory_space<hbm>>
      %dma_wait3A_16 = tpu.memref_slice %arg2[%mul3A_4] : memref<655360xf32, #tpu.memory_space<hbm>> -> memref<20480xf32, #tpu.memory_space<hbm>>
      tpu.wait_dma2 semaphore(%run_scoped3A : memref<!tpu.dma_semaphore, #tpu.memory_space<semaphore_mem>>) src(%dma_wait3A_16 : memref<20480xf32, #tpu.memory_space<hbm>>) dst(%arg5 : memref<20480xf32, #tpu.memory_space<vmem>>)
      tpu.yield
    }) : () -> ()
    %iota3A = tpu.iota {dimensions = array<i32: 0>} : vector<16xi32>
    %broadcast_in_dim3A = arith.constant 0 : i32
    %broadcast_in_dim3A_5 = vector.broadcast %broadcast_in_dim3A : i32 to vector<16xi32>
    %scan3A = arith.constant 0 : i32
    %scan3A_6 = arith.constant 0 : i32
    %scan3A_7 = arith.constant 20 : i32
    %scan3A_8 = arith.addi %scan3A_6, %scan3A_7 : i32
    %scan3A_9 = arith.constant 1 : i32
    scf.for %scan3A_15 = %scan3A_6 to %scan3A_8 step %scan3A_9  : i32 {
      %mul3A_16 = arith.constant 16 : i32
      %mul3A_17 = arith.muli %scan3A_15, %mul3A_16 : i32
      %add3A_18 = vector.broadcast %mul3A_17 : i32 to vector<16xi32>
      %add3A_19 = arith.addi %add3A_18, %iota3A : vector<16xi32>
      %mul3A_20 = arith.constant 64 : i32
      %mul3A_21 = vector.broadcast %mul3A_20 : i32 to vector<16xi32>
      %mul3A_22 = arith.muli %add3A_19, %mul3A_21 : vector<16xi32>
      %gather3A = tpu.vector_load_idx %arg5[%mul3A_22] : memref<20480xf32, #tpu.memory_space<vmem>>[vector<16xi32>], vector<16xf32>,
      %broadcast_in_dim3A_23 = arith.constant 0xFF800000 : f32
      %broadcast_in_dim3A_24 = vector.broadcast %broadcast_in_dim3A_23 : f32 to vector<16xf32>
      %broadcast_in_dim3A_25 = arith.constant 1 : i32
      %broadcast_in_dim3A_26 = vector.broadcast %broadcast_in_dim3A_25 : i32 to vector<16xi32>
      %add3A_27 = arith.constant 1 : i32
      %add3A_28 = vector.broadcast %add3A_27 : i32 to vector<16xi32>
      %add3A_29 = arith.addi %mul3A_22, %add3A_28 : vector<16xi32>
      %gather3A_30 = tpu.vector_load_idx %arg5[%add3A_29] : memref<20480xf32, #tpu.memory_space<vmem>>[vector<16xi32>], vector<16xf32>,
      %gt3A = arith.cmpf ogt, %gather3A_30, %gather3A : vector<16xf32>
      %select_n3A = arith.select %gt3A, %gather3A, %gather3A_30 : vector<16xi1>, vector<16xf32>
      %select_n3A_31 = arith.select %gt3A, %broadcast_in_dim3A_5, %broadcast_in_dim3A_26 : vector<16xi1>, vector<16xi32>
      %select_n3A_32 = arith.select %gt3A, %gather3A_30, %gather3A : vector<16xi1>, vector<16xf32>
      %select_n3A_33 = arith.select %gt3A, %broadcast_in_dim3A_26, %broadcast_in_dim3A_5 : vector<16xi1>, vector<16xi32>
      %gt3A_34 = arith.cmpf ogt, %select_n3A, %broadcast_in_dim3A_24 : vector<16xf32>
      %select_n3A_35 = arith.select %gt3A_34, %select_n3A, %broadcast_in_dim3A_24 : vector<16xi1>, vector<16xf32>
      %select_n3A_36 = arith.select %gt3A_34, %select_n3A_31, %broadcast_in_dim3A_5 : vector<16xi1>, vector<16xi32>
      %broadcast_in_dim3A_37 = arith.constant 2 : i32
      %broadcast_in_dim3A_38 = vector.broadcast %broadcast_in_dim3A_37 : i32 to vector<16xi32>
      %add3A_39 = arith.constant 2 : i32
      %add3A_40 = vector.broadcast %add3A_39 : i32 to vector<16xi32>
      %add3A_41 = arith.addi %mul3A_22, %add3A_40 : vector<16xi32>
      %gather3A_42 = tpu.vector_load_idx %arg5[%add3A_41] : memref<20480xf32, #tpu.memory_space<vmem>>[vector<16xi32>], vector<16xf32>,
      %gt3A_43 = arith.cmpf ogt, %gather3A_42, %select_n3A_32 : vector<16xf32>
      %select_n3A_44 = arith.select %gt3A_43, %select_n3A_32, %gather3A_42 : vector<16xi1>, vector<16xf32>
      %select_n3A_45 = arith.select %gt3A_43, %select_n3A_33, %broadcast_in_dim3A_38 : vector<16xi1>, vector<16xi32>
      %select_n3A_46 = arith.select %gt3A_43, %gather3A_42, %select_n3A_32 : vector<16xi1>, vector<16xf32>
      %select_n3A_47 = arith.select %gt3A_43, %broadcast_in_dim3A_38, %select_n3A_33 : vector<16xi1>, vector<16xi32>
      %gt3A_48 = arith.cmpf ogt, %select_n3A_44, %select_n3A_35 : vector<16xf32>
      %select_n3A_49 = arith.select %gt3A_48, %select_n3A_44, %select_n3A_35 : vector<16xi1>, vector<16xf32>
      %select_n3A_50 = arith.select %gt3A_48, %select_n3A_45, %select_n3A_36 : vector<16xi1>, vector<16xi32>
      %broadcast_in_dim3A_51 = arith.constant 3 : i32
      %broadcast_in_dim3A_52 = vector.broadcast %broadcast_in_dim3A_51 : i32 to vector<16xi32>
      %add3A_53 = arith.constant 3 : i32
      %add3A_54 = vector.broadcast %add3A_53 : i32 to vector<16xi32>
      %add3A_55 = arith.addi %mul3A_22, %add3A_54 : vector<16xi32>
      %gather3A_56 = tpu.vector_load_idx %arg5[%add3A_55] : memref<20480xf32, #tpu.memory_space<vmem>>[vector<16xi32>], vector<16xf32>,
      %gt3A_57 = arith.cmpf ogt, %gather3A_56, %select_n3A_46 : vector<16xf32>
      %select_n3A_58 = arith.select %gt3A_57, %select_n3A_46, %gather3A_56 : vector<16xi1>, vector<16xf32>
      %select_n3A_59 = arith.select %gt3A_57, %select_n3A_47, %broadcast_in_dim3A_52 : vector<16xi1>, vector<16xi32>
      %select_n3A_60 = arith.select %gt3A_57, %gather3A_56, %select_n3A_46 : vector<16xi1>, vector<16xf32>
      %select_n3A_61 = arith.select %gt3A_57, %broadcast_in_dim3A_52, %select_n3A_47 : vector<16xi1>, vector<16xi32>
      %gt3A_62 = arith.cmpf ogt, %select_n3A_58, %select_n3A_49 : vector<16xf32>
      %select_n3A_63 = arith.select %gt3A_62, %select_n3A_58, %select_n3A_49 : vector<16xi1>, vector<16xf32>
      %select_n3A_64 = arith.select %gt3A_62, %select_n3A_59, %select_n3A_50 : vector<16xi1>, vector<16xi32>
      %broadcast_in_dim3A_65 = arith.constant 4 : i32
      %broadcast_in_dim3A_66 = vector.broadcast %broadcast_in_dim3A_65 : i32 to vector<16xi32>
      %add3A_67 = arith.constant 4 : i32
      %add3A_68 = vector.broadcast %add3A_67 : i32 to vector<16xi32>
      %add3A_69 = arith.addi %mul3A_22, %add3A_68 : vector<16xi32>
      %gather3A_70 = tpu.vector_load_idx %arg5[%add3A_69] : memref<20480xf32, #tpu.memory_space<vmem>>[vector<16xi32>], vector<16xf32>,
      %gt3A_71 = arith.cmpf ogt, %gather3A_70, %select_n3A_60 : vector<16xf32>
      %select_n3A_72 = arith.select %gt3A_71, %select_n3A_60, %gather3A_70 : vector<16xi1>, vector<16xf32>
      %select_n3A_73 = arith.select %gt3A_71, %select_n3A_61, %broadcast_in_dim3A_66 : vector<16xi1>, vector<16xi32>
      %select_n3A_74 = arith.select %gt3A_71, %gather3A_70, %select_n3A_60 : vector<16xi1>, vector<16xf32>
      %select_n3A_75 = arith.select %gt3A_71, %broadcast_in_dim3A_66, %select_n3A_61 : vector<16xi1>, vector<16xi32>
      %gt3A_76 = arith.cmpf ogt, %select_n3A_72, %select_n3A_63 : vector<16xf32>
      %select_n3A_77 = arith.select %gt3A_76, %select_n3A_72, %select_n3A_63 : vector<16xi1>, vector<16xf32>
      %select_n3A_78 = arith.select %gt3A_76, %select_n3A_73, %select_n3A_64 : vector<16xi1>, vector<16xi32>
      %broadcast_in_dim3A_79 = arith.constant 5 : i32
      %broadcast_in_dim3A_80 = vector.broadcast %broadcast_in_dim3A_79 : i32 to vector<16xi32>
      %add3A_81 = arith.constant 5 : i32
      %add3A_82 = vector.broadcast %add3A_81 : i32 to vector<16xi32>
      %add3A_83 = arith.addi %mul3A_22, %add3A_82 : vector<16xi32>
      %gather3A_84 = tpu.vector_load_idx %arg5[%add3A_83] : memref<20480xf32, #tpu.memory_space<vmem>>[vector<16xi32>], vector<16xf32>,
      %gt3A_85 = arith.cmpf ogt, %gather3A_84, %select_n3A_74 : vector<16xf32>
      %select_n3A_86 = arith.select %gt3A_85, %select_n3A_74, %gather3A_84 : vector<16xi1>, vector<16xf32>
      %select_n3A_87 = arith.select %gt3A_85, %select_n3A_75, %broadcast_in_dim3A_80 : vector<16xi1>, vector<16xi32>
      %select_n3A_88 = arith.select %gt3A_85, %gather3A_84, %select_n3A_74 : vector<16xi1>, vector<16xf32>
      %select_n3A_89 = arith.select %gt3A_85, %broadcast_in_dim3A_80, %select_n3A_75 : vector<16xi1>, vector<16xi32>
      %gt3A_90 = arith.cmpf ogt, %select_n3A_86, %select_n3A_77 : vector<16xf32>
      %select_n3A_91 = arith.select %gt3A_90, %select_n3A_86, %select_n3A_77 : vector<16xi1>, vector<16xf32>
      %select_n3A_92 = arith.select %gt3A_90, %select_n3A_87, %select_n3A_78 : vector<16xi1>, vector<16xi32>
      %broadcast_in_dim3A_93 = arith.constant 6 : i32
      %broadcast_in_dim3A_94 = vector.broadcast %broadcast_in_dim3A_93 : i32 to vector<16xi32>
      %add3A_95 = arith.constant 6 : i32
      %add3A_96 = vector.broadcast %add3A_95 : i32 to vector<16xi32>
      %add3A_97 = arith.addi %mul3A_22, %add3A_96 : vector<16xi32>
      %gather3A_98 = tpu.vector_load_idx %arg5[%add3A_97] : memref<20480xf32, #tpu.memory_space<vmem>>[vector<16xi32>], vector<16xf32>,
      %gt3A_99 = arith.cmpf ogt, %gather3A_98, %select_n3A_88 : vector<16xf32>
      %select_n3A_100 = arith.select %gt3A_99, %select_n3A_88, %gather3A_98 : vector<16xi1>, vector<16xf32>
      %select_n3A_101 = arith.select %gt3A_99, %select_n3A_89, %broadcast_in_dim3A_94 : vector<16xi1>, vector<16xi32>
      %select_n3A_102 = arith.select %gt3A_99, %gather3A_98, %select_n3A_88 : vector<16xi1>, vector<16xf32>
      %select_n3A_103 = arith.select %gt3A_99, %broadcast_in_dim3A_94, %select_n3A_89 : vector<16xi1>, vector<16xi32>
      %gt3A_104 = arith.cmpf ogt, %select_n3A_100, %select_n3A_91 : vector<16xf32>
      %select_n3A_105 = arith.select %gt3A_104, %select_n3A_100, %select_n3A_91 : vector<16xi1>, vector<16xf32>
      %select_n3A_106 = arith.select %gt3A_104, %select_n3A_101, %select_n3A_92 : vector<16xi1>, vector<16xi32>
      %broadcast_in_dim3A_107 = arith.constant 7 : i32
      %broadcast_in_dim3A_108 = vector.broadcast %broadcast_in_dim3A_107 : i32 to vector<16xi32>
      %add3A_109 = arith.constant 7 : i32
      %add3A_110 = vector.broadcast %add3A_109 : i32 to vector<16xi32>
      %add3A_111 = arith.addi %mul3A_22, %add3A_110 : vector<16xi32>
      %gather3A_112 = tpu.vector_load_idx %arg5[%add3A_111] : memref<20480xf32, #tpu.memory_space<vmem>>[vector<16xi32>], vector<16xf32>,
      %gt3A_113 = arith.cmpf ogt, %gather3A_112, %select_n3A_102 : vector<16xf32>
      %select_n3A_114 = arith.select %gt3A_113, %select_n3A_102, %gather3A_112 : vector<16xi1>, vector<16xf32>
      %select_n3A_115 = arith.select %gt3A_113, %select_n3A_103, %broadcast_in_dim3A_108 : vector<16xi1>, vector<16xi32>
      %select_n3A_116 = arith.select %gt3A_113, %gather3A_112, %select_n3A_102 : vector<16xi1>, vector<16xf32>
      %select_n3A_117 = arith.select %gt3A_113, %broadcast_in_dim3A_108, %select_n3A_103 : vector<16xi1>, vector<16xi32>
      %gt3A_118 = arith.cmpf ogt, %select_n3A_114, %select_n3A_105 : vector<16xf32>
      %select_n3A_119 = arith.select %gt3A_118, %select_n3A_114, %select_n3A_105 : vector<16xi1>, vector<16xf32>
      %select_n3A_120 = arith.select %gt3A_118, %select_n3A_115, %select_n3A_106 : vector<16xi1>, vector<16xi32>
      %broadcast_in_dim3A_121 = arith.constant 8 : i32
      %broadcast_in_dim3A_122 = vector.broadcast %broadcast_in_dim3A_121 : i32 to vector<16xi32>
      %add3A_123 = arith.constant 8 : i32
      %add3A_124 = vector.broadcast %add3A_123 : i32 to vector<16xi32>
      %add3A_125 = arith.addi %mul3A_22, %add3A_124 : vector<16xi32>
      %gather3A_126 = tpu.vector_load_idx %arg5[%add3A_125] : memref<20480xf32, #tpu.memory_space<vmem>>[vector<16xi32>], vector<16xf32>,
      %gt3A_127 = arith.cmpf ogt, %gather3A_126, %select_n3A_116 : vector<16xf32>
      %select_n3A_128 = arith.select %gt3A_127, %select_n3A_116, %gather3A_126 : vector<16xi1>, vector<16xf32>
      %select_n3A_129 = arith.select %gt3A_127, %select_n3A_117, %broadcast_in_dim3A_122 : vector<16xi1>, vector<16xi32>
      %select_n3A_130 = arith.select %gt3A_127, %gather3A_126, %select_n3A_116 : vector<16xi1>, vector<16xf32>
      %select_n3A_131 = arith.select %gt3A_127, %broadcast_in_dim3A_122, %select_n3A_117 : vector<16xi1>, vector<16xi32>
      %gt3A_132 = arith.cmpf ogt, %select_n3A_128, %select_n3A_119 : vector<16xf32>
      %select_n3A_133 = arith.select %gt3A_132, %select_n3A_128, %select_n3A_119 : vector<16xi1>, vector<16xf32>
      %select_n3A_134 = arith.select %gt3A_132, %select_n3A_129, %select_n3A_120 : vector<16xi1>, vector<16xi32>
      %broadcast_in_dim3A_135 = arith.constant 9 : i32
      %broadcast_in_dim3A_136 = vector.broadcast %broadcast_in_dim3A_135 : i32 to vector<16xi32>
      %add3A_137 = arith.constant 9 : i32
      %add3A_138 = vector.broadcast %add3A_137 : i32 to vector<16xi32>
      %add3A_139 = arith.addi %mul3A_22, %add3A_138 : vector<16xi32>
      %gather3A_140 = tpu.vector_load_idx %arg5[%add3A_139] : memref<20480xf32, #tpu.memory_space<vmem>>[vector<16xi32>], vector<16xf32>,
      %gt3A_141 = arith.cmpf ogt, %gather3A_140, %select_n3A_130 : vector<16xf32>
      %select_n3A_142 = arith.select %gt3A_141, %select_n3A_130, %gather3A_140 : vector<16xi1>, vector<16xf32>
      %select_n3A_143 = arith.select %gt3A_141, %select_n3A_131, %broadcast_in_dim3A_136 : vector<16xi1>, vector<16xi32>
      %select_n3A_144 = arith.select %gt3A_141, %gather3A_140, %select_n3A_130 : vector<16xi1>, vector<16xf32>
      %select_n3A_145 = arith.select %gt3A_141, %broadcast_in_dim3A_136, %select_n3A_131 : vector<16xi1>, vector<16xi32>
      %gt3A_146 = arith.cmpf ogt, %select_n3A_142, %select_n3A_133 : vector<16xf32>
      %select_n3A_147 = arith.select %gt3A_146, %select_n3A_142, %select_n3A_133 : vector<16xi1>, vector<16xf32>
      %select_n3A_148 = arith.select %gt3A_146, %select_n3A_143, %select_n3A_134 : vector<16xi1>, vector<16xi32>
      %broadcast_in_dim3A_149 = arith.constant 10 : i32
      %broadcast_in_dim3A_150 = vector.broadcast %broadcast_in_dim3A_149 : i32 to vector<16xi32>
      %add3A_151 = arith.constant 10 : i32
      %add3A_152 = vector.broadcast %add3A_151 : i32 to vector<16xi32>
      %add3A_153 = arith.addi %mul3A_22, %add3A_152 : vector<16xi32>
      %gather3A_154 = tpu.vector_load_idx %arg5[%add3A_153] : memref<20480xf32, #tpu.memory_space<vmem>>[vector<16xi32>], vector<16xf32>,
      %gt3A_155 = arith.cmpf ogt, %gather3A_154, %select_n3A_144 : vector<16xf32>
      %select_n3A_156 = arith.select %gt3A_155, %select_n3A_144, %gather3A_154 : vector<16xi1>, vector<16xf32>
      %select_n3A_157 = arith.select %gt3A_155, %select_n3A_145, %broadcast_in_dim3A_150 : vector<16xi1>, vector<16xi32>
      %select_n3A_158 = arith.select %gt3A_155, %gather3A_154, %select_n3A_144 : vector<16xi1>, vector<16xf32>
      %select_n3A_159 = arith.select %gt3A_155, %broadcast_in_dim3A_150, %select_n3A_145 : vector<16xi1>, vector<16xi32>
      %gt3A_160 = arith.cmpf ogt, %select_n3A_156, %select_n3A_147 : vector<16xf32>
      %select_n3A_161 = arith.select %gt3A_160, %select_n3A_156, %select_n3A_147 : vector<16xi1>, vector<16xf32>
      %select_n3A_162 = arith.select %gt3A_160, %select_n3A_157, %select_n3A_148 : vector<16xi1>, vector<16xi32>
      %broadcast_in_dim3A_163 = arith.constant 11 : i32
      %broadcast_in_dim3A_164 = vector.broadcast %broadcast_in_dim3A_163 : i32 to vector<16xi32>
      %add3A_165 = arith.constant 11 : i32
      %add3A_166 = vector.broadcast %add3A_165 : i32 to vector<16xi32>
      %add3A_167 = arith.addi %mul3A_22, %add3A_166 : vector<16xi32>
      %gather3A_168 = tpu.vector_load_idx %arg5[%add3A_167] : memref<20480xf32, #tpu.memory_space<vmem>>[vector<16xi32>], vector<16xf32>,
      %gt3A_169 = arith.cmpf ogt, %gather3A_168, %select_n3A_158 : vector<16xf32>
      %select_n3A_170 = arith.select %gt3A_169, %select_n3A_158, %gather3A_168 : vector<16xi1>, vector<16xf32>
      %select_n3A_171 = arith.select %gt3A_169, %select_n3A_159, %broadcast_in_dim3A_164 : vector<16xi1>, vector<16xi32>
      %select_n3A_172 = arith.select %gt3A_169, %gather3A_168, %select_n3A_158 : vector<16xi1>, vector<16xf32>
      %select_n3A_173 = arith.select %gt3A_169, %broadcast_in_dim3A_164, %select_n3A_159 : vector<16xi1>, vector<16xi32>
      %gt3A_174 = arith.cmpf ogt, %select_n3A_170, %select_n3A_161 : vector<16xf32>
      %select_n3A_175 = arith.select %gt3A_174, %select_n3A_170, %select_n3A_161 : vector<16xi1>, vector<16xf32>
      %select_n3A_176 = arith.select %gt3A_174, %select_n3A_171, %select_n3A_162 : vector<16xi1>, vector<16xi32>
      %broadcast_in_dim3A_177 = arith.constant 12 : i32
      %broadcast_in_dim3A_178 = vector.broadcast %broadcast_in_dim3A_177 : i32 to vector<16xi32>
      %add3A_179 = arith.constant 12 : i32
      %add3A_180 = vector.broadcast %add3A_179 : i32 to vector<16xi32>
      %add3A_181 = arith.addi %mul3A_22, %add3A_180 : vector<16xi32>
      %gather3A_182 = tpu.vector_load_idx %arg5[%add3A_181] : memref<20480xf32, #tpu.memory_space<vmem>>[vector<16xi32>], vector<16xf32>,
      %gt3A_183 = arith.cmpf ogt, %gather3A_182, %select_n3A_172 : vector<16xf32>
      %select_n3A_184 = arith.select %gt3A_183, %select_n3A_172, %gather3A_182 : vector<16xi1>, vector<16xf32>
      %select_n3A_185 = arith.select %gt3A_183, %select_n3A_173, %broadcast_in_dim3A_178 : vector<16xi1>, vector<16xi32>
      %select_n3A_186 = arith.select %gt3A_183, %gather3A_182, %select_n3A_172 : vector<16xi1>, vector<16xf32>
      %select_n3A_187 = arith.select %gt3A_183, %broadcast_in_dim3A_178, %select_n3A_173 : vector<16xi1>, vector<16xi32>
      %gt3A_188 = arith.cmpf ogt, %select_n3A_184, %select_n3A_175 : vector<16xf32>
      %select_n3A_189 = arith.select %gt3A_188, %select_n3A_184, %select_n3A_175 : vector<16xi1>, vector<16xf32>
      %select_n3A_190 = arith.select %gt3A_188, %select_n3A_185, %select_n3A_176 : vector<16xi1>, vector<16xi32>
      %broadcast_in_dim3A_191 = arith.constant 13 : i32
      %broadcast_in_dim3A_192 = vector.broadcast %broadcast_in_dim3A_191 : i32 to vector<16xi32>
      %add3A_193 = arith.constant 13 : i32
      %add3A_194 = vector.broadcast %add3A_193 : i32 to vector<16xi32>
      %add3A_195 = arith.addi %mul3A_22, %add3A_194 : vector<16xi32>
      %gather3A_196 = tpu.vector_load_idx %arg5[%add3A_195] : memref<20480xf32, #tpu.memory_space<vmem>>[vector<16xi32>], vector<16xf32>,
      %gt3A_197 = arith.cmpf ogt, %gather3A_196, %select_n3A_186 : vector<16xf32>
      %select_n3A_198 = arith.select %gt3A_197, %select_n3A_186, %gather3A_196 : vector<16xi1>, vector<16xf32>
      %select_n3A_199 = arith.select %gt3A_197, %select_n3A_187, %broadcast_in_dim3A_192 : vector<16xi1>, vector<16xi32>
      %select_n3A_200 = arith.select %gt3A_197, %gather3A_196, %select_n3A_186 : vector<16xi1>, vector<16xf32>
      %select_n3A_201 = arith.select %gt3A_197, %broadcast_in_dim3A_192, %select_n3A_187 : vector<16xi1>, vector<16xi32>
      %gt3A_202 = arith.cmpf ogt, %select_n3A_198, %select_n3A_189 : vector<16xf32>
      %select_n3A_203 = arith.select %gt3A_202, %select_n3A_198, %select_n3A_189 : vector<16xi1>, vector<16xf32>
      %select_n3A_204 = arith.select %gt3A_202, %select_n3A_199, %select_n3A_190 : vector<16xi1>, vector<16xi32>
      %broadcast_in_dim3A_205 = arith.constant 14 : i32
      %broadcast_in_dim3A_206 = vector.broadcast %broadcast_in_dim3A_205 : i32 to vector<16xi32>
      %add3A_207 = arith.constant 14 : i32
      %add3A_208 = vector.broadcast %add3A_207 : i32 to vector<16xi32>
      %add3A_209 = arith.addi %mul3A_22, %add3A_208 : vector<16xi32>
      %gather3A_210 = tpu.vector_load_idx %arg5[%add3A_209] : memref<20480xf32, #tpu.memory_space<vmem>>[vector<16xi32>], vector<16xf32>,
      %gt3A_211 = arith.cmpf ogt, %gather3A_210, %select_n3A_200 : vector<16xf32>
      %select_n3A_212 = arith.select %gt3A_211, %select_n3A_200, %gather3A_210 : vector<16xi1>, vector<16xf32>
      %select_n3A_213 = arith.select %gt3A_211, %select_n3A_201, %broadcast_in_dim3A_206 : vector<16xi1>, vector<16xi32>
      %select_n3A_214 = arith.select %gt3A_211, %gather3A_210, %select_n3A_200 : vector<16xi1>, vector<16xf32>
      %select_n3A_215 = arith.select %gt3A_211, %broadcast_in_dim3A_206, %select_n3A_201 : vector<16xi1>, vector<16xi32>
      %gt3A_216 = arith.cmpf ogt, %select_n3A_212, %select_n3A_203 : vector<16xf32>
      %select_n3A_217 = arith.select %gt3A_216, %select_n3A_212, %select_n3A_203 : vector<16xi1>, vector<16xf32>
      %select_n3A_218 = arith.select %gt3A_216, %select_n3A_213, %select_n3A_204 : vector<16xi1>, vector<16xi32>
      %broadcast_in_dim3A_219 = arith.constant 15 : i32
      %broadcast_in_dim3A_220 = vector.broadcast %broadcast_in_dim3A_219 : i32 to vector<16xi32>
      %add3A_221 = arith.constant 15 : i32
      %add3A_222 = vector.broadcast %add3A_221 : i32 to vector<16xi32>
      %add3A_223 = arith.addi %mul3A_22, %add3A_222 : vector<16xi32>
      %gather3A_224 = tpu.vector_load_idx %arg5[%add3A_223] : memref<20480xf32, #tpu.memory_space<vmem>>[vector<16xi32>], vector<16xf32>,
      %gt3A_225 = arith.cmpf ogt, %gather3A_224, %select_n3A_214 : vector<16xf32>
      %select_n3A_226 = arith.select %gt3A_225, %select_n3A_214, %gather3A_224 : vector<16xi1>, vector<16xf32>
      %select_n3A_227 = arith.select %gt3A_225, %select_n3A_215, %broadcast_in_dim3A_220 : vector<16xi1>, vector<16xi32>
      %select_n3A_228 = arith.select %gt3A_225, %gather3A_224, %select_n3A_214 : vector<16xi1>, vector<16xf32>
      %select_n3A_229 = arith.select %gt3A_225, %broadcast_in_dim3A_220, %select_n3A_215 : vector<16xi1>, vector<16xi32>
      %gt3A_230 = arith.cmpf ogt, %select_n3A_226, %select_n3A_217 : vector<16xf32>
      %select_n3A_231 = arith.select %gt3A_230, %select_n3A_226, %select_n3A_217 : vector<16xi1>, vector<16xf32>
      %select_n3A_232 = arith.select %gt3A_230, %select_n3A_227, %select_n3A_218 : vector<16xi1>, vector<16xi32>
      %broadcast_in_dim3A_233 = arith.constant 16 : i32
      %broadcast_in_dim3A_234 = vector.broadcast %broadcast_in_dim3A_233 : i32 to vector<16xi32>
      %add3A_235 = arith.constant 16 : i32
      %add3A_236 = vector.broadcast %add3A_235 : i32 to vector<16xi32>
      %add3A_237 = arith.addi %mul3A_22, %add3A_236 : vector<16xi32>
      %gather3A_238 = tpu.vector_load_idx %arg5[%add3A_237] : memref<20480xf32, #tpu.memory_space<vmem>>[vector<16xi32>], vector<16xf32>,
      %gt3A_239 = arith.cmpf ogt, %gather3A_238, %select_n3A_228 : vector<16xf32>
      %select_n3A_240 = arith.select %gt3A_239, %select_n3A_228, %gather3A_238 : vector<16xi1>, vector<16xf32>
      %select_n3A_241 = arith.select %gt3A_239, %select_n3A_229, %broadcast_in_dim3A_234 : vector<16xi1>, vector<16xi32>
      %select_n3A_242 = arith.select %gt3A_239, %gather3A_238, %select_n3A_228 : vector<16xi1>, vector<16xf32>
      %select_n3A_243 = arith.select %gt3A_239, %broadcast_in_dim3A_234, %select_n3A_229 : vector<16xi1>, vector<16xi32>
      %gt3A_244 = arith.cmpf ogt, %select_n3A_240, %select_n3A_231 : vector<16xf32>
      %select_n3A_245 = arith.select %gt3A_244, %select_n3A_240, %select_n3A_231 : vector<16xi1>, vector<16xf32>
      %select_n3A_246 = arith.select %gt3A_244, %select_n3A_241, %select_n3A_232 : vector<16xi1>, vector<16xi32>
      %broadcast_in_dim3A_247 = arith.constant 17 : i32
      %broadcast_in_dim3A_248 = vector.broadcast %broadcast_in_dim3A_247 : i32 to vector<16xi32>
      %add3A_249 = arith.constant 17 : i32
      %add3A_250 = vector.broadcast %add3A_249 : i32 to vector<16xi32>
      %add3A_251 = arith.addi %mul3A_22, %add3A_250 : vector<16xi32>
      %gather3A_252 = tpu.vector_load_idx %arg5[%add3A_251] : memref<20480xf32, #tpu.memory_space<vmem>>[vector<16xi32>], vector<16xf32>,
      %gt3A_253 = arith.cmpf ogt, %gather3A_252, %select_n3A_242 : vector<16xf32>
      %select_n3A_254 = arith.select %gt3A_253, %select_n3A_242, %gather3A_252 : vector<16xi1>, vector<16xf32>
      %select_n3A_255 = arith.select %gt3A_253, %select_n3A_243, %broadcast_in_dim3A_248 : vector<16xi1>, vector<16xi32>
      %select_n3A_256 = arith.select %gt3A_253, %gather3A_252, %select_n3A_242 : vector<16xi1>, vector<16xf32>
      %select_n3A_257 = arith.select %gt3A_253, %broadcast_in_dim3A_248, %select_n3A_243 : vector<16xi1>, vector<16xi32>
      %gt3A_258 = arith.cmpf ogt, %select_n3A_254, %select_n3A_245 : vector<16xf32>
      %select_n3A_259 = arith.select %gt3A_258, %select_n3A_254, %select_n3A_245 : vector<16xi1>, vector<16xf32>
      %select_n3A_260 = arith.select %gt3A_258, %select_n3A_255, %select_n3A_246 : vector<16xi1>, vector<16xi32>
      %broadcast_in_dim3A_261 = arith.constant 18 : i32
      %broadcast_in_dim3A_262 = vector.broadcast %broadcast_in_dim3A_261 : i32 to vector<16xi32>
      %add3A_263 = arith.constant 18 : i32
      %add3A_264 = vector.broadcast %add3A_263 : i32 to vector<16xi32>
      %add3A_265 = arith.addi %mul3A_22, %add3A_264 : vector<16xi32>
      %gather3A_266 = tpu.vector_load_idx %arg5[%add3A_265] : memref<20480xf32, #tpu.memory_space<vmem>>[vector<16xi32>], vector<16xf32>,
      %gt3A_267 = arith.cmpf ogt, %gather3A_266, %select_n3A_256 : vector<16xf32>
      %select_n3A_268 = arith.select %gt3A_267, %select_n3A_256, %gather3A_266 : vector<16xi1>, vector<16xf32>
      %select_n3A_269 = arith.select %gt3A_267, %select_n3A_257, %broadcast_in_dim3A_262 : vector<16xi1>, vector<16xi32>
      %select_n3A_270 = arith.select %gt3A_267, %gather3A_266, %select_n3A_256 : vector<16xi1>, vector<16xf32>
      %select_n3A_271 = arith.select %gt3A_267, %broadcast_in_dim3A_262, %select_n3A_257 : vector<16xi1>, vector<16xi32>
      %gt3A_272 = arith.cmpf ogt, %select_n3A_268, %select_n3A_259 : vector<16xf32>
      %select_n3A_273 = arith.select %gt3A_272, %select_n3A_268, %select_n3A_259 : vector<16xi1>, vector<16xf32>
      %select_n3A_274 = arith.select %gt3A_272, %select_n3A_269, %select_n3A_260 : vector<16xi1>, vector<16xi32>
      %broadcast_in_dim3A_275 = arith.constant 19 : i32
      %broadcast_in_dim3A_276 = vector.broadcast %broadcast_in_dim3A_275 : i32 to vector<16xi32>
      %add3A_277 = arith.constant 19 : i32
      %add3A_278 = vector.broadcast %add3A_277 : i32 to vector<16xi32>
      %add3A_279 = arith.addi %mul3A_22, %add3A_278 : vector<16xi32>
      %gather3A_280 = tpu.vector_load_idx %arg5[%add3A_279] : memref<20480xf32, #tpu.memory_space<vmem>>[vector<16xi32>], vector<16xf32>,
      %gt3A_281 = arith.cmpf ogt, %gather3A_280, %select_n3A_270 : vector<16xf32>
      %select_n3A_282 = arith.select %gt3A_281, %select_n3A_270, %gather3A_280 : vector<16xi1>, vector<16xf32>
      %select_n3A_283 = arith.select %gt3A_281, %select_n3A_271, %broadcast_in_dim3A_276 : vector<16xi1>, vector<16xi32>
      %select_n3A_284 = arith.select %gt3A_281, %gather3A_280, %select_n3A_270 : vector<16xi1>, vector<16xf32>
      %select_n3A_285 = arith.select %gt3A_281, %broadcast_in_dim3A_276, %select_n3A_271 : vector<16xi1>, vector<16xi32>
      %gt3A_286 = arith.cmpf ogt, %select_n3A_282, %select_n3A_273 : vector<16xf32>
      %select_n3A_287 = arith.select %gt3A_286, %select_n3A_282, %select_n3A_273 : vector<16xi1>, vector<16xf32>
      %select_n3A_288 = arith.select %gt3A_286, %select_n3A_283, %select_n3A_274 : vector<16xi1>, vector<16xi32>
      %broadcast_in_dim3A_289 = arith.constant 20 : i32
      %broadcast_in_dim3A_290 = vector.broadcast %broadcast_in_dim3A_289 : i32 to vector<16xi32>
      %add3A_291 = arith.constant 20 : i32
      %add3A_292 = vector.broadcast %add3A_291 : i32 to vector<16xi32>
      %add3A_293 = arith.addi %mul3A_22, %add3A_292 : vector<16xi32>
      %gather3A_294 = tpu.vector_load_idx %arg5[%add3A_293] : memref<20480xf32, #tpu.memory_space<vmem>>[vector<16xi32>], vector<16xf32>,
      %gt3A_295 = arith.cmpf ogt, %gather3A_294, %select_n3A_284 : vector<16xf32>
      %select_n3A_296 = arith.select %gt3A_295, %select_n3A_284, %gather3A_294 : vector<16xi1>, vector<16xf32>
      %select_n3A_297 = arith.select %gt3A_295, %select_n3A_285, %broadcast_in_dim3A_290 : vector<16xi1>, vector<16xi32>
      %select_n3A_298 = arith.select %gt3A_295, %gather3A_294, %select_n3A_284 : vector<16xi1>, vector<16xf32>
      %select_n3A_299 = arith.select %gt3A_295, %broadcast_in_dim3A_290, %select_n3A_285 : vector<16xi1>, vector<16xi32>
      %gt3A_300 = arith.cmpf ogt, %select_n3A_296, %select_n3A_287 : vector<16xf32>
      %select_n3A_301 = arith.select %gt3A_300, %select_n3A_296, %select_n3A_287 : vector<16xi1>, vector<16xf32>
      %select_n3A_302 = arith.select %gt3A_300, %select_n3A_297, %select_n3A_288 : vector<16xi1>, vector<16xi32>
      %broadcast_in_dim3A_303 = arith.constant 21 : i32
      %broadcast_in_dim3A_304 = vector.broadcast %broadcast_in_dim3A_303 : i32 to vector<16xi32>
      %add3A_305 = arith.constant 21 : i32
      %add3A_306 = vector.broadcast %add3A_305 : i32 to vector<16xi32>
      %add3A_307 = arith.addi %mul3A_22, %add3A_306 : vector<16xi32>
      %gather3A_308 = tpu.vector_load_idx %arg5[%add3A_307] : memref<20480xf32, #tpu.memory_space<vmem>>[vector<16xi32>], vector<16xf32>,
      %gt3A_309 = arith.cmpf ogt, %gather3A_308, %select_n3A_298 : vector<16xf32>
      %select_n3A_310 = arith.select %gt3A_309, %select_n3A_298, %gather3A_308 : vector<16xi1>, vector<16xf32>
      %select_n3A_311 = arith.select %gt3A_309, %select_n3A_299, %broadcast_in_dim3A_304 : vector<16xi1>, vector<16xi32>
      %select_n3A_312 = arith.select %gt3A_309, %gather3A_308, %select_n3A_298 : vector<16xi1>, vector<16xf32>
      %select_n3A_313 = arith.select %gt3A_309, %broadcast_in_dim3A_304, %select_n3A_299 : vector<16xi1>, vector<16xi32>
      %gt3A_314 = arith.cmpf ogt, %select_n3A_310, %select_n3A_301 : vector<16xf32>
      %select_n3A_315 = arith.select %gt3A_314, %select_n3A_310, %select_n3A_301 : vector<16xi1>, vector<16xf32>
      %select_n3A_316 = arith.select %gt3A_314, %select_n3A_311, %select_n3A_302 : vector<16xi1>, vector<16xi32>
      %broadcast_in_dim3A_317 = arith.constant 22 : i32
      %broadcast_in_dim3A_318 = vector.broadcast %broadcast_in_dim3A_317 : i32 to vector<16xi32>
      %add3A_319 = arith.constant 22 : i32
      %add3A_320 = vector.broadcast %add3A_319 : i32 to vector<16xi32>
      %add3A_321 = arith.addi %mul3A_22, %add3A_320 : vector<16xi32>
      %gather3A_322 = tpu.vector_load_idx %arg5[%add3A_321] : memref<20480xf32, #tpu.memory_space<vmem>>[vector<16xi32>], vector<16xf32>,
      %gt3A_323 = arith.cmpf ogt, %gather3A_322, %select_n3A_312 : vector<16xf32>
      %select_n3A_324 = arith.select %gt3A_323, %select_n3A_312, %gather3A_322 : vector<16xi1>, vector<16xf32>
      %select_n3A_325 = arith.select %gt3A_323, %select_n3A_313, %broadcast_in_dim3A_318 : vector<16xi1>, vector<16xi32>
      %select_n3A_326 = arith.select %gt3A_323, %gather3A_322, %select_n3A_312 : vector<16xi1>, vector<16xf32>
      %select_n3A_327 = arith.select %gt3A_323, %broadcast_in_dim3A_318, %select_n3A_313 : vector<16xi1>, vector<16xi32>
      %gt3A_328 = arith.cmpf ogt, %select_n3A_324, %select_n3A_315 : vector<16xf32>
      %select_n3A_329 = arith.select %gt3A_328, %select_n3A_324, %select_n3A_315 : vector<16xi1>, vector<16xf32>
      %select_n3A_330 = arith.select %gt3A_328, %select_n3A_325, %select_n3A_316 : vector<16xi1>, vector<16xi32>
      %broadcast_in_dim3A_331 = arith.constant 23 : i32
      %broadcast_in_dim3A_332 = vector.broadcast %broadcast_in_dim3A_331 : i32 to vector<16xi32>
      %add3A_333 = arith.constant 23 : i32
      %add3A_334 = vector.broadcast %add3A_333 : i32 to vector<16xi32>
      %add3A_335 = arith.addi %mul3A_22, %add3A_334 : vector<16xi32>
      %gather3A_336 = tpu.vector_load_idx %arg5[%add3A_335] : memref<20480xf32, #tpu.memory_space<vmem>>[vector<16xi32>], vector<16xf32>,
      %gt3A_337 = arith.cmpf ogt, %gather3A_336, %select_n3A_326 : vector<16xf32>
      %select_n3A_338 = arith.select %gt3A_337, %select_n3A_326, %gather3A_336 : vector<16xi1>, vector<16xf32>
      %select_n3A_339 = arith.select %gt3A_337, %select_n3A_327, %broadcast_in_dim3A_332 : vector<16xi1>, vector<16xi32>
      %select_n3A_340 = arith.select %gt3A_337, %gather3A_336, %select_n3A_326 : vector<16xi1>, vector<16xf32>
      %select_n3A_341 = arith.select %gt3A_337, %broadcast_in_dim3A_332, %select_n3A_327 : vector<16xi1>, vector<16xi32>
      %gt3A_342 = arith.cmpf ogt, %select_n3A_338, %select_n3A_329 : vector<16xf32>
      %select_n3A_343 = arith.select %gt3A_342, %select_n3A_338, %select_n3A_329 : vector<16xi1>, vector<16xf32>
      %select_n3A_344 = arith.select %gt3A_342, %select_n3A_339, %select_n3A_330 : vector<16xi1>, vector<16xi32>
      %broadcast_in_dim3A_345 = arith.constant 24 : i32
      %broadcast_in_dim3A_346 = vector.broadcast %broadcast_in_dim3A_345 : i32 to vector<16xi32>
      %add3A_347 = arith.constant 24 : i32
      %add3A_348 = vector.broadcast %add3A_347 : i32 to vector<16xi32>
      %add3A_349 = arith.addi %mul3A_22, %add3A_348 : vector<16xi32>
      %gather3A_350 = tpu.vector_load_idx %arg5[%add3A_349] : memref<20480xf32, #tpu.memory_space<vmem>>[vector<16xi32>], vector<16xf32>,
      %gt3A_351 = arith.cmpf ogt, %gather3A_350, %select_n3A_340 : vector<16xf32>
      %select_n3A_352 = arith.select %gt3A_351, %select_n3A_340, %gather3A_350 : vector<16xi1>, vector<16xf32>
      %select_n3A_353 = arith.select %gt3A_351, %select_n3A_341, %broadcast_in_dim3A_346 : vector<16xi1>, vector<16xi32>
      %select_n3A_354 = arith.select %gt3A_351, %gather3A_350, %select_n3A_340 : vector<16xi1>, vector<16xf32>
      %select_n3A_355 = arith.select %gt3A_351, %broadcast_in_dim3A_346, %select_n3A_341 : vector<16xi1>, vector<16xi32>
      %gt3A_356 = arith.cmpf ogt, %select_n3A_352, %select_n3A_343 : vector<16xf32>
      %select_n3A_357 = arith.select %gt3A_356, %select_n3A_352, %select_n3A_343 : vector<16xi1>, vector<16xf32>
      %select_n3A_358 = arith.select %gt3A_356, %select_n3A_353, %select_n3A_344 : vector<16xi1>, vector<16xi32>
      %broadcast_in_dim3A_359 = arith.constant 25 : i32
      %broadcast_in_dim3A_360 = vector.broadcast %broadcast_in_dim3A_359 : i32 to vector<16xi32>
      %add3A_361 = arith.constant 25 : i32
      %add3A_362 = vector.broadcast %add3A_361 : i32 to vector<16xi32>
      %add3A_363 = arith.addi %mul3A_22, %add3A_362 : vector<16xi32>
      %gather3A_364 = tpu.vector_load_idx %arg5[%add3A_363] : memref<20480xf32, #tpu.memory_space<vmem>>[vector<16xi32>], vector<16xf32>,
      %gt3A_365 = arith.cmpf ogt, %gather3A_364, %select_n3A_354 : vector<16xf32>
      %select_n3A_366 = arith.select %gt3A_365, %select_n3A_354, %gather3A_364 : vector<16xi1>, vector<16xf32>
      %select_n3A_367 = arith.select %gt3A_365, %select_n3A_355, %broadcast_in_dim3A_360 : vector<16xi1>, vector<16xi32>
      %select_n3A_368 = arith.select %gt3A_365, %gather3A_364, %select_n3A_354 : vector<16xi1>, vector<16xf32>
      %select_n3A_369 = arith.select %gt3A_365, %broadcast_in_dim3A_360, %select_n3A_355 : vector<16xi1>, vector<16xi32>
      %gt3A_370 = arith.cmpf ogt, %select_n3A_366, %select_n3A_357 : vector<16xf32>
      %select_n3A_371 = arith.select %gt3A_370, %select_n3A_366, %select_n3A_357 : vector<16xi1>, vector<16xf32>
      %select_n3A_372 = arith.select %gt3A_370, %select_n3A_367, %select_n3A_358 : vector<16xi1>, vector<16xi32>
      %broadcast_in_dim3A_373 = arith.constant 26 : i32
      %broadcast_in_dim3A_374 = vector.broadcast %broadcast_in_dim3A_373 : i32 to vector<16xi32>
      %add3A_375 = arith.constant 26 : i32
      %add3A_376 = vector.broadcast %add3A_375 : i32 to vector<16xi32>
      %add3A_377 = arith.addi %mul3A_22, %add3A_376 : vector<16xi32>
      %gather3A_378 = tpu.vector_load_idx %arg5[%add3A_377] : memref<20480xf32, #tpu.memory_space<vmem>>[vector<16xi32>], vector<16xf32>,
      %gt3A_379 = arith.cmpf ogt, %gather3A_378, %select_n3A_368 : vector<16xf32>
      %select_n3A_380 = arith.select %gt3A_379, %select_n3A_368, %gather3A_378 : vector<16xi1>, vector<16xf32>
      %select_n3A_381 = arith.select %gt3A_379, %select_n3A_369, %broadcast_in_dim3A_374 : vector<16xi1>, vector<16xi32>
      %select_n3A_382 = arith.select %gt3A_379, %gather3A_378, %select_n3A_368 : vector<16xi1>, vector<16xf32>
      %select_n3A_383 = arith.select %gt3A_379, %broadcast_in_dim3A_374, %select_n3A_369 : vector<16xi1>, vector<16xi32>
      %gt3A_384 = arith.cmpf ogt, %select_n3A_380, %select_n3A_371 : vector<16xf32>
      %select_n3A_385 = arith.select %gt3A_384, %select_n3A_380, %select_n3A_371 : vector<16xi1>, vector<16xf32>
      %select_n3A_386 = arith.select %gt3A_384, %select_n3A_381, %select_n3A_372 : vector<16xi1>, vector<16xi32>
      %broadcast_in_dim3A_387 = arith.constant 27 : i32
      %broadcast_in_dim3A_388 = vector.broadcast %broadcast_in_dim3A_387 : i32 to vector<16xi32>
      %add3A_389 = arith.constant 27 : i32
      %add3A_390 = vector.broadcast %add3A_389 : i32 to vector<16xi32>
      %add3A_391 = arith.addi %mul3A_22, %add3A_390 : vector<16xi32>
      %gather3A_392 = tpu.vector_load_idx %arg5[%add3A_391] : memref<20480xf32, #tpu.memory_space<vmem>>[vector<16xi32>], vector<16xf32>,
      %gt3A_393 = arith.cmpf ogt, %gather3A_392, %select_n3A_382 : vector<16xf32>
      %select_n3A_394 = arith.select %gt3A_393, %select_n3A_382, %gather3A_392 : vector<16xi1>, vector<16xf32>
      %select_n3A_395 = arith.select %gt3A_393, %select_n3A_383, %broadcast_in_dim3A_388 : vector<16xi1>, vector<16xi32>
      %select_n3A_396 = arith.select %gt3A_393, %gather3A_392, %select_n3A_382 : vector<16xi1>, vector<16xf32>
      %select_n3A_397 = arith.select %gt3A_393, %broadcast_in_dim3A_388, %select_n3A_383 : vector<16xi1>, vector<16xi32>
      %gt3A_398 = arith.cmpf ogt, %select_n3A_394, %select_n3A_385 : vector<16xf32>
      %select_n3A_399 = arith.select %gt3A_398, %select_n3A_394, %select_n3A_385 : vector<16xi1>, vector<16xf32>
      %select_n3A_400 = arith.select %gt3A_398, %select_n3A_395, %select_n3A_386 : vector<16xi1>, vector<16xi32>
      %broadcast_in_dim3A_401 = arith.constant 28 : i32
      %broadcast_in_dim3A_402 = vector.broadcast %broadcast_in_dim3A_401 : i32 to vector<16xi32>
      %add3A_403 = arith.constant 28 : i32
      %add3A_404 = vector.broadcast %add3A_403 : i32 to vector<16xi32>
      %add3A_405 = arith.addi %mul3A_22, %add3A_404 : vector<16xi32>
      %gather3A_406 = tpu.vector_load_idx %arg5[%add3A_405] : memref<20480xf32, #tpu.memory_space<vmem>>[vector<16xi32>], vector<16xf32>,
      %gt3A_407 = arith.cmpf ogt, %gather3A_406, %select_n3A_396 : vector<16xf32>
      %select_n3A_408 = arith.select %gt3A_407, %select_n3A_396, %gather3A_406 : vector<16xi1>, vector<16xf32>
      %select_n3A_409 = arith.select %gt3A_407, %select_n3A_397, %broadcast_in_dim3A_402 : vector<16xi1>, vector<16xi32>
      %select_n3A_410 = arith.select %gt3A_407, %gather3A_406, %select_n3A_396 : vector<16xi1>, vector<16xf32>
      %select_n3A_411 = arith.select %gt3A_407, %broadcast_in_dim3A_402, %select_n3A_397 : vector<16xi1>, vector<16xi32>
      %gt3A_412 = arith.cmpf ogt, %select_n3A_408, %select_n3A_399 : vector<16xf32>
      %select_n3A_413 = arith.select %gt3A_412, %select_n3A_408, %select_n3A_399 : vector<16xi1>, vector<16xf32>
      %select_n3A_414 = arith.select %gt3A_412, %select_n3A_409, %select_n3A_400 : vector<16xi1>, vector<16xi32>
      %broadcast_in_dim3A_415 = arith.constant 29 : i32
      %broadcast_in_dim3A_416 = vector.broadcast %broadcast_in_dim3A_415 : i32 to vector<16xi32>
      %add3A_417 = arith.constant 29 : i32
      %add3A_418 = vector.broadcast %add3A_417 : i32 to vector<16xi32>
      %add3A_419 = arith.addi %mul3A_22, %add3A_418 : vector<16xi32>
      %gather3A_420 = tpu.vector_load_idx %arg5[%add3A_419] : memref<20480xf32, #tpu.memory_space<vmem>>[vector<16xi32>], vector<16xf32>,
      %gt3A_421 = arith.cmpf ogt, %gather3A_420, %select_n3A_410 : vector<16xf32>
      %select_n3A_422 = arith.select %gt3A_421, %select_n3A_410, %gather3A_420 : vector<16xi1>, vector<16xf32>
      %select_n3A_423 = arith.select %gt3A_421, %select_n3A_411, %broadcast_in_dim3A_416 : vector<16xi1>, vector<16xi32>
      %select_n3A_424 = arith.select %gt3A_421, %gather3A_420, %select_n3A_410 : vector<16xi1>, vector<16xf32>
      %select_n3A_425 = arith.select %gt3A_421, %broadcast_in_dim3A_416, %select_n3A_411 : vector<16xi1>, vector<16xi32>
      %gt3A_426 = arith.cmpf ogt, %select_n3A_422, %select_n3A_413 : vector<16xf32>
      %select_n3A_427 = arith.select %gt3A_426, %select_n3A_422, %select_n3A_413 : vector<16xi1>, vector<16xf32>
      %select_n3A_428 = arith.select %gt3A_426, %select_n3A_423, %select_n3A_414 : vector<16xi1>, vector<16xi32>
      %broadcast_in_dim3A_429 = arith.constant 30 : i32
      %broadcast_in_dim3A_430 = vector.broadcast %broadcast_in_dim3A_429 : i32 to vector<16xi32>
      %add3A_431 = arith.constant 30 : i32
      %add3A_432 = vector.broadcast %add3A_431 : i32 to vector<16xi32>
      %add3A_433 = arith.addi %mul3A_22, %add3A_432 : vector<16xi32>
      %gather3A_434 = tpu.vector_load_idx %arg5[%add3A_433] : memref<20480xf32, #tpu.memory_space<vmem>>[vector<16xi32>], vector<16xf32>,
      %gt3A_435 = arith.cmpf ogt, %gather3A_434, %select_n3A_424 : vector<16xf32>
      %select_n3A_436 = arith.select %gt3A_435, %select_n3A_424, %gather3A_434 : vector<16xi1>, vector<16xf32>
      %select_n3A_437 = arith.select %gt3A_435, %select_n3A_425, %broadcast_in_dim3A_430 : vector<16xi1>, vector<16xi32>
      %select_n3A_438 = arith.select %gt3A_435, %gather3A_434, %select_n3A_424 : vector<16xi1>, vector<16xf32>
      %select_n3A_439 = arith.select %gt3A_435, %broadcast_in_dim3A_430, %select_n3A_425 : vector<16xi1>, vector<16xi32>
      %gt3A_440 = arith.cmpf ogt, %select_n3A_436, %select_n3A_427 : vector<16xf32>
      %select_n3A_441 = arith.select %gt3A_440, %select_n3A_436, %select_n3A_427 : vector<16xi1>, vector<16xf32>
      %select_n3A_442 = arith.select %gt3A_440, %select_n3A_437, %select_n3A_428 : vector<16xi1>, vector<16xi32>
      %broadcast_in_dim3A_443 = arith.constant 31 : i32
      %broadcast_in_dim3A_444 = vector.broadcast %broadcast_in_dim3A_443 : i32 to vector<16xi32>
      %add3A_445 = arith.constant 31 : i32
      %add3A_446 = vector.broadcast %add3A_445 : i32 to vector<16xi32>
      %add3A_447 = arith.addi %mul3A_22, %add3A_446 : vector<16xi32>
      %gather3A_448 = tpu.vector_load_idx %arg5[%add3A_447] : memref<20480xf32, #tpu.memory_space<vmem>>[vector<16xi32>], vector<16xf32>,
      %gt3A_449 = arith.cmpf ogt, %gather3A_448, %select_n3A_438 : vector<16xf32>
      %select_n3A_450 = arith.select %gt3A_449, %select_n3A_438, %gather3A_448 : vector<16xi1>, vector<16xf32>
      %select_n3A_451 = arith.select %gt3A_449, %select_n3A_439, %broadcast_in_dim3A_444 : vector<16xi1>, vector<16xi32>
      %select_n3A_452 = arith.select %gt3A_449, %gather3A_448, %select_n3A_438 : vector<16xi1>, vector<16xf32>
      %select_n3A_453 = arith.select %gt3A_449, %broadcast_in_dim3A_444, %select_n3A_439 : vector<16xi1>, vector<16xi32>
      %gt3A_454 = arith.cmpf ogt, %select_n3A_450, %select_n3A_441 : vector<16xf32>
      %select_n3A_455 = arith.select %gt3A_454, %select_n3A_450, %select_n3A_441 : vector<16xi1>, vector<16xf32>
      %select_n3A_456 = arith.select %gt3A_454, %select_n3A_451, %select_n3A_442 : vector<16xi1>, vector<16xi32>
      %broadcast_in_dim3A_457 = arith.constant 32 : i32
      %broadcast_in_dim3A_458 = vector.broadcast %broadcast_in_dim3A_457 : i32 to vector<16xi32>
      %add3A_459 = arith.constant 32 : i32
      %add3A_460 = vector.broadcast %add3A_459 : i32 to vector<16xi32>
      %add3A_461 = arith.addi %mul3A_22, %add3A_460 : vector<16xi32>
      %gather3A_462 = tpu.vector_load_idx %arg5[%add3A_461] : memref<20480xf32, #tpu.memory_space<vmem>>[vector<16xi32>], vector<16xf32>,
      %gt3A_463 = arith.cmpf ogt, %gather3A_462, %select_n3A_452 : vector<16xf32>
      %select_n3A_464 = arith.select %gt3A_463, %select_n3A_452, %gather3A_462 : vector<16xi1>, vector<16xf32>
      %select_n3A_465 = arith.select %gt3A_463, %select_n3A_453, %broadcast_in_dim3A_458 : vector<16xi1>, vector<16xi32>
      %select_n3A_466 = arith.select %gt3A_463, %gather3A_462, %select_n3A_452 : vector<16xi1>, vector<16xf32>
      %select_n3A_467 = arith.select %gt3A_463, %broadcast_in_dim3A_458, %select_n3A_453 : vector<16xi1>, vector<16xi32>
      %gt3A_468 = arith.cmpf ogt, %select_n3A_464, %select_n3A_455 : vector<16xf32>
      %select_n3A_469 = arith.select %gt3A_468, %select_n3A_464, %select_n3A_455 : vector<16xi1>, vector<16xf32>
      %select_n3A_470 = arith.select %gt3A_468, %select_n3A_465, %select_n3A_456 : vector<16xi1>, vector<16xi32>
      %broadcast_in_dim3A_471 = arith.constant 33 : i32
      %broadcast_in_dim3A_472 = vector.broadcast %broadcast_in_dim3A_471 : i32 to vector<16xi32>
      %add3A_473 = arith.constant 33 : i32
      %add3A_474 = vector.broadcast %add3A_473 : i32 to vector<16xi32>
      %add3A_475 = arith.addi %mul3A_22, %add3A_474 : vector<16xi32>
      %gather3A_476 = tpu.vector_load_idx %arg5[%add3A_475] : memref<20480xf32, #tpu.memory_space<vmem>>[vector<16xi32>], vector<16xf32>,
      %gt3A_477 = arith.cmpf ogt, %gather3A_476, %select_n3A_466 : vector<16xf32>
      %select_n3A_478 = arith.select %gt3A_477, %select_n3A_466, %gather3A_476 : vector<16xi1>, vector<16xf32>
      %select_n3A_479 = arith.select %gt3A_477, %select_n3A_467, %broadcast_in_dim3A_472 : vector<16xi1>, vector<16xi32>
      %select_n3A_480 = arith.select %gt3A_477, %gather3A_476, %select_n3A_466 : vector<16xi1>, vector<16xf32>
      %select_n3A_481 = arith.select %gt3A_477, %broadcast_in_dim3A_472, %select_n3A_467 : vector<16xi1>, vector<16xi32>
      %gt3A_482 = arith.cmpf ogt, %select_n3A_478, %select_n3A_469 : vector<16xf32>
      %select_n3A_483 = arith.select %gt3A_482, %select_n3A_478, %select_n3A_469 : vector<16xi1>, vector<16xf32>
      %select_n3A_484 = arith.select %gt3A_482, %select_n3A_479, %select_n3A_470 : vector<16xi1>, vector<16xi32>
      %broadcast_in_dim3A_485 = arith.constant 34 : i32
      %broadcast_in_dim3A_486 = vector.broadcast %broadcast_in_dim3A_485 : i32 to vector<16xi32>
      %add3A_487 = arith.constant 34 : i32
      %add3A_488 = vector.broadcast %add3A_487 : i32 to vector<16xi32>
      %add3A_489 = arith.addi %mul3A_22, %add3A_488 : vector<16xi32>
      %gather3A_490 = tpu.vector_load_idx %arg5[%add3A_489] : memref<20480xf32, #tpu.memory_space<vmem>>[vector<16xi32>], vector<16xf32>,
      %gt3A_491 = arith.cmpf ogt, %gather3A_490, %select_n3A_480 : vector<16xf32>
      %select_n3A_492 = arith.select %gt3A_491, %select_n3A_480, %gather3A_490 : vector<16xi1>, vector<16xf32>
      %select_n3A_493 = arith.select %gt3A_491, %select_n3A_481, %broadcast_in_dim3A_486 : vector<16xi1>, vector<16xi32>
      %select_n3A_494 = arith.select %gt3A_491, %gather3A_490, %select_n3A_480 : vector<16xi1>, vector<16xf32>
      %select_n3A_495 = arith.select %gt3A_491, %broadcast_in_dim3A_486, %select_n3A_481 : vector<16xi1>, vector<16xi32>
      %gt3A_496 = arith.cmpf ogt, %select_n3A_492, %select_n3A_483 : vector<16xf32>
      %select_n3A_497 = arith.select %gt3A_496, %select_n3A_492, %select_n3A_483 : vector<16xi1>, vector<16xf32>
      %select_n3A_498 = arith.select %gt3A_496, %select_n3A_493, %select_n3A_484 : vector<16xi1>, vector<16xi32>
      %broadcast_in_dim3A_499 = arith.constant 35 : i32
      %broadcast_in_dim3A_500 = vector.broadcast %broadcast_in_dim3A_499 : i32 to vector<16xi32>
      %add3A_501 = arith.constant 35 : i32
      %add3A_502 = vector.broadcast %add3A_501 : i32 to vector<16xi32>
      %add3A_503 = arith.addi %mul3A_22, %add3A_502 : vector<16xi32>
      %gather3A_504 = tpu.vector_load_idx %arg5[%add3A_503] : memref<20480xf32, #tpu.memory_space<vmem>>[vector<16xi32>], vector<16xf32>,
      %gt3A_505 = arith.cmpf ogt, %gather3A_504, %select_n3A_494 : vector<16xf32>
      %select_n3A_506 = arith.select %gt3A_505, %select_n3A_494, %gather3A_504 : vector<16xi1>, vector<16xf32>
      %select_n3A_507 = arith.select %gt3A_505, %select_n3A_495, %broadcast_in_dim3A_500 : vector<16xi1>, vector<16xi32>
      %select_n3A_508 = arith.select %gt3A_505, %gather3A_504, %select_n3A_494 : vector<16xi1>, vector<16xf32>
      %select_n3A_509 = arith.select %gt3A_505, %broadcast_in_dim3A_500, %select_n3A_495 : vector<16xi1>, vector<16xi32>
      %gt3A_510 = arith.cmpf ogt, %select_n3A_506, %select_n3A_497 : vector<16xf32>
      %select_n3A_511 = arith.select %gt3A_510, %select_n3A_506, %select_n3A_497 : vector<16xi1>, vector<16xf32>
      %select_n3A_512 = arith.select %gt3A_510, %select_n3A_507, %select_n3A_498 : vector<16xi1>, vector<16xi32>
      %broadcast_in_dim3A_513 = arith.constant 36 : i32
      %broadcast_in_dim3A_514 = vector.broadcast %broadcast_in_dim3A_513 : i32 to vector<16xi32>
      %add3A_515 = arith.constant 36 : i32
      %add3A_516 = vector.broadcast %add3A_515 : i32 to vector<16xi32>
      %add3A_517 = arith.addi %mul3A_22, %add3A_516 : vector<16xi32>
      %gather3A_518 = tpu.vector_load_idx %arg5[%add3A_517] : memref<20480xf32, #tpu.memory_space<vmem>>[vector<16xi32>], vector<16xf32>,
      %gt3A_519 = arith.cmpf ogt, %gather3A_518, %select_n3A_508 : vector<16xf32>
      %select_n3A_520 = arith.select %gt3A_519, %select_n3A_508, %gather3A_518 : vector<16xi1>, vector<16xf32>
      %select_n3A_521 = arith.select %gt3A_519, %select_n3A_509, %broadcast_in_dim3A_514 : vector<16xi1>, vector<16xi32>
      %select_n3A_522 = arith.select %gt3A_519, %gather3A_518, %select_n3A_508 : vector<16xi1>, vector<16xf32>
      %select_n3A_523 = arith.select %gt3A_519, %broadcast_in_dim3A_514, %select_n3A_509 : vector<16xi1>, vector<16xi32>
      %gt3A_524 = arith.cmpf ogt, %select_n3A_520, %select_n3A_511 : vector<16xf32>
      %select_n3A_525 = arith.select %gt3A_524, %select_n3A_520, %select_n3A_511 : vector<16xi1>, vector<16xf32>
      %select_n3A_526 = arith.select %gt3A_524, %select_n3A_521, %select_n3A_512 : vector<16xi1>, vector<16xi32>
      %broadcast_in_dim3A_527 = arith.constant 37 : i32
      %broadcast_in_dim3A_528 = vector.broadcast %broadcast_in_dim3A_527 : i32 to vector<16xi32>
      %add3A_529 = arith.constant 37 : i32
      %add3A_530 = vector.broadcast %add3A_529 : i32 to vector<16xi32>
      %add3A_531 = arith.addi %mul3A_22, %add3A_530 : vector<16xi32>
      %gather3A_532 = tpu.vector_load_idx %arg5[%add3A_531] : memref<20480xf32, #tpu.memory_space<vmem>>[vector<16xi32>], vector<16xf32>,
      %gt3A_533 = arith.cmpf ogt, %gather3A_532, %select_n3A_522 : vector<16xf32>
      %select_n3A_534 = arith.select %gt3A_533, %select_n3A_522, %gather3A_532 : vector<16xi1>, vector<16xf32>
      %select_n3A_535 = arith.select %gt3A_533, %select_n3A_523, %broadcast_in_dim3A_528 : vector<16xi1>, vector<16xi32>
      %select_n3A_536 = arith.select %gt3A_533, %gather3A_532, %select_n3A_522 : vector<16xi1>, vector<16xf32>
      %select_n3A_537 = arith.select %gt3A_533, %broadcast_in_dim3A_528, %select_n3A_523 : vector<16xi1>, vector<16xi32>
      %gt3A_538 = arith.cmpf ogt, %select_n3A_534, %select_n3A_525 : vector<16xf32>
      %select_n3A_539 = arith.select %gt3A_538, %select_n3A_534, %select_n3A_525 : vector<16xi1>, vector<16xf32>
      %select_n3A_540 = arith.select %gt3A_538, %select_n3A_535, %select_n3A_526 : vector<16xi1>, vector<16xi32>
      %broadcast_in_dim3A_541 = arith.constant 38 : i32
      %broadcast_in_dim3A_542 = vector.broadcast %broadcast_in_dim3A_541 : i32 to vector<16xi32>
      %add3A_543 = arith.constant 38 : i32
      %add3A_544 = vector.broadcast %add3A_543 : i32 to vector<16xi32>
      %add3A_545 = arith.addi %mul3A_22, %add3A_544 : vector<16xi32>
      %gather3A_546 = tpu.vector_load_idx %arg5[%add3A_545] : memref<20480xf32, #tpu.memory_space<vmem>>[vector<16xi32>], vector<16xf32>,
      %gt3A_547 = arith.cmpf ogt, %gather3A_546, %select_n3A_536 : vector<16xf32>
      %select_n3A_548 = arith.select %gt3A_547, %select_n3A_536, %gather3A_546 : vector<16xi1>, vector<16xf32>
      %select_n3A_549 = arith.select %gt3A_547, %select_n3A_537, %broadcast_in_dim3A_542 : vector<16xi1>, vector<16xi32>
      %select_n3A_550 = arith.select %gt3A_547, %gather3A_546, %select_n3A_536 : vector<16xi1>, vector<16xf32>
      %select_n3A_551 = arith.select %gt3A_547, %broadcast_in_dim3A_542, %select_n3A_537 : vector<16xi1>, vector<16xi32>
      %gt3A_552 = arith.cmpf ogt, %select_n3A_548, %select_n3A_539 : vector<16xf32>
      %select_n3A_553 = arith.select %gt3A_552, %select_n3A_548, %select_n3A_539 : vector<16xi1>, vector<16xf32>
      %select_n3A_554 = arith.select %gt3A_552, %select_n3A_549, %select_n3A_540 : vector<16xi1>, vector<16xi32>
      %broadcast_in_dim3A_555 = arith.constant 39 : i32
      %broadcast_in_dim3A_556 = vector.broadcast %broadcast_in_dim3A_555 : i32 to vector<16xi32>
      %add3A_557 = arith.constant 39 : i32
      %add3A_558 = vector.broadcast %add3A_557 : i32 to vector<16xi32>
      %add3A_559 = arith.addi %mul3A_22, %add3A_558 : vector<16xi32>
      %gather3A_560 = tpu.vector_load_idx %arg5[%add3A_559] : memref<20480xf32, #tpu.memory_space<vmem>>[vector<16xi32>], vector<16xf32>,
      %gt3A_561 = arith.cmpf ogt, %gather3A_560, %select_n3A_550 : vector<16xf32>
      %select_n3A_562 = arith.select %gt3A_561, %select_n3A_550, %gather3A_560 : vector<16xi1>, vector<16xf32>
      %select_n3A_563 = arith.select %gt3A_561, %select_n3A_551, %broadcast_in_dim3A_556 : vector<16xi1>, vector<16xi32>
      %select_n3A_564 = arith.select %gt3A_561, %gather3A_560, %select_n3A_550 : vector<16xi1>, vector<16xf32>
      %select_n3A_565 = arith.select %gt3A_561, %broadcast_in_dim3A_556, %select_n3A_551 : vector<16xi1>, vector<16xi32>
      %gt3A_566 = arith.cmpf ogt, %select_n3A_562, %select_n3A_553 : vector<16xf32>
      %select_n3A_567 = arith.select %gt3A_566, %select_n3A_562, %select_n3A_553 : vector<16xi1>, vector<16xf32>
      %select_n3A_568 = arith.select %gt3A_566, %select_n3A_563, %select_n3A_554 : vector<16xi1>, vector<16xi32>
      %broadcast_in_dim3A_569 = arith.constant 40 : i32
      %broadcast_in_dim3A_570 = vector.broadcast %broadcast_in_dim3A_569 : i32 to vector<16xi32>
      %add3A_571 = arith.constant 40 : i32
      %add3A_572 = vector.broadcast %add3A_571 : i32 to vector<16xi32>
      %add3A_573 = arith.addi %mul3A_22, %add3A_572 : vector<16xi32>
      %gather3A_574 = tpu.vector_load_idx %arg5[%add3A_573] : memref<20480xf32, #tpu.memory_space<vmem>>[vector<16xi32>], vector<16xf32>,
      %gt3A_575 = arith.cmpf ogt, %gather3A_574, %select_n3A_564 : vector<16xf32>
      %select_n3A_576 = arith.select %gt3A_575, %select_n3A_564, %gather3A_574 : vector<16xi1>, vector<16xf32>
      %select_n3A_577 = arith.select %gt3A_575, %select_n3A_565, %broadcast_in_dim3A_570 : vector<16xi1>, vector<16xi32>
      %select_n3A_578 = arith.select %gt3A_575, %gather3A_574, %select_n3A_564 : vector<16xi1>, vector<16xf32>
      %select_n3A_579 = arith.select %gt3A_575, %broadcast_in_dim3A_570, %select_n3A_565 : vector<16xi1>, vector<16xi32>
      %gt3A_580 = arith.cmpf ogt, %select_n3A_576, %select_n3A_567 : vector<16xf32>
      %select_n3A_581 = arith.select %gt3A_580, %select_n3A_576, %select_n3A_567 : vector<16xi1>, vector<16xf32>
      %select_n3A_582 = arith.select %gt3A_580, %select_n3A_577, %select_n3A_568 : vector<16xi1>, vector<16xi32>
      %broadcast_in_dim3A_583 = arith.constant 41 : i32
      %broadcast_in_dim3A_584 = vector.broadcast %broadcast_in_dim3A_583 : i32 to vector<16xi32>
      %add3A_585 = arith.constant 41 : i32
      %add3A_586 = vector.broadcast %add3A_585 : i32 to vector<16xi32>
      %add3A_587 = arith.addi %mul3A_22, %add3A_586 : vector<16xi32>
      %gather3A_588 = tpu.vector_load_idx %arg5[%add3A_587] : memref<20480xf32, #tpu.memory_space<vmem>>[vector<16xi32>], vector<16xf32>,
      %gt3A_589 = arith.cmpf ogt, %gather3A_588, %select_n3A_578 : vector<16xf32>
      %select_n3A_590 = arith.select %gt3A_589, %select_n3A_578, %gather3A_588 : vector<16xi1>, vector<16xf32>
      %select_n3A_591 = arith.select %gt3A_589, %select_n3A_579, %broadcast_in_dim3A_584 : vector<16xi1>, vector<16xi32>
      %select_n3A_592 = arith.select %gt3A_589, %gather3A_588, %select_n3A_578 : vector<16xi1>, vector<16xf32>
      %select_n3A_593 = arith.select %gt3A_589, %broadcast_in_dim3A_584, %select_n3A_579 : vector<16xi1>, vector<16xi32>
      %gt3A_594 = arith.cmpf ogt, %select_n3A_590, %select_n3A_581 : vector<16xf32>
      %select_n3A_595 = arith.select %gt3A_594, %select_n3A_590, %select_n3A_581 : vector<16xi1>, vector<16xf32>
      %select_n3A_596 = arith.select %gt3A_594, %select_n3A_591, %select_n3A_582 : vector<16xi1>, vector<16xi32>
      %broadcast_in_dim3A_597 = arith.constant 42 : i32
      %broadcast_in_dim3A_598 = vector.broadcast %broadcast_in_dim3A_597 : i32 to vector<16xi32>
      %add3A_599 = arith.constant 42 : i32
      %add3A_600 = vector.broadcast %add3A_599 : i32 to vector<16xi32>
      %add3A_601 = arith.addi %mul3A_22, %add3A_600 : vector<16xi32>
      %gather3A_602 = tpu.vector_load_idx %arg5[%add3A_601] : memref<20480xf32, #tpu.memory_space<vmem>>[vector<16xi32>], vector<16xf32>,
      %gt3A_603 = arith.cmpf ogt, %gather3A_602, %select_n3A_592 : vector<16xf32>
      %select_n3A_604 = arith.select %gt3A_603, %select_n3A_592, %gather3A_602 : vector<16xi1>, vector<16xf32>
      %select_n3A_605 = arith.select %gt3A_603, %select_n3A_593, %broadcast_in_dim3A_598 : vector<16xi1>, vector<16xi32>
      %select_n3A_606 = arith.select %gt3A_603, %gather3A_602, %select_n3A_592 : vector<16xi1>, vector<16xf32>
      %select_n3A_607 = arith.select %gt3A_603, %broadcast_in_dim3A_598, %select_n3A_593 : vector<16xi1>, vector<16xi32>
      %gt3A_608 = arith.cmpf ogt, %select_n3A_604, %select_n3A_595 : vector<16xf32>
      %select_n3A_609 = arith.select %gt3A_608, %select_n3A_604, %select_n3A_595 : vector<16xi1>, vector<16xf32>
      %select_n3A_610 = arith.select %gt3A_608, %select_n3A_605, %select_n3A_596 : vector<16xi1>, vector<16xi32>
      %broadcast_in_dim3A_611 = arith.constant 43 : i32
      %broadcast_in_dim3A_612 = vector.broadcast %broadcast_in_dim3A_611 : i32 to vector<16xi32>
      %add3A_613 = arith.constant 43 : i32
      %add3A_614 = vector.broadcast %add3A_613 : i32 to vector<16xi32>
      %add3A_615 = arith.addi %mul3A_22, %add3A_614 : vector<16xi32>
      %gather3A_616 = tpu.vector_load_idx %arg5[%add3A_615] : memref<20480xf32, #tpu.memory_space<vmem>>[vector<16xi32>], vector<16xf32>,
      %gt3A_617 = arith.cmpf ogt, %gather3A_616, %select_n3A_606 : vector<16xf32>
      %select_n3A_618 = arith.select %gt3A_617, %select_n3A_606, %gather3A_616 : vector<16xi1>, vector<16xf32>
      %select_n3A_619 = arith.select %gt3A_617, %select_n3A_607, %broadcast_in_dim3A_612 : vector<16xi1>, vector<16xi32>
      %select_n3A_620 = arith.select %gt3A_617, %gather3A_616, %select_n3A_606 : vector<16xi1>, vector<16xf32>
      %select_n3A_621 = arith.select %gt3A_617, %broadcast_in_dim3A_612, %select_n3A_607 : vector<16xi1>, vector<16xi32>
      %gt3A_622 = arith.cmpf ogt, %select_n3A_618, %select_n3A_609 : vector<16xf32>
      %select_n3A_623 = arith.select %gt3A_622, %select_n3A_618, %select_n3A_609 : vector<16xi1>, vector<16xf32>
      %select_n3A_624 = arith.select %gt3A_622, %select_n3A_619, %select_n3A_610 : vector<16xi1>, vector<16xi32>
      %broadcast_in_dim3A_625 = arith.constant 44 : i32
      %broadcast_in_dim3A_626 = vector.broadcast %broadcast_in_dim3A_625 : i32 to vector<16xi32>
      %add3A_627 = arith.constant 44 : i32
      %add3A_628 = vector.broadcast %add3A_627 : i32 to vector<16xi32>
      %add3A_629 = arith.addi %mul3A_22, %add3A_628 : vector<16xi32>
      %gather3A_630 = tpu.vector_load_idx %arg5[%add3A_629] : memref<20480xf32, #tpu.memory_space<vmem>>[vector<16xi32>], vector<16xf32>,
      %gt3A_631 = arith.cmpf ogt, %gather3A_630, %select_n3A_620 : vector<16xf32>
      %select_n3A_632 = arith.select %gt3A_631, %select_n3A_620, %gather3A_630 : vector<16xi1>, vector<16xf32>
      %select_n3A_633 = arith.select %gt3A_631, %select_n3A_621, %broadcast_in_dim3A_626 : vector<16xi1>, vector<16xi32>
      %select_n3A_634 = arith.select %gt3A_631, %gather3A_630, %select_n3A_620 : vector<16xi1>, vector<16xf32>
      %select_n3A_635 = arith.select %gt3A_631, %broadcast_in_dim3A_626, %select_n3A_621 : vector<16xi1>, vector<16xi32>
      %gt3A_636 = arith.cmpf ogt, %select_n3A_632, %select_n3A_623 : vector<16xf32>
      %select_n3A_637 = arith.select %gt3A_636, %select_n3A_632, %select_n3A_623 : vector<16xi1>, vector<16xf32>
      %select_n3A_638 = arith.select %gt3A_636, %select_n3A_633, %select_n3A_624 : vector<16xi1>, vector<16xi32>
      %broadcast_in_dim3A_639 = arith.constant 45 : i32
      %broadcast_in_dim3A_640 = vector.broadcast %broadcast_in_dim3A_639 : i32 to vector<16xi32>
      %add3A_641 = arith.constant 45 : i32
      %add3A_642 = vector.broadcast %add3A_641 : i32 to vector<16xi32>
      %add3A_643 = arith.addi %mul3A_22, %add3A_642 : vector<16xi32>
      %gather3A_644 = tpu.vector_load_idx %arg5[%add3A_643] : memref<20480xf32, #tpu.memory_space<vmem>>[vector<16xi32>], vector<16xf32>,
      %gt3A_645 = arith.cmpf ogt, %gather3A_644, %select_n3A_634 : vector<16xf32>
      %select_n3A_646 = arith.select %gt3A_645, %select_n3A_634, %gather3A_644 : vector<16xi1>, vector<16xf32>
      %select_n3A_647 = arith.select %gt3A_645, %select_n3A_635, %broadcast_in_dim3A_640 : vector<16xi1>, vector<16xi32>
      %select_n3A_648 = arith.select %gt3A_645, %gather3A_644, %select_n3A_634 : vector<16xi1>, vector<16xf32>
      %select_n3A_649 = arith.select %gt3A_645, %broadcast_in_dim3A_640, %select_n3A_635 : vector<16xi1>, vector<16xi32>
      %gt3A_650 = arith.cmpf ogt, %select_n3A_646, %select_n3A_637 : vector<16xf32>
      %select_n3A_651 = arith.select %gt3A_650, %select_n3A_646, %select_n3A_637 : vector<16xi1>, vector<16xf32>
      %select_n3A_652 = arith.select %gt3A_650, %select_n3A_647, %select_n3A_638 : vector<16xi1>, vector<16xi32>
      %broadcast_in_dim3A_653 = arith.constant 46 : i32
      %broadcast_in_dim3A_654 = vector.broadcast %broadcast_in_dim3A_653 : i32 to vector<16xi32>
      %add3A_655 = arith.constant 46 : i32
      %add3A_656 = vector.broadcast %add3A_655 : i32 to vector<16xi32>
      %add3A_657 = arith.addi %mul3A_22, %add3A_656 : vector<16xi32>
      %gather3A_658 = tpu.vector_load_idx %arg5[%add3A_657] : memref<20480xf32, #tpu.memory_space<vmem>>[vector<16xi32>], vector<16xf32>,
      %gt3A_659 = arith.cmpf ogt, %gather3A_658, %select_n3A_648 : vector<16xf32>
      %select_n3A_660 = arith.select %gt3A_659, %select_n3A_648, %gather3A_658 : vector<16xi1>, vector<16xf32>
      %select_n3A_661 = arith.select %gt3A_659, %select_n3A_649, %broadcast_in_dim3A_654 : vector<16xi1>, vector<16xi32>
      %select_n3A_662 = arith.select %gt3A_659, %gather3A_658, %select_n3A_648 : vector<16xi1>, vector<16xf32>
      %select_n3A_663 = arith.select %gt3A_659, %broadcast_in_dim3A_654, %select_n3A_649 : vector<16xi1>, vector<16xi32>
      %gt3A_664 = arith.cmpf ogt, %select_n3A_660, %select_n3A_651 : vector<16xf32>
      %select_n3A_665 = arith.select %gt3A_664, %select_n3A_660, %select_n3A_651 : vector<16xi1>, vector<16xf32>
      %select_n3A_666 = arith.select %gt3A_664, %select_n3A_661, %select_n3A_652 : vector<16xi1>, vector<16xi32>
      %broadcast_in_dim3A_667 = arith.constant 47 : i32
      %broadcast_in_dim3A_668 = vector.broadcast %broadcast_in_dim3A_667 : i32 to vector<16xi32>
      %add3A_669 = arith.constant 47 : i32
      %add3A_670 = vector.broadcast %add3A_669 : i32 to vector<16xi32>
      %add3A_671 = arith.addi %mul3A_22, %add3A_670 : vector<16xi32>
      %gather3A_672 = tpu.vector_load_idx %arg5[%add3A_671] : memref<20480xf32, #tpu.memory_space<vmem>>[vector<16xi32>], vector<16xf32>,
      %gt3A_673 = arith.cmpf ogt, %gather3A_672, %select_n3A_662 : vector<16xf32>
      %select_n3A_674 = arith.select %gt3A_673, %select_n3A_662, %gather3A_672 : vector<16xi1>, vector<16xf32>
      %select_n3A_675 = arith.select %gt3A_673, %select_n3A_663, %broadcast_in_dim3A_668 : vector<16xi1>, vector<16xi32>
      %select_n3A_676 = arith.select %gt3A_673, %gather3A_672, %select_n3A_662 : vector<16xi1>, vector<16xf32>
      %select_n3A_677 = arith.select %gt3A_673, %broadcast_in_dim3A_668, %select_n3A_663 : vector<16xi1>, vector<16xi32>
      %gt3A_678 = arith.cmpf ogt, %select_n3A_674, %select_n3A_665 : vector<16xf32>
      %select_n3A_679 = arith.select %gt3A_678, %select_n3A_674, %select_n3A_665 : vector<16xi1>, vector<16xf32>
      %select_n3A_680 = arith.select %gt3A_678, %select_n3A_675, %select_n3A_666 : vector<16xi1>, vector<16xi32>
      %broadcast_in_dim3A_681 = arith.constant 48 : i32
      %broadcast_in_dim3A_682 = vector.broadcast %broadcast_in_dim3A_681 : i32 to vector<16xi32>
      %add3A_683 = arith.constant 48 : i32
      %add3A_684 = vector.broadcast %add3A_683 : i32 to vector<16xi32>
      %add3A_685 = arith.addi %mul3A_22, %add3A_684 : vector<16xi32>
      %gather3A_686 = tpu.vector_load_idx %arg5[%add3A_685] : memref<20480xf32, #tpu.memory_space<vmem>>[vector<16xi32>], vector<16xf32>,
      %gt3A_687 = arith.cmpf ogt, %gather3A_686, %select_n3A_676 : vector<16xf32>
      %select_n3A_688 = arith.select %gt3A_687, %select_n3A_676, %gather3A_686 : vector<16xi1>, vector<16xf32>
      %select_n3A_689 = arith.select %gt3A_687, %select_n3A_677, %broadcast_in_dim3A_682 : vector<16xi1>, vector<16xi32>
      %select_n3A_690 = arith.select %gt3A_687, %gather3A_686, %select_n3A_676 : vector<16xi1>, vector<16xf32>
      %select_n3A_691 = arith.select %gt3A_687, %broadcast_in_dim3A_682, %select_n3A_677 : vector<16xi1>, vector<16xi32>
      %gt3A_692 = arith.cmpf ogt, %select_n3A_688, %select_n3A_679 : vector<16xf32>
      %select_n3A_693 = arith.select %gt3A_692, %select_n3A_688, %select_n3A_679 : vector<16xi1>, vector<16xf32>
      %select_n3A_694 = arith.select %gt3A_692, %select_n3A_689, %select_n3A_680 : vector<16xi1>, vector<16xi32>
      %broadcast_in_dim3A_695 = arith.constant 49 : i32
      %broadcast_in_dim3A_696 = vector.broadcast %broadcast_in_dim3A_695 : i32 to vector<16xi32>
      %add3A_697 = arith.constant 49 : i32
      %add3A_698 = vector.broadcast %add3A_697 : i32 to vector<16xi32>
      %add3A_699 = arith.addi %mul3A_22, %add3A_698 : vector<16xi32>
      %gather3A_700 = tpu.vector_load_idx %arg5[%add3A_699] : memref<20480xf32, #tpu.memory_space<vmem>>[vector<16xi32>], vector<16xf32>,
      %gt3A_701 = arith.cmpf ogt, %gather3A_700, %select_n3A_690 : vector<16xf32>
      %select_n3A_702 = arith.select %gt3A_701, %select_n3A_690, %gather3A_700 : vector<16xi1>, vector<16xf32>
      %select_n3A_703 = arith.select %gt3A_701, %select_n3A_691, %broadcast_in_dim3A_696 : vector<16xi1>, vector<16xi32>
      %select_n3A_704 = arith.select %gt3A_701, %gather3A_700, %select_n3A_690 : vector<16xi1>, vector<16xf32>
      %select_n3A_705 = arith.select %gt3A_701, %broadcast_in_dim3A_696, %select_n3A_691 : vector<16xi1>, vector<16xi32>
      %gt3A_706 = arith.cmpf ogt, %select_n3A_702, %select_n3A_693 : vector<16xf32>
      %select_n3A_707 = arith.select %gt3A_706, %select_n3A_702, %select_n3A_693 : vector<16xi1>, vector<16xf32>
      %select_n3A_708 = arith.select %gt3A_706, %select_n3A_703, %select_n3A_694 : vector<16xi1>, vector<16xi32>
      %broadcast_in_dim3A_709 = arith.constant 50 : i32
      %broadcast_in_dim3A_710 = vector.broadcast %broadcast_in_dim3A_709 : i32 to vector<16xi32>
      %add3A_711 = arith.constant 50 : i32
      %add3A_712 = vector.broadcast %add3A_711 : i32 to vector<16xi32>
      %add3A_713 = arith.addi %mul3A_22, %add3A_712 : vector<16xi32>
      %gather3A_714 = tpu.vector_load_idx %arg5[%add3A_713] : memref<20480xf32, #tpu.memory_space<vmem>>[vector<16xi32>], vector<16xf32>,
      %gt3A_715 = arith.cmpf ogt, %gather3A_714, %select_n3A_704 : vector<16xf32>
      %select_n3A_716 = arith.select %gt3A_715, %select_n3A_704, %gather3A_714 : vector<16xi1>, vector<16xf32>
      %select_n3A_717 = arith.select %gt3A_715, %select_n3A_705, %broadcast_in_dim3A_710 : vector<16xi1>, vector<16xi32>
      %select_n3A_718 = arith.select %gt3A_715, %gather3A_714, %select_n3A_704 : vector<16xi1>, vector<16xf32>
      %select_n3A_719 = arith.select %gt3A_715, %broadcast_in_dim3A_710, %select_n3A_705 : vector<16xi1>, vector<16xi32>
      %gt3A_720 = arith.cmpf ogt, %select_n3A_716, %select_n3A_707 : vector<16xf32>
      %select_n3A_721 = arith.select %gt3A_720, %select_n3A_716, %select_n3A_707 : vector<16xi1>, vector<16xf32>
      %select_n3A_722 = arith.select %gt3A_720, %select_n3A_717, %select_n3A_708 : vector<16xi1>, vector<16xi32>
      %broadcast_in_dim3A_723 = arith.constant 51 : i32
      %broadcast_in_dim3A_724 = vector.broadcast %broadcast_in_dim3A_723 : i32 to vector<16xi32>
      %add3A_725 = arith.constant 51 : i32
      %add3A_726 = vector.broadcast %add3A_725 : i32 to vector<16xi32>
      %add3A_727 = arith.addi %mul3A_22, %add3A_726 : vector<16xi32>
      %gather3A_728 = tpu.vector_load_idx %arg5[%add3A_727] : memref<20480xf32, #tpu.memory_space<vmem>>[vector<16xi32>], vector<16xf32>,
      %gt3A_729 = arith.cmpf ogt, %gather3A_728, %select_n3A_718 : vector<16xf32>
      %select_n3A_730 = arith.select %gt3A_729, %select_n3A_718, %gather3A_728 : vector<16xi1>, vector<16xf32>
      %select_n3A_731 = arith.select %gt3A_729, %select_n3A_719, %broadcast_in_dim3A_724 : vector<16xi1>, vector<16xi32>
      %select_n3A_732 = arith.select %gt3A_729, %gather3A_728, %select_n3A_718 : vector<16xi1>, vector<16xf32>
      %select_n3A_733 = arith.select %gt3A_729, %broadcast_in_dim3A_724, %select_n3A_719 : vector<16xi1>, vector<16xi32>
      %gt3A_734 = arith.cmpf ogt, %select_n3A_730, %select_n3A_721 : vector<16xf32>
      %select_n3A_735 = arith.select %gt3A_734, %select_n3A_730, %select_n3A_721 : vector<16xi1>, vector<16xf32>
      %select_n3A_736 = arith.select %gt3A_734, %select_n3A_731, %select_n3A_722 : vector<16xi1>, vector<16xi32>
      %broadcast_in_dim3A_737 = arith.constant 52 : i32
      %broadcast_in_dim3A_738 = vector.broadcast %broadcast_in_dim3A_737 : i32 to vector<16xi32>
      %add3A_739 = arith.constant 52 : i32
      %add3A_740 = vector.broadcast %add3A_739 : i32 to vector<16xi32>
      %add3A_741 = arith.addi %mul3A_22, %add3A_740 : vector<16xi32>
      %gather3A_742 = tpu.vector_load_idx %arg5[%add3A_741] : memref<20480xf32, #tpu.memory_space<vmem>>[vector<16xi32>], vector<16xf32>,
      %gt3A_743 = arith.cmpf ogt, %gather3A_742, %select_n3A_732 : vector<16xf32>
      %select_n3A_744 = arith.select %gt3A_743, %select_n3A_732, %gather3A_742 : vector<16xi1>, vector<16xf32>
      %select_n3A_745 = arith.select %gt3A_743, %select_n3A_733, %broadcast_in_dim3A_738 : vector<16xi1>, vector<16xi32>
      %select_n3A_746 = arith.select %gt3A_743, %gather3A_742, %select_n3A_732 : vector<16xi1>, vector<16xf32>
      %select_n3A_747 = arith.select %gt3A_743, %broadcast_in_dim3A_738, %select_n3A_733 : vector<16xi1>, vector<16xi32>
      %gt3A_748 = arith.cmpf ogt, %select_n3A_744, %select_n3A_735 : vector<16xf32>
      %select_n3A_749 = arith.select %gt3A_748, %select_n3A_744, %select_n3A_735 : vector<16xi1>, vector<16xf32>
      %select_n3A_750 = arith.select %gt3A_748, %select_n3A_745, %select_n3A_736 : vector<16xi1>, vector<16xi32>
      %broadcast_in_dim3A_751 = arith.constant 53 : i32
      %broadcast_in_dim3A_752 = vector.broadcast %broadcast_in_dim3A_751 : i32 to vector<16xi32>
      %add3A_753 = arith.constant 53 : i32
      %add3A_754 = vector.broadcast %add3A_753 : i32 to vector<16xi32>
      %add3A_755 = arith.addi %mul3A_22, %add3A_754 : vector<16xi32>
      %gather3A_756 = tpu.vector_load_idx %arg5[%add3A_755] : memref<20480xf32, #tpu.memory_space<vmem>>[vector<16xi32>], vector<16xf32>,
      %gt3A_757 = arith.cmpf ogt, %gather3A_756, %select_n3A_746 : vector<16xf32>
      %select_n3A_758 = arith.select %gt3A_757, %select_n3A_746, %gather3A_756 : vector<16xi1>, vector<16xf32>
      %select_n3A_759 = arith.select %gt3A_757, %select_n3A_747, %broadcast_in_dim3A_752 : vector<16xi1>, vector<16xi32>
      %select_n3A_760 = arith.select %gt3A_757, %gather3A_756, %select_n3A_746 : vector<16xi1>, vector<16xf32>
      %select_n3A_761 = arith.select %gt3A_757, %broadcast_in_dim3A_752, %select_n3A_747 : vector<16xi1>, vector<16xi32>
      %gt3A_762 = arith.cmpf ogt, %select_n3A_758, %select_n3A_749 : vector<16xf32>
      %select_n3A_763 = arith.select %gt3A_762, %select_n3A_758, %select_n3A_749 : vector<16xi1>, vector<16xf32>
      %select_n3A_764 = arith.select %gt3A_762, %select_n3A_759, %select_n3A_750 : vector<16xi1>, vector<16xi32>
      %broadcast_in_dim3A_765 = arith.constant 54 : i32
      %broadcast_in_dim3A_766 = vector.broadcast %broadcast_in_dim3A_765 : i32 to vector<16xi32>
      %add3A_767 = arith.constant 54 : i32
      %add3A_768 = vector.broadcast %add3A_767 : i32 to vector<16xi32>
      %add3A_769 = arith.addi %mul3A_22, %add3A_768 : vector<16xi32>
      %gather3A_770 = tpu.vector_load_idx %arg5[%add3A_769] : memref<20480xf32, #tpu.memory_space<vmem>>[vector<16xi32>], vector<16xf32>,
      %gt3A_771 = arith.cmpf ogt, %gather3A_770, %select_n3A_760 : vector<16xf32>
      %select_n3A_772 = arith.select %gt3A_771, %select_n3A_760, %gather3A_770 : vector<16xi1>, vector<16xf32>
      %select_n3A_773 = arith.select %gt3A_771, %select_n3A_761, %broadcast_in_dim3A_766 : vector<16xi1>, vector<16xi32>
      %select_n3A_774 = arith.select %gt3A_771, %gather3A_770, %select_n3A_760 : vector<16xi1>, vector<16xf32>
      %select_n3A_775 = arith.select %gt3A_771, %broadcast_in_dim3A_766, %select_n3A_761 : vector<16xi1>, vector<16xi32>
      %gt3A_776 = arith.cmpf ogt, %select_n3A_772, %select_n3A_763 : vector<16xf32>
      %select_n3A_777 = arith.select %gt3A_776, %select_n3A_772, %select_n3A_763 : vector<16xi1>, vector<16xf32>
      %select_n3A_778 = arith.select %gt3A_776, %select_n3A_773, %select_n3A_764 : vector<16xi1>, vector<16xi32>
      %broadcast_in_dim3A_779 = arith.constant 55 : i32
      %broadcast_in_dim3A_780 = vector.broadcast %broadcast_in_dim3A_779 : i32 to vector<16xi32>
      %add3A_781 = arith.constant 55 : i32
      %add3A_782 = vector.broadcast %add3A_781 : i32 to vector<16xi32>
      %add3A_783 = arith.addi %mul3A_22, %add3A_782 : vector<16xi32>
      %gather3A_784 = tpu.vector_load_idx %arg5[%add3A_783] : memref<20480xf32, #tpu.memory_space<vmem>>[vector<16xi32>], vector<16xf32>,
      %gt3A_785 = arith.cmpf ogt, %gather3A_784, %select_n3A_774 : vector<16xf32>
      %select_n3A_786 = arith.select %gt3A_785, %select_n3A_774, %gather3A_784 : vector<16xi1>, vector<16xf32>
      %select_n3A_787 = arith.select %gt3A_785, %select_n3A_775, %broadcast_in_dim3A_780 : vector<16xi1>, vector<16xi32>
      %select_n3A_788 = arith.select %gt3A_785, %gather3A_784, %select_n3A_774 : vector<16xi1>, vector<16xf32>
      %select_n3A_789 = arith.select %gt3A_785, %broadcast_in_dim3A_780, %select_n3A_775 : vector<16xi1>, vector<16xi32>
      %gt3A_790 = arith.cmpf ogt, %select_n3A_786, %select_n3A_777 : vector<16xf32>
      %select_n3A_791 = arith.select %gt3A_790, %select_n3A_786, %select_n3A_777 : vector<16xi1>, vector<16xf32>
      %select_n3A_792 = arith.select %gt3A_790, %select_n3A_787, %select_n3A_778 : vector<16xi1>, vector<16xi32>
      %broadcast_in_dim3A_793 = arith.constant 56 : i32
      %broadcast_in_dim3A_794 = vector.broadcast %broadcast_in_dim3A_793 : i32 to vector<16xi32>
      %add3A_795 = arith.constant 56 : i32
      %add3A_796 = vector.broadcast %add3A_795 : i32 to vector<16xi32>
      %add3A_797 = arith.addi %mul3A_22, %add3A_796 : vector<16xi32>
      %gather3A_798 = tpu.vector_load_idx %arg5[%add3A_797] : memref<20480xf32, #tpu.memory_space<vmem>>[vector<16xi32>], vector<16xf32>,
      %gt3A_799 = arith.cmpf ogt, %gather3A_798, %select_n3A_788 : vector<16xf32>
      %select_n3A_800 = arith.select %gt3A_799, %select_n3A_788, %gather3A_798 : vector<16xi1>, vector<16xf32>
      %select_n3A_801 = arith.select %gt3A_799, %select_n3A_789, %broadcast_in_dim3A_794 : vector<16xi1>, vector<16xi32>
      %select_n3A_802 = arith.select %gt3A_799, %gather3A_798, %select_n3A_788 : vector<16xi1>, vector<16xf32>
      %select_n3A_803 = arith.select %gt3A_799, %broadcast_in_dim3A_794, %select_n3A_789 : vector<16xi1>, vector<16xi32>
      %gt3A_804 = arith.cmpf ogt, %select_n3A_800, %select_n3A_791 : vector<16xf32>
      %select_n3A_805 = arith.select %gt3A_804, %select_n3A_800, %select_n3A_791 : vector<16xi1>, vector<16xf32>
      %select_n3A_806 = arith.select %gt3A_804, %select_n3A_801, %select_n3A_792 : vector<16xi1>, vector<16xi32>
      %broadcast_in_dim3A_807 = arith.constant 57 : i32
      %broadcast_in_dim3A_808 = vector.broadcast %broadcast_in_dim3A_807 : i32 to vector<16xi32>
      %add3A_809 = arith.constant 57 : i32
      %add3A_810 = vector.broadcast %add3A_809 : i32 to vector<16xi32>
      %add3A_811 = arith.addi %mul3A_22, %add3A_810 : vector<16xi32>
      %gather3A_812 = tpu.vector_load_idx %arg5[%add3A_811] : memref<20480xf32, #tpu.memory_space<vmem>>[vector<16xi32>], vector<16xf32>,
      %gt3A_813 = arith.cmpf ogt, %gather3A_812, %select_n3A_802 : vector<16xf32>
      %select_n3A_814 = arith.select %gt3A_813, %select_n3A_802, %gather3A_812 : vector<16xi1>, vector<16xf32>
      %select_n3A_815 = arith.select %gt3A_813, %select_n3A_803, %broadcast_in_dim3A_808 : vector<16xi1>, vector<16xi32>
      %select_n3A_816 = arith.select %gt3A_813, %gather3A_812, %select_n3A_802 : vector<16xi1>, vector<16xf32>
      %select_n3A_817 = arith.select %gt3A_813, %broadcast_in_dim3A_808, %select_n3A_803 : vector<16xi1>, vector<16xi32>
      %gt3A_818 = arith.cmpf ogt, %select_n3A_814, %select_n3A_805 : vector<16xf32>
      %select_n3A_819 = arith.select %gt3A_818, %select_n3A_814, %select_n3A_805 : vector<16xi1>, vector<16xf32>
      %select_n3A_820 = arith.select %gt3A_818, %select_n3A_815, %select_n3A_806 : vector<16xi1>, vector<16xi32>
      %broadcast_in_dim3A_821 = arith.constant 58 : i32
      %broadcast_in_dim3A_822 = vector.broadcast %broadcast_in_dim3A_821 : i32 to vector<16xi32>
      %add3A_823 = arith.constant 58 : i32
      %add3A_824 = vector.broadcast %add3A_823 : i32 to vector<16xi32>
      %add3A_825 = arith.addi %mul3A_22, %add3A_824 : vector<16xi32>
      %gather3A_826 = tpu.vector_load_idx %arg5[%add3A_825] : memref<20480xf32, #tpu.memory_space<vmem>>[vector<16xi32>], vector<16xf32>,
      %gt3A_827 = arith.cmpf ogt, %gather3A_826, %select_n3A_816 : vector<16xf32>
      %select_n3A_828 = arith.select %gt3A_827, %select_n3A_816, %gather3A_826 : vector<16xi1>, vector<16xf32>
      %select_n3A_829 = arith.select %gt3A_827, %select_n3A_817, %broadcast_in_dim3A_822 : vector<16xi1>, vector<16xi32>
      %select_n3A_830 = arith.select %gt3A_827, %gather3A_826, %select_n3A_816 : vector<16xi1>, vector<16xf32>
      %select_n3A_831 = arith.select %gt3A_827, %broadcast_in_dim3A_822, %select_n3A_817 : vector<16xi1>, vector<16xi32>
      %gt3A_832 = arith.cmpf ogt, %select_n3A_828, %select_n3A_819 : vector<16xf32>
      %select_n3A_833 = arith.select %gt3A_832, %select_n3A_828, %select_n3A_819 : vector<16xi1>, vector<16xf32>
      %select_n3A_834 = arith.select %gt3A_832, %select_n3A_829, %select_n3A_820 : vector<16xi1>, vector<16xi32>
      %broadcast_in_dim3A_835 = arith.constant 59 : i32
      %broadcast_in_dim3A_836 = vector.broadcast %broadcast_in_dim3A_835 : i32 to vector<16xi32>
      %add3A_837 = arith.constant 59 : i32
      %add3A_838 = vector.broadcast %add3A_837 : i32 to vector<16xi32>
      %add3A_839 = arith.addi %mul3A_22, %add3A_838 : vector<16xi32>
      %gather3A_840 = tpu.vector_load_idx %arg5[%add3A_839] : memref<20480xf32, #tpu.memory_space<vmem>>[vector<16xi32>], vector<16xf32>,
      %gt3A_841 = arith.cmpf ogt, %gather3A_840, %select_n3A_830 : vector<16xf32>
      %select_n3A_842 = arith.select %gt3A_841, %select_n3A_830, %gather3A_840 : vector<16xi1>, vector<16xf32>
      %select_n3A_843 = arith.select %gt3A_841, %select_n3A_831, %broadcast_in_dim3A_836 : vector<16xi1>, vector<16xi32>
      %select_n3A_844 = arith.select %gt3A_841, %gather3A_840, %select_n3A_830 : vector<16xi1>, vector<16xf32>
      %select_n3A_845 = arith.select %gt3A_841, %broadcast_in_dim3A_836, %select_n3A_831 : vector<16xi1>, vector<16xi32>
      %gt3A_846 = arith.cmpf ogt, %select_n3A_842, %select_n3A_833 : vector<16xf32>
      %select_n3A_847 = arith.select %gt3A_846, %select_n3A_842, %select_n3A_833 : vector<16xi1>, vector<16xf32>
      %select_n3A_848 = arith.select %gt3A_846, %select_n3A_843, %select_n3A_834 : vector<16xi1>, vector<16xi32>
      %broadcast_in_dim3A_849 = arith.constant 60 : i32
      %broadcast_in_dim3A_850 = vector.broadcast %broadcast_in_dim3A_849 : i32 to vector<16xi32>
      %add3A_851 = arith.constant 60 : i32
      %add3A_852 = vector.broadcast %add3A_851 : i32 to vector<16xi32>
      %add3A_853 = arith.addi %mul3A_22, %add3A_852 : vector<16xi32>
      %gather3A_854 = tpu.vector_load_idx %arg5[%add3A_853] : memref<20480xf32, #tpu.memory_space<vmem>>[vector<16xi32>], vector<16xf32>,
      %gt3A_855 = arith.cmpf ogt, %gather3A_854, %select_n3A_844 : vector<16xf32>
      %select_n3A_856 = arith.select %gt3A_855, %select_n3A_844, %gather3A_854 : vector<16xi1>, vector<16xf32>
      %select_n3A_857 = arith.select %gt3A_855, %select_n3A_845, %broadcast_in_dim3A_850 : vector<16xi1>, vector<16xi32>
      %select_n3A_858 = arith.select %gt3A_855, %gather3A_854, %select_n3A_844 : vector<16xi1>, vector<16xf32>
      %select_n3A_859 = arith.select %gt3A_855, %broadcast_in_dim3A_850, %select_n3A_845 : vector<16xi1>, vector<16xi32>
      %gt3A_860 = arith.cmpf ogt, %select_n3A_856, %select_n3A_847 : vector<16xf32>
      %select_n3A_861 = arith.select %gt3A_860, %select_n3A_856, %select_n3A_847 : vector<16xi1>, vector<16xf32>
      %select_n3A_862 = arith.select %gt3A_860, %select_n3A_857, %select_n3A_848 : vector<16xi1>, vector<16xi32>
      %broadcast_in_dim3A_863 = arith.constant 61 : i32
      %broadcast_in_dim3A_864 = vector.broadcast %broadcast_in_dim3A_863 : i32 to vector<16xi32>
      %add3A_865 = arith.constant 61 : i32
      %add3A_866 = vector.broadcast %add3A_865 : i32 to vector<16xi32>
      %add3A_867 = arith.addi %mul3A_22, %add3A_866 : vector<16xi32>
      %gather3A_868 = tpu.vector_load_idx %arg5[%add3A_867] : memref<20480xf32, #tpu.memory_space<vmem>>[vector<16xi32>], vector<16xf32>,
      %gt3A_869 = arith.cmpf ogt, %gather3A_868, %select_n3A_858 : vector<16xf32>
      %select_n3A_870 = arith.select %gt3A_869, %select_n3A_858, %gather3A_868 : vector<16xi1>, vector<16xf32>
      %select_n3A_871 = arith.select %gt3A_869, %select_n3A_859, %broadcast_in_dim3A_864 : vector<16xi1>, vector<16xi32>
      %select_n3A_872 = arith.select %gt3A_869, %gather3A_868, %select_n3A_858 : vector<16xi1>, vector<16xf32>
      %select_n3A_873 = arith.select %gt3A_869, %broadcast_in_dim3A_864, %select_n3A_859 : vector<16xi1>, vector<16xi32>
      %gt3A_874 = arith.cmpf ogt, %select_n3A_870, %select_n3A_861 : vector<16xf32>
      %select_n3A_875 = arith.select %gt3A_874, %select_n3A_870, %select_n3A_861 : vector<16xi1>, vector<16xf32>
      %select_n3A_876 = arith.select %gt3A_874, %select_n3A_871, %select_n3A_862 : vector<16xi1>, vector<16xi32>
      %broadcast_in_dim3A_877 = arith.constant 62 : i32
      %broadcast_in_dim3A_878 = vector.broadcast %broadcast_in_dim3A_877 : i32 to vector<16xi32>
      %add3A_879 = arith.constant 62 : i32
      %add3A_880 = vector.broadcast %add3A_879 : i32 to vector<16xi32>
      %add3A_881 = arith.addi %mul3A_22, %add3A_880 : vector<16xi32>
      %gather3A_882 = tpu.vector_load_idx %arg5[%add3A_881] : memref<20480xf32, #tpu.memory_space<vmem>>[vector<16xi32>], vector<16xf32>,
      %gt3A_883 = arith.cmpf ogt, %gather3A_882, %select_n3A_872 : vector<16xf32>
      %select_n3A_884 = arith.select %gt3A_883, %select_n3A_872, %gather3A_882 : vector<16xi1>, vector<16xf32>
      %select_n3A_885 = arith.select %gt3A_883, %select_n3A_873, %broadcast_in_dim3A_878 : vector<16xi1>, vector<16xi32>
      %select_n3A_886 = arith.select %gt3A_883, %gather3A_882, %select_n3A_872 : vector<16xi1>, vector<16xf32>
      %select_n3A_887 = arith.select %gt3A_883, %broadcast_in_dim3A_878, %select_n3A_873 : vector<16xi1>, vector<16xi32>
      %gt3A_888 = arith.cmpf ogt, %select_n3A_884, %select_n3A_875 : vector<16xf32>
      %select_n3A_889 = arith.select %gt3A_888, %select_n3A_884, %select_n3A_875 : vector<16xi1>, vector<16xf32>
      %select_n3A_890 = arith.select %gt3A_888, %select_n3A_885, %select_n3A_876 : vector<16xi1>, vector<16xi32>
      %broadcast_in_dim3A_891 = arith.constant 63 : i32
      %broadcast_in_dim3A_892 = vector.broadcast %broadcast_in_dim3A_891 : i32 to vector<16xi32>
      %add3A_893 = arith.constant 63 : i32
      %add3A_894 = vector.broadcast %add3A_893 : i32 to vector<16xi32>
      %add3A_895 = arith.addi %mul3A_22, %add3A_894 : vector<16xi32>
      %gather3A_896 = tpu.vector_load_idx %arg5[%add3A_895] : memref<20480xf32, #tpu.memory_space<vmem>>[vector<16xi32>], vector<16xf32>,
      %gt3A_897 = arith.cmpf ogt, %gather3A_896, %select_n3A_886 : vector<16xf32>
      %select_n3A_898 = arith.select %gt3A_897, %select_n3A_886, %gather3A_896 : vector<16xi1>, vector<16xf32>
      %select_n3A_899 = arith.select %gt3A_897, %select_n3A_887, %broadcast_in_dim3A_892 : vector<16xi1>, vector<16xi32>
      %select_n3A_900 = arith.select %gt3A_897, %gather3A_896, %select_n3A_886 : vector<16xi1>, vector<16xf32>
      %select_n3A_901 = arith.select %gt3A_897, %broadcast_in_dim3A_892, %select_n3A_887 : vector<16xi1>, vector<16xi32>
      %gt3A_902 = arith.cmpf ogt, %select_n3A_898, %select_n3A_889 : vector<16xf32>
      %select_n3A_903 = arith.select %gt3A_902, %select_n3A_898, %select_n3A_889 : vector<16xi1>, vector<16xf32>
      %select_n3A_904 = arith.select %gt3A_902, %select_n3A_899, %select_n3A_890 : vector<16xi1>, vector<16xi32>
      %sub3A = arith.subf %select_n3A_903, %select_n3A_900 : vector<16xf32>
      %exp3A = math.exp %sub3A : vector<16xf32>
      %add3A_905 = arith.constant 1.000000e+00 : f32
      %add3A_906 = vector.broadcast %add3A_905 : f32 to vector<16xf32>
      %add3A_907 = arith.addf %add3A_906, %exp3A : vector<16xf32>
      %div3A = arith.constant 1.000000e+00 : f32
      %div3A_908 = vector.broadcast %div3A : f32 to vector<16xf32>
      %div3A_909 = arith.divf %div3A_908, %add3A_907 : vector<16xf32>
      %sub3A_910 = arith.constant 1.000000e+00 : f32
      %sub3A_911 = vector.broadcast %sub3A_910 : f32 to vector<16xf32>
      %sub3A_912 = arith.subf %sub3A_911, %div3A_909 : vector<16xf32>
      %mul3A_913 = arith.constant 32 : i32
      %mul3A_914 = arith.muli %scan3A_15, %mul3A_913 : i32
      %mul3A_915 = arith.constant 2 : i32
      %mul3A_916 = vector.broadcast %mul3A_915 : i32 to vector<16xi32>
      %mul3A_917 = arith.muli %mul3A_916, %iota3A : vector<16xi32>
      %add3A_918 = vector.broadcast %mul3A_914 : i32 to vector<16xi32>
      %add3A_919 = arith.addi %add3A_918, %mul3A_917 : vector<16xi32>
      tpu.vector_store_idx %arg6[%add3A_919], %select_n3A_901 : memref<640xi32, #tpu.memory_space<vmem>>[vector<16xi32>], vector<16xi32>,
      %add3A_920 = arith.constant 1 : i32
      %add3A_921 = vector.broadcast %add3A_920 : i32 to vector<16xi32>
      %add3A_922 = arith.addi %add3A_919, %add3A_921 : vector<16xi32>
      tpu.vector_store_idx %arg6[%add3A_922], %select_n3A_904 : memref<640xi32, #tpu.memory_space<vmem>>[vector<16xi32>], vector<16xi32>,
      tpu.vector_store_idx %arg7[%add3A_919], %div3A_909 : memref<640xf32, #tpu.memory_space<vmem>>[vector<16xi32>], vector<16xf32>,
      %add3A_923 = arith.constant 1 : i32
      %add3A_924 = vector.broadcast %add3A_923 : i32 to vector<16xi32>
      %add3A_925 = arith.addi %add3A_919, %add3A_924 : vector<16xi32>
      tpu.vector_store_idx %arg7[%add3A_925], %sub3A_912 : memref<640xf32, #tpu.memory_space<vmem>>[vector<16xi32>], vector<16xf32>,
    }
    %scan3A_10 = arith.constant 20 : i32
    %mul3A_11 = arith.constant 2 : i32
    %mul3A_12 = arith.muli %mul3A_11, %mul3A_2 : i32
    "tpu.region"() ({
      %run_scoped3A = tpu.sem_alloc : memref<!tpu.dma_semaphore, #tpu.memory_space<semaphore_mem>>
      %dma_start3A = tpu.memref_slice %arg3[%mul3A_12] : memref<20480xi32, #tpu.memory_space<hbm>> -> memref<640xi32, #tpu.memory_space<hbm>>
      %dma_start3A_15 = tpu.memref_slice %arg3[%mul3A_12] : memref<20480xi32, #tpu.memory_space<hbm>> -> memref<640xi32, #tpu.memory_space<hbm>>
      tpu.enqueue_dma source(%arg6 : memref<640xi32, #tpu.memory_space<vmem>>) target(%dma_start3A_15 : memref<640xi32, #tpu.memory_space<hbm>>) target_semaphore(%run_scoped3A : memref<!tpu.dma_semaphore, #tpu.memory_space<semaphore_mem>>)
      %dma_wait3A = tpu.memref_slice %arg3[%mul3A_12] : memref<20480xi32, #tpu.memory_space<hbm>> -> memref<640xi32, #tpu.memory_space<hbm>>
      %dma_wait3A_16 = tpu.memref_slice %arg3[%mul3A_12] : memref<20480xi32, #tpu.memory_space<hbm>> -> memref<640xi32, #tpu.memory_space<hbm>>
      tpu.wait_dma2 semaphore(%run_scoped3A : memref<!tpu.dma_semaphore, #tpu.memory_space<semaphore_mem>>) src(%arg6 : memref<640xi32, #tpu.memory_space<vmem>>) dst(%dma_wait3A_16 : memref<640xi32, #tpu.memory_space<hbm>>)
      tpu.yield
    }) : () -> ()
    %mul3A_13 = arith.constant 2 : i32
    %mul3A_14 = arith.muli %mul3A_13, %mul3A_2 : i32
    "tpu.region"() ({
      %run_scoped3A = tpu.sem_alloc : memref<!tpu.dma_semaphore, #tpu.memory_space<semaphore_mem>>
      %dma_start3A = tpu.memref_slice %arg4[%mul3A_14] : memref<20480xf32, #tpu.memory_space<hbm>> -> memref<640xf32, #tpu.memory_space<hbm>>
      %dma_start3A_15 = tpu.memref_slice %arg4[%mul3A_14] : memref<20480xf32, #tpu.memory_space<hbm>> -> memref<640xf32, #tpu.memory_space<hbm>>
      tpu.enqueue_dma source(%arg7 : memref<640xf32, #tpu.memory_space<vmem>>) target(%dma_start3A_15 : memref<640xf32, #tpu.memory_space<hbm>>) target_semaphore(%run_scoped3A : memref<!tpu.dma_semaphore, #tpu.memory_space<semaphore_mem>>)
      %dma_wait3A = tpu.memref_slice %arg4[%mul3A_14] : memref<20480xf32, #tpu.memory_space<hbm>> -> memref<640xf32, #tpu.memory_space<hbm>>
      %dma_wait3A_16 = tpu.memref_slice %arg4[%mul3A_14] : memref<20480xf32, #tpu.memory_space<hbm>> -> memref<640xf32, #tpu.memory_space<hbm>>
      tpu.wait_dma2 semaphore(%run_scoped3A : memref<!tpu.dma_semaphore, #tpu.memory_space<semaphore_mem>>) src(%arg7 : memref<640xf32, #tpu.memory_space<vmem>>) dst(%dma_wait3A_16 : memref<640xf32, #tpu.memory_space<hbm>>)
      tpu.yield
    }) : () -> ()
    return
  }
}

#map = affine_map<(d0, d1) -> (0)>
module attributes {stable_mosaic.version = 14 : i64} {
  func.func @_topk_body(%arg0: i32, %arg1: i32, %arg2: memref<262144xf32, #tpu.memory_space<hbm>>, %arg3: memref<8192xi32, #tpu.memory_space<hbm>>, %arg4: memref<8192xf32, #tpu.memory_space<hbm>>, %arg5: memref<8192xf32, #tpu.memory_space<vmem>>, %arg6: memref<256xi32, #tpu.memory_space<vmem>>, %arg7: memref<256xf32, #tpu.memory_space<vmem>>) attributes {dimension_semantics = [#tpu.dimension_semantics<core_parallel>, #tpu.dimension_semantics<subcore_parallel>], iteration_bounds = array<i64: 2, 16>, scalar_prefetch = 0 : i64, scratch_operands = 3 : i64, tpu.core_type = #tpu.core_type<sc_vector_subcore>, window_params = [{transform_indices = #map}, {transform_indices = #map}, {transform_indices = #map}]} {
    %mul3A = arith.constant 2 : i32
    %mul3A_0 = arith.muli %arg1, %mul3A : i32
    %add3A = arith.addi %mul3A_0, %arg0 : i32
    %mul3A_1 = arith.constant 128 : i32
    %mul3A_2 = arith.muli %add3A, %mul3A_1 : i32
    %mul3A_3 = arith.constant 64 : i32
    %mul3A_4 = arith.muli %mul3A_2, %mul3A_3 : i32
    "tpu.region"() ({
      %run_scoped3A = tpu.sem_alloc : memref<!tpu.dma_semaphore, #tpu.memory_space<semaphore_mem>>
      %dma_start3A = tpu.memref_slice %arg2[%mul3A_4] : memref<262144xf32, #tpu.memory_space<hbm>> -> memref<8192xf32, #tpu.memory_space<hbm>>
      %dma_start3A_15 = tpu.memref_slice %arg2[%mul3A_4] : memref<262144xf32, #tpu.memory_space<hbm>> -> memref<8192xf32, #tpu.memory_space<hbm>>
      tpu.enqueue_dma source(%dma_start3A_15 : memref<8192xf32, #tpu.memory_space<hbm>>) target(%arg5 : memref<8192xf32, #tpu.memory_space<vmem>>) target_semaphore(%run_scoped3A : memref<!tpu.dma_semaphore, #tpu.memory_space<semaphore_mem>>)
      %dma_wait3A = tpu.memref_slice %arg2[%mul3A_4] : memref<262144xf32, #tpu.memory_space<hbm>> -> memref<8192xf32, #tpu.memory_space<hbm>>
      %dma_wait3A_16 = tpu.memref_slice %arg2[%mul3A_4] : memref<262144xf32, #tpu.memory_space<hbm>> -> memref<8192xf32, #tpu.memory_space<hbm>>
      tpu.wait_dma2 semaphore(%run_scoped3A : memref<!tpu.dma_semaphore, #tpu.memory_space<semaphore_mem>>) src(%dma_wait3A_16 : memref<8192xf32, #tpu.memory_space<hbm>>) dst(%arg5 : memref<8192xf32, #tpu.memory_space<vmem>>)
      tpu.yield
    }) : () -> ()
    %iota3A = tpu.iota {dimensions = array<i32: 0>} : vector<16xi32>
    %broadcast_in_dim3A = arith.constant 0 : i32
    %broadcast_in_dim3A_5 = vector.broadcast %broadcast_in_dim3A : i32 to vector<16xi32>
    %scan3A = arith.constant 0 : i32
    %scan3A_6 = arith.constant 0 : i32
    %scan3A_7 = arith.constant 8 : i32
    %scan3A_8 = arith.addi %scan3A_6, %scan3A_7 : i32
    %scan3A_9 = arith.constant 1 : i32
    scf.for %scan3A_15 = %scan3A_6 to %scan3A_8 step %scan3A_9  : i32 {
      %mul3A_16 = arith.constant 16 : i32
      %mul3A_17 = arith.muli %scan3A_15, %mul3A_16 : i32
      %add3A_18 = vector.broadcast %mul3A_17 : i32 to vector<16xi32>
      %add3A_19 = arith.addi %add3A_18, %iota3A : vector<16xi32>
      %mul3A_20 = arith.constant 64 : i32
      %mul3A_21 = vector.broadcast %mul3A_20 : i32 to vector<16xi32>
      %mul3A_22 = arith.muli %add3A_19, %mul3A_21 : vector<16xi32>
      %gather3A = tpu.vector_load_idx %arg5[%mul3A_22] : memref<8192xf32, #tpu.memory_space<vmem>>[vector<16xi32>], vector<16xf32>,
      %broadcast_in_dim3A_23 = arith.constant 0xFF800000 : f32
      %broadcast_in_dim3A_24 = vector.broadcast %broadcast_in_dim3A_23 : f32 to vector<16xf32>
      %broadcast_in_dim3A_25 = arith.constant 1 : i32
      %broadcast_in_dim3A_26 = vector.broadcast %broadcast_in_dim3A_25 : i32 to vector<16xi32>
      %add3A_27 = arith.constant 1 : i32
      %add3A_28 = vector.broadcast %add3A_27 : i32 to vector<16xi32>
      %add3A_29 = arith.addi %mul3A_22, %add3A_28 : vector<16xi32>
      %gather3A_30 = tpu.vector_load_idx %arg5[%add3A_29] : memref<8192xf32, #tpu.memory_space<vmem>>[vector<16xi32>], vector<16xf32>,
      %gt3A = arith.cmpf ogt, %gather3A_30, %gather3A : vector<16xf32>
      %select_n3A = arith.select %gt3A, %gather3A, %gather3A_30 : vector<16xi1>, vector<16xf32>
      %select_n3A_31 = arith.select %gt3A, %broadcast_in_dim3A_5, %broadcast_in_dim3A_26 : vector<16xi1>, vector<16xi32>
      %select_n3A_32 = arith.select %gt3A, %gather3A_30, %gather3A : vector<16xi1>, vector<16xf32>
      %select_n3A_33 = arith.select %gt3A, %broadcast_in_dim3A_26, %broadcast_in_dim3A_5 : vector<16xi1>, vector<16xi32>
      %gt3A_34 = arith.cmpf ogt, %select_n3A, %broadcast_in_dim3A_24 : vector<16xf32>
      %select_n3A_35 = arith.select %gt3A_34, %select_n3A, %broadcast_in_dim3A_24 : vector<16xi1>, vector<16xf32>
      %select_n3A_36 = arith.select %gt3A_34, %select_n3A_31, %broadcast_in_dim3A_5 : vector<16xi1>, vector<16xi32>
      %broadcast_in_dim3A_37 = arith.constant 2 : i32
      %broadcast_in_dim3A_38 = vector.broadcast %broadcast_in_dim3A_37 : i32 to vector<16xi32>
      %add3A_39 = arith.constant 2 : i32
      %add3A_40 = vector.broadcast %add3A_39 : i32 to vector<16xi32>
      %add3A_41 = arith.addi %mul3A_22, %add3A_40 : vector<16xi32>
      %gather3A_42 = tpu.vector_load_idx %arg5[%add3A_41] : memref<8192xf32, #tpu.memory_space<vmem>>[vector<16xi32>], vector<16xf32>,
      %gt3A_43 = arith.cmpf ogt, %gather3A_42, %select_n3A_32 : vector<16xf32>
      %select_n3A_44 = arith.select %gt3A_43, %select_n3A_32, %gather3A_42 : vector<16xi1>, vector<16xf32>
      %select_n3A_45 = arith.select %gt3A_43, %select_n3A_33, %broadcast_in_dim3A_38 : vector<16xi1>, vector<16xi32>
      %select_n3A_46 = arith.select %gt3A_43, %gather3A_42, %select_n3A_32 : vector<16xi1>, vector<16xf32>
      %select_n3A_47 = arith.select %gt3A_43, %broadcast_in_dim3A_38, %select_n3A_33 : vector<16xi1>, vector<16xi32>
      %gt3A_48 = arith.cmpf ogt, %select_n3A_44, %select_n3A_35 : vector<16xf32>
      %select_n3A_49 = arith.select %gt3A_48, %select_n3A_44, %select_n3A_35 : vector<16xi1>, vector<16xf32>
      %select_n3A_50 = arith.select %gt3A_48, %select_n3A_45, %select_n3A_36 : vector<16xi1>, vector<16xi32>
      %broadcast_in_dim3A_51 = arith.constant 3 : i32
      %broadcast_in_dim3A_52 = vector.broadcast %broadcast_in_dim3A_51 : i32 to vector<16xi32>
      %add3A_53 = arith.constant 3 : i32
      %add3A_54 = vector.broadcast %add3A_53 : i32 to vector<16xi32>
      %add3A_55 = arith.addi %mul3A_22, %add3A_54 : vector<16xi32>
      %gather3A_56 = tpu.vector_load_idx %arg5[%add3A_55] : memref<8192xf32, #tpu.memory_space<vmem>>[vector<16xi32>], vector<16xf32>,
      %gt3A_57 = arith.cmpf ogt, %gather3A_56, %select_n3A_46 : vector<16xf32>
      %select_n3A_58 = arith.select %gt3A_57, %select_n3A_46, %gather3A_56 : vector<16xi1>, vector<16xf32>
      %select_n3A_59 = arith.select %gt3A_57, %select_n3A_47, %broadcast_in_dim3A_52 : vector<16xi1>, vector<16xi32>
      %select_n3A_60 = arith.select %gt3A_57, %gather3A_56, %select_n3A_46 : vector<16xi1>, vector<16xf32>
      %select_n3A_61 = arith.select %gt3A_57, %broadcast_in_dim3A_52, %select_n3A_47 : vector<16xi1>, vector<16xi32>
      %gt3A_62 = arith.cmpf ogt, %select_n3A_58, %select_n3A_49 : vector<16xf32>
      %select_n3A_63 = arith.select %gt3A_62, %select_n3A_58, %select_n3A_49 : vector<16xi1>, vector<16xf32>
      %select_n3A_64 = arith.select %gt3A_62, %select_n3A_59, %select_n3A_50 : vector<16xi1>, vector<16xi32>
      %broadcast_in_dim3A_65 = arith.constant 4 : i32
      %broadcast_in_dim3A_66 = vector.broadcast %broadcast_in_dim3A_65 : i32 to vector<16xi32>
      %add3A_67 = arith.constant 4 : i32
      %add3A_68 = vector.broadcast %add3A_67 : i32 to vector<16xi32>
      %add3A_69 = arith.addi %mul3A_22, %add3A_68 : vector<16xi32>
      %gather3A_70 = tpu.vector_load_idx %arg5[%add3A_69] : memref<8192xf32, #tpu.memory_space<vmem>>[vector<16xi32>], vector<16xf32>,
      %gt3A_71 = arith.cmpf ogt, %gather3A_70, %select_n3A_60 : vector<16xf32>
      %select_n3A_72 = arith.select %gt3A_71, %select_n3A_60, %gather3A_70 : vector<16xi1>, vector<16xf32>
      %select_n3A_73 = arith.select %gt3A_71, %select_n3A_61, %broadcast_in_dim3A_66 : vector<16xi1>, vector<16xi32>
      %select_n3A_74 = arith.select %gt3A_71, %gather3A_70, %select_n3A_60 : vector<16xi1>, vector<16xf32>
      %select_n3A_75 = arith.select %gt3A_71, %broadcast_in_dim3A_66, %select_n3A_61 : vector<16xi1>, vector<16xi32>
      %gt3A_76 = arith.cmpf ogt, %select_n3A_72, %select_n3A_63 : vector<16xf32>
      %select_n3A_77 = arith.select %gt3A_76, %select_n3A_72, %select_n3A_63 : vector<16xi1>, vector<16xf32>
      %select_n3A_78 = arith.select %gt3A_76, %select_n3A_73, %select_n3A_64 : vector<16xi1>, vector<16xi32>
      %broadcast_in_dim3A_79 = arith.constant 5 : i32
      %broadcast_in_dim3A_80 = vector.broadcast %broadcast_in_dim3A_79 : i32 to vector<16xi32>
      %add3A_81 = arith.constant 5 : i32
      %add3A_82 = vector.broadcast %add3A_81 : i32 to vector<16xi32>
      %add3A_83 = arith.addi %mul3A_22, %add3A_82 : vector<16xi32>
      %gather3A_84 = tpu.vector_load_idx %arg5[%add3A_83] : memref<8192xf32, #tpu.memory_space<vmem>>[vector<16xi32>], vector<16xf32>,
      %gt3A_85 = arith.cmpf ogt, %gather3A_84, %select_n3A_74 : vector<16xf32>
      %select_n3A_86 = arith.select %gt3A_85, %select_n3A_74, %gather3A_84 : vector<16xi1>, vector<16xf32>
      %select_n3A_87 = arith.select %gt3A_85, %select_n3A_75, %broadcast_in_dim3A_80 : vector<16xi1>, vector<16xi32>
      %select_n3A_88 = arith.select %gt3A_85, %gather3A_84, %select_n3A_74 : vector<16xi1>, vector<16xf32>
      %select_n3A_89 = arith.select %gt3A_85, %broadcast_in_dim3A_80, %select_n3A_75 : vector<16xi1>, vector<16xi32>
      %gt3A_90 = arith.cmpf ogt, %select_n3A_86, %select_n3A_77 : vector<16xf32>
      %select_n3A_91 = arith.select %gt3A_90, %select_n3A_86, %select_n3A_77 : vector<16xi1>, vector<16xf32>
      %select_n3A_92 = arith.select %gt3A_90, %select_n3A_87, %select_n3A_78 : vector<16xi1>, vector<16xi32>
      %broadcast_in_dim3A_93 = arith.constant 6 : i32
      %broadcast_in_dim3A_94 = vector.broadcast %broadcast_in_dim3A_93 : i32 to vector<16xi32>
      %add3A_95 = arith.constant 6 : i32
      %add3A_96 = vector.broadcast %add3A_95 : i32 to vector<16xi32>
      %add3A_97 = arith.addi %mul3A_22, %add3A_96 : vector<16xi32>
      %gather3A_98 = tpu.vector_load_idx %arg5[%add3A_97] : memref<8192xf32, #tpu.memory_space<vmem>>[vector<16xi32>], vector<16xf32>,
      %gt3A_99 = arith.cmpf ogt, %gather3A_98, %select_n3A_88 : vector<16xf32>
      %select_n3A_100 = arith.select %gt3A_99, %select_n3A_88, %gather3A_98 : vector<16xi1>, vector<16xf32>
      %select_n3A_101 = arith.select %gt3A_99, %select_n3A_89, %broadcast_in_dim3A_94 : vector<16xi1>, vector<16xi32>
      %select_n3A_102 = arith.select %gt3A_99, %gather3A_98, %select_n3A_88 : vector<16xi1>, vector<16xf32>
      %select_n3A_103 = arith.select %gt3A_99, %broadcast_in_dim3A_94, %select_n3A_89 : vector<16xi1>, vector<16xi32>
      %gt3A_104 = arith.cmpf ogt, %select_n3A_100, %select_n3A_91 : vector<16xf32>
      %select_n3A_105 = arith.select %gt3A_104, %select_n3A_100, %select_n3A_91 : vector<16xi1>, vector<16xf32>
      %select_n3A_106 = arith.select %gt3A_104, %select_n3A_101, %select_n3A_92 : vector<16xi1>, vector<16xi32>
      %broadcast_in_dim3A_107 = arith.constant 7 : i32
      %broadcast_in_dim3A_108 = vector.broadcast %broadcast_in_dim3A_107 : i32 to vector<16xi32>
      %add3A_109 = arith.constant 7 : i32
      %add3A_110 = vector.broadcast %add3A_109 : i32 to vector<16xi32>
      %add3A_111 = arith.addi %mul3A_22, %add3A_110 : vector<16xi32>
      %gather3A_112 = tpu.vector_load_idx %arg5[%add3A_111] : memref<8192xf32, #tpu.memory_space<vmem>>[vector<16xi32>], vector<16xf32>,
      %gt3A_113 = arith.cmpf ogt, %gather3A_112, %select_n3A_102 : vector<16xf32>
      %select_n3A_114 = arith.select %gt3A_113, %select_n3A_102, %gather3A_112 : vector<16xi1>, vector<16xf32>
      %select_n3A_115 = arith.select %gt3A_113, %select_n3A_103, %broadcast_in_dim3A_108 : vector<16xi1>, vector<16xi32>
      %select_n3A_116 = arith.select %gt3A_113, %gather3A_112, %select_n3A_102 : vector<16xi1>, vector<16xf32>
      %select_n3A_117 = arith.select %gt3A_113, %broadcast_in_dim3A_108, %select_n3A_103 : vector<16xi1>, vector<16xi32>
      %gt3A_118 = arith.cmpf ogt, %select_n3A_114, %select_n3A_105 : vector<16xf32>
      %select_n3A_119 = arith.select %gt3A_118, %select_n3A_114, %select_n3A_105 : vector<16xi1>, vector<16xf32>
      %select_n3A_120 = arith.select %gt3A_118, %select_n3A_115, %select_n3A_106 : vector<16xi1>, vector<16xi32>
      %broadcast_in_dim3A_121 = arith.constant 8 : i32
      %broadcast_in_dim3A_122 = vector.broadcast %broadcast_in_dim3A_121 : i32 to vector<16xi32>
      %add3A_123 = arith.constant 8 : i32
      %add3A_124 = vector.broadcast %add3A_123 : i32 to vector<16xi32>
      %add3A_125 = arith.addi %mul3A_22, %add3A_124 : vector<16xi32>
      %gather3A_126 = tpu.vector_load_idx %arg5[%add3A_125] : memref<8192xf32, #tpu.memory_space<vmem>>[vector<16xi32>], vector<16xf32>,
      %gt3A_127 = arith.cmpf ogt, %gather3A_126, %select_n3A_116 : vector<16xf32>
      %select_n3A_128 = arith.select %gt3A_127, %select_n3A_116, %gather3A_126 : vector<16xi1>, vector<16xf32>
      %select_n3A_129 = arith.select %gt3A_127, %select_n3A_117, %broadcast_in_dim3A_122 : vector<16xi1>, vector<16xi32>
      %select_n3A_130 = arith.select %gt3A_127, %gather3A_126, %select_n3A_116 : vector<16xi1>, vector<16xf32>
      %select_n3A_131 = arith.select %gt3A_127, %broadcast_in_dim3A_122, %select_n3A_117 : vector<16xi1>, vector<16xi32>
      %gt3A_132 = arith.cmpf ogt, %select_n3A_128, %select_n3A_119 : vector<16xf32>
      %select_n3A_133 = arith.select %gt3A_132, %select_n3A_128, %select_n3A_119 : vector<16xi1>, vector<16xf32>
      %select_n3A_134 = arith.select %gt3A_132, %select_n3A_129, %select_n3A_120 : vector<16xi1>, vector<16xi32>
      %broadcast_in_dim3A_135 = arith.constant 9 : i32
      %broadcast_in_dim3A_136 = vector.broadcast %broadcast_in_dim3A_135 : i32 to vector<16xi32>
      %add3A_137 = arith.constant 9 : i32
      %add3A_138 = vector.broadcast %add3A_137 : i32 to vector<16xi32>
      %add3A_139 = arith.addi %mul3A_22, %add3A_138 : vector<16xi32>
      %gather3A_140 = tpu.vector_load_idx %arg5[%add3A_139] : memref<8192xf32, #tpu.memory_space<vmem>>[vector<16xi32>], vector<16xf32>,
      %gt3A_141 = arith.cmpf ogt, %gather3A_140, %select_n3A_130 : vector<16xf32>
      %select_n3A_142 = arith.select %gt3A_141, %select_n3A_130, %gather3A_140 : vector<16xi1>, vector<16xf32>
      %select_n3A_143 = arith.select %gt3A_141, %select_n3A_131, %broadcast_in_dim3A_136 : vector<16xi1>, vector<16xi32>
      %select_n3A_144 = arith.select %gt3A_141, %gather3A_140, %select_n3A_130 : vector<16xi1>, vector<16xf32>
      %select_n3A_145 = arith.select %gt3A_141, %broadcast_in_dim3A_136, %select_n3A_131 : vector<16xi1>, vector<16xi32>
      %gt3A_146 = arith.cmpf ogt, %select_n3A_142, %select_n3A_133 : vector<16xf32>
      %select_n3A_147 = arith.select %gt3A_146, %select_n3A_142, %select_n3A_133 : vector<16xi1>, vector<16xf32>
      %select_n3A_148 = arith.select %gt3A_146, %select_n3A_143, %select_n3A_134 : vector<16xi1>, vector<16xi32>
      %broadcast_in_dim3A_149 = arith.constant 10 : i32
      %broadcast_in_dim3A_150 = vector.broadcast %broadcast_in_dim3A_149 : i32 to vector<16xi32>
      %add3A_151 = arith.constant 10 : i32
      %add3A_152 = vector.broadcast %add3A_151 : i32 to vector<16xi32>
      %add3A_153 = arith.addi %mul3A_22, %add3A_152 : vector<16xi32>
      %gather3A_154 = tpu.vector_load_idx %arg5[%add3A_153] : memref<8192xf32, #tpu.memory_space<vmem>>[vector<16xi32>], vector<16xf32>,
      %gt3A_155 = arith.cmpf ogt, %gather3A_154, %select_n3A_144 : vector<16xf32>
      %select_n3A_156 = arith.select %gt3A_155, %select_n3A_144, %gather3A_154 : vector<16xi1>, vector<16xf32>
      %select_n3A_157 = arith.select %gt3A_155, %select_n3A_145, %broadcast_in_dim3A_150 : vector<16xi1>, vector<16xi32>
      %select_n3A_158 = arith.select %gt3A_155, %gather3A_154, %select_n3A_144 : vector<16xi1>, vector<16xf32>
      %select_n3A_159 = arith.select %gt3A_155, %broadcast_in_dim3A_150, %select_n3A_145 : vector<16xi1>, vector<16xi32>
      %gt3A_160 = arith.cmpf ogt, %select_n3A_156, %select_n3A_147 : vector<16xf32>
      %select_n3A_161 = arith.select %gt3A_160, %select_n3A_156, %select_n3A_147 : vector<16xi1>, vector<16xf32>
      %select_n3A_162 = arith.select %gt3A_160, %select_n3A_157, %select_n3A_148 : vector<16xi1>, vector<16xi32>
      %broadcast_in_dim3A_163 = arith.constant 11 : i32
      %broadcast_in_dim3A_164 = vector.broadcast %broadcast_in_dim3A_163 : i32 to vector<16xi32>
      %add3A_165 = arith.constant 11 : i32
      %add3A_166 = vector.broadcast %add3A_165 : i32 to vector<16xi32>
      %add3A_167 = arith.addi %mul3A_22, %add3A_166 : vector<16xi32>
      %gather3A_168 = tpu.vector_load_idx %arg5[%add3A_167] : memref<8192xf32, #tpu.memory_space<vmem>>[vector<16xi32>], vector<16xf32>,
      %gt3A_169 = arith.cmpf ogt, %gather3A_168, %select_n3A_158 : vector<16xf32>
      %select_n3A_170 = arith.select %gt3A_169, %select_n3A_158, %gather3A_168 : vector<16xi1>, vector<16xf32>
      %select_n3A_171 = arith.select %gt3A_169, %select_n3A_159, %broadcast_in_dim3A_164 : vector<16xi1>, vector<16xi32>
      %select_n3A_172 = arith.select %gt3A_169, %gather3A_168, %select_n3A_158 : vector<16xi1>, vector<16xf32>
      %select_n3A_173 = arith.select %gt3A_169, %broadcast_in_dim3A_164, %select_n3A_159 : vector<16xi1>, vector<16xi32>
      %gt3A_174 = arith.cmpf ogt, %select_n3A_170, %select_n3A_161 : vector<16xf32>
      %select_n3A_175 = arith.select %gt3A_174, %select_n3A_170, %select_n3A_161 : vector<16xi1>, vector<16xf32>
      %select_n3A_176 = arith.select %gt3A_174, %select_n3A_171, %select_n3A_162 : vector<16xi1>, vector<16xi32>
      %broadcast_in_dim3A_177 = arith.constant 12 : i32
      %broadcast_in_dim3A_178 = vector.broadcast %broadcast_in_dim3A_177 : i32 to vector<16xi32>
      %add3A_179 = arith.constant 12 : i32
      %add3A_180 = vector.broadcast %add3A_179 : i32 to vector<16xi32>
      %add3A_181 = arith.addi %mul3A_22, %add3A_180 : vector<16xi32>
      %gather3A_182 = tpu.vector_load_idx %arg5[%add3A_181] : memref<8192xf32, #tpu.memory_space<vmem>>[vector<16xi32>], vector<16xf32>,
      %gt3A_183 = arith.cmpf ogt, %gather3A_182, %select_n3A_172 : vector<16xf32>
      %select_n3A_184 = arith.select %gt3A_183, %select_n3A_172, %gather3A_182 : vector<16xi1>, vector<16xf32>
      %select_n3A_185 = arith.select %gt3A_183, %select_n3A_173, %broadcast_in_dim3A_178 : vector<16xi1>, vector<16xi32>
      %select_n3A_186 = arith.select %gt3A_183, %gather3A_182, %select_n3A_172 : vector<16xi1>, vector<16xf32>
      %select_n3A_187 = arith.select %gt3A_183, %broadcast_in_dim3A_178, %select_n3A_173 : vector<16xi1>, vector<16xi32>
      %gt3A_188 = arith.cmpf ogt, %select_n3A_184, %select_n3A_175 : vector<16xf32>
      %select_n3A_189 = arith.select %gt3A_188, %select_n3A_184, %select_n3A_175 : vector<16xi1>, vector<16xf32>
      %select_n3A_190 = arith.select %gt3A_188, %select_n3A_185, %select_n3A_176 : vector<16xi1>, vector<16xi32>
      %broadcast_in_dim3A_191 = arith.constant 13 : i32
      %broadcast_in_dim3A_192 = vector.broadcast %broadcast_in_dim3A_191 : i32 to vector<16xi32>
      %add3A_193 = arith.constant 13 : i32
      %add3A_194 = vector.broadcast %add3A_193 : i32 to vector<16xi32>
      %add3A_195 = arith.addi %mul3A_22, %add3A_194 : vector<16xi32>
      %gather3A_196 = tpu.vector_load_idx %arg5[%add3A_195] : memref<8192xf32, #tpu.memory_space<vmem>>[vector<16xi32>], vector<16xf32>,
      %gt3A_197 = arith.cmpf ogt, %gather3A_196, %select_n3A_186 : vector<16xf32>
      %select_n3A_198 = arith.select %gt3A_197, %select_n3A_186, %gather3A_196 : vector<16xi1>, vector<16xf32>
      %select_n3A_199 = arith.select %gt3A_197, %select_n3A_187, %broadcast_in_dim3A_192 : vector<16xi1>, vector<16xi32>
      %select_n3A_200 = arith.select %gt3A_197, %gather3A_196, %select_n3A_186 : vector<16xi1>, vector<16xf32>
      %select_n3A_201 = arith.select %gt3A_197, %broadcast_in_dim3A_192, %select_n3A_187 : vector<16xi1>, vector<16xi32>
      %gt3A_202 = arith.cmpf ogt, %select_n3A_198, %select_n3A_189 : vector<16xf32>
      %select_n3A_203 = arith.select %gt3A_202, %select_n3A_198, %select_n3A_189 : vector<16xi1>, vector<16xf32>
      %select_n3A_204 = arith.select %gt3A_202, %select_n3A_199, %select_n3A_190 : vector<16xi1>, vector<16xi32>
      %broadcast_in_dim3A_205 = arith.constant 14 : i32
      %broadcast_in_dim3A_206 = vector.broadcast %broadcast_in_dim3A_205 : i32 to vector<16xi32>
      %add3A_207 = arith.constant 14 : i32
      %add3A_208 = vector.broadcast %add3A_207 : i32 to vector<16xi32>
      %add3A_209 = arith.addi %mul3A_22, %add3A_208 : vector<16xi32>
      %gather3A_210 = tpu.vector_load_idx %arg5[%add3A_209] : memref<8192xf32, #tpu.memory_space<vmem>>[vector<16xi32>], vector<16xf32>,
      %gt3A_211 = arith.cmpf ogt, %gather3A_210, %select_n3A_200 : vector<16xf32>
      %select_n3A_212 = arith.select %gt3A_211, %select_n3A_200, %gather3A_210 : vector<16xi1>, vector<16xf32>
      %select_n3A_213 = arith.select %gt3A_211, %select_n3A_201, %broadcast_in_dim3A_206 : vector<16xi1>, vector<16xi32>
      %select_n3A_214 = arith.select %gt3A_211, %gather3A_210, %select_n3A_200 : vector<16xi1>, vector<16xf32>
      %select_n3A_215 = arith.select %gt3A_211, %broadcast_in_dim3A_206, %select_n3A_201 : vector<16xi1>, vector<16xi32>
      %gt3A_216 = arith.cmpf ogt, %select_n3A_212, %select_n3A_203 : vector<16xf32>
      %select_n3A_217 = arith.select %gt3A_216, %select_n3A_212, %select_n3A_203 : vector<16xi1>, vector<16xf32>
      %select_n3A_218 = arith.select %gt3A_216, %select_n3A_213, %select_n3A_204 : vector<16xi1>, vector<16xi32>
      %broadcast_in_dim3A_219 = arith.constant 15 : i32
      %broadcast_in_dim3A_220 = vector.broadcast %broadcast_in_dim3A_219 : i32 to vector<16xi32>
      %add3A_221 = arith.constant 15 : i32
      %add3A_222 = vector.broadcast %add3A_221 : i32 to vector<16xi32>
      %add3A_223 = arith.addi %mul3A_22, %add3A_222 : vector<16xi32>
      %gather3A_224 = tpu.vector_load_idx %arg5[%add3A_223] : memref<8192xf32, #tpu.memory_space<vmem>>[vector<16xi32>], vector<16xf32>,
      %gt3A_225 = arith.cmpf ogt, %gather3A_224, %select_n3A_214 : vector<16xf32>
      %select_n3A_226 = arith.select %gt3A_225, %select_n3A_214, %gather3A_224 : vector<16xi1>, vector<16xf32>
      %select_n3A_227 = arith.select %gt3A_225, %select_n3A_215, %broadcast_in_dim3A_220 : vector<16xi1>, vector<16xi32>
      %select_n3A_228 = arith.select %gt3A_225, %gather3A_224, %select_n3A_214 : vector<16xi1>, vector<16xf32>
      %select_n3A_229 = arith.select %gt3A_225, %broadcast_in_dim3A_220, %select_n3A_215 : vector<16xi1>, vector<16xi32>
      %gt3A_230 = arith.cmpf ogt, %select_n3A_226, %select_n3A_217 : vector<16xf32>
      %select_n3A_231 = arith.select %gt3A_230, %select_n3A_226, %select_n3A_217 : vector<16xi1>, vector<16xf32>
      %select_n3A_232 = arith.select %gt3A_230, %select_n3A_227, %select_n3A_218 : vector<16xi1>, vector<16xi32>
      %broadcast_in_dim3A_233 = arith.constant 16 : i32
      %broadcast_in_dim3A_234 = vector.broadcast %broadcast_in_dim3A_233 : i32 to vector<16xi32>
      %add3A_235 = arith.constant 16 : i32
      %add3A_236 = vector.broadcast %add3A_235 : i32 to vector<16xi32>
      %add3A_237 = arith.addi %mul3A_22, %add3A_236 : vector<16xi32>
      %gather3A_238 = tpu.vector_load_idx %arg5[%add3A_237] : memref<8192xf32, #tpu.memory_space<vmem>>[vector<16xi32>], vector<16xf32>,
      %gt3A_239 = arith.cmpf ogt, %gather3A_238, %select_n3A_228 : vector<16xf32>
      %select_n3A_240 = arith.select %gt3A_239, %select_n3A_228, %gather3A_238 : vector<16xi1>, vector<16xf32>
      %select_n3A_241 = arith.select %gt3A_239, %select_n3A_229, %broadcast_in_dim3A_234 : vector<16xi1>, vector<16xi32>
      %select_n3A_242 = arith.select %gt3A_239, %gather3A_238, %select_n3A_228 : vector<16xi1>, vector<16xf32>
      %select_n3A_243 = arith.select %gt3A_239, %broadcast_in_dim3A_234, %select_n3A_229 : vector<16xi1>, vector<16xi32>
      %gt3A_244 = arith.cmpf ogt, %select_n3A_240, %select_n3A_231 : vector<16xf32>
      %select_n3A_245 = arith.select %gt3A_244, %select_n3A_240, %select_n3A_231 : vector<16xi1>, vector<16xf32>
      %select_n3A_246 = arith.select %gt3A_244, %select_n3A_241, %select_n3A_232 : vector<16xi1>, vector<16xi32>
      %broadcast_in_dim3A_247 = arith.constant 17 : i32
      %broadcast_in_dim3A_248 = vector.broadcast %broadcast_in_dim3A_247 : i32 to vector<16xi32>
      %add3A_249 = arith.constant 17 : i32
      %add3A_250 = vector.broadcast %add3A_249 : i32 to vector<16xi32>
      %add3A_251 = arith.addi %mul3A_22, %add3A_250 : vector<16xi32>
      %gather3A_252 = tpu.vector_load_idx %arg5[%add3A_251] : memref<8192xf32, #tpu.memory_space<vmem>>[vector<16xi32>], vector<16xf32>,
      %gt3A_253 = arith.cmpf ogt, %gather3A_252, %select_n3A_242 : vector<16xf32>
      %select_n3A_254 = arith.select %gt3A_253, %select_n3A_242, %gather3A_252 : vector<16xi1>, vector<16xf32>
      %select_n3A_255 = arith.select %gt3A_253, %select_n3A_243, %broadcast_in_dim3A_248 : vector<16xi1>, vector<16xi32>
      %select_n3A_256 = arith.select %gt3A_253, %gather3A_252, %select_n3A_242 : vector<16xi1>, vector<16xf32>
      %select_n3A_257 = arith.select %gt3A_253, %broadcast_in_dim3A_248, %select_n3A_243 : vector<16xi1>, vector<16xi32>
      %gt3A_258 = arith.cmpf ogt, %select_n3A_254, %select_n3A_245 : vector<16xf32>
      %select_n3A_259 = arith.select %gt3A_258, %select_n3A_254, %select_n3A_245 : vector<16xi1>, vector<16xf32>
      %select_n3A_260 = arith.select %gt3A_258, %select_n3A_255, %select_n3A_246 : vector<16xi1>, vector<16xi32>
      %broadcast_in_dim3A_261 = arith.constant 18 : i32
      %broadcast_in_dim3A_262 = vector.broadcast %broadcast_in_dim3A_261 : i32 to vector<16xi32>
      %add3A_263 = arith.constant 18 : i32
      %add3A_264 = vector.broadcast %add3A_263 : i32 to vector<16xi32>
      %add3A_265 = arith.addi %mul3A_22, %add3A_264 : vector<16xi32>
      %gather3A_266 = tpu.vector_load_idx %arg5[%add3A_265] : memref<8192xf32, #tpu.memory_space<vmem>>[vector<16xi32>], vector<16xf32>,
      %gt3A_267 = arith.cmpf ogt, %gather3A_266, %select_n3A_256 : vector<16xf32>
      %select_n3A_268 = arith.select %gt3A_267, %select_n3A_256, %gather3A_266 : vector<16xi1>, vector<16xf32>
      %select_n3A_269 = arith.select %gt3A_267, %select_n3A_257, %broadcast_in_dim3A_262 : vector<16xi1>, vector<16xi32>
      %select_n3A_270 = arith.select %gt3A_267, %gather3A_266, %select_n3A_256 : vector<16xi1>, vector<16xf32>
      %select_n3A_271 = arith.select %gt3A_267, %broadcast_in_dim3A_262, %select_n3A_257 : vector<16xi1>, vector<16xi32>
      %gt3A_272 = arith.cmpf ogt, %select_n3A_268, %select_n3A_259 : vector<16xf32>
      %select_n3A_273 = arith.select %gt3A_272, %select_n3A_268, %select_n3A_259 : vector<16xi1>, vector<16xf32>
      %select_n3A_274 = arith.select %gt3A_272, %select_n3A_269, %select_n3A_260 : vector<16xi1>, vector<16xi32>
      %broadcast_in_dim3A_275 = arith.constant 19 : i32
      %broadcast_in_dim3A_276 = vector.broadcast %broadcast_in_dim3A_275 : i32 to vector<16xi32>
      %add3A_277 = arith.constant 19 : i32
      %add3A_278 = vector.broadcast %add3A_277 : i32 to vector<16xi32>
      %add3A_279 = arith.addi %mul3A_22, %add3A_278 : vector<16xi32>
      %gather3A_280 = tpu.vector_load_idx %arg5[%add3A_279] : memref<8192xf32, #tpu.memory_space<vmem>>[vector<16xi32>], vector<16xf32>,
      %gt3A_281 = arith.cmpf ogt, %gather3A_280, %select_n3A_270 : vector<16xf32>
      %select_n3A_282 = arith.select %gt3A_281, %select_n3A_270, %gather3A_280 : vector<16xi1>, vector<16xf32>
      %select_n3A_283 = arith.select %gt3A_281, %select_n3A_271, %broadcast_in_dim3A_276 : vector<16xi1>, vector<16xi32>
      %select_n3A_284 = arith.select %gt3A_281, %gather3A_280, %select_n3A_270 : vector<16xi1>, vector<16xf32>
      %select_n3A_285 = arith.select %gt3A_281, %broadcast_in_dim3A_276, %select_n3A_271 : vector<16xi1>, vector<16xi32>
      %gt3A_286 = arith.cmpf ogt, %select_n3A_282, %select_n3A_273 : vector<16xf32>
      %select_n3A_287 = arith.select %gt3A_286, %select_n3A_282, %select_n3A_273 : vector<16xi1>, vector<16xf32>
      %select_n3A_288 = arith.select %gt3A_286, %select_n3A_283, %select_n3A_274 : vector<16xi1>, vector<16xi32>
      %broadcast_in_dim3A_289 = arith.constant 20 : i32
      %broadcast_in_dim3A_290 = vector.broadcast %broadcast_in_dim3A_289 : i32 to vector<16xi32>
      %add3A_291 = arith.constant 20 : i32
      %add3A_292 = vector.broadcast %add3A_291 : i32 to vector<16xi32>
      %add3A_293 = arith.addi %mul3A_22, %add3A_292 : vector<16xi32>
      %gather3A_294 = tpu.vector_load_idx %arg5[%add3A_293] : memref<8192xf32, #tpu.memory_space<vmem>>[vector<16xi32>], vector<16xf32>,
      %gt3A_295 = arith.cmpf ogt, %gather3A_294, %select_n3A_284 : vector<16xf32>
      %select_n3A_296 = arith.select %gt3A_295, %select_n3A_284, %gather3A_294 : vector<16xi1>, vector<16xf32>
      %select_n3A_297 = arith.select %gt3A_295, %select_n3A_285, %broadcast_in_dim3A_290 : vector<16xi1>, vector<16xi32>
      %select_n3A_298 = arith.select %gt3A_295, %gather3A_294, %select_n3A_284 : vector<16xi1>, vector<16xf32>
      %select_n3A_299 = arith.select %gt3A_295, %broadcast_in_dim3A_290, %select_n3A_285 : vector<16xi1>, vector<16xi32>
      %gt3A_300 = arith.cmpf ogt, %select_n3A_296, %select_n3A_287 : vector<16xf32>
      %select_n3A_301 = arith.select %gt3A_300, %select_n3A_296, %select_n3A_287 : vector<16xi1>, vector<16xf32>
      %select_n3A_302 = arith.select %gt3A_300, %select_n3A_297, %select_n3A_288 : vector<16xi1>, vector<16xi32>
      %broadcast_in_dim3A_303 = arith.constant 21 : i32
      %broadcast_in_dim3A_304 = vector.broadcast %broadcast_in_dim3A_303 : i32 to vector<16xi32>
      %add3A_305 = arith.constant 21 : i32
      %add3A_306 = vector.broadcast %add3A_305 : i32 to vector<16xi32>
      %add3A_307 = arith.addi %mul3A_22, %add3A_306 : vector<16xi32>
      %gather3A_308 = tpu.vector_load_idx %arg5[%add3A_307] : memref<8192xf32, #tpu.memory_space<vmem>>[vector<16xi32>], vector<16xf32>,
      %gt3A_309 = arith.cmpf ogt, %gather3A_308, %select_n3A_298 : vector<16xf32>
      %select_n3A_310 = arith.select %gt3A_309, %select_n3A_298, %gather3A_308 : vector<16xi1>, vector<16xf32>
      %select_n3A_311 = arith.select %gt3A_309, %select_n3A_299, %broadcast_in_dim3A_304 : vector<16xi1>, vector<16xi32>
      %select_n3A_312 = arith.select %gt3A_309, %gather3A_308, %select_n3A_298 : vector<16xi1>, vector<16xf32>
      %select_n3A_313 = arith.select %gt3A_309, %broadcast_in_dim3A_304, %select_n3A_299 : vector<16xi1>, vector<16xi32>
      %gt3A_314 = arith.cmpf ogt, %select_n3A_310, %select_n3A_301 : vector<16xf32>
      %select_n3A_315 = arith.select %gt3A_314, %select_n3A_310, %select_n3A_301 : vector<16xi1>, vector<16xf32>
      %select_n3A_316 = arith.select %gt3A_314, %select_n3A_311, %select_n3A_302 : vector<16xi1>, vector<16xi32>
      %broadcast_in_dim3A_317 = arith.constant 22 : i32
      %broadcast_in_dim3A_318 = vector.broadcast %broadcast_in_dim3A_317 : i32 to vector<16xi32>
      %add3A_319 = arith.constant 22 : i32
      %add3A_320 = vector.broadcast %add3A_319 : i32 to vector<16xi32>
      %add3A_321 = arith.addi %mul3A_22, %add3A_320 : vector<16xi32>
      %gather3A_322 = tpu.vector_load_idx %arg5[%add3A_321] : memref<8192xf32, #tpu.memory_space<vmem>>[vector<16xi32>], vector<16xf32>,
      %gt3A_323 = arith.cmpf ogt, %gather3A_322, %select_n3A_312 : vector<16xf32>
      %select_n3A_324 = arith.select %gt3A_323, %select_n3A_312, %gather3A_322 : vector<16xi1>, vector<16xf32>
      %select_n3A_325 = arith.select %gt3A_323, %select_n3A_313, %broadcast_in_dim3A_318 : vector<16xi1>, vector<16xi32>
      %select_n3A_326 = arith.select %gt3A_323, %gather3A_322, %select_n3A_312 : vector<16xi1>, vector<16xf32>
      %select_n3A_327 = arith.select %gt3A_323, %broadcast_in_dim3A_318, %select_n3A_313 : vector<16xi1>, vector<16xi32>
      %gt3A_328 = arith.cmpf ogt, %select_n3A_324, %select_n3A_315 : vector<16xf32>
      %select_n3A_329 = arith.select %gt3A_328, %select_n3A_324, %select_n3A_315 : vector<16xi1>, vector<16xf32>
      %select_n3A_330 = arith.select %gt3A_328, %select_n3A_325, %select_n3A_316 : vector<16xi1>, vector<16xi32>
      %broadcast_in_dim3A_331 = arith.constant 23 : i32
      %broadcast_in_dim3A_332 = vector.broadcast %broadcast_in_dim3A_331 : i32 to vector<16xi32>
      %add3A_333 = arith.constant 23 : i32
      %add3A_334 = vector.broadcast %add3A_333 : i32 to vector<16xi32>
      %add3A_335 = arith.addi %mul3A_22, %add3A_334 : vector<16xi32>
      %gather3A_336 = tpu.vector_load_idx %arg5[%add3A_335] : memref<8192xf32, #tpu.memory_space<vmem>>[vector<16xi32>], vector<16xf32>,
      %gt3A_337 = arith.cmpf ogt, %gather3A_336, %select_n3A_326 : vector<16xf32>
      %select_n3A_338 = arith.select %gt3A_337, %select_n3A_326, %gather3A_336 : vector<16xi1>, vector<16xf32>
      %select_n3A_339 = arith.select %gt3A_337, %select_n3A_327, %broadcast_in_dim3A_332 : vector<16xi1>, vector<16xi32>
      %select_n3A_340 = arith.select %gt3A_337, %gather3A_336, %select_n3A_326 : vector<16xi1>, vector<16xf32>
      %select_n3A_341 = arith.select %gt3A_337, %broadcast_in_dim3A_332, %select_n3A_327 : vector<16xi1>, vector<16xi32>
      %gt3A_342 = arith.cmpf ogt, %select_n3A_338, %select_n3A_329 : vector<16xf32>
      %select_n3A_343 = arith.select %gt3A_342, %select_n3A_338, %select_n3A_329 : vector<16xi1>, vector<16xf32>
      %select_n3A_344 = arith.select %gt3A_342, %select_n3A_339, %select_n3A_330 : vector<16xi1>, vector<16xi32>
      %broadcast_in_dim3A_345 = arith.constant 24 : i32
      %broadcast_in_dim3A_346 = vector.broadcast %broadcast_in_dim3A_345 : i32 to vector<16xi32>
      %add3A_347 = arith.constant 24 : i32
      %add3A_348 = vector.broadcast %add3A_347 : i32 to vector<16xi32>
      %add3A_349 = arith.addi %mul3A_22, %add3A_348 : vector<16xi32>
      %gather3A_350 = tpu.vector_load_idx %arg5[%add3A_349] : memref<8192xf32, #tpu.memory_space<vmem>>[vector<16xi32>], vector<16xf32>,
      %gt3A_351 = arith.cmpf ogt, %gather3A_350, %select_n3A_340 : vector<16xf32>
      %select_n3A_352 = arith.select %gt3A_351, %select_n3A_340, %gather3A_350 : vector<16xi1>, vector<16xf32>
      %select_n3A_353 = arith.select %gt3A_351, %select_n3A_341, %broadcast_in_dim3A_346 : vector<16xi1>, vector<16xi32>
      %select_n3A_354 = arith.select %gt3A_351, %gather3A_350, %select_n3A_340 : vector<16xi1>, vector<16xf32>
      %select_n3A_355 = arith.select %gt3A_351, %broadcast_in_dim3A_346, %select_n3A_341 : vector<16xi1>, vector<16xi32>
      %gt3A_356 = arith.cmpf ogt, %select_n3A_352, %select_n3A_343 : vector<16xf32>
      %select_n3A_357 = arith.select %gt3A_356, %select_n3A_352, %select_n3A_343 : vector<16xi1>, vector<16xf32>
      %select_n3A_358 = arith.select %gt3A_356, %select_n3A_353, %select_n3A_344 : vector<16xi1>, vector<16xi32>
      %broadcast_in_dim3A_359 = arith.constant 25 : i32
      %broadcast_in_dim3A_360 = vector.broadcast %broadcast_in_dim3A_359 : i32 to vector<16xi32>
      %add3A_361 = arith.constant 25 : i32
      %add3A_362 = vector.broadcast %add3A_361 : i32 to vector<16xi32>
      %add3A_363 = arith.addi %mul3A_22, %add3A_362 : vector<16xi32>
      %gather3A_364 = tpu.vector_load_idx %arg5[%add3A_363] : memref<8192xf32, #tpu.memory_space<vmem>>[vector<16xi32>], vector<16xf32>,
      %gt3A_365 = arith.cmpf ogt, %gather3A_364, %select_n3A_354 : vector<16xf32>
      %select_n3A_366 = arith.select %gt3A_365, %select_n3A_354, %gather3A_364 : vector<16xi1>, vector<16xf32>
      %select_n3A_367 = arith.select %gt3A_365, %select_n3A_355, %broadcast_in_dim3A_360 : vector<16xi1>, vector<16xi32>
      %select_n3A_368 = arith.select %gt3A_365, %gather3A_364, %select_n3A_354 : vector<16xi1>, vector<16xf32>
      %select_n3A_369 = arith.select %gt3A_365, %broadcast_in_dim3A_360, %select_n3A_355 : vector<16xi1>, vector<16xi32>
      %gt3A_370 = arith.cmpf ogt, %select_n3A_366, %select_n3A_357 : vector<16xf32>
      %select_n3A_371 = arith.select %gt3A_370, %select_n3A_366, %select_n3A_357 : vector<16xi1>, vector<16xf32>
      %select_n3A_372 = arith.select %gt3A_370, %select_n3A_367, %select_n3A_358 : vector<16xi1>, vector<16xi32>
      %broadcast_in_dim3A_373 = arith.constant 26 : i32
      %broadcast_in_dim3A_374 = vector.broadcast %broadcast_in_dim3A_373 : i32 to vector<16xi32>
      %add3A_375 = arith.constant 26 : i32
      %add3A_376 = vector.broadcast %add3A_375 : i32 to vector<16xi32>
      %add3A_377 = arith.addi %mul3A_22, %add3A_376 : vector<16xi32>
      %gather3A_378 = tpu.vector_load_idx %arg5[%add3A_377] : memref<8192xf32, #tpu.memory_space<vmem>>[vector<16xi32>], vector<16xf32>,
      %gt3A_379 = arith.cmpf ogt, %gather3A_378, %select_n3A_368 : vector<16xf32>
      %select_n3A_380 = arith.select %gt3A_379, %select_n3A_368, %gather3A_378 : vector<16xi1>, vector<16xf32>
      %select_n3A_381 = arith.select %gt3A_379, %select_n3A_369, %broadcast_in_dim3A_374 : vector<16xi1>, vector<16xi32>
      %select_n3A_382 = arith.select %gt3A_379, %gather3A_378, %select_n3A_368 : vector<16xi1>, vector<16xf32>
      %select_n3A_383 = arith.select %gt3A_379, %broadcast_in_dim3A_374, %select_n3A_369 : vector<16xi1>, vector<16xi32>
      %gt3A_384 = arith.cmpf ogt, %select_n3A_380, %select_n3A_371 : vector<16xf32>
      %select_n3A_385 = arith.select %gt3A_384, %select_n3A_380, %select_n3A_371 : vector<16xi1>, vector<16xf32>
      %select_n3A_386 = arith.select %gt3A_384, %select_n3A_381, %select_n3A_372 : vector<16xi1>, vector<16xi32>
      %broadcast_in_dim3A_387 = arith.constant 27 : i32
      %broadcast_in_dim3A_388 = vector.broadcast %broadcast_in_dim3A_387 : i32 to vector<16xi32>
      %add3A_389 = arith.constant 27 : i32
      %add3A_390 = vector.broadcast %add3A_389 : i32 to vector<16xi32>
      %add3A_391 = arith.addi %mul3A_22, %add3A_390 : vector<16xi32>
      %gather3A_392 = tpu.vector_load_idx %arg5[%add3A_391] : memref<8192xf32, #tpu.memory_space<vmem>>[vector<16xi32>], vector<16xf32>,
      %gt3A_393 = arith.cmpf ogt, %gather3A_392, %select_n3A_382 : vector<16xf32>
      %select_n3A_394 = arith.select %gt3A_393, %select_n3A_382, %gather3A_392 : vector<16xi1>, vector<16xf32>
      %select_n3A_395 = arith.select %gt3A_393, %select_n3A_383, %broadcast_in_dim3A_388 : vector<16xi1>, vector<16xi32>
      %select_n3A_396 = arith.select %gt3A_393, %gather3A_392, %select_n3A_382 : vector<16xi1>, vector<16xf32>
      %select_n3A_397 = arith.select %gt3A_393, %broadcast_in_dim3A_388, %select_n3A_383 : vector<16xi1>, vector<16xi32>
      %gt3A_398 = arith.cmpf ogt, %select_n3A_394, %select_n3A_385 : vector<16xf32>
      %select_n3A_399 = arith.select %gt3A_398, %select_n3A_394, %select_n3A_385 : vector<16xi1>, vector<16xf32>
      %select_n3A_400 = arith.select %gt3A_398, %select_n3A_395, %select_n3A_386 : vector<16xi1>, vector<16xi32>
      %broadcast_in_dim3A_401 = arith.constant 28 : i32
      %broadcast_in_dim3A_402 = vector.broadcast %broadcast_in_dim3A_401 : i32 to vector<16xi32>
      %add3A_403 = arith.constant 28 : i32
      %add3A_404 = vector.broadcast %add3A_403 : i32 to vector<16xi32>
      %add3A_405 = arith.addi %mul3A_22, %add3A_404 : vector<16xi32>
      %gather3A_406 = tpu.vector_load_idx %arg5[%add3A_405] : memref<8192xf32, #tpu.memory_space<vmem>>[vector<16xi32>], vector<16xf32>,
      %gt3A_407 = arith.cmpf ogt, %gather3A_406, %select_n3A_396 : vector<16xf32>
      %select_n3A_408 = arith.select %gt3A_407, %select_n3A_396, %gather3A_406 : vector<16xi1>, vector<16xf32>
      %select_n3A_409 = arith.select %gt3A_407, %select_n3A_397, %broadcast_in_dim3A_402 : vector<16xi1>, vector<16xi32>
      %select_n3A_410 = arith.select %gt3A_407, %gather3A_406, %select_n3A_396 : vector<16xi1>, vector<16xf32>
      %select_n3A_411 = arith.select %gt3A_407, %broadcast_in_dim3A_402, %select_n3A_397 : vector<16xi1>, vector<16xi32>
      %gt3A_412 = arith.cmpf ogt, %select_n3A_408, %select_n3A_399 : vector<16xf32>
      %select_n3A_413 = arith.select %gt3A_412, %select_n3A_408, %select_n3A_399 : vector<16xi1>, vector<16xf32>
      %select_n3A_414 = arith.select %gt3A_412, %select_n3A_409, %select_n3A_400 : vector<16xi1>, vector<16xi32>
      %broadcast_in_dim3A_415 = arith.constant 29 : i32
      %broadcast_in_dim3A_416 = vector.broadcast %broadcast_in_dim3A_415 : i32 to vector<16xi32>
      %add3A_417 = arith.constant 29 : i32
      %add3A_418 = vector.broadcast %add3A_417 : i32 to vector<16xi32>
      %add3A_419 = arith.addi %mul3A_22, %add3A_418 : vector<16xi32>
      %gather3A_420 = tpu.vector_load_idx %arg5[%add3A_419] : memref<8192xf32, #tpu.memory_space<vmem>>[vector<16xi32>], vector<16xf32>,
      %gt3A_421 = arith.cmpf ogt, %gather3A_420, %select_n3A_410 : vector<16xf32>
      %select_n3A_422 = arith.select %gt3A_421, %select_n3A_410, %gather3A_420 : vector<16xi1>, vector<16xf32>
      %select_n3A_423 = arith.select %gt3A_421, %select_n3A_411, %broadcast_in_dim3A_416 : vector<16xi1>, vector<16xi32>
      %select_n3A_424 = arith.select %gt3A_421, %gather3A_420, %select_n3A_410 : vector<16xi1>, vector<16xf32>
      %select_n3A_425 = arith.select %gt3A_421, %broadcast_in_dim3A_416, %select_n3A_411 : vector<16xi1>, vector<16xi32>
      %gt3A_426 = arith.cmpf ogt, %select_n3A_422, %select_n3A_413 : vector<16xf32>
      %select_n3A_427 = arith.select %gt3A_426, %select_n3A_422, %select_n3A_413 : vector<16xi1>, vector<16xf32>
      %select_n3A_428 = arith.select %gt3A_426, %select_n3A_423, %select_n3A_414 : vector<16xi1>, vector<16xi32>
      %broadcast_in_dim3A_429 = arith.constant 30 : i32
      %broadcast_in_dim3A_430 = vector.broadcast %broadcast_in_dim3A_429 : i32 to vector<16xi32>
      %add3A_431 = arith.constant 30 : i32
      %add3A_432 = vector.broadcast %add3A_431 : i32 to vector<16xi32>
      %add3A_433 = arith.addi %mul3A_22, %add3A_432 : vector<16xi32>
      %gather3A_434 = tpu.vector_load_idx %arg5[%add3A_433] : memref<8192xf32, #tpu.memory_space<vmem>>[vector<16xi32>], vector<16xf32>,
      %gt3A_435 = arith.cmpf ogt, %gather3A_434, %select_n3A_424 : vector<16xf32>
      %select_n3A_436 = arith.select %gt3A_435, %select_n3A_424, %gather3A_434 : vector<16xi1>, vector<16xf32>
      %select_n3A_437 = arith.select %gt3A_435, %select_n3A_425, %broadcast_in_dim3A_430 : vector<16xi1>, vector<16xi32>
      %select_n3A_438 = arith.select %gt3A_435, %gather3A_434, %select_n3A_424 : vector<16xi1>, vector<16xf32>
      %select_n3A_439 = arith.select %gt3A_435, %broadcast_in_dim3A_430, %select_n3A_425 : vector<16xi1>, vector<16xi32>
      %gt3A_440 = arith.cmpf ogt, %select_n3A_436, %select_n3A_427 : vector<16xf32>
      %select_n3A_441 = arith.select %gt3A_440, %select_n3A_436, %select_n3A_427 : vector<16xi1>, vector<16xf32>
      %select_n3A_442 = arith.select %gt3A_440, %select_n3A_437, %select_n3A_428 : vector<16xi1>, vector<16xi32>
      %broadcast_in_dim3A_443 = arith.constant 31 : i32
      %broadcast_in_dim3A_444 = vector.broadcast %broadcast_in_dim3A_443 : i32 to vector<16xi32>
      %add3A_445 = arith.constant 31 : i32
      %add3A_446 = vector.broadcast %add3A_445 : i32 to vector<16xi32>
      %add3A_447 = arith.addi %mul3A_22, %add3A_446 : vector<16xi32>
      %gather3A_448 = tpu.vector_load_idx %arg5[%add3A_447] : memref<8192xf32, #tpu.memory_space<vmem>>[vector<16xi32>], vector<16xf32>,
      %gt3A_449 = arith.cmpf ogt, %gather3A_448, %select_n3A_438 : vector<16xf32>
      %select_n3A_450 = arith.select %gt3A_449, %select_n3A_438, %gather3A_448 : vector<16xi1>, vector<16xf32>
      %select_n3A_451 = arith.select %gt3A_449, %select_n3A_439, %broadcast_in_dim3A_444 : vector<16xi1>, vector<16xi32>
      %select_n3A_452 = arith.select %gt3A_449, %gather3A_448, %select_n3A_438 : vector<16xi1>, vector<16xf32>
      %select_n3A_453 = arith.select %gt3A_449, %broadcast_in_dim3A_444, %select_n3A_439 : vector<16xi1>, vector<16xi32>
      %gt3A_454 = arith.cmpf ogt, %select_n3A_450, %select_n3A_441 : vector<16xf32>
      %select_n3A_455 = arith.select %gt3A_454, %select_n3A_450, %select_n3A_441 : vector<16xi1>, vector<16xf32>
      %select_n3A_456 = arith.select %gt3A_454, %select_n3A_451, %select_n3A_442 : vector<16xi1>, vector<16xi32>
      %broadcast_in_dim3A_457 = arith.constant 32 : i32
      %broadcast_in_dim3A_458 = vector.broadcast %broadcast_in_dim3A_457 : i32 to vector<16xi32>
      %add3A_459 = arith.constant 32 : i32
      %add3A_460 = vector.broadcast %add3A_459 : i32 to vector<16xi32>
      %add3A_461 = arith.addi %mul3A_22, %add3A_460 : vector<16xi32>
      %gather3A_462 = tpu.vector_load_idx %arg5[%add3A_461] : memref<8192xf32, #tpu.memory_space<vmem>>[vector<16xi32>], vector<16xf32>,
      %gt3A_463 = arith.cmpf ogt, %gather3A_462, %select_n3A_452 : vector<16xf32>
      %select_n3A_464 = arith.select %gt3A_463, %select_n3A_452, %gather3A_462 : vector<16xi1>, vector<16xf32>
      %select_n3A_465 = arith.select %gt3A_463, %select_n3A_453, %broadcast_in_dim3A_458 : vector<16xi1>, vector<16xi32>
      %select_n3A_466 = arith.select %gt3A_463, %gather3A_462, %select_n3A_452 : vector<16xi1>, vector<16xf32>
      %select_n3A_467 = arith.select %gt3A_463, %broadcast_in_dim3A_458, %select_n3A_453 : vector<16xi1>, vector<16xi32>
      %gt3A_468 = arith.cmpf ogt, %select_n3A_464, %select_n3A_455 : vector<16xf32>
      %select_n3A_469 = arith.select %gt3A_468, %select_n3A_464, %select_n3A_455 : vector<16xi1>, vector<16xf32>
      %select_n3A_470 = arith.select %gt3A_468, %select_n3A_465, %select_n3A_456 : vector<16xi1>, vector<16xi32>
      %broadcast_in_dim3A_471 = arith.constant 33 : i32
      %broadcast_in_dim3A_472 = vector.broadcast %broadcast_in_dim3A_471 : i32 to vector<16xi32>
      %add3A_473 = arith.constant 33 : i32
      %add3A_474 = vector.broadcast %add3A_473 : i32 to vector<16xi32>
      %add3A_475 = arith.addi %mul3A_22, %add3A_474 : vector<16xi32>
      %gather3A_476 = tpu.vector_load_idx %arg5[%add3A_475] : memref<8192xf32, #tpu.memory_space<vmem>>[vector<16xi32>], vector<16xf32>,
      %gt3A_477 = arith.cmpf ogt, %gather3A_476, %select_n3A_466 : vector<16xf32>
      %select_n3A_478 = arith.select %gt3A_477, %select_n3A_466, %gather3A_476 : vector<16xi1>, vector<16xf32>
      %select_n3A_479 = arith.select %gt3A_477, %select_n3A_467, %broadcast_in_dim3A_472 : vector<16xi1>, vector<16xi32>
      %select_n3A_480 = arith.select %gt3A_477, %gather3A_476, %select_n3A_466 : vector<16xi1>, vector<16xf32>
      %select_n3A_481 = arith.select %gt3A_477, %broadcast_in_dim3A_472, %select_n3A_467 : vector<16xi1>, vector<16xi32>
      %gt3A_482 = arith.cmpf ogt, %select_n3A_478, %select_n3A_469 : vector<16xf32>
      %select_n3A_483 = arith.select %gt3A_482, %select_n3A_478, %select_n3A_469 : vector<16xi1>, vector<16xf32>
      %select_n3A_484 = arith.select %gt3A_482, %select_n3A_479, %select_n3A_470 : vector<16xi1>, vector<16xi32>
      %broadcast_in_dim3A_485 = arith.constant 34 : i32
      %broadcast_in_dim3A_486 = vector.broadcast %broadcast_in_dim3A_485 : i32 to vector<16xi32>
      %add3A_487 = arith.constant 34 : i32
      %add3A_488 = vector.broadcast %add3A_487 : i32 to vector<16xi32>
      %add3A_489 = arith.addi %mul3A_22, %add3A_488 : vector<16xi32>
      %gather3A_490 = tpu.vector_load_idx %arg5[%add3A_489] : memref<8192xf32, #tpu.memory_space<vmem>>[vector<16xi32>], vector<16xf32>,
      %gt3A_491 = arith.cmpf ogt, %gather3A_490, %select_n3A_480 : vector<16xf32>
      %select_n3A_492 = arith.select %gt3A_491, %select_n3A_480, %gather3A_490 : vector<16xi1>, vector<16xf32>
      %select_n3A_493 = arith.select %gt3A_491, %select_n3A_481, %broadcast_in_dim3A_486 : vector<16xi1>, vector<16xi32>
      %select_n3A_494 = arith.select %gt3A_491, %gather3A_490, %select_n3A_480 : vector<16xi1>, vector<16xf32>
      %select_n3A_495 = arith.select %gt3A_491, %broadcast_in_dim3A_486, %select_n3A_481 : vector<16xi1>, vector<16xi32>
      %gt3A_496 = arith.cmpf ogt, %select_n3A_492, %select_n3A_483 : vector<16xf32>
      %select_n3A_497 = arith.select %gt3A_496, %select_n3A_492, %select_n3A_483 : vector<16xi1>, vector<16xf32>
      %select_n3A_498 = arith.select %gt3A_496, %select_n3A_493, %select_n3A_484 : vector<16xi1>, vector<16xi32>
      %broadcast_in_dim3A_499 = arith.constant 35 : i32
      %broadcast_in_dim3A_500 = vector.broadcast %broadcast_in_dim3A_499 : i32 to vector<16xi32>
      %add3A_501 = arith.constant 35 : i32
      %add3A_502 = vector.broadcast %add3A_501 : i32 to vector<16xi32>
      %add3A_503 = arith.addi %mul3A_22, %add3A_502 : vector<16xi32>
      %gather3A_504 = tpu.vector_load_idx %arg5[%add3A_503] : memref<8192xf32, #tpu.memory_space<vmem>>[vector<16xi32>], vector<16xf32>,
      %gt3A_505 = arith.cmpf ogt, %gather3A_504, %select_n3A_494 : vector<16xf32>
      %select_n3A_506 = arith.select %gt3A_505, %select_n3A_494, %gather3A_504 : vector<16xi1>, vector<16xf32>
      %select_n3A_507 = arith.select %gt3A_505, %select_n3A_495, %broadcast_in_dim3A_500 : vector<16xi1>, vector<16xi32>
      %select_n3A_508 = arith.select %gt3A_505, %gather3A_504, %select_n3A_494 : vector<16xi1>, vector<16xf32>
      %select_n3A_509 = arith.select %gt3A_505, %broadcast_in_dim3A_500, %select_n3A_495 : vector<16xi1>, vector<16xi32>
      %gt3A_510 = arith.cmpf ogt, %select_n3A_506, %select_n3A_497 : vector<16xf32>
      %select_n3A_511 = arith.select %gt3A_510, %select_n3A_506, %select_n3A_497 : vector<16xi1>, vector<16xf32>
      %select_n3A_512 = arith.select %gt3A_510, %select_n3A_507, %select_n3A_498 : vector<16xi1>, vector<16xi32>
      %broadcast_in_dim3A_513 = arith.constant 36 : i32
      %broadcast_in_dim3A_514 = vector.broadcast %broadcast_in_dim3A_513 : i32 to vector<16xi32>
      %add3A_515 = arith.constant 36 : i32
      %add3A_516 = vector.broadcast %add3A_515 : i32 to vector<16xi32>
      %add3A_517 = arith.addi %mul3A_22, %add3A_516 : vector<16xi32>
      %gather3A_518 = tpu.vector_load_idx %arg5[%add3A_517] : memref<8192xf32, #tpu.memory_space<vmem>>[vector<16xi32>], vector<16xf32>,
      %gt3A_519 = arith.cmpf ogt, %gather3A_518, %select_n3A_508 : vector<16xf32>
      %select_n3A_520 = arith.select %gt3A_519, %select_n3A_508, %gather3A_518 : vector<16xi1>, vector<16xf32>
      %select_n3A_521 = arith.select %gt3A_519, %select_n3A_509, %broadcast_in_dim3A_514 : vector<16xi1>, vector<16xi32>
      %select_n3A_522 = arith.select %gt3A_519, %gather3A_518, %select_n3A_508 : vector<16xi1>, vector<16xf32>
      %select_n3A_523 = arith.select %gt3A_519, %broadcast_in_dim3A_514, %select_n3A_509 : vector<16xi1>, vector<16xi32>
      %gt3A_524 = arith.cmpf ogt, %select_n3A_520, %select_n3A_511 : vector<16xf32>
      %select_n3A_525 = arith.select %gt3A_524, %select_n3A_520, %select_n3A_511 : vector<16xi1>, vector<16xf32>
      %select_n3A_526 = arith.select %gt3A_524, %select_n3A_521, %select_n3A_512 : vector<16xi1>, vector<16xi32>
      %broadcast_in_dim3A_527 = arith.constant 37 : i32
      %broadcast_in_dim3A_528 = vector.broadcast %broadcast_in_dim3A_527 : i32 to vector<16xi32>
      %add3A_529 = arith.constant 37 : i32
      %add3A_530 = vector.broadcast %add3A_529 : i32 to vector<16xi32>
      %add3A_531 = arith.addi %mul3A_22, %add3A_530 : vector<16xi32>
      %gather3A_532 = tpu.vector_load_idx %arg5[%add3A_531] : memref<8192xf32, #tpu.memory_space<vmem>>[vector<16xi32>], vector<16xf32>,
      %gt3A_533 = arith.cmpf ogt, %gather3A_532, %select_n3A_522 : vector<16xf32>
      %select_n3A_534 = arith.select %gt3A_533, %select_n3A_522, %gather3A_532 : vector<16xi1>, vector<16xf32>
      %select_n3A_535 = arith.select %gt3A_533, %select_n3A_523, %broadcast_in_dim3A_528 : vector<16xi1>, vector<16xi32>
      %select_n3A_536 = arith.select %gt3A_533, %gather3A_532, %select_n3A_522 : vector<16xi1>, vector<16xf32>
      %select_n3A_537 = arith.select %gt3A_533, %broadcast_in_dim3A_528, %select_n3A_523 : vector<16xi1>, vector<16xi32>
      %gt3A_538 = arith.cmpf ogt, %select_n3A_534, %select_n3A_525 : vector<16xf32>
      %select_n3A_539 = arith.select %gt3A_538, %select_n3A_534, %select_n3A_525 : vector<16xi1>, vector<16xf32>
      %select_n3A_540 = arith.select %gt3A_538, %select_n3A_535, %select_n3A_526 : vector<16xi1>, vector<16xi32>
      %broadcast_in_dim3A_541 = arith.constant 38 : i32
      %broadcast_in_dim3A_542 = vector.broadcast %broadcast_in_dim3A_541 : i32 to vector<16xi32>
      %add3A_543 = arith.constant 38 : i32
      %add3A_544 = vector.broadcast %add3A_543 : i32 to vector<16xi32>
      %add3A_545 = arith.addi %mul3A_22, %add3A_544 : vector<16xi32>
      %gather3A_546 = tpu.vector_load_idx %arg5[%add3A_545] : memref<8192xf32, #tpu.memory_space<vmem>>[vector<16xi32>], vector<16xf32>,
      %gt3A_547 = arith.cmpf ogt, %gather3A_546, %select_n3A_536 : vector<16xf32>
      %select_n3A_548 = arith.select %gt3A_547, %select_n3A_536, %gather3A_546 : vector<16xi1>, vector<16xf32>
      %select_n3A_549 = arith.select %gt3A_547, %select_n3A_537, %broadcast_in_dim3A_542 : vector<16xi1>, vector<16xi32>
      %select_n3A_550 = arith.select %gt3A_547, %gather3A_546, %select_n3A_536 : vector<16xi1>, vector<16xf32>
      %select_n3A_551 = arith.select %gt3A_547, %broadcast_in_dim3A_542, %select_n3A_537 : vector<16xi1>, vector<16xi32>
      %gt3A_552 = arith.cmpf ogt, %select_n3A_548, %select_n3A_539 : vector<16xf32>
      %select_n3A_553 = arith.select %gt3A_552, %select_n3A_548, %select_n3A_539 : vector<16xi1>, vector<16xf32>
      %select_n3A_554 = arith.select %gt3A_552, %select_n3A_549, %select_n3A_540 : vector<16xi1>, vector<16xi32>
      %broadcast_in_dim3A_555 = arith.constant 39 : i32
      %broadcast_in_dim3A_556 = vector.broadcast %broadcast_in_dim3A_555 : i32 to vector<16xi32>
      %add3A_557 = arith.constant 39 : i32
      %add3A_558 = vector.broadcast %add3A_557 : i32 to vector<16xi32>
      %add3A_559 = arith.addi %mul3A_22, %add3A_558 : vector<16xi32>
      %gather3A_560 = tpu.vector_load_idx %arg5[%add3A_559] : memref<8192xf32, #tpu.memory_space<vmem>>[vector<16xi32>], vector<16xf32>,
      %gt3A_561 = arith.cmpf ogt, %gather3A_560, %select_n3A_550 : vector<16xf32>
      %select_n3A_562 = arith.select %gt3A_561, %select_n3A_550, %gather3A_560 : vector<16xi1>, vector<16xf32>
      %select_n3A_563 = arith.select %gt3A_561, %select_n3A_551, %broadcast_in_dim3A_556 : vector<16xi1>, vector<16xi32>
      %select_n3A_564 = arith.select %gt3A_561, %gather3A_560, %select_n3A_550 : vector<16xi1>, vector<16xf32>
      %select_n3A_565 = arith.select %gt3A_561, %broadcast_in_dim3A_556, %select_n3A_551 : vector<16xi1>, vector<16xi32>
      %gt3A_566 = arith.cmpf ogt, %select_n3A_562, %select_n3A_553 : vector<16xf32>
      %select_n3A_567 = arith.select %gt3A_566, %select_n3A_562, %select_n3A_553 : vector<16xi1>, vector<16xf32>
      %select_n3A_568 = arith.select %gt3A_566, %select_n3A_563, %select_n3A_554 : vector<16xi1>, vector<16xi32>
      %broadcast_in_dim3A_569 = arith.constant 40 : i32
      %broadcast_in_dim3A_570 = vector.broadcast %broadcast_in_dim3A_569 : i32 to vector<16xi32>
      %add3A_571 = arith.constant 40 : i32
      %add3A_572 = vector.broadcast %add3A_571 : i32 to vector<16xi32>
      %add3A_573 = arith.addi %mul3A_22, %add3A_572 : vector<16xi32>
      %gather3A_574 = tpu.vector_load_idx %arg5[%add3A_573] : memref<8192xf32, #tpu.memory_space<vmem>>[vector<16xi32>], vector<16xf32>,
      %gt3A_575 = arith.cmpf ogt, %gather3A_574, %select_n3A_564 : vector<16xf32>
      %select_n3A_576 = arith.select %gt3A_575, %select_n3A_564, %gather3A_574 : vector<16xi1>, vector<16xf32>
      %select_n3A_577 = arith.select %gt3A_575, %select_n3A_565, %broadcast_in_dim3A_570 : vector<16xi1>, vector<16xi32>
      %select_n3A_578 = arith.select %gt3A_575, %gather3A_574, %select_n3A_564 : vector<16xi1>, vector<16xf32>
      %select_n3A_579 = arith.select %gt3A_575, %broadcast_in_dim3A_570, %select_n3A_565 : vector<16xi1>, vector<16xi32>
      %gt3A_580 = arith.cmpf ogt, %select_n3A_576, %select_n3A_567 : vector<16xf32>
      %select_n3A_581 = arith.select %gt3A_580, %select_n3A_576, %select_n3A_567 : vector<16xi1>, vector<16xf32>
      %select_n3A_582 = arith.select %gt3A_580, %select_n3A_577, %select_n3A_568 : vector<16xi1>, vector<16xi32>
      %broadcast_in_dim3A_583 = arith.constant 41 : i32
      %broadcast_in_dim3A_584 = vector.broadcast %broadcast_in_dim3A_583 : i32 to vector<16xi32>
      %add3A_585 = arith.constant 41 : i32
      %add3A_586 = vector.broadcast %add3A_585 : i32 to vector<16xi32>
      %add3A_587 = arith.addi %mul3A_22, %add3A_586 : vector<16xi32>
      %gather3A_588 = tpu.vector_load_idx %arg5[%add3A_587] : memref<8192xf32, #tpu.memory_space<vmem>>[vector<16xi32>], vector<16xf32>,
      %gt3A_589 = arith.cmpf ogt, %gather3A_588, %select_n3A_578 : vector<16xf32>
      %select_n3A_590 = arith.select %gt3A_589, %select_n3A_578, %gather3A_588 : vector<16xi1>, vector<16xf32>
      %select_n3A_591 = arith.select %gt3A_589, %select_n3A_579, %broadcast_in_dim3A_584 : vector<16xi1>, vector<16xi32>
      %select_n3A_592 = arith.select %gt3A_589, %gather3A_588, %select_n3A_578 : vector<16xi1>, vector<16xf32>
      %select_n3A_593 = arith.select %gt3A_589, %broadcast_in_dim3A_584, %select_n3A_579 : vector<16xi1>, vector<16xi32>
      %gt3A_594 = arith.cmpf ogt, %select_n3A_590, %select_n3A_581 : vector<16xf32>
      %select_n3A_595 = arith.select %gt3A_594, %select_n3A_590, %select_n3A_581 : vector<16xi1>, vector<16xf32>
      %select_n3A_596 = arith.select %gt3A_594, %select_n3A_591, %select_n3A_582 : vector<16xi1>, vector<16xi32>
      %broadcast_in_dim3A_597 = arith.constant 42 : i32
      %broadcast_in_dim3A_598 = vector.broadcast %broadcast_in_dim3A_597 : i32 to vector<16xi32>
      %add3A_599 = arith.constant 42 : i32
      %add3A_600 = vector.broadcast %add3A_599 : i32 to vector<16xi32>
      %add3A_601 = arith.addi %mul3A_22, %add3A_600 : vector<16xi32>
      %gather3A_602 = tpu.vector_load_idx %arg5[%add3A_601] : memref<8192xf32, #tpu.memory_space<vmem>>[vector<16xi32>], vector<16xf32>,
      %gt3A_603 = arith.cmpf ogt, %gather3A_602, %select_n3A_592 : vector<16xf32>
      %select_n3A_604 = arith.select %gt3A_603, %select_n3A_592, %gather3A_602 : vector<16xi1>, vector<16xf32>
      %select_n3A_605 = arith.select %gt3A_603, %select_n3A_593, %broadcast_in_dim3A_598 : vector<16xi1>, vector<16xi32>
      %select_n3A_606 = arith.select %gt3A_603, %gather3A_602, %select_n3A_592 : vector<16xi1>, vector<16xf32>
      %select_n3A_607 = arith.select %gt3A_603, %broadcast_in_dim3A_598, %select_n3A_593 : vector<16xi1>, vector<16xi32>
      %gt3A_608 = arith.cmpf ogt, %select_n3A_604, %select_n3A_595 : vector<16xf32>
      %select_n3A_609 = arith.select %gt3A_608, %select_n3A_604, %select_n3A_595 : vector<16xi1>, vector<16xf32>
      %select_n3A_610 = arith.select %gt3A_608, %select_n3A_605, %select_n3A_596 : vector<16xi1>, vector<16xi32>
      %broadcast_in_dim3A_611 = arith.constant 43 : i32
      %broadcast_in_dim3A_612 = vector.broadcast %broadcast_in_dim3A_611 : i32 to vector<16xi32>
      %add3A_613 = arith.constant 43 : i32
      %add3A_614 = vector.broadcast %add3A_613 : i32 to vector<16xi32>
      %add3A_615 = arith.addi %mul3A_22, %add3A_614 : vector<16xi32>
      %gather3A_616 = tpu.vector_load_idx %arg5[%add3A_615] : memref<8192xf32, #tpu.memory_space<vmem>>[vector<16xi32>], vector<16xf32>,
      %gt3A_617 = arith.cmpf ogt, %gather3A_616, %select_n3A_606 : vector<16xf32>
      %select_n3A_618 = arith.select %gt3A_617, %select_n3A_606, %gather3A_616 : vector<16xi1>, vector<16xf32>
      %select_n3A_619 = arith.select %gt3A_617, %select_n3A_607, %broadcast_in_dim3A_612 : vector<16xi1>, vector<16xi32>
      %select_n3A_620 = arith.select %gt3A_617, %gather3A_616, %select_n3A_606 : vector<16xi1>, vector<16xf32>
      %select_n3A_621 = arith.select %gt3A_617, %broadcast_in_dim3A_612, %select_n3A_607 : vector<16xi1>, vector<16xi32>
      %gt3A_622 = arith.cmpf ogt, %select_n3A_618, %select_n3A_609 : vector<16xf32>
      %select_n3A_623 = arith.select %gt3A_622, %select_n3A_618, %select_n3A_609 : vector<16xi1>, vector<16xf32>
      %select_n3A_624 = arith.select %gt3A_622, %select_n3A_619, %select_n3A_610 : vector<16xi1>, vector<16xi32>
      %broadcast_in_dim3A_625 = arith.constant 44 : i32
      %broadcast_in_dim3A_626 = vector.broadcast %broadcast_in_dim3A_625 : i32 to vector<16xi32>
      %add3A_627 = arith.constant 44 : i32
      %add3A_628 = vector.broadcast %add3A_627 : i32 to vector<16xi32>
      %add3A_629 = arith.addi %mul3A_22, %add3A_628 : vector<16xi32>
      %gather3A_630 = tpu.vector_load_idx %arg5[%add3A_629] : memref<8192xf32, #tpu.memory_space<vmem>>[vector<16xi32>], vector<16xf32>,
      %gt3A_631 = arith.cmpf ogt, %gather3A_630, %select_n3A_620 : vector<16xf32>
      %select_n3A_632 = arith.select %gt3A_631, %select_n3A_620, %gather3A_630 : vector<16xi1>, vector<16xf32>
      %select_n3A_633 = arith.select %gt3A_631, %select_n3A_621, %broadcast_in_dim3A_626 : vector<16xi1>, vector<16xi32>
      %select_n3A_634 = arith.select %gt3A_631, %gather3A_630, %select_n3A_620 : vector<16xi1>, vector<16xf32>
      %select_n3A_635 = arith.select %gt3A_631, %broadcast_in_dim3A_626, %select_n3A_621 : vector<16xi1>, vector<16xi32>
      %gt3A_636 = arith.cmpf ogt, %select_n3A_632, %select_n3A_623 : vector<16xf32>
      %select_n3A_637 = arith.select %gt3A_636, %select_n3A_632, %select_n3A_623 : vector<16xi1>, vector<16xf32>
      %select_n3A_638 = arith.select %gt3A_636, %select_n3A_633, %select_n3A_624 : vector<16xi1>, vector<16xi32>
      %broadcast_in_dim3A_639 = arith.constant 45 : i32
      %broadcast_in_dim3A_640 = vector.broadcast %broadcast_in_dim3A_639 : i32 to vector<16xi32>
      %add3A_641 = arith.constant 45 : i32
      %add3A_642 = vector.broadcast %add3A_641 : i32 to vector<16xi32>
      %add3A_643 = arith.addi %mul3A_22, %add3A_642 : vector<16xi32>
      %gather3A_644 = tpu.vector_load_idx %arg5[%add3A_643] : memref<8192xf32, #tpu.memory_space<vmem>>[vector<16xi32>], vector<16xf32>,
      %gt3A_645 = arith.cmpf ogt, %gather3A_644, %select_n3A_634 : vector<16xf32>
      %select_n3A_646 = arith.select %gt3A_645, %select_n3A_634, %gather3A_644 : vector<16xi1>, vector<16xf32>
      %select_n3A_647 = arith.select %gt3A_645, %select_n3A_635, %broadcast_in_dim3A_640 : vector<16xi1>, vector<16xi32>
      %select_n3A_648 = arith.select %gt3A_645, %gather3A_644, %select_n3A_634 : vector<16xi1>, vector<16xf32>
      %select_n3A_649 = arith.select %gt3A_645, %broadcast_in_dim3A_640, %select_n3A_635 : vector<16xi1>, vector<16xi32>
      %gt3A_650 = arith.cmpf ogt, %select_n3A_646, %select_n3A_637 : vector<16xf32>
      %select_n3A_651 = arith.select %gt3A_650, %select_n3A_646, %select_n3A_637 : vector<16xi1>, vector<16xf32>
      %select_n3A_652 = arith.select %gt3A_650, %select_n3A_647, %select_n3A_638 : vector<16xi1>, vector<16xi32>
      %broadcast_in_dim3A_653 = arith.constant 46 : i32
      %broadcast_in_dim3A_654 = vector.broadcast %broadcast_in_dim3A_653 : i32 to vector<16xi32>
      %add3A_655 = arith.constant 46 : i32
      %add3A_656 = vector.broadcast %add3A_655 : i32 to vector<16xi32>
      %add3A_657 = arith.addi %mul3A_22, %add3A_656 : vector<16xi32>
      %gather3A_658 = tpu.vector_load_idx %arg5[%add3A_657] : memref<8192xf32, #tpu.memory_space<vmem>>[vector<16xi32>], vector<16xf32>,
      %gt3A_659 = arith.cmpf ogt, %gather3A_658, %select_n3A_648 : vector<16xf32>
      %select_n3A_660 = arith.select %gt3A_659, %select_n3A_648, %gather3A_658 : vector<16xi1>, vector<16xf32>
      %select_n3A_661 = arith.select %gt3A_659, %select_n3A_649, %broadcast_in_dim3A_654 : vector<16xi1>, vector<16xi32>
      %select_n3A_662 = arith.select %gt3A_659, %gather3A_658, %select_n3A_648 : vector<16xi1>, vector<16xf32>
      %select_n3A_663 = arith.select %gt3A_659, %broadcast_in_dim3A_654, %select_n3A_649 : vector<16xi1>, vector<16xi32>
      %gt3A_664 = arith.cmpf ogt, %select_n3A_660, %select_n3A_651 : vector<16xf32>
      %select_n3A_665 = arith.select %gt3A_664, %select_n3A_660, %select_n3A_651 : vector<16xi1>, vector<16xf32>
      %select_n3A_666 = arith.select %gt3A_664, %select_n3A_661, %select_n3A_652 : vector<16xi1>, vector<16xi32>
      %broadcast_in_dim3A_667 = arith.constant 47 : i32
      %broadcast_in_dim3A_668 = vector.broadcast %broadcast_in_dim3A_667 : i32 to vector<16xi32>
      %add3A_669 = arith.constant 47 : i32
      %add3A_670 = vector.broadcast %add3A_669 : i32 to vector<16xi32>
      %add3A_671 = arith.addi %mul3A_22, %add3A_670 : vector<16xi32>
      %gather3A_672 = tpu.vector_load_idx %arg5[%add3A_671] : memref<8192xf32, #tpu.memory_space<vmem>>[vector<16xi32>], vector<16xf32>,
      %gt3A_673 = arith.cmpf ogt, %gather3A_672, %select_n3A_662 : vector<16xf32>
      %select_n3A_674 = arith.select %gt3A_673, %select_n3A_662, %gather3A_672 : vector<16xi1>, vector<16xf32>
      %select_n3A_675 = arith.select %gt3A_673, %select_n3A_663, %broadcast_in_dim3A_668 : vector<16xi1>, vector<16xi32>
      %select_n3A_676 = arith.select %gt3A_673, %gather3A_672, %select_n3A_662 : vector<16xi1>, vector<16xf32>
      %select_n3A_677 = arith.select %gt3A_673, %broadcast_in_dim3A_668, %select_n3A_663 : vector<16xi1>, vector<16xi32>
      %gt3A_678 = arith.cmpf ogt, %select_n3A_674, %select_n3A_665 : vector<16xf32>
      %select_n3A_679 = arith.select %gt3A_678, %select_n3A_674, %select_n3A_665 : vector<16xi1>, vector<16xf32>
      %select_n3A_680 = arith.select %gt3A_678, %select_n3A_675, %select_n3A_666 : vector<16xi1>, vector<16xi32>
      %broadcast_in_dim3A_681 = arith.constant 48 : i32
      %broadcast_in_dim3A_682 = vector.broadcast %broadcast_in_dim3A_681 : i32 to vector<16xi32>
      %add3A_683 = arith.constant 48 : i32
      %add3A_684 = vector.broadcast %add3A_683 : i32 to vector<16xi32>
      %add3A_685 = arith.addi %mul3A_22, %add3A_684 : vector<16xi32>
      %gather3A_686 = tpu.vector_load_idx %arg5[%add3A_685] : memref<8192xf32, #tpu.memory_space<vmem>>[vector<16xi32>], vector<16xf32>,
      %gt3A_687 = arith.cmpf ogt, %gather3A_686, %select_n3A_676 : vector<16xf32>
      %select_n3A_688 = arith.select %gt3A_687, %select_n3A_676, %gather3A_686 : vector<16xi1>, vector<16xf32>
      %select_n3A_689 = arith.select %gt3A_687, %select_n3A_677, %broadcast_in_dim3A_682 : vector<16xi1>, vector<16xi32>
      %select_n3A_690 = arith.select %gt3A_687, %gather3A_686, %select_n3A_676 : vector<16xi1>, vector<16xf32>
      %select_n3A_691 = arith.select %gt3A_687, %broadcast_in_dim3A_682, %select_n3A_677 : vector<16xi1>, vector<16xi32>
      %gt3A_692 = arith.cmpf ogt, %select_n3A_688, %select_n3A_679 : vector<16xf32>
      %select_n3A_693 = arith.select %gt3A_692, %select_n3A_688, %select_n3A_679 : vector<16xi1>, vector<16xf32>
      %select_n3A_694 = arith.select %gt3A_692, %select_n3A_689, %select_n3A_680 : vector<16xi1>, vector<16xi32>
      %broadcast_in_dim3A_695 = arith.constant 49 : i32
      %broadcast_in_dim3A_696 = vector.broadcast %broadcast_in_dim3A_695 : i32 to vector<16xi32>
      %add3A_697 = arith.constant 49 : i32
      %add3A_698 = vector.broadcast %add3A_697 : i32 to vector<16xi32>
      %add3A_699 = arith.addi %mul3A_22, %add3A_698 : vector<16xi32>
      %gather3A_700 = tpu.vector_load_idx %arg5[%add3A_699] : memref<8192xf32, #tpu.memory_space<vmem>>[vector<16xi32>], vector<16xf32>,
      %gt3A_701 = arith.cmpf ogt, %gather3A_700, %select_n3A_690 : vector<16xf32>
      %select_n3A_702 = arith.select %gt3A_701, %select_n3A_690, %gather3A_700 : vector<16xi1>, vector<16xf32>
      %select_n3A_703 = arith.select %gt3A_701, %select_n3A_691, %broadcast_in_dim3A_696 : vector<16xi1>, vector<16xi32>
      %select_n3A_704 = arith.select %gt3A_701, %gather3A_700, %select_n3A_690 : vector<16xi1>, vector<16xf32>
      %select_n3A_705 = arith.select %gt3A_701, %broadcast_in_dim3A_696, %select_n3A_691 : vector<16xi1>, vector<16xi32>
      %gt3A_706 = arith.cmpf ogt, %select_n3A_702, %select_n3A_693 : vector<16xf32>
      %select_n3A_707 = arith.select %gt3A_706, %select_n3A_702, %select_n3A_693 : vector<16xi1>, vector<16xf32>
      %select_n3A_708 = arith.select %gt3A_706, %select_n3A_703, %select_n3A_694 : vector<16xi1>, vector<16xi32>
      %broadcast_in_dim3A_709 = arith.constant 50 : i32
      %broadcast_in_dim3A_710 = vector.broadcast %broadcast_in_dim3A_709 : i32 to vector<16xi32>
      %add3A_711 = arith.constant 50 : i32
      %add3A_712 = vector.broadcast %add3A_711 : i32 to vector<16xi32>
      %add3A_713 = arith.addi %mul3A_22, %add3A_712 : vector<16xi32>
      %gather3A_714 = tpu.vector_load_idx %arg5[%add3A_713] : memref<8192xf32, #tpu.memory_space<vmem>>[vector<16xi32>], vector<16xf32>,
      %gt3A_715 = arith.cmpf ogt, %gather3A_714, %select_n3A_704 : vector<16xf32>
      %select_n3A_716 = arith.select %gt3A_715, %select_n3A_704, %gather3A_714 : vector<16xi1>, vector<16xf32>
      %select_n3A_717 = arith.select %gt3A_715, %select_n3A_705, %broadcast_in_dim3A_710 : vector<16xi1>, vector<16xi32>
      %select_n3A_718 = arith.select %gt3A_715, %gather3A_714, %select_n3A_704 : vector<16xi1>, vector<16xf32>
      %select_n3A_719 = arith.select %gt3A_715, %broadcast_in_dim3A_710, %select_n3A_705 : vector<16xi1>, vector<16xi32>
      %gt3A_720 = arith.cmpf ogt, %select_n3A_716, %select_n3A_707 : vector<16xf32>
      %select_n3A_721 = arith.select %gt3A_720, %select_n3A_716, %select_n3A_707 : vector<16xi1>, vector<16xf32>
      %select_n3A_722 = arith.select %gt3A_720, %select_n3A_717, %select_n3A_708 : vector<16xi1>, vector<16xi32>
      %broadcast_in_dim3A_723 = arith.constant 51 : i32
      %broadcast_in_dim3A_724 = vector.broadcast %broadcast_in_dim3A_723 : i32 to vector<16xi32>
      %add3A_725 = arith.constant 51 : i32
      %add3A_726 = vector.broadcast %add3A_725 : i32 to vector<16xi32>
      %add3A_727 = arith.addi %mul3A_22, %add3A_726 : vector<16xi32>
      %gather3A_728 = tpu.vector_load_idx %arg5[%add3A_727] : memref<8192xf32, #tpu.memory_space<vmem>>[vector<16xi32>], vector<16xf32>,
      %gt3A_729 = arith.cmpf ogt, %gather3A_728, %select_n3A_718 : vector<16xf32>
      %select_n3A_730 = arith.select %gt3A_729, %select_n3A_718, %gather3A_728 : vector<16xi1>, vector<16xf32>
      %select_n3A_731 = arith.select %gt3A_729, %select_n3A_719, %broadcast_in_dim3A_724 : vector<16xi1>, vector<16xi32>
      %select_n3A_732 = arith.select %gt3A_729, %gather3A_728, %select_n3A_718 : vector<16xi1>, vector<16xf32>
      %select_n3A_733 = arith.select %gt3A_729, %broadcast_in_dim3A_724, %select_n3A_719 : vector<16xi1>, vector<16xi32>
      %gt3A_734 = arith.cmpf ogt, %select_n3A_730, %select_n3A_721 : vector<16xf32>
      %select_n3A_735 = arith.select %gt3A_734, %select_n3A_730, %select_n3A_721 : vector<16xi1>, vector<16xf32>
      %select_n3A_736 = arith.select %gt3A_734, %select_n3A_731, %select_n3A_722 : vector<16xi1>, vector<16xi32>
      %broadcast_in_dim3A_737 = arith.constant 52 : i32
      %broadcast_in_dim3A_738 = vector.broadcast %broadcast_in_dim3A_737 : i32 to vector<16xi32>
      %add3A_739 = arith.constant 52 : i32
      %add3A_740 = vector.broadcast %add3A_739 : i32 to vector<16xi32>
      %add3A_741 = arith.addi %mul3A_22, %add3A_740 : vector<16xi32>
      %gather3A_742 = tpu.vector_load_idx %arg5[%add3A_741] : memref<8192xf32, #tpu.memory_space<vmem>>[vector<16xi32>], vector<16xf32>,
      %gt3A_743 = arith.cmpf ogt, %gather3A_742, %select_n3A_732 : vector<16xf32>
      %select_n3A_744 = arith.select %gt3A_743, %select_n3A_732, %gather3A_742 : vector<16xi1>, vector<16xf32>
      %select_n3A_745 = arith.select %gt3A_743, %select_n3A_733, %broadcast_in_dim3A_738 : vector<16xi1>, vector<16xi32>
      %select_n3A_746 = arith.select %gt3A_743, %gather3A_742, %select_n3A_732 : vector<16xi1>, vector<16xf32>
      %select_n3A_747 = arith.select %gt3A_743, %broadcast_in_dim3A_738, %select_n3A_733 : vector<16xi1>, vector<16xi32>
      %gt3A_748 = arith.cmpf ogt, %select_n3A_744, %select_n3A_735 : vector<16xf32>
      %select_n3A_749 = arith.select %gt3A_748, %select_n3A_744, %select_n3A_735 : vector<16xi1>, vector<16xf32>
      %select_n3A_750 = arith.select %gt3A_748, %select_n3A_745, %select_n3A_736 : vector<16xi1>, vector<16xi32>
      %broadcast_in_dim3A_751 = arith.constant 53 : i32
      %broadcast_in_dim3A_752 = vector.broadcast %broadcast_in_dim3A_751 : i32 to vector<16xi32>
      %add3A_753 = arith.constant 53 : i32
      %add3A_754 = vector.broadcast %add3A_753 : i32 to vector<16xi32>
      %add3A_755 = arith.addi %mul3A_22, %add3A_754 : vector<16xi32>
      %gather3A_756 = tpu.vector_load_idx %arg5[%add3A_755] : memref<8192xf32, #tpu.memory_space<vmem>>[vector<16xi32>], vector<16xf32>,
      %gt3A_757 = arith.cmpf ogt, %gather3A_756, %select_n3A_746 : vector<16xf32>
      %select_n3A_758 = arith.select %gt3A_757, %select_n3A_746, %gather3A_756 : vector<16xi1>, vector<16xf32>
      %select_n3A_759 = arith.select %gt3A_757, %select_n3A_747, %broadcast_in_dim3A_752 : vector<16xi1>, vector<16xi32>
      %select_n3A_760 = arith.select %gt3A_757, %gather3A_756, %select_n3A_746 : vector<16xi1>, vector<16xf32>
      %select_n3A_761 = arith.select %gt3A_757, %broadcast_in_dim3A_752, %select_n3A_747 : vector<16xi1>, vector<16xi32>
      %gt3A_762 = arith.cmpf ogt, %select_n3A_758, %select_n3A_749 : vector<16xf32>
      %select_n3A_763 = arith.select %gt3A_762, %select_n3A_758, %select_n3A_749 : vector<16xi1>, vector<16xf32>
      %select_n3A_764 = arith.select %gt3A_762, %select_n3A_759, %select_n3A_750 : vector<16xi1>, vector<16xi32>
      %broadcast_in_dim3A_765 = arith.constant 54 : i32
      %broadcast_in_dim3A_766 = vector.broadcast %broadcast_in_dim3A_765 : i32 to vector<16xi32>
      %add3A_767 = arith.constant 54 : i32
      %add3A_768 = vector.broadcast %add3A_767 : i32 to vector<16xi32>
      %add3A_769 = arith.addi %mul3A_22, %add3A_768 : vector<16xi32>
      %gather3A_770 = tpu.vector_load_idx %arg5[%add3A_769] : memref<8192xf32, #tpu.memory_space<vmem>>[vector<16xi32>], vector<16xf32>,
      %gt3A_771 = arith.cmpf ogt, %gather3A_770, %select_n3A_760 : vector<16xf32>
      %select_n3A_772 = arith.select %gt3A_771, %select_n3A_760, %gather3A_770 : vector<16xi1>, vector<16xf32>
      %select_n3A_773 = arith.select %gt3A_771, %select_n3A_761, %broadcast_in_dim3A_766 : vector<16xi1>, vector<16xi32>
      %select_n3A_774 = arith.select %gt3A_771, %gather3A_770, %select_n3A_760 : vector<16xi1>, vector<16xf32>
      %select_n3A_775 = arith.select %gt3A_771, %broadcast_in_dim3A_766, %select_n3A_761 : vector<16xi1>, vector<16xi32>
      %gt3A_776 = arith.cmpf ogt, %select_n3A_772, %select_n3A_763 : vector<16xf32>
      %select_n3A_777 = arith.select %gt3A_776, %select_n3A_772, %select_n3A_763 : vector<16xi1>, vector<16xf32>
      %select_n3A_778 = arith.select %gt3A_776, %select_n3A_773, %select_n3A_764 : vector<16xi1>, vector<16xi32>
      %broadcast_in_dim3A_779 = arith.constant 55 : i32
      %broadcast_in_dim3A_780 = vector.broadcast %broadcast_in_dim3A_779 : i32 to vector<16xi32>
      %add3A_781 = arith.constant 55 : i32
      %add3A_782 = vector.broadcast %add3A_781 : i32 to vector<16xi32>
      %add3A_783 = arith.addi %mul3A_22, %add3A_782 : vector<16xi32>
      %gather3A_784 = tpu.vector_load_idx %arg5[%add3A_783] : memref<8192xf32, #tpu.memory_space<vmem>>[vector<16xi32>], vector<16xf32>,
      %gt3A_785 = arith.cmpf ogt, %gather3A_784, %select_n3A_774 : vector<16xf32>
      %select_n3A_786 = arith.select %gt3A_785, %select_n3A_774, %gather3A_784 : vector<16xi1>, vector<16xf32>
      %select_n3A_787 = arith.select %gt3A_785, %select_n3A_775, %broadcast_in_dim3A_780 : vector<16xi1>, vector<16xi32>
      %select_n3A_788 = arith.select %gt3A_785, %gather3A_784, %select_n3A_774 : vector<16xi1>, vector<16xf32>
      %select_n3A_789 = arith.select %gt3A_785, %broadcast_in_dim3A_780, %select_n3A_775 : vector<16xi1>, vector<16xi32>
      %gt3A_790 = arith.cmpf ogt, %select_n3A_786, %select_n3A_777 : vector<16xf32>
      %select_n3A_791 = arith.select %gt3A_790, %select_n3A_786, %select_n3A_777 : vector<16xi1>, vector<16xf32>
      %select_n3A_792 = arith.select %gt3A_790, %select_n3A_787, %select_n3A_778 : vector<16xi1>, vector<16xi32>
      %broadcast_in_dim3A_793 = arith.constant 56 : i32
      %broadcast_in_dim3A_794 = vector.broadcast %broadcast_in_dim3A_793 : i32 to vector<16xi32>
      %add3A_795 = arith.constant 56 : i32
      %add3A_796 = vector.broadcast %add3A_795 : i32 to vector<16xi32>
      %add3A_797 = arith.addi %mul3A_22, %add3A_796 : vector<16xi32>
      %gather3A_798 = tpu.vector_load_idx %arg5[%add3A_797] : memref<8192xf32, #tpu.memory_space<vmem>>[vector<16xi32>], vector<16xf32>,
      %gt3A_799 = arith.cmpf ogt, %gather3A_798, %select_n3A_788 : vector<16xf32>
      %select_n3A_800 = arith.select %gt3A_799, %select_n3A_788, %gather3A_798 : vector<16xi1>, vector<16xf32>
      %select_n3A_801 = arith.select %gt3A_799, %select_n3A_789, %broadcast_in_dim3A_794 : vector<16xi1>, vector<16xi32>
      %select_n3A_802 = arith.select %gt3A_799, %gather3A_798, %select_n3A_788 : vector<16xi1>, vector<16xf32>
      %select_n3A_803 = arith.select %gt3A_799, %broadcast_in_dim3A_794, %select_n3A_789 : vector<16xi1>, vector<16xi32>
      %gt3A_804 = arith.cmpf ogt, %select_n3A_800, %select_n3A_791 : vector<16xf32>
      %select_n3A_805 = arith.select %gt3A_804, %select_n3A_800, %select_n3A_791 : vector<16xi1>, vector<16xf32>
      %select_n3A_806 = arith.select %gt3A_804, %select_n3A_801, %select_n3A_792 : vector<16xi1>, vector<16xi32>
      %broadcast_in_dim3A_807 = arith.constant 57 : i32
      %broadcast_in_dim3A_808 = vector.broadcast %broadcast_in_dim3A_807 : i32 to vector<16xi32>
      %add3A_809 = arith.constant 57 : i32
      %add3A_810 = vector.broadcast %add3A_809 : i32 to vector<16xi32>
      %add3A_811 = arith.addi %mul3A_22, %add3A_810 : vector<16xi32>
      %gather3A_812 = tpu.vector_load_idx %arg5[%add3A_811] : memref<8192xf32, #tpu.memory_space<vmem>>[vector<16xi32>], vector<16xf32>,
      %gt3A_813 = arith.cmpf ogt, %gather3A_812, %select_n3A_802 : vector<16xf32>
      %select_n3A_814 = arith.select %gt3A_813, %select_n3A_802, %gather3A_812 : vector<16xi1>, vector<16xf32>
      %select_n3A_815 = arith.select %gt3A_813, %select_n3A_803, %broadcast_in_dim3A_808 : vector<16xi1>, vector<16xi32>
      %select_n3A_816 = arith.select %gt3A_813, %gather3A_812, %select_n3A_802 : vector<16xi1>, vector<16xf32>
      %select_n3A_817 = arith.select %gt3A_813, %broadcast_in_dim3A_808, %select_n3A_803 : vector<16xi1>, vector<16xi32>
      %gt3A_818 = arith.cmpf ogt, %select_n3A_814, %select_n3A_805 : vector<16xf32>
      %select_n3A_819 = arith.select %gt3A_818, %select_n3A_814, %select_n3A_805 : vector<16xi1>, vector<16xf32>
      %select_n3A_820 = arith.select %gt3A_818, %select_n3A_815, %select_n3A_806 : vector<16xi1>, vector<16xi32>
      %broadcast_in_dim3A_821 = arith.constant 58 : i32
      %broadcast_in_dim3A_822 = vector.broadcast %broadcast_in_dim3A_821 : i32 to vector<16xi32>
      %add3A_823 = arith.constant 58 : i32
      %add3A_824 = vector.broadcast %add3A_823 : i32 to vector<16xi32>
      %add3A_825 = arith.addi %mul3A_22, %add3A_824 : vector<16xi32>
      %gather3A_826 = tpu.vector_load_idx %arg5[%add3A_825] : memref<8192xf32, #tpu.memory_space<vmem>>[vector<16xi32>], vector<16xf32>,
      %gt3A_827 = arith.cmpf ogt, %gather3A_826, %select_n3A_816 : vector<16xf32>
      %select_n3A_828 = arith.select %gt3A_827, %select_n3A_816, %gather3A_826 : vector<16xi1>, vector<16xf32>
      %select_n3A_829 = arith.select %gt3A_827, %select_n3A_817, %broadcast_in_dim3A_822 : vector<16xi1>, vector<16xi32>
      %select_n3A_830 = arith.select %gt3A_827, %gather3A_826, %select_n3A_816 : vector<16xi1>, vector<16xf32>
      %select_n3A_831 = arith.select %gt3A_827, %broadcast_in_dim3A_822, %select_n3A_817 : vector<16xi1>, vector<16xi32>
      %gt3A_832 = arith.cmpf ogt, %select_n3A_828, %select_n3A_819 : vector<16xf32>
      %select_n3A_833 = arith.select %gt3A_832, %select_n3A_828, %select_n3A_819 : vector<16xi1>, vector<16xf32>
      %select_n3A_834 = arith.select %gt3A_832, %select_n3A_829, %select_n3A_820 : vector<16xi1>, vector<16xi32>
      %broadcast_in_dim3A_835 = arith.constant 59 : i32
      %broadcast_in_dim3A_836 = vector.broadcast %broadcast_in_dim3A_835 : i32 to vector<16xi32>
      %add3A_837 = arith.constant 59 : i32
      %add3A_838 = vector.broadcast %add3A_837 : i32 to vector<16xi32>
      %add3A_839 = arith.addi %mul3A_22, %add3A_838 : vector<16xi32>
      %gather3A_840 = tpu.vector_load_idx %arg5[%add3A_839] : memref<8192xf32, #tpu.memory_space<vmem>>[vector<16xi32>], vector<16xf32>,
      %gt3A_841 = arith.cmpf ogt, %gather3A_840, %select_n3A_830 : vector<16xf32>
      %select_n3A_842 = arith.select %gt3A_841, %select_n3A_830, %gather3A_840 : vector<16xi1>, vector<16xf32>
      %select_n3A_843 = arith.select %gt3A_841, %select_n3A_831, %broadcast_in_dim3A_836 : vector<16xi1>, vector<16xi32>
      %select_n3A_844 = arith.select %gt3A_841, %gather3A_840, %select_n3A_830 : vector<16xi1>, vector<16xf32>
      %select_n3A_845 = arith.select %gt3A_841, %broadcast_in_dim3A_836, %select_n3A_831 : vector<16xi1>, vector<16xi32>
      %gt3A_846 = arith.cmpf ogt, %select_n3A_842, %select_n3A_833 : vector<16xf32>
      %select_n3A_847 = arith.select %gt3A_846, %select_n3A_842, %select_n3A_833 : vector<16xi1>, vector<16xf32>
      %select_n3A_848 = arith.select %gt3A_846, %select_n3A_843, %select_n3A_834 : vector<16xi1>, vector<16xi32>
      %broadcast_in_dim3A_849 = arith.constant 60 : i32
      %broadcast_in_dim3A_850 = vector.broadcast %broadcast_in_dim3A_849 : i32 to vector<16xi32>
      %add3A_851 = arith.constant 60 : i32
      %add3A_852 = vector.broadcast %add3A_851 : i32 to vector<16xi32>
      %add3A_853 = arith.addi %mul3A_22, %add3A_852 : vector<16xi32>
      %gather3A_854 = tpu.vector_load_idx %arg5[%add3A_853] : memref<8192xf32, #tpu.memory_space<vmem>>[vector<16xi32>], vector<16xf32>,
      %gt3A_855 = arith.cmpf ogt, %gather3A_854, %select_n3A_844 : vector<16xf32>
      %select_n3A_856 = arith.select %gt3A_855, %select_n3A_844, %gather3A_854 : vector<16xi1>, vector<16xf32>
      %select_n3A_857 = arith.select %gt3A_855, %select_n3A_845, %broadcast_in_dim3A_850 : vector<16xi1>, vector<16xi32>
      %select_n3A_858 = arith.select %gt3A_855, %gather3A_854, %select_n3A_844 : vector<16xi1>, vector<16xf32>
      %select_n3A_859 = arith.select %gt3A_855, %broadcast_in_dim3A_850, %select_n3A_845 : vector<16xi1>, vector<16xi32>
      %gt3A_860 = arith.cmpf ogt, %select_n3A_856, %select_n3A_847 : vector<16xf32>
      %select_n3A_861 = arith.select %gt3A_860, %select_n3A_856, %select_n3A_847 : vector<16xi1>, vector<16xf32>
      %select_n3A_862 = arith.select %gt3A_860, %select_n3A_857, %select_n3A_848 : vector<16xi1>, vector<16xi32>
      %broadcast_in_dim3A_863 = arith.constant 61 : i32
      %broadcast_in_dim3A_864 = vector.broadcast %broadcast_in_dim3A_863 : i32 to vector<16xi32>
      %add3A_865 = arith.constant 61 : i32
      %add3A_866 = vector.broadcast %add3A_865 : i32 to vector<16xi32>
      %add3A_867 = arith.addi %mul3A_22, %add3A_866 : vector<16xi32>
      %gather3A_868 = tpu.vector_load_idx %arg5[%add3A_867] : memref<8192xf32, #tpu.memory_space<vmem>>[vector<16xi32>], vector<16xf32>,
      %gt3A_869 = arith.cmpf ogt, %gather3A_868, %select_n3A_858 : vector<16xf32>
      %select_n3A_870 = arith.select %gt3A_869, %select_n3A_858, %gather3A_868 : vector<16xi1>, vector<16xf32>
      %select_n3A_871 = arith.select %gt3A_869, %select_n3A_859, %broadcast_in_dim3A_864 : vector<16xi1>, vector<16xi32>
      %select_n3A_872 = arith.select %gt3A_869, %gather3A_868, %select_n3A_858 : vector<16xi1>, vector<16xf32>
      %select_n3A_873 = arith.select %gt3A_869, %broadcast_in_dim3A_864, %select_n3A_859 : vector<16xi1>, vector<16xi32>
      %gt3A_874 = arith.cmpf ogt, %select_n3A_870, %select_n3A_861 : vector<16xf32>
      %select_n3A_875 = arith.select %gt3A_874, %select_n3A_870, %select_n3A_861 : vector<16xi1>, vector<16xf32>
      %select_n3A_876 = arith.select %gt3A_874, %select_n3A_871, %select_n3A_862 : vector<16xi1>, vector<16xi32>
      %broadcast_in_dim3A_877 = arith.constant 62 : i32
      %broadcast_in_dim3A_878 = vector.broadcast %broadcast_in_dim3A_877 : i32 to vector<16xi32>
      %add3A_879 = arith.constant 62 : i32
      %add3A_880 = vector.broadcast %add3A_879 : i32 to vector<16xi32>
      %add3A_881 = arith.addi %mul3A_22, %add3A_880 : vector<16xi32>
      %gather3A_882 = tpu.vector_load_idx %arg5[%add3A_881] : memref<8192xf32, #tpu.memory_space<vmem>>[vector<16xi32>], vector<16xf32>,
      %gt3A_883 = arith.cmpf ogt, %gather3A_882, %select_n3A_872 : vector<16xf32>
      %select_n3A_884 = arith.select %gt3A_883, %select_n3A_872, %gather3A_882 : vector<16xi1>, vector<16xf32>
      %select_n3A_885 = arith.select %gt3A_883, %select_n3A_873, %broadcast_in_dim3A_878 : vector<16xi1>, vector<16xi32>
      %select_n3A_886 = arith.select %gt3A_883, %gather3A_882, %select_n3A_872 : vector<16xi1>, vector<16xf32>
      %select_n3A_887 = arith.select %gt3A_883, %broadcast_in_dim3A_878, %select_n3A_873 : vector<16xi1>, vector<16xi32>
      %gt3A_888 = arith.cmpf ogt, %select_n3A_884, %select_n3A_875 : vector<16xf32>
      %select_n3A_889 = arith.select %gt3A_888, %select_n3A_884, %select_n3A_875 : vector<16xi1>, vector<16xf32>
      %select_n3A_890 = arith.select %gt3A_888, %select_n3A_885, %select_n3A_876 : vector<16xi1>, vector<16xi32>
      %broadcast_in_dim3A_891 = arith.constant 63 : i32
      %broadcast_in_dim3A_892 = vector.broadcast %broadcast_in_dim3A_891 : i32 to vector<16xi32>
      %add3A_893 = arith.constant 63 : i32
      %add3A_894 = vector.broadcast %add3A_893 : i32 to vector<16xi32>
      %add3A_895 = arith.addi %mul3A_22, %add3A_894 : vector<16xi32>
      %gather3A_896 = tpu.vector_load_idx %arg5[%add3A_895] : memref<8192xf32, #tpu.memory_space<vmem>>[vector<16xi32>], vector<16xf32>,
      %gt3A_897 = arith.cmpf ogt, %gather3A_896, %select_n3A_886 : vector<16xf32>
      %select_n3A_898 = arith.select %gt3A_897, %select_n3A_886, %gather3A_896 : vector<16xi1>, vector<16xf32>
      %select_n3A_899 = arith.select %gt3A_897, %select_n3A_887, %broadcast_in_dim3A_892 : vector<16xi1>, vector<16xi32>
      %select_n3A_900 = arith.select %gt3A_897, %gather3A_896, %select_n3A_886 : vector<16xi1>, vector<16xf32>
      %select_n3A_901 = arith.select %gt3A_897, %broadcast_in_dim3A_892, %select_n3A_887 : vector<16xi1>, vector<16xi32>
      %gt3A_902 = arith.cmpf ogt, %select_n3A_898, %select_n3A_889 : vector<16xf32>
      %select_n3A_903 = arith.select %gt3A_902, %select_n3A_898, %select_n3A_889 : vector<16xi1>, vector<16xf32>
      %select_n3A_904 = arith.select %gt3A_902, %select_n3A_899, %select_n3A_890 : vector<16xi1>, vector<16xi32>
      %sub3A = arith.subf %select_n3A_903, %select_n3A_900 : vector<16xf32>
      %exp3A = math.exp %sub3A : vector<16xf32>
      %add3A_905 = arith.constant 1.000000e+00 : f32
      %add3A_906 = vector.broadcast %add3A_905 : f32 to vector<16xf32>
      %add3A_907 = arith.addf %add3A_906, %exp3A : vector<16xf32>
      %div3A = arith.constant 1.000000e+00 : f32
      %div3A_908 = vector.broadcast %div3A : f32 to vector<16xf32>
      %div3A_909 = arith.divf %div3A_908, %add3A_907 : vector<16xf32>
      %sub3A_910 = arith.constant 1.000000e+00 : f32
      %sub3A_911 = vector.broadcast %sub3A_910 : f32 to vector<16xf32>
      %sub3A_912 = arith.subf %sub3A_911, %div3A_909 : vector<16xf32>
      %mul3A_913 = arith.constant 32 : i32
      %mul3A_914 = arith.muli %scan3A_15, %mul3A_913 : i32
      %mul3A_915 = arith.constant 2 : i32
      %mul3A_916 = vector.broadcast %mul3A_915 : i32 to vector<16xi32>
      %mul3A_917 = arith.muli %mul3A_916, %iota3A : vector<16xi32>
      %add3A_918 = vector.broadcast %mul3A_914 : i32 to vector<16xi32>
      %add3A_919 = arith.addi %add3A_918, %mul3A_917 : vector<16xi32>
      tpu.vector_store_idx %arg6[%add3A_919], %select_n3A_901 : memref<256xi32, #tpu.memory_space<vmem>>[vector<16xi32>], vector<16xi32>,
      %add3A_920 = arith.constant 1 : i32
      %add3A_921 = vector.broadcast %add3A_920 : i32 to vector<16xi32>
      %add3A_922 = arith.addi %add3A_919, %add3A_921 : vector<16xi32>
      tpu.vector_store_idx %arg6[%add3A_922], %select_n3A_904 : memref<256xi32, #tpu.memory_space<vmem>>[vector<16xi32>], vector<16xi32>,
      tpu.vector_store_idx %arg7[%add3A_919], %div3A_909 : memref<256xf32, #tpu.memory_space<vmem>>[vector<16xi32>], vector<16xf32>,
      %add3A_923 = arith.constant 1 : i32
      %add3A_924 = vector.broadcast %add3A_923 : i32 to vector<16xi32>
      %add3A_925 = arith.addi %add3A_919, %add3A_924 : vector<16xi32>
      tpu.vector_store_idx %arg7[%add3A_925], %sub3A_912 : memref<256xf32, #tpu.memory_space<vmem>>[vector<16xi32>], vector<16xf32>,
    }
    %scan3A_10 = arith.constant 8 : i32
    %mul3A_11 = arith.constant 2 : i32
    %mul3A_12 = arith.muli %mul3A_11, %mul3A_2 : i32
    "tpu.region"() ({
      %run_scoped3A = tpu.sem_alloc : memref<!tpu.dma_semaphore, #tpu.memory_space<semaphore_mem>>
      %dma_start3A = tpu.memref_slice %arg3[%mul3A_12] : memref<8192xi32, #tpu.memory_space<hbm>> -> memref<256xi32, #tpu.memory_space<hbm>>
      %dma_start3A_15 = tpu.memref_slice %arg3[%mul3A_12] : memref<8192xi32, #tpu.memory_space<hbm>> -> memref<256xi32, #tpu.memory_space<hbm>>
      tpu.enqueue_dma source(%arg6 : memref<256xi32, #tpu.memory_space<vmem>>) target(%dma_start3A_15 : memref<256xi32, #tpu.memory_space<hbm>>) target_semaphore(%run_scoped3A : memref<!tpu.dma_semaphore, #tpu.memory_space<semaphore_mem>>)
      %dma_wait3A = tpu.memref_slice %arg3[%mul3A_12] : memref<8192xi32, #tpu.memory_space<hbm>> -> memref<256xi32, #tpu.memory_space<hbm>>
      %dma_wait3A_16 = tpu.memref_slice %arg3[%mul3A_12] : memref<8192xi32, #tpu.memory_space<hbm>> -> memref<256xi32, #tpu.memory_space<hbm>>
      tpu.wait_dma2 semaphore(%run_scoped3A : memref<!tpu.dma_semaphore, #tpu.memory_space<semaphore_mem>>) src(%arg6 : memref<256xi32, #tpu.memory_space<vmem>>) dst(%dma_wait3A_16 : memref<256xi32, #tpu.memory_space<hbm>>)
      tpu.yield
    }) : () -> ()
    %mul3A_13 = arith.constant 2 : i32
    %mul3A_14 = arith.muli %mul3A_13, %mul3A_2 : i32
    "tpu.region"() ({
      %run_scoped3A = tpu.sem_alloc : memref<!tpu.dma_semaphore, #tpu.memory_space<semaphore_mem>>
      %dma_start3A = tpu.memref_slice %arg4[%mul3A_14] : memref<8192xf32, #tpu.memory_space<hbm>> -> memref<256xf32, #tpu.memory_space<hbm>>
      %dma_start3A_15 = tpu.memref_slice %arg4[%mul3A_14] : memref<8192xf32, #tpu.memory_space<hbm>> -> memref<256xf32, #tpu.memory_space<hbm>>
      tpu.enqueue_dma source(%arg7 : memref<256xf32, #tpu.memory_space<vmem>>) target(%dma_start3A_15 : memref<256xf32, #tpu.memory_space<hbm>>) target_semaphore(%run_scoped3A : memref<!tpu.dma_semaphore, #tpu.memory_space<semaphore_mem>>)
      %dma_wait3A = tpu.memref_slice %arg4[%mul3A_14] : memref<8192xf32, #tpu.memory_space<hbm>> -> memref<256xf32, #tpu.memory_space<hbm>>
      %dma_wait3A_16 = tpu.memref_slice %arg4[%mul3A_14] : memref<8192xf32, #tpu.memory_space<hbm>> -> memref<256xf32, #tpu.memory_space<hbm>>
      tpu.wait_dma2 semaphore(%run_scoped3A : memref<!tpu.dma_semaphore, #tpu.memory_space<semaphore_mem>>) src(%arg7 : memref<256xf32, #tpu.memory_space<vmem>>) dst(%dma_wait3A_16 : memref<256xf32, #tpu.memory_space<hbm>>)
      tpu.yield
    }) : () -> ()
    return
  }
}

#map = affine_map<(d0, d1) -> (0)>
module attributes {stable_mosaic.version = 14 : i64} {
  func.func @_topk_body(%arg0: i32, %arg1: i32, %arg2: memref<131072xf32, #tpu.memory_space<hbm>>, %arg3: memref<4096xi32, #tpu.memory_space<hbm>>, %arg4: memref<4096xf32, #tpu.memory_space<hbm>>, %arg5: memref<4096xf32, #tpu.memory_space<vmem>>, %arg6: memref<128xi32, #tpu.memory_space<vmem>>, %arg7: memref<128xf32, #tpu.memory_space<vmem>>) attributes {dimension_semantics = [#tpu.dimension_semantics<core_parallel>, #tpu.dimension_semantics<subcore_parallel>], iteration_bounds = array<i64: 2, 16>, scalar_prefetch = 0 : i64, scratch_operands = 3 : i64, tpu.core_type = #tpu.core_type<sc_vector_subcore>, window_params = [{transform_indices = #map}, {transform_indices = #map}, {transform_indices = #map}]} {
    %mul3A = arith.constant 2 : i32
    %mul3A_0 = arith.muli %arg1, %mul3A : i32
    %add3A = arith.addi %mul3A_0, %arg0 : i32
    %mul3A_1 = arith.constant 64 : i32
    %mul3A_2 = arith.muli %add3A, %mul3A_1 : i32
    %mul3A_3 = arith.constant 64 : i32
    %mul3A_4 = arith.muli %mul3A_2, %mul3A_3 : i32
    "tpu.region"() ({
      %run_scoped3A = tpu.sem_alloc : memref<!tpu.dma_semaphore, #tpu.memory_space<semaphore_mem>>
      %dma_start3A = tpu.memref_slice %arg2[%mul3A_4] : memref<131072xf32, #tpu.memory_space<hbm>> -> memref<4096xf32, #tpu.memory_space<hbm>>
      %dma_start3A_15 = tpu.memref_slice %arg2[%mul3A_4] : memref<131072xf32, #tpu.memory_space<hbm>> -> memref<4096xf32, #tpu.memory_space<hbm>>
      tpu.enqueue_dma source(%dma_start3A_15 : memref<4096xf32, #tpu.memory_space<hbm>>) target(%arg5 : memref<4096xf32, #tpu.memory_space<vmem>>) target_semaphore(%run_scoped3A : memref<!tpu.dma_semaphore, #tpu.memory_space<semaphore_mem>>)
      %dma_wait3A = tpu.memref_slice %arg2[%mul3A_4] : memref<131072xf32, #tpu.memory_space<hbm>> -> memref<4096xf32, #tpu.memory_space<hbm>>
      %dma_wait3A_16 = tpu.memref_slice %arg2[%mul3A_4] : memref<131072xf32, #tpu.memory_space<hbm>> -> memref<4096xf32, #tpu.memory_space<hbm>>
      tpu.wait_dma2 semaphore(%run_scoped3A : memref<!tpu.dma_semaphore, #tpu.memory_space<semaphore_mem>>) src(%dma_wait3A_16 : memref<4096xf32, #tpu.memory_space<hbm>>) dst(%arg5 : memref<4096xf32, #tpu.memory_space<vmem>>)
      tpu.yield
    }) : () -> ()
    %iota3A = tpu.iota {dimensions = array<i32: 0>} : vector<16xi32>
    %broadcast_in_dim3A = arith.constant 0 : i32
    %broadcast_in_dim3A_5 = vector.broadcast %broadcast_in_dim3A : i32 to vector<16xi32>
    %scan3A = arith.constant 0 : i32
    %scan3A_6 = arith.constant 0 : i32
    %scan3A_7 = arith.constant 4 : i32
    %scan3A_8 = arith.addi %scan3A_6, %scan3A_7 : i32
    %scan3A_9 = arith.constant 1 : i32
    scf.for %scan3A_15 = %scan3A_6 to %scan3A_8 step %scan3A_9  : i32 {
      %mul3A_16 = arith.constant 16 : i32
      %mul3A_17 = arith.muli %scan3A_15, %mul3A_16 : i32
      %add3A_18 = vector.broadcast %mul3A_17 : i32 to vector<16xi32>
      %add3A_19 = arith.addi %add3A_18, %iota3A : vector<16xi32>
      %mul3A_20 = arith.constant 64 : i32
      %mul3A_21 = vector.broadcast %mul3A_20 : i32 to vector<16xi32>
      %mul3A_22 = arith.muli %add3A_19, %mul3A_21 : vector<16xi32>
      %gather3A = tpu.vector_load_idx %arg5[%mul3A_22] : memref<4096xf32, #tpu.memory_space<vmem>>[vector<16xi32>], vector<16xf32>,
      %broadcast_in_dim3A_23 = arith.constant 0xFF800000 : f32
      %broadcast_in_dim3A_24 = vector.broadcast %broadcast_in_dim3A_23 : f32 to vector<16xf32>
      %broadcast_in_dim3A_25 = arith.constant 1 : i32
      %broadcast_in_dim3A_26 = vector.broadcast %broadcast_in_dim3A_25 : i32 to vector<16xi32>
      %add3A_27 = arith.constant 1 : i32
      %add3A_28 = vector.broadcast %add3A_27 : i32 to vector<16xi32>
      %add3A_29 = arith.addi %mul3A_22, %add3A_28 : vector<16xi32>
      %gather3A_30 = tpu.vector_load_idx %arg5[%add3A_29] : memref<4096xf32, #tpu.memory_space<vmem>>[vector<16xi32>], vector<16xf32>,
      %gt3A = arith.cmpf ogt, %gather3A_30, %gather3A : vector<16xf32>
      %select_n3A = arith.select %gt3A, %gather3A, %gather3A_30 : vector<16xi1>, vector<16xf32>
      %select_n3A_31 = arith.select %gt3A, %broadcast_in_dim3A_5, %broadcast_in_dim3A_26 : vector<16xi1>, vector<16xi32>
      %select_n3A_32 = arith.select %gt3A, %gather3A_30, %gather3A : vector<16xi1>, vector<16xf32>
      %select_n3A_33 = arith.select %gt3A, %broadcast_in_dim3A_26, %broadcast_in_dim3A_5 : vector<16xi1>, vector<16xi32>
      %gt3A_34 = arith.cmpf ogt, %select_n3A, %broadcast_in_dim3A_24 : vector<16xf32>
      %select_n3A_35 = arith.select %gt3A_34, %select_n3A, %broadcast_in_dim3A_24 : vector<16xi1>, vector<16xf32>
      %select_n3A_36 = arith.select %gt3A_34, %select_n3A_31, %broadcast_in_dim3A_5 : vector<16xi1>, vector<16xi32>
      %broadcast_in_dim3A_37 = arith.constant 2 : i32
      %broadcast_in_dim3A_38 = vector.broadcast %broadcast_in_dim3A_37 : i32 to vector<16xi32>
      %add3A_39 = arith.constant 2 : i32
      %add3A_40 = vector.broadcast %add3A_39 : i32 to vector<16xi32>
      %add3A_41 = arith.addi %mul3A_22, %add3A_40 : vector<16xi32>
      %gather3A_42 = tpu.vector_load_idx %arg5[%add3A_41] : memref<4096xf32, #tpu.memory_space<vmem>>[vector<16xi32>], vector<16xf32>,
      %gt3A_43 = arith.cmpf ogt, %gather3A_42, %select_n3A_32 : vector<16xf32>
      %select_n3A_44 = arith.select %gt3A_43, %select_n3A_32, %gather3A_42 : vector<16xi1>, vector<16xf32>
      %select_n3A_45 = arith.select %gt3A_43, %select_n3A_33, %broadcast_in_dim3A_38 : vector<16xi1>, vector<16xi32>
      %select_n3A_46 = arith.select %gt3A_43, %gather3A_42, %select_n3A_32 : vector<16xi1>, vector<16xf32>
      %select_n3A_47 = arith.select %gt3A_43, %broadcast_in_dim3A_38, %select_n3A_33 : vector<16xi1>, vector<16xi32>
      %gt3A_48 = arith.cmpf ogt, %select_n3A_44, %select_n3A_35 : vector<16xf32>
      %select_n3A_49 = arith.select %gt3A_48, %select_n3A_44, %select_n3A_35 : vector<16xi1>, vector<16xf32>
      %select_n3A_50 = arith.select %gt3A_48, %select_n3A_45, %select_n3A_36 : vector<16xi1>, vector<16xi32>
      %broadcast_in_dim3A_51 = arith.constant 3 : i32
      %broadcast_in_dim3A_52 = vector.broadcast %broadcast_in_dim3A_51 : i32 to vector<16xi32>
      %add3A_53 = arith.constant 3 : i32
      %add3A_54 = vector.broadcast %add3A_53 : i32 to vector<16xi32>
      %add3A_55 = arith.addi %mul3A_22, %add3A_54 : vector<16xi32>
      %gather3A_56 = tpu.vector_load_idx %arg5[%add3A_55] : memref<4096xf32, #tpu.memory_space<vmem>>[vector<16xi32>], vector<16xf32>,
      %gt3A_57 = arith.cmpf ogt, %gather3A_56, %select_n3A_46 : vector<16xf32>
      %select_n3A_58 = arith.select %gt3A_57, %select_n3A_46, %gather3A_56 : vector<16xi1>, vector<16xf32>
      %select_n3A_59 = arith.select %gt3A_57, %select_n3A_47, %broadcast_in_dim3A_52 : vector<16xi1>, vector<16xi32>
      %select_n3A_60 = arith.select %gt3A_57, %gather3A_56, %select_n3A_46 : vector<16xi1>, vector<16xf32>
      %select_n3A_61 = arith.select %gt3A_57, %broadcast_in_dim3A_52, %select_n3A_47 : vector<16xi1>, vector<16xi32>
      %gt3A_62 = arith.cmpf ogt, %select_n3A_58, %select_n3A_49 : vector<16xf32>
      %select_n3A_63 = arith.select %gt3A_62, %select_n3A_58, %select_n3A_49 : vector<16xi1>, vector<16xf32>
      %select_n3A_64 = arith.select %gt3A_62, %select_n3A_59, %select_n3A_50 : vector<16xi1>, vector<16xi32>
      %broadcast_in_dim3A_65 = arith.constant 4 : i32
      %broadcast_in_dim3A_66 = vector.broadcast %broadcast_in_dim3A_65 : i32 to vector<16xi32>
      %add3A_67 = arith.constant 4 : i32
      %add3A_68 = vector.broadcast %add3A_67 : i32 to vector<16xi32>
      %add3A_69 = arith.addi %mul3A_22, %add3A_68 : vector<16xi32>
      %gather3A_70 = tpu.vector_load_idx %arg5[%add3A_69] : memref<4096xf32, #tpu.memory_space<vmem>>[vector<16xi32>], vector<16xf32>,
      %gt3A_71 = arith.cmpf ogt, %gather3A_70, %select_n3A_60 : vector<16xf32>
      %select_n3A_72 = arith.select %gt3A_71, %select_n3A_60, %gather3A_70 : vector<16xi1>, vector<16xf32>
      %select_n3A_73 = arith.select %gt3A_71, %select_n3A_61, %broadcast_in_dim3A_66 : vector<16xi1>, vector<16xi32>
      %select_n3A_74 = arith.select %gt3A_71, %gather3A_70, %select_n3A_60 : vector<16xi1>, vector<16xf32>
      %select_n3A_75 = arith.select %gt3A_71, %broadcast_in_dim3A_66, %select_n3A_61 : vector<16xi1>, vector<16xi32>
      %gt3A_76 = arith.cmpf ogt, %select_n3A_72, %select_n3A_63 : vector<16xf32>
      %select_n3A_77 = arith.select %gt3A_76, %select_n3A_72, %select_n3A_63 : vector<16xi1>, vector<16xf32>
      %select_n3A_78 = arith.select %gt3A_76, %select_n3A_73, %select_n3A_64 : vector<16xi1>, vector<16xi32>
      %broadcast_in_dim3A_79 = arith.constant 5 : i32
      %broadcast_in_dim3A_80 = vector.broadcast %broadcast_in_dim3A_79 : i32 to vector<16xi32>
      %add3A_81 = arith.constant 5 : i32
      %add3A_82 = vector.broadcast %add3A_81 : i32 to vector<16xi32>
      %add3A_83 = arith.addi %mul3A_22, %add3A_82 : vector<16xi32>
      %gather3A_84 = tpu.vector_load_idx %arg5[%add3A_83] : memref<4096xf32, #tpu.memory_space<vmem>>[vector<16xi32>], vector<16xf32>,
      %gt3A_85 = arith.cmpf ogt, %gather3A_84, %select_n3A_74 : vector<16xf32>
      %select_n3A_86 = arith.select %gt3A_85, %select_n3A_74, %gather3A_84 : vector<16xi1>, vector<16xf32>
      %select_n3A_87 = arith.select %gt3A_85, %select_n3A_75, %broadcast_in_dim3A_80 : vector<16xi1>, vector<16xi32>
      %select_n3A_88 = arith.select %gt3A_85, %gather3A_84, %select_n3A_74 : vector<16xi1>, vector<16xf32>
      %select_n3A_89 = arith.select %gt3A_85, %broadcast_in_dim3A_80, %select_n3A_75 : vector<16xi1>, vector<16xi32>
      %gt3A_90 = arith.cmpf ogt, %select_n3A_86, %select_n3A_77 : vector<16xf32>
      %select_n3A_91 = arith.select %gt3A_90, %select_n3A_86, %select_n3A_77 : vector<16xi1>, vector<16xf32>
      %select_n3A_92 = arith.select %gt3A_90, %select_n3A_87, %select_n3A_78 : vector<16xi1>, vector<16xi32>
      %broadcast_in_dim3A_93 = arith.constant 6 : i32
      %broadcast_in_dim3A_94 = vector.broadcast %broadcast_in_dim3A_93 : i32 to vector<16xi32>
      %add3A_95 = arith.constant 6 : i32
      %add3A_96 = vector.broadcast %add3A_95 : i32 to vector<16xi32>
      %add3A_97 = arith.addi %mul3A_22, %add3A_96 : vector<16xi32>
      %gather3A_98 = tpu.vector_load_idx %arg5[%add3A_97] : memref<4096xf32, #tpu.memory_space<vmem>>[vector<16xi32>], vector<16xf32>,
      %gt3A_99 = arith.cmpf ogt, %gather3A_98, %select_n3A_88 : vector<16xf32>
      %select_n3A_100 = arith.select %gt3A_99, %select_n3A_88, %gather3A_98 : vector<16xi1>, vector<16xf32>
      %select_n3A_101 = arith.select %gt3A_99, %select_n3A_89, %broadcast_in_dim3A_94 : vector<16xi1>, vector<16xi32>
      %select_n3A_102 = arith.select %gt3A_99, %gather3A_98, %select_n3A_88 : vector<16xi1>, vector<16xf32>
      %select_n3A_103 = arith.select %gt3A_99, %broadcast_in_dim3A_94, %select_n3A_89 : vector<16xi1>, vector<16xi32>
      %gt3A_104 = arith.cmpf ogt, %select_n3A_100, %select_n3A_91 : vector<16xf32>
      %select_n3A_105 = arith.select %gt3A_104, %select_n3A_100, %select_n3A_91 : vector<16xi1>, vector<16xf32>
      %select_n3A_106 = arith.select %gt3A_104, %select_n3A_101, %select_n3A_92 : vector<16xi1>, vector<16xi32>
      %broadcast_in_dim3A_107 = arith.constant 7 : i32
      %broadcast_in_dim3A_108 = vector.broadcast %broadcast_in_dim3A_107 : i32 to vector<16xi32>
      %add3A_109 = arith.constant 7 : i32
      %add3A_110 = vector.broadcast %add3A_109 : i32 to vector<16xi32>
      %add3A_111 = arith.addi %mul3A_22, %add3A_110 : vector<16xi32>
      %gather3A_112 = tpu.vector_load_idx %arg5[%add3A_111] : memref<4096xf32, #tpu.memory_space<vmem>>[vector<16xi32>], vector<16xf32>,
      %gt3A_113 = arith.cmpf ogt, %gather3A_112, %select_n3A_102 : vector<16xf32>
      %select_n3A_114 = arith.select %gt3A_113, %select_n3A_102, %gather3A_112 : vector<16xi1>, vector<16xf32>
      %select_n3A_115 = arith.select %gt3A_113, %select_n3A_103, %broadcast_in_dim3A_108 : vector<16xi1>, vector<16xi32>
      %select_n3A_116 = arith.select %gt3A_113, %gather3A_112, %select_n3A_102 : vector<16xi1>, vector<16xf32>
      %select_n3A_117 = arith.select %gt3A_113, %broadcast_in_dim3A_108, %select_n3A_103 : vector<16xi1>, vector<16xi32>
      %gt3A_118 = arith.cmpf ogt, %select_n3A_114, %select_n3A_105 : vector<16xf32>
      %select_n3A_119 = arith.select %gt3A_118, %select_n3A_114, %select_n3A_105 : vector<16xi1>, vector<16xf32>
      %select_n3A_120 = arith.select %gt3A_118, %select_n3A_115, %select_n3A_106 : vector<16xi1>, vector<16xi32>
      %broadcast_in_dim3A_121 = arith.constant 8 : i32
      %broadcast_in_dim3A_122 = vector.broadcast %broadcast_in_dim3A_121 : i32 to vector<16xi32>
      %add3A_123 = arith.constant 8 : i32
      %add3A_124 = vector.broadcast %add3A_123 : i32 to vector<16xi32>
      %add3A_125 = arith.addi %mul3A_22, %add3A_124 : vector<16xi32>
      %gather3A_126 = tpu.vector_load_idx %arg5[%add3A_125] : memref<4096xf32, #tpu.memory_space<vmem>>[vector<16xi32>], vector<16xf32>,
      %gt3A_127 = arith.cmpf ogt, %gather3A_126, %select_n3A_116 : vector<16xf32>
      %select_n3A_128 = arith.select %gt3A_127, %select_n3A_116, %gather3A_126 : vector<16xi1>, vector<16xf32>
      %select_n3A_129 = arith.select %gt3A_127, %select_n3A_117, %broadcast_in_dim3A_122 : vector<16xi1>, vector<16xi32>
      %select_n3A_130 = arith.select %gt3A_127, %gather3A_126, %select_n3A_116 : vector<16xi1>, vector<16xf32>
      %select_n3A_131 = arith.select %gt3A_127, %broadcast_in_dim3A_122, %select_n3A_117 : vector<16xi1>, vector<16xi32>
      %gt3A_132 = arith.cmpf ogt, %select_n3A_128, %select_n3A_119 : vector<16xf32>
      %select_n3A_133 = arith.select %gt3A_132, %select_n3A_128, %select_n3A_119 : vector<16xi1>, vector<16xf32>
      %select_n3A_134 = arith.select %gt3A_132, %select_n3A_129, %select_n3A_120 : vector<16xi1>, vector<16xi32>
      %broadcast_in_dim3A_135 = arith.constant 9 : i32
      %broadcast_in_dim3A_136 = vector.broadcast %broadcast_in_dim3A_135 : i32 to vector<16xi32>
      %add3A_137 = arith.constant 9 : i32
      %add3A_138 = vector.broadcast %add3A_137 : i32 to vector<16xi32>
      %add3A_139 = arith.addi %mul3A_22, %add3A_138 : vector<16xi32>
      %gather3A_140 = tpu.vector_load_idx %arg5[%add3A_139] : memref<4096xf32, #tpu.memory_space<vmem>>[vector<16xi32>], vector<16xf32>,
      %gt3A_141 = arith.cmpf ogt, %gather3A_140, %select_n3A_130 : vector<16xf32>
      %select_n3A_142 = arith.select %gt3A_141, %select_n3A_130, %gather3A_140 : vector<16xi1>, vector<16xf32>
      %select_n3A_143 = arith.select %gt3A_141, %select_n3A_131, %broadcast_in_dim3A_136 : vector<16xi1>, vector<16xi32>
      %select_n3A_144 = arith.select %gt3A_141, %gather3A_140, %select_n3A_130 : vector<16xi1>, vector<16xf32>
      %select_n3A_145 = arith.select %gt3A_141, %broadcast_in_dim3A_136, %select_n3A_131 : vector<16xi1>, vector<16xi32>
      %gt3A_146 = arith.cmpf ogt, %select_n3A_142, %select_n3A_133 : vector<16xf32>
      %select_n3A_147 = arith.select %gt3A_146, %select_n3A_142, %select_n3A_133 : vector<16xi1>, vector<16xf32>
      %select_n3A_148 = arith.select %gt3A_146, %select_n3A_143, %select_n3A_134 : vector<16xi1>, vector<16xi32>
      %broadcast_in_dim3A_149 = arith.constant 10 : i32
      %broadcast_in_dim3A_150 = vector.broadcast %broadcast_in_dim3A_149 : i32 to vector<16xi32>
      %add3A_151 = arith.constant 10 : i32
      %add3A_152 = vector.broadcast %add3A_151 : i32 to vector<16xi32>
      %add3A_153 = arith.addi %mul3A_22, %add3A_152 : vector<16xi32>
      %gather3A_154 = tpu.vector_load_idx %arg5[%add3A_153] : memref<4096xf32, #tpu.memory_space<vmem>>[vector<16xi32>], vector<16xf32>,
      %gt3A_155 = arith.cmpf ogt, %gather3A_154, %select_n3A_144 : vector<16xf32>
      %select_n3A_156 = arith.select %gt3A_155, %select_n3A_144, %gather3A_154 : vector<16xi1>, vector<16xf32>
      %select_n3A_157 = arith.select %gt3A_155, %select_n3A_145, %broadcast_in_dim3A_150 : vector<16xi1>, vector<16xi32>
      %select_n3A_158 = arith.select %gt3A_155, %gather3A_154, %select_n3A_144 : vector<16xi1>, vector<16xf32>
      %select_n3A_159 = arith.select %gt3A_155, %broadcast_in_dim3A_150, %select_n3A_145 : vector<16xi1>, vector<16xi32>
      %gt3A_160 = arith.cmpf ogt, %select_n3A_156, %select_n3A_147 : vector<16xf32>
      %select_n3A_161 = arith.select %gt3A_160, %select_n3A_156, %select_n3A_147 : vector<16xi1>, vector<16xf32>
      %select_n3A_162 = arith.select %gt3A_160, %select_n3A_157, %select_n3A_148 : vector<16xi1>, vector<16xi32>
      %broadcast_in_dim3A_163 = arith.constant 11 : i32
      %broadcast_in_dim3A_164 = vector.broadcast %broadcast_in_dim3A_163 : i32 to vector<16xi32>
      %add3A_165 = arith.constant 11 : i32
      %add3A_166 = vector.broadcast %add3A_165 : i32 to vector<16xi32>
      %add3A_167 = arith.addi %mul3A_22, %add3A_166 : vector<16xi32>
      %gather3A_168 = tpu.vector_load_idx %arg5[%add3A_167] : memref<4096xf32, #tpu.memory_space<vmem>>[vector<16xi32>], vector<16xf32>,
      %gt3A_169 = arith.cmpf ogt, %gather3A_168, %select_n3A_158 : vector<16xf32>
      %select_n3A_170 = arith.select %gt3A_169, %select_n3A_158, %gather3A_168 : vector<16xi1>, vector<16xf32>
      %select_n3A_171 = arith.select %gt3A_169, %select_n3A_159, %broadcast_in_dim3A_164 : vector<16xi1>, vector<16xi32>
      %select_n3A_172 = arith.select %gt3A_169, %gather3A_168, %select_n3A_158 : vector<16xi1>, vector<16xf32>
      %select_n3A_173 = arith.select %gt3A_169, %broadcast_in_dim3A_164, %select_n3A_159 : vector<16xi1>, vector<16xi32>
      %gt3A_174 = arith.cmpf ogt, %select_n3A_170, %select_n3A_161 : vector<16xf32>
      %select_n3A_175 = arith.select %gt3A_174, %select_n3A_170, %select_n3A_161 : vector<16xi1>, vector<16xf32>
      %select_n3A_176 = arith.select %gt3A_174, %select_n3A_171, %select_n3A_162 : vector<16xi1>, vector<16xi32>
      %broadcast_in_dim3A_177 = arith.constant 12 : i32
      %broadcast_in_dim3A_178 = vector.broadcast %broadcast_in_dim3A_177 : i32 to vector<16xi32>
      %add3A_179 = arith.constant 12 : i32
      %add3A_180 = vector.broadcast %add3A_179 : i32 to vector<16xi32>
      %add3A_181 = arith.addi %mul3A_22, %add3A_180 : vector<16xi32>
      %gather3A_182 = tpu.vector_load_idx %arg5[%add3A_181] : memref<4096xf32, #tpu.memory_space<vmem>>[vector<16xi32>], vector<16xf32>,
      %gt3A_183 = arith.cmpf ogt, %gather3A_182, %select_n3A_172 : vector<16xf32>
      %select_n3A_184 = arith.select %gt3A_183, %select_n3A_172, %gather3A_182 : vector<16xi1>, vector<16xf32>
      %select_n3A_185 = arith.select %gt3A_183, %select_n3A_173, %broadcast_in_dim3A_178 : vector<16xi1>, vector<16xi32>
      %select_n3A_186 = arith.select %gt3A_183, %gather3A_182, %select_n3A_172 : vector<16xi1>, vector<16xf32>
      %select_n3A_187 = arith.select %gt3A_183, %broadcast_in_dim3A_178, %select_n3A_173 : vector<16xi1>, vector<16xi32>
      %gt3A_188 = arith.cmpf ogt, %select_n3A_184, %select_n3A_175 : vector<16xf32>
      %select_n3A_189 = arith.select %gt3A_188, %select_n3A_184, %select_n3A_175 : vector<16xi1>, vector<16xf32>
      %select_n3A_190 = arith.select %gt3A_188, %select_n3A_185, %select_n3A_176 : vector<16xi1>, vector<16xi32>
      %broadcast_in_dim3A_191 = arith.constant 13 : i32
      %broadcast_in_dim3A_192 = vector.broadcast %broadcast_in_dim3A_191 : i32 to vector<16xi32>
      %add3A_193 = arith.constant 13 : i32
      %add3A_194 = vector.broadcast %add3A_193 : i32 to vector<16xi32>
      %add3A_195 = arith.addi %mul3A_22, %add3A_194 : vector<16xi32>
      %gather3A_196 = tpu.vector_load_idx %arg5[%add3A_195] : memref<4096xf32, #tpu.memory_space<vmem>>[vector<16xi32>], vector<16xf32>,
      %gt3A_197 = arith.cmpf ogt, %gather3A_196, %select_n3A_186 : vector<16xf32>
      %select_n3A_198 = arith.select %gt3A_197, %select_n3A_186, %gather3A_196 : vector<16xi1>, vector<16xf32>
      %select_n3A_199 = arith.select %gt3A_197, %select_n3A_187, %broadcast_in_dim3A_192 : vector<16xi1>, vector<16xi32>
      %select_n3A_200 = arith.select %gt3A_197, %gather3A_196, %select_n3A_186 : vector<16xi1>, vector<16xf32>
      %select_n3A_201 = arith.select %gt3A_197, %broadcast_in_dim3A_192, %select_n3A_187 : vector<16xi1>, vector<16xi32>
      %gt3A_202 = arith.cmpf ogt, %select_n3A_198, %select_n3A_189 : vector<16xf32>
      %select_n3A_203 = arith.select %gt3A_202, %select_n3A_198, %select_n3A_189 : vector<16xi1>, vector<16xf32>
      %select_n3A_204 = arith.select %gt3A_202, %select_n3A_199, %select_n3A_190 : vector<16xi1>, vector<16xi32>
      %broadcast_in_dim3A_205 = arith.constant 14 : i32
      %broadcast_in_dim3A_206 = vector.broadcast %broadcast_in_dim3A_205 : i32 to vector<16xi32>
      %add3A_207 = arith.constant 14 : i32
      %add3A_208 = vector.broadcast %add3A_207 : i32 to vector<16xi32>
      %add3A_209 = arith.addi %mul3A_22, %add3A_208 : vector<16xi32>
      %gather3A_210 = tpu.vector_load_idx %arg5[%add3A_209] : memref<4096xf32, #tpu.memory_space<vmem>>[vector<16xi32>], vector<16xf32>,
      %gt3A_211 = arith.cmpf ogt, %gather3A_210, %select_n3A_200 : vector<16xf32>
      %select_n3A_212 = arith.select %gt3A_211, %select_n3A_200, %gather3A_210 : vector<16xi1>, vector<16xf32>
      %select_n3A_213 = arith.select %gt3A_211, %select_n3A_201, %broadcast_in_dim3A_206 : vector<16xi1>, vector<16xi32>
      %select_n3A_214 = arith.select %gt3A_211, %gather3A_210, %select_n3A_200 : vector<16xi1>, vector<16xf32>
      %select_n3A_215 = arith.select %gt3A_211, %broadcast_in_dim3A_206, %select_n3A_201 : vector<16xi1>, vector<16xi32>
      %gt3A_216 = arith.cmpf ogt, %select_n3A_212, %select_n3A_203 : vector<16xf32>
      %select_n3A_217 = arith.select %gt3A_216, %select_n3A_212, %select_n3A_203 : vector<16xi1>, vector<16xf32>
      %select_n3A_218 = arith.select %gt3A_216, %select_n3A_213, %select_n3A_204 : vector<16xi1>, vector<16xi32>
      %broadcast_in_dim3A_219 = arith.constant 15 : i32
      %broadcast_in_dim3A_220 = vector.broadcast %broadcast_in_dim3A_219 : i32 to vector<16xi32>
      %add3A_221 = arith.constant 15 : i32
      %add3A_222 = vector.broadcast %add3A_221 : i32 to vector<16xi32>
      %add3A_223 = arith.addi %mul3A_22, %add3A_222 : vector<16xi32>
      %gather3A_224 = tpu.vector_load_idx %arg5[%add3A_223] : memref<4096xf32, #tpu.memory_space<vmem>>[vector<16xi32>], vector<16xf32>,
      %gt3A_225 = arith.cmpf ogt, %gather3A_224, %select_n3A_214 : vector<16xf32>
      %select_n3A_226 = arith.select %gt3A_225, %select_n3A_214, %gather3A_224 : vector<16xi1>, vector<16xf32>
      %select_n3A_227 = arith.select %gt3A_225, %select_n3A_215, %broadcast_in_dim3A_220 : vector<16xi1>, vector<16xi32>
      %select_n3A_228 = arith.select %gt3A_225, %gather3A_224, %select_n3A_214 : vector<16xi1>, vector<16xf32>
      %select_n3A_229 = arith.select %gt3A_225, %broadcast_in_dim3A_220, %select_n3A_215 : vector<16xi1>, vector<16xi32>
      %gt3A_230 = arith.cmpf ogt, %select_n3A_226, %select_n3A_217 : vector<16xf32>
      %select_n3A_231 = arith.select %gt3A_230, %select_n3A_226, %select_n3A_217 : vector<16xi1>, vector<16xf32>
      %select_n3A_232 = arith.select %gt3A_230, %select_n3A_227, %select_n3A_218 : vector<16xi1>, vector<16xi32>
      %broadcast_in_dim3A_233 = arith.constant 16 : i32
      %broadcast_in_dim3A_234 = vector.broadcast %broadcast_in_dim3A_233 : i32 to vector<16xi32>
      %add3A_235 = arith.constant 16 : i32
      %add3A_236 = vector.broadcast %add3A_235 : i32 to vector<16xi32>
      %add3A_237 = arith.addi %mul3A_22, %add3A_236 : vector<16xi32>
      %gather3A_238 = tpu.vector_load_idx %arg5[%add3A_237] : memref<4096xf32, #tpu.memory_space<vmem>>[vector<16xi32>], vector<16xf32>,
      %gt3A_239 = arith.cmpf ogt, %gather3A_238, %select_n3A_228 : vector<16xf32>
      %select_n3A_240 = arith.select %gt3A_239, %select_n3A_228, %gather3A_238 : vector<16xi1>, vector<16xf32>
      %select_n3A_241 = arith.select %gt3A_239, %select_n3A_229, %broadcast_in_dim3A_234 : vector<16xi1>, vector<16xi32>
      %select_n3A_242 = arith.select %gt3A_239, %gather3A_238, %select_n3A_228 : vector<16xi1>, vector<16xf32>
      %select_n3A_243 = arith.select %gt3A_239, %broadcast_in_dim3A_234, %select_n3A_229 : vector<16xi1>, vector<16xi32>
      %gt3A_244 = arith.cmpf ogt, %select_n3A_240, %select_n3A_231 : vector<16xf32>
      %select_n3A_245 = arith.select %gt3A_244, %select_n3A_240, %select_n3A_231 : vector<16xi1>, vector<16xf32>
      %select_n3A_246 = arith.select %gt3A_244, %select_n3A_241, %select_n3A_232 : vector<16xi1>, vector<16xi32>
      %broadcast_in_dim3A_247 = arith.constant 17 : i32
      %broadcast_in_dim3A_248 = vector.broadcast %broadcast_in_dim3A_247 : i32 to vector<16xi32>
      %add3A_249 = arith.constant 17 : i32
      %add3A_250 = vector.broadcast %add3A_249 : i32 to vector<16xi32>
      %add3A_251 = arith.addi %mul3A_22, %add3A_250 : vector<16xi32>
      %gather3A_252 = tpu.vector_load_idx %arg5[%add3A_251] : memref<4096xf32, #tpu.memory_space<vmem>>[vector<16xi32>], vector<16xf32>,
      %gt3A_253 = arith.cmpf ogt, %gather3A_252, %select_n3A_242 : vector<16xf32>
      %select_n3A_254 = arith.select %gt3A_253, %select_n3A_242, %gather3A_252 : vector<16xi1>, vector<16xf32>
      %select_n3A_255 = arith.select %gt3A_253, %select_n3A_243, %broadcast_in_dim3A_248 : vector<16xi1>, vector<16xi32>
      %select_n3A_256 = arith.select %gt3A_253, %gather3A_252, %select_n3A_242 : vector<16xi1>, vector<16xf32>
      %select_n3A_257 = arith.select %gt3A_253, %broadcast_in_dim3A_248, %select_n3A_243 : vector<16xi1>, vector<16xi32>
      %gt3A_258 = arith.cmpf ogt, %select_n3A_254, %select_n3A_245 : vector<16xf32>
      %select_n3A_259 = arith.select %gt3A_258, %select_n3A_254, %select_n3A_245 : vector<16xi1>, vector<16xf32>
      %select_n3A_260 = arith.select %gt3A_258, %select_n3A_255, %select_n3A_246 : vector<16xi1>, vector<16xi32>
      %broadcast_in_dim3A_261 = arith.constant 18 : i32
      %broadcast_in_dim3A_262 = vector.broadcast %broadcast_in_dim3A_261 : i32 to vector<16xi32>
      %add3A_263 = arith.constant 18 : i32
      %add3A_264 = vector.broadcast %add3A_263 : i32 to vector<16xi32>
      %add3A_265 = arith.addi %mul3A_22, %add3A_264 : vector<16xi32>
      %gather3A_266 = tpu.vector_load_idx %arg5[%add3A_265] : memref<4096xf32, #tpu.memory_space<vmem>>[vector<16xi32>], vector<16xf32>,
      %gt3A_267 = arith.cmpf ogt, %gather3A_266, %select_n3A_256 : vector<16xf32>
      %select_n3A_268 = arith.select %gt3A_267, %select_n3A_256, %gather3A_266 : vector<16xi1>, vector<16xf32>
      %select_n3A_269 = arith.select %gt3A_267, %select_n3A_257, %broadcast_in_dim3A_262 : vector<16xi1>, vector<16xi32>
      %select_n3A_270 = arith.select %gt3A_267, %gather3A_266, %select_n3A_256 : vector<16xi1>, vector<16xf32>
      %select_n3A_271 = arith.select %gt3A_267, %broadcast_in_dim3A_262, %select_n3A_257 : vector<16xi1>, vector<16xi32>
      %gt3A_272 = arith.cmpf ogt, %select_n3A_268, %select_n3A_259 : vector<16xf32>
      %select_n3A_273 = arith.select %gt3A_272, %select_n3A_268, %select_n3A_259 : vector<16xi1>, vector<16xf32>
      %select_n3A_274 = arith.select %gt3A_272, %select_n3A_269, %select_n3A_260 : vector<16xi1>, vector<16xi32>
      %broadcast_in_dim3A_275 = arith.constant 19 : i32
      %broadcast_in_dim3A_276 = vector.broadcast %broadcast_in_dim3A_275 : i32 to vector<16xi32>
      %add3A_277 = arith.constant 19 : i32
      %add3A_278 = vector.broadcast %add3A_277 : i32 to vector<16xi32>
      %add3A_279 = arith.addi %mul3A_22, %add3A_278 : vector<16xi32>
      %gather3A_280 = tpu.vector_load_idx %arg5[%add3A_279] : memref<4096xf32, #tpu.memory_space<vmem>>[vector<16xi32>], vector<16xf32>,
      %gt3A_281 = arith.cmpf ogt, %gather3A_280, %select_n3A_270 : vector<16xf32>
      %select_n3A_282 = arith.select %gt3A_281, %select_n3A_270, %gather3A_280 : vector<16xi1>, vector<16xf32>
      %select_n3A_283 = arith.select %gt3A_281, %select_n3A_271, %broadcast_in_dim3A_276 : vector<16xi1>, vector<16xi32>
      %select_n3A_284 = arith.select %gt3A_281, %gather3A_280, %select_n3A_270 : vector<16xi1>, vector<16xf32>
      %select_n3A_285 = arith.select %gt3A_281, %broadcast_in_dim3A_276, %select_n3A_271 : vector<16xi1>, vector<16xi32>
      %gt3A_286 = arith.cmpf ogt, %select_n3A_282, %select_n3A_273 : vector<16xf32>
      %select_n3A_287 = arith.select %gt3A_286, %select_n3A_282, %select_n3A_273 : vector<16xi1>, vector<16xf32>
      %select_n3A_288 = arith.select %gt3A_286, %select_n3A_283, %select_n3A_274 : vector<16xi1>, vector<16xi32>
      %broadcast_in_dim3A_289 = arith.constant 20 : i32
      %broadcast_in_dim3A_290 = vector.broadcast %broadcast_in_dim3A_289 : i32 to vector<16xi32>
      %add3A_291 = arith.constant 20 : i32
      %add3A_292 = vector.broadcast %add3A_291 : i32 to vector<16xi32>
      %add3A_293 = arith.addi %mul3A_22, %add3A_292 : vector<16xi32>
      %gather3A_294 = tpu.vector_load_idx %arg5[%add3A_293] : memref<4096xf32, #tpu.memory_space<vmem>>[vector<16xi32>], vector<16xf32>,
      %gt3A_295 = arith.cmpf ogt, %gather3A_294, %select_n3A_284 : vector<16xf32>
      %select_n3A_296 = arith.select %gt3A_295, %select_n3A_284, %gather3A_294 : vector<16xi1>, vector<16xf32>
      %select_n3A_297 = arith.select %gt3A_295, %select_n3A_285, %broadcast_in_dim3A_290 : vector<16xi1>, vector<16xi32>
      %select_n3A_298 = arith.select %gt3A_295, %gather3A_294, %select_n3A_284 : vector<16xi1>, vector<16xf32>
      %select_n3A_299 = arith.select %gt3A_295, %broadcast_in_dim3A_290, %select_n3A_285 : vector<16xi1>, vector<16xi32>
      %gt3A_300 = arith.cmpf ogt, %select_n3A_296, %select_n3A_287 : vector<16xf32>
      %select_n3A_301 = arith.select %gt3A_300, %select_n3A_296, %select_n3A_287 : vector<16xi1>, vector<16xf32>
      %select_n3A_302 = arith.select %gt3A_300, %select_n3A_297, %select_n3A_288 : vector<16xi1>, vector<16xi32>
      %broadcast_in_dim3A_303 = arith.constant 21 : i32
      %broadcast_in_dim3A_304 = vector.broadcast %broadcast_in_dim3A_303 : i32 to vector<16xi32>
      %add3A_305 = arith.constant 21 : i32
      %add3A_306 = vector.broadcast %add3A_305 : i32 to vector<16xi32>
      %add3A_307 = arith.addi %mul3A_22, %add3A_306 : vector<16xi32>
      %gather3A_308 = tpu.vector_load_idx %arg5[%add3A_307] : memref<4096xf32, #tpu.memory_space<vmem>>[vector<16xi32>], vector<16xf32>,
      %gt3A_309 = arith.cmpf ogt, %gather3A_308, %select_n3A_298 : vector<16xf32>
      %select_n3A_310 = arith.select %gt3A_309, %select_n3A_298, %gather3A_308 : vector<16xi1>, vector<16xf32>
      %select_n3A_311 = arith.select %gt3A_309, %select_n3A_299, %broadcast_in_dim3A_304 : vector<16xi1>, vector<16xi32>
      %select_n3A_312 = arith.select %gt3A_309, %gather3A_308, %select_n3A_298 : vector<16xi1>, vector<16xf32>
      %select_n3A_313 = arith.select %gt3A_309, %broadcast_in_dim3A_304, %select_n3A_299 : vector<16xi1>, vector<16xi32>
      %gt3A_314 = arith.cmpf ogt, %select_n3A_310, %select_n3A_301 : vector<16xf32>
      %select_n3A_315 = arith.select %gt3A_314, %select_n3A_310, %select_n3A_301 : vector<16xi1>, vector<16xf32>
      %select_n3A_316 = arith.select %gt3A_314, %select_n3A_311, %select_n3A_302 : vector<16xi1>, vector<16xi32>
      %broadcast_in_dim3A_317 = arith.constant 22 : i32
      %broadcast_in_dim3A_318 = vector.broadcast %broadcast_in_dim3A_317 : i32 to vector<16xi32>
      %add3A_319 = arith.constant 22 : i32
      %add3A_320 = vector.broadcast %add3A_319 : i32 to vector<16xi32>
      %add3A_321 = arith.addi %mul3A_22, %add3A_320 : vector<16xi32>
      %gather3A_322 = tpu.vector_load_idx %arg5[%add3A_321] : memref<4096xf32, #tpu.memory_space<vmem>>[vector<16xi32>], vector<16xf32>,
      %gt3A_323 = arith.cmpf ogt, %gather3A_322, %select_n3A_312 : vector<16xf32>
      %select_n3A_324 = arith.select %gt3A_323, %select_n3A_312, %gather3A_322 : vector<16xi1>, vector<16xf32>
      %select_n3A_325 = arith.select %gt3A_323, %select_n3A_313, %broadcast_in_dim3A_318 : vector<16xi1>, vector<16xi32>
      %select_n3A_326 = arith.select %gt3A_323, %gather3A_322, %select_n3A_312 : vector<16xi1>, vector<16xf32>
      %select_n3A_327 = arith.select %gt3A_323, %broadcast_in_dim3A_318, %select_n3A_313 : vector<16xi1>, vector<16xi32>
      %gt3A_328 = arith.cmpf ogt, %select_n3A_324, %select_n3A_315 : vector<16xf32>
      %select_n3A_329 = arith.select %gt3A_328, %select_n3A_324, %select_n3A_315 : vector<16xi1>, vector<16xf32>
      %select_n3A_330 = arith.select %gt3A_328, %select_n3A_325, %select_n3A_316 : vector<16xi1>, vector<16xi32>
      %broadcast_in_dim3A_331 = arith.constant 23 : i32
      %broadcast_in_dim3A_332 = vector.broadcast %broadcast_in_dim3A_331 : i32 to vector<16xi32>
      %add3A_333 = arith.constant 23 : i32
      %add3A_334 = vector.broadcast %add3A_333 : i32 to vector<16xi32>
      %add3A_335 = arith.addi %mul3A_22, %add3A_334 : vector<16xi32>
      %gather3A_336 = tpu.vector_load_idx %arg5[%add3A_335] : memref<4096xf32, #tpu.memory_space<vmem>>[vector<16xi32>], vector<16xf32>,
      %gt3A_337 = arith.cmpf ogt, %gather3A_336, %select_n3A_326 : vector<16xf32>
      %select_n3A_338 = arith.select %gt3A_337, %select_n3A_326, %gather3A_336 : vector<16xi1>, vector<16xf32>
      %select_n3A_339 = arith.select %gt3A_337, %select_n3A_327, %broadcast_in_dim3A_332 : vector<16xi1>, vector<16xi32>
      %select_n3A_340 = arith.select %gt3A_337, %gather3A_336, %select_n3A_326 : vector<16xi1>, vector<16xf32>
      %select_n3A_341 = arith.select %gt3A_337, %broadcast_in_dim3A_332, %select_n3A_327 : vector<16xi1>, vector<16xi32>
      %gt3A_342 = arith.cmpf ogt, %select_n3A_338, %select_n3A_329 : vector<16xf32>
      %select_n3A_343 = arith.select %gt3A_342, %select_n3A_338, %select_n3A_329 : vector<16xi1>, vector<16xf32>
      %select_n3A_344 = arith.select %gt3A_342, %select_n3A_339, %select_n3A_330 : vector<16xi1>, vector<16xi32>
      %broadcast_in_dim3A_345 = arith.constant 24 : i32
      %broadcast_in_dim3A_346 = vector.broadcast %broadcast_in_dim3A_345 : i32 to vector<16xi32>
      %add3A_347 = arith.constant 24 : i32
      %add3A_348 = vector.broadcast %add3A_347 : i32 to vector<16xi32>
      %add3A_349 = arith.addi %mul3A_22, %add3A_348 : vector<16xi32>
      %gather3A_350 = tpu.vector_load_idx %arg5[%add3A_349] : memref<4096xf32, #tpu.memory_space<vmem>>[vector<16xi32>], vector<16xf32>,
      %gt3A_351 = arith.cmpf ogt, %gather3A_350, %select_n3A_340 : vector<16xf32>
      %select_n3A_352 = arith.select %gt3A_351, %select_n3A_340, %gather3A_350 : vector<16xi1>, vector<16xf32>
      %select_n3A_353 = arith.select %gt3A_351, %select_n3A_341, %broadcast_in_dim3A_346 : vector<16xi1>, vector<16xi32>
      %select_n3A_354 = arith.select %gt3A_351, %gather3A_350, %select_n3A_340 : vector<16xi1>, vector<16xf32>
      %select_n3A_355 = arith.select %gt3A_351, %broadcast_in_dim3A_346, %select_n3A_341 : vector<16xi1>, vector<16xi32>
      %gt3A_356 = arith.cmpf ogt, %select_n3A_352, %select_n3A_343 : vector<16xf32>
      %select_n3A_357 = arith.select %gt3A_356, %select_n3A_352, %select_n3A_343 : vector<16xi1>, vector<16xf32>
      %select_n3A_358 = arith.select %gt3A_356, %select_n3A_353, %select_n3A_344 : vector<16xi1>, vector<16xi32>
      %broadcast_in_dim3A_359 = arith.constant 25 : i32
      %broadcast_in_dim3A_360 = vector.broadcast %broadcast_in_dim3A_359 : i32 to vector<16xi32>
      %add3A_361 = arith.constant 25 : i32
      %add3A_362 = vector.broadcast %add3A_361 : i32 to vector<16xi32>
      %add3A_363 = arith.addi %mul3A_22, %add3A_362 : vector<16xi32>
      %gather3A_364 = tpu.vector_load_idx %arg5[%add3A_363] : memref<4096xf32, #tpu.memory_space<vmem>>[vector<16xi32>], vector<16xf32>,
      %gt3A_365 = arith.cmpf ogt, %gather3A_364, %select_n3A_354 : vector<16xf32>
      %select_n3A_366 = arith.select %gt3A_365, %select_n3A_354, %gather3A_364 : vector<16xi1>, vector<16xf32>
      %select_n3A_367 = arith.select %gt3A_365, %select_n3A_355, %broadcast_in_dim3A_360 : vector<16xi1>, vector<16xi32>
      %select_n3A_368 = arith.select %gt3A_365, %gather3A_364, %select_n3A_354 : vector<16xi1>, vector<16xf32>
      %select_n3A_369 = arith.select %gt3A_365, %broadcast_in_dim3A_360, %select_n3A_355 : vector<16xi1>, vector<16xi32>
      %gt3A_370 = arith.cmpf ogt, %select_n3A_366, %select_n3A_357 : vector<16xf32>
      %select_n3A_371 = arith.select %gt3A_370, %select_n3A_366, %select_n3A_357 : vector<16xi1>, vector<16xf32>
      %select_n3A_372 = arith.select %gt3A_370, %select_n3A_367, %select_n3A_358 : vector<16xi1>, vector<16xi32>
      %broadcast_in_dim3A_373 = arith.constant 26 : i32
      %broadcast_in_dim3A_374 = vector.broadcast %broadcast_in_dim3A_373 : i32 to vector<16xi32>
      %add3A_375 = arith.constant 26 : i32
      %add3A_376 = vector.broadcast %add3A_375 : i32 to vector<16xi32>
      %add3A_377 = arith.addi %mul3A_22, %add3A_376 : vector<16xi32>
      %gather3A_378 = tpu.vector_load_idx %arg5[%add3A_377] : memref<4096xf32, #tpu.memory_space<vmem>>[vector<16xi32>], vector<16xf32>,
      %gt3A_379 = arith.cmpf ogt, %gather3A_378, %select_n3A_368 : vector<16xf32>
      %select_n3A_380 = arith.select %gt3A_379, %select_n3A_368, %gather3A_378 : vector<16xi1>, vector<16xf32>
      %select_n3A_381 = arith.select %gt3A_379, %select_n3A_369, %broadcast_in_dim3A_374 : vector<16xi1>, vector<16xi32>
      %select_n3A_382 = arith.select %gt3A_379, %gather3A_378, %select_n3A_368 : vector<16xi1>, vector<16xf32>
      %select_n3A_383 = arith.select %gt3A_379, %broadcast_in_dim3A_374, %select_n3A_369 : vector<16xi1>, vector<16xi32>
      %gt3A_384 = arith.cmpf ogt, %select_n3A_380, %select_n3A_371 : vector<16xf32>
      %select_n3A_385 = arith.select %gt3A_384, %select_n3A_380, %select_n3A_371 : vector<16xi1>, vector<16xf32>
      %select_n3A_386 = arith.select %gt3A_384, %select_n3A_381, %select_n3A_372 : vector<16xi1>, vector<16xi32>
      %broadcast_in_dim3A_387 = arith.constant 27 : i32
      %broadcast_in_dim3A_388 = vector.broadcast %broadcast_in_dim3A_387 : i32 to vector<16xi32>
      %add3A_389 = arith.constant 27 : i32
      %add3A_390 = vector.broadcast %add3A_389 : i32 to vector<16xi32>
      %add3A_391 = arith.addi %mul3A_22, %add3A_390 : vector<16xi32>
      %gather3A_392 = tpu.vector_load_idx %arg5[%add3A_391] : memref<4096xf32, #tpu.memory_space<vmem>>[vector<16xi32>], vector<16xf32>,
      %gt3A_393 = arith.cmpf ogt, %gather3A_392, %select_n3A_382 : vector<16xf32>
      %select_n3A_394 = arith.select %gt3A_393, %select_n3A_382, %gather3A_392 : vector<16xi1>, vector<16xf32>
      %select_n3A_395 = arith.select %gt3A_393, %select_n3A_383, %broadcast_in_dim3A_388 : vector<16xi1>, vector<16xi32>
      %select_n3A_396 = arith.select %gt3A_393, %gather3A_392, %select_n3A_382 : vector<16xi1>, vector<16xf32>
      %select_n3A_397 = arith.select %gt3A_393, %broadcast_in_dim3A_388, %select_n3A_383 : vector<16xi1>, vector<16xi32>
      %gt3A_398 = arith.cmpf ogt, %select_n3A_394, %select_n3A_385 : vector<16xf32>
      %select_n3A_399 = arith.select %gt3A_398, %select_n3A_394, %select_n3A_385 : vector<16xi1>, vector<16xf32>
      %select_n3A_400 = arith.select %gt3A_398, %select_n3A_395, %select_n3A_386 : vector<16xi1>, vector<16xi32>
      %broadcast_in_dim3A_401 = arith.constant 28 : i32
      %broadcast_in_dim3A_402 = vector.broadcast %broadcast_in_dim3A_401 : i32 to vector<16xi32>
      %add3A_403 = arith.constant 28 : i32
      %add3A_404 = vector.broadcast %add3A_403 : i32 to vector<16xi32>
      %add3A_405 = arith.addi %mul3A_22, %add3A_404 : vector<16xi32>
      %gather3A_406 = tpu.vector_load_idx %arg5[%add3A_405] : memref<4096xf32, #tpu.memory_space<vmem>>[vector<16xi32>], vector<16xf32>,
      %gt3A_407 = arith.cmpf ogt, %gather3A_406, %select_n3A_396 : vector<16xf32>
      %select_n3A_408 = arith.select %gt3A_407, %select_n3A_396, %gather3A_406 : vector<16xi1>, vector<16xf32>
      %select_n3A_409 = arith.select %gt3A_407, %select_n3A_397, %broadcast_in_dim3A_402 : vector<16xi1>, vector<16xi32>
      %select_n3A_410 = arith.select %gt3A_407, %gather3A_406, %select_n3A_396 : vector<16xi1>, vector<16xf32>
      %select_n3A_411 = arith.select %gt3A_407, %broadcast_in_dim3A_402, %select_n3A_397 : vector<16xi1>, vector<16xi32>
      %gt3A_412 = arith.cmpf ogt, %select_n3A_408, %select_n3A_399 : vector<16xf32>
      %select_n3A_413 = arith.select %gt3A_412, %select_n3A_408, %select_n3A_399 : vector<16xi1>, vector<16xf32>
      %select_n3A_414 = arith.select %gt3A_412, %select_n3A_409, %select_n3A_400 : vector<16xi1>, vector<16xi32>
      %broadcast_in_dim3A_415 = arith.constant 29 : i32
      %broadcast_in_dim3A_416 = vector.broadcast %broadcast_in_dim3A_415 : i32 to vector<16xi32>
      %add3A_417 = arith.constant 29 : i32
      %add3A_418 = vector.broadcast %add3A_417 : i32 to vector<16xi32>
      %add3A_419 = arith.addi %mul3A_22, %add3A_418 : vector<16xi32>
      %gather3A_420 = tpu.vector_load_idx %arg5[%add3A_419] : memref<4096xf32, #tpu.memory_space<vmem>>[vector<16xi32>], vector<16xf32>,
      %gt3A_421 = arith.cmpf ogt, %gather3A_420, %select_n3A_410 : vector<16xf32>
      %select_n3A_422 = arith.select %gt3A_421, %select_n3A_410, %gather3A_420 : vector<16xi1>, vector<16xf32>
      %select_n3A_423 = arith.select %gt3A_421, %select_n3A_411, %broadcast_in_dim3A_416 : vector<16xi1>, vector<16xi32>
      %select_n3A_424 = arith.select %gt3A_421, %gather3A_420, %select_n3A_410 : vector<16xi1>, vector<16xf32>
      %select_n3A_425 = arith.select %gt3A_421, %broadcast_in_dim3A_416, %select_n3A_411 : vector<16xi1>, vector<16xi32>
      %gt3A_426 = arith.cmpf ogt, %select_n3A_422, %select_n3A_413 : vector<16xf32>
      %select_n3A_427 = arith.select %gt3A_426, %select_n3A_422, %select_n3A_413 : vector<16xi1>, vector<16xf32>
      %select_n3A_428 = arith.select %gt3A_426, %select_n3A_423, %select_n3A_414 : vector<16xi1>, vector<16xi32>
      %broadcast_in_dim3A_429 = arith.constant 30 : i32
      %broadcast_in_dim3A_430 = vector.broadcast %broadcast_in_dim3A_429 : i32 to vector<16xi32>
      %add3A_431 = arith.constant 30 : i32
      %add3A_432 = vector.broadcast %add3A_431 : i32 to vector<16xi32>
      %add3A_433 = arith.addi %mul3A_22, %add3A_432 : vector<16xi32>
      %gather3A_434 = tpu.vector_load_idx %arg5[%add3A_433] : memref<4096xf32, #tpu.memory_space<vmem>>[vector<16xi32>], vector<16xf32>,
      %gt3A_435 = arith.cmpf ogt, %gather3A_434, %select_n3A_424 : vector<16xf32>
      %select_n3A_436 = arith.select %gt3A_435, %select_n3A_424, %gather3A_434 : vector<16xi1>, vector<16xf32>
      %select_n3A_437 = arith.select %gt3A_435, %select_n3A_425, %broadcast_in_dim3A_430 : vector<16xi1>, vector<16xi32>
      %select_n3A_438 = arith.select %gt3A_435, %gather3A_434, %select_n3A_424 : vector<16xi1>, vector<16xf32>
      %select_n3A_439 = arith.select %gt3A_435, %broadcast_in_dim3A_430, %select_n3A_425 : vector<16xi1>, vector<16xi32>
      %gt3A_440 = arith.cmpf ogt, %select_n3A_436, %select_n3A_427 : vector<16xf32>
      %select_n3A_441 = arith.select %gt3A_440, %select_n3A_436, %select_n3A_427 : vector<16xi1>, vector<16xf32>
      %select_n3A_442 = arith.select %gt3A_440, %select_n3A_437, %select_n3A_428 : vector<16xi1>, vector<16xi32>
      %broadcast_in_dim3A_443 = arith.constant 31 : i32
      %broadcast_in_dim3A_444 = vector.broadcast %broadcast_in_dim3A_443 : i32 to vector<16xi32>
      %add3A_445 = arith.constant 31 : i32
      %add3A_446 = vector.broadcast %add3A_445 : i32 to vector<16xi32>
      %add3A_447 = arith.addi %mul3A_22, %add3A_446 : vector<16xi32>
      %gather3A_448 = tpu.vector_load_idx %arg5[%add3A_447] : memref<4096xf32, #tpu.memory_space<vmem>>[vector<16xi32>], vector<16xf32>,
      %gt3A_449 = arith.cmpf ogt, %gather3A_448, %select_n3A_438 : vector<16xf32>
      %select_n3A_450 = arith.select %gt3A_449, %select_n3A_438, %gather3A_448 : vector<16xi1>, vector<16xf32>
      %select_n3A_451 = arith.select %gt3A_449, %select_n3A_439, %broadcast_in_dim3A_444 : vector<16xi1>, vector<16xi32>
      %select_n3A_452 = arith.select %gt3A_449, %gather3A_448, %select_n3A_438 : vector<16xi1>, vector<16xf32>
      %select_n3A_453 = arith.select %gt3A_449, %broadcast_in_dim3A_444, %select_n3A_439 : vector<16xi1>, vector<16xi32>
      %gt3A_454 = arith.cmpf ogt, %select_n3A_450, %select_n3A_441 : vector<16xf32>
      %select_n3A_455 = arith.select %gt3A_454, %select_n3A_450, %select_n3A_441 : vector<16xi1>, vector<16xf32>
      %select_n3A_456 = arith.select %gt3A_454, %select_n3A_451, %select_n3A_442 : vector<16xi1>, vector<16xi32>
      %broadcast_in_dim3A_457 = arith.constant 32 : i32
      %broadcast_in_dim3A_458 = vector.broadcast %broadcast_in_dim3A_457 : i32 to vector<16xi32>
      %add3A_459 = arith.constant 32 : i32
      %add3A_460 = vector.broadcast %add3A_459 : i32 to vector<16xi32>
      %add3A_461 = arith.addi %mul3A_22, %add3A_460 : vector<16xi32>
      %gather3A_462 = tpu.vector_load_idx %arg5[%add3A_461] : memref<4096xf32, #tpu.memory_space<vmem>>[vector<16xi32>], vector<16xf32>,
      %gt3A_463 = arith.cmpf ogt, %gather3A_462, %select_n3A_452 : vector<16xf32>
      %select_n3A_464 = arith.select %gt3A_463, %select_n3A_452, %gather3A_462 : vector<16xi1>, vector<16xf32>
      %select_n3A_465 = arith.select %gt3A_463, %select_n3A_453, %broadcast_in_dim3A_458 : vector<16xi1>, vector<16xi32>
      %select_n3A_466 = arith.select %gt3A_463, %gather3A_462, %select_n3A_452 : vector<16xi1>, vector<16xf32>
      %select_n3A_467 = arith.select %gt3A_463, %broadcast_in_dim3A_458, %select_n3A_453 : vector<16xi1>, vector<16xi32>
      %gt3A_468 = arith.cmpf ogt, %select_n3A_464, %select_n3A_455 : vector<16xf32>
      %select_n3A_469 = arith.select %gt3A_468, %select_n3A_464, %select_n3A_455 : vector<16xi1>, vector<16xf32>
      %select_n3A_470 = arith.select %gt3A_468, %select_n3A_465, %select_n3A_456 : vector<16xi1>, vector<16xi32>
      %broadcast_in_dim3A_471 = arith.constant 33 : i32
      %broadcast_in_dim3A_472 = vector.broadcast %broadcast_in_dim3A_471 : i32 to vector<16xi32>
      %add3A_473 = arith.constant 33 : i32
      %add3A_474 = vector.broadcast %add3A_473 : i32 to vector<16xi32>
      %add3A_475 = arith.addi %mul3A_22, %add3A_474 : vector<16xi32>
      %gather3A_476 = tpu.vector_load_idx %arg5[%add3A_475] : memref<4096xf32, #tpu.memory_space<vmem>>[vector<16xi32>], vector<16xf32>,
      %gt3A_477 = arith.cmpf ogt, %gather3A_476, %select_n3A_466 : vector<16xf32>
      %select_n3A_478 = arith.select %gt3A_477, %select_n3A_466, %gather3A_476 : vector<16xi1>, vector<16xf32>
      %select_n3A_479 = arith.select %gt3A_477, %select_n3A_467, %broadcast_in_dim3A_472 : vector<16xi1>, vector<16xi32>
      %select_n3A_480 = arith.select %gt3A_477, %gather3A_476, %select_n3A_466 : vector<16xi1>, vector<16xf32>
      %select_n3A_481 = arith.select %gt3A_477, %broadcast_in_dim3A_472, %select_n3A_467 : vector<16xi1>, vector<16xi32>
      %gt3A_482 = arith.cmpf ogt, %select_n3A_478, %select_n3A_469 : vector<16xf32>
      %select_n3A_483 = arith.select %gt3A_482, %select_n3A_478, %select_n3A_469 : vector<16xi1>, vector<16xf32>
      %select_n3A_484 = arith.select %gt3A_482, %select_n3A_479, %select_n3A_470 : vector<16xi1>, vector<16xi32>
      %broadcast_in_dim3A_485 = arith.constant 34 : i32
      %broadcast_in_dim3A_486 = vector.broadcast %broadcast_in_dim3A_485 : i32 to vector<16xi32>
      %add3A_487 = arith.constant 34 : i32
      %add3A_488 = vector.broadcast %add3A_487 : i32 to vector<16xi32>
      %add3A_489 = arith.addi %mul3A_22, %add3A_488 : vector<16xi32>
      %gather3A_490 = tpu.vector_load_idx %arg5[%add3A_489] : memref<4096xf32, #tpu.memory_space<vmem>>[vector<16xi32>], vector<16xf32>,
      %gt3A_491 = arith.cmpf ogt, %gather3A_490, %select_n3A_480 : vector<16xf32>
      %select_n3A_492 = arith.select %gt3A_491, %select_n3A_480, %gather3A_490 : vector<16xi1>, vector<16xf32>
      %select_n3A_493 = arith.select %gt3A_491, %select_n3A_481, %broadcast_in_dim3A_486 : vector<16xi1>, vector<16xi32>
      %select_n3A_494 = arith.select %gt3A_491, %gather3A_490, %select_n3A_480 : vector<16xi1>, vector<16xf32>
      %select_n3A_495 = arith.select %gt3A_491, %broadcast_in_dim3A_486, %select_n3A_481 : vector<16xi1>, vector<16xi32>
      %gt3A_496 = arith.cmpf ogt, %select_n3A_492, %select_n3A_483 : vector<16xf32>
      %select_n3A_497 = arith.select %gt3A_496, %select_n3A_492, %select_n3A_483 : vector<16xi1>, vector<16xf32>
      %select_n3A_498 = arith.select %gt3A_496, %select_n3A_493, %select_n3A_484 : vector<16xi1>, vector<16xi32>
      %broadcast_in_dim3A_499 = arith.constant 35 : i32
      %broadcast_in_dim3A_500 = vector.broadcast %broadcast_in_dim3A_499 : i32 to vector<16xi32>
      %add3A_501 = arith.constant 35 : i32
      %add3A_502 = vector.broadcast %add3A_501 : i32 to vector<16xi32>
      %add3A_503 = arith.addi %mul3A_22, %add3A_502 : vector<16xi32>
      %gather3A_504 = tpu.vector_load_idx %arg5[%add3A_503] : memref<4096xf32, #tpu.memory_space<vmem>>[vector<16xi32>], vector<16xf32>,
      %gt3A_505 = arith.cmpf ogt, %gather3A_504, %select_n3A_494 : vector<16xf32>
      %select_n3A_506 = arith.select %gt3A_505, %select_n3A_494, %gather3A_504 : vector<16xi1>, vector<16xf32>
      %select_n3A_507 = arith.select %gt3A_505, %select_n3A_495, %broadcast_in_dim3A_500 : vector<16xi1>, vector<16xi32>
      %select_n3A_508 = arith.select %gt3A_505, %gather3A_504, %select_n3A_494 : vector<16xi1>, vector<16xf32>
      %select_n3A_509 = arith.select %gt3A_505, %broadcast_in_dim3A_500, %select_n3A_495 : vector<16xi1>, vector<16xi32>
      %gt3A_510 = arith.cmpf ogt, %select_n3A_506, %select_n3A_497 : vector<16xf32>
      %select_n3A_511 = arith.select %gt3A_510, %select_n3A_506, %select_n3A_497 : vector<16xi1>, vector<16xf32>
      %select_n3A_512 = arith.select %gt3A_510, %select_n3A_507, %select_n3A_498 : vector<16xi1>, vector<16xi32>
      %broadcast_in_dim3A_513 = arith.constant 36 : i32
      %broadcast_in_dim3A_514 = vector.broadcast %broadcast_in_dim3A_513 : i32 to vector<16xi32>
      %add3A_515 = arith.constant 36 : i32
      %add3A_516 = vector.broadcast %add3A_515 : i32 to vector<16xi32>
      %add3A_517 = arith.addi %mul3A_22, %add3A_516 : vector<16xi32>
      %gather3A_518 = tpu.vector_load_idx %arg5[%add3A_517] : memref<4096xf32, #tpu.memory_space<vmem>>[vector<16xi32>], vector<16xf32>,
      %gt3A_519 = arith.cmpf ogt, %gather3A_518, %select_n3A_508 : vector<16xf32>
      %select_n3A_520 = arith.select %gt3A_519, %select_n3A_508, %gather3A_518 : vector<16xi1>, vector<16xf32>
      %select_n3A_521 = arith.select %gt3A_519, %select_n3A_509, %broadcast_in_dim3A_514 : vector<16xi1>, vector<16xi32>
      %select_n3A_522 = arith.select %gt3A_519, %gather3A_518, %select_n3A_508 : vector<16xi1>, vector<16xf32>
      %select_n3A_523 = arith.select %gt3A_519, %broadcast_in_dim3A_514, %select_n3A_509 : vector<16xi1>, vector<16xi32>
      %gt3A_524 = arith.cmpf ogt, %select_n3A_520, %select_n3A_511 : vector<16xf32>
      %select_n3A_525 = arith.select %gt3A_524, %select_n3A_520, %select_n3A_511 : vector<16xi1>, vector<16xf32>
      %select_n3A_526 = arith.select %gt3A_524, %select_n3A_521, %select_n3A_512 : vector<16xi1>, vector<16xi32>
      %broadcast_in_dim3A_527 = arith.constant 37 : i32
      %broadcast_in_dim3A_528 = vector.broadcast %broadcast_in_dim3A_527 : i32 to vector<16xi32>
      %add3A_529 = arith.constant 37 : i32
      %add3A_530 = vector.broadcast %add3A_529 : i32 to vector<16xi32>
      %add3A_531 = arith.addi %mul3A_22, %add3A_530 : vector<16xi32>
      %gather3A_532 = tpu.vector_load_idx %arg5[%add3A_531] : memref<4096xf32, #tpu.memory_space<vmem>>[vector<16xi32>], vector<16xf32>,
      %gt3A_533 = arith.cmpf ogt, %gather3A_532, %select_n3A_522 : vector<16xf32>
      %select_n3A_534 = arith.select %gt3A_533, %select_n3A_522, %gather3A_532 : vector<16xi1>, vector<16xf32>
      %select_n3A_535 = arith.select %gt3A_533, %select_n3A_523, %broadcast_in_dim3A_528 : vector<16xi1>, vector<16xi32>
      %select_n3A_536 = arith.select %gt3A_533, %gather3A_532, %select_n3A_522 : vector<16xi1>, vector<16xf32>
      %select_n3A_537 = arith.select %gt3A_533, %broadcast_in_dim3A_528, %select_n3A_523 : vector<16xi1>, vector<16xi32>
      %gt3A_538 = arith.cmpf ogt, %select_n3A_534, %select_n3A_525 : vector<16xf32>
      %select_n3A_539 = arith.select %gt3A_538, %select_n3A_534, %select_n3A_525 : vector<16xi1>, vector<16xf32>
      %select_n3A_540 = arith.select %gt3A_538, %select_n3A_535, %select_n3A_526 : vector<16xi1>, vector<16xi32>
      %broadcast_in_dim3A_541 = arith.constant 38 : i32
      %broadcast_in_dim3A_542 = vector.broadcast %broadcast_in_dim3A_541 : i32 to vector<16xi32>
      %add3A_543 = arith.constant 38 : i32
      %add3A_544 = vector.broadcast %add3A_543 : i32 to vector<16xi32>
      %add3A_545 = arith.addi %mul3A_22, %add3A_544 : vector<16xi32>
      %gather3A_546 = tpu.vector_load_idx %arg5[%add3A_545] : memref<4096xf32, #tpu.memory_space<vmem>>[vector<16xi32>], vector<16xf32>,
      %gt3A_547 = arith.cmpf ogt, %gather3A_546, %select_n3A_536 : vector<16xf32>
      %select_n3A_548 = arith.select %gt3A_547, %select_n3A_536, %gather3A_546 : vector<16xi1>, vector<16xf32>
      %select_n3A_549 = arith.select %gt3A_547, %select_n3A_537, %broadcast_in_dim3A_542 : vector<16xi1>, vector<16xi32>
      %select_n3A_550 = arith.select %gt3A_547, %gather3A_546, %select_n3A_536 : vector<16xi1>, vector<16xf32>
      %select_n3A_551 = arith.select %gt3A_547, %broadcast_in_dim3A_542, %select_n3A_537 : vector<16xi1>, vector<16xi32>
      %gt3A_552 = arith.cmpf ogt, %select_n3A_548, %select_n3A_539 : vector<16xf32>
      %select_n3A_553 = arith.select %gt3A_552, %select_n3A_548, %select_n3A_539 : vector<16xi1>, vector<16xf32>
      %select_n3A_554 = arith.select %gt3A_552, %select_n3A_549, %select_n3A_540 : vector<16xi1>, vector<16xi32>
      %broadcast_in_dim3A_555 = arith.constant 39 : i32
      %broadcast_in_dim3A_556 = vector.broadcast %broadcast_in_dim3A_555 : i32 to vector<16xi32>
      %add3A_557 = arith.constant 39 : i32
      %add3A_558 = vector.broadcast %add3A_557 : i32 to vector<16xi32>
      %add3A_559 = arith.addi %mul3A_22, %add3A_558 : vector<16xi32>
      %gather3A_560 = tpu.vector_load_idx %arg5[%add3A_559] : memref<4096xf32, #tpu.memory_space<vmem>>[vector<16xi32>], vector<16xf32>,
      %gt3A_561 = arith.cmpf ogt, %gather3A_560, %select_n3A_550 : vector<16xf32>
      %select_n3A_562 = arith.select %gt3A_561, %select_n3A_550, %gather3A_560 : vector<16xi1>, vector<16xf32>
      %select_n3A_563 = arith.select %gt3A_561, %select_n3A_551, %broadcast_in_dim3A_556 : vector<16xi1>, vector<16xi32>
      %select_n3A_564 = arith.select %gt3A_561, %gather3A_560, %select_n3A_550 : vector<16xi1>, vector<16xf32>
      %select_n3A_565 = arith.select %gt3A_561, %broadcast_in_dim3A_556, %select_n3A_551 : vector<16xi1>, vector<16xi32>
      %gt3A_566 = arith.cmpf ogt, %select_n3A_562, %select_n3A_553 : vector<16xf32>
      %select_n3A_567 = arith.select %gt3A_566, %select_n3A_562, %select_n3A_553 : vector<16xi1>, vector<16xf32>
      %select_n3A_568 = arith.select %gt3A_566, %select_n3A_563, %select_n3A_554 : vector<16xi1>, vector<16xi32>
      %broadcast_in_dim3A_569 = arith.constant 40 : i32
      %broadcast_in_dim3A_570 = vector.broadcast %broadcast_in_dim3A_569 : i32 to vector<16xi32>
      %add3A_571 = arith.constant 40 : i32
      %add3A_572 = vector.broadcast %add3A_571 : i32 to vector<16xi32>
      %add3A_573 = arith.addi %mul3A_22, %add3A_572 : vector<16xi32>
      %gather3A_574 = tpu.vector_load_idx %arg5[%add3A_573] : memref<4096xf32, #tpu.memory_space<vmem>>[vector<16xi32>], vector<16xf32>,
      %gt3A_575 = arith.cmpf ogt, %gather3A_574, %select_n3A_564 : vector<16xf32>
      %select_n3A_576 = arith.select %gt3A_575, %select_n3A_564, %gather3A_574 : vector<16xi1>, vector<16xf32>
      %select_n3A_577 = arith.select %gt3A_575, %select_n3A_565, %broadcast_in_dim3A_570 : vector<16xi1>, vector<16xi32>
      %select_n3A_578 = arith.select %gt3A_575, %gather3A_574, %select_n3A_564 : vector<16xi1>, vector<16xf32>
      %select_n3A_579 = arith.select %gt3A_575, %broadcast_in_dim3A_570, %select_n3A_565 : vector<16xi1>, vector<16xi32>
      %gt3A_580 = arith.cmpf ogt, %select_n3A_576, %select_n3A_567 : vector<16xf32>
      %select_n3A_581 = arith.select %gt3A_580, %select_n3A_576, %select_n3A_567 : vector<16xi1>, vector<16xf32>
      %select_n3A_582 = arith.select %gt3A_580, %select_n3A_577, %select_n3A_568 : vector<16xi1>, vector<16xi32>
      %broadcast_in_dim3A_583 = arith.constant 41 : i32
      %broadcast_in_dim3A_584 = vector.broadcast %broadcast_in_dim3A_583 : i32 to vector<16xi32>
      %add3A_585 = arith.constant 41 : i32
      %add3A_586 = vector.broadcast %add3A_585 : i32 to vector<16xi32>
      %add3A_587 = arith.addi %mul3A_22, %add3A_586 : vector<16xi32>
      %gather3A_588 = tpu.vector_load_idx %arg5[%add3A_587] : memref<4096xf32, #tpu.memory_space<vmem>>[vector<16xi32>], vector<16xf32>,
      %gt3A_589 = arith.cmpf ogt, %gather3A_588, %select_n3A_578 : vector<16xf32>
      %select_n3A_590 = arith.select %gt3A_589, %select_n3A_578, %gather3A_588 : vector<16xi1>, vector<16xf32>
      %select_n3A_591 = arith.select %gt3A_589, %select_n3A_579, %broadcast_in_dim3A_584 : vector<16xi1>, vector<16xi32>
      %select_n3A_592 = arith.select %gt3A_589, %gather3A_588, %select_n3A_578 : vector<16xi1>, vector<16xf32>
      %select_n3A_593 = arith.select %gt3A_589, %broadcast_in_dim3A_584, %select_n3A_579 : vector<16xi1>, vector<16xi32>
      %gt3A_594 = arith.cmpf ogt, %select_n3A_590, %select_n3A_581 : vector<16xf32>
      %select_n3A_595 = arith.select %gt3A_594, %select_n3A_590, %select_n3A_581 : vector<16xi1>, vector<16xf32>
      %select_n3A_596 = arith.select %gt3A_594, %select_n3A_591, %select_n3A_582 : vector<16xi1>, vector<16xi32>
      %broadcast_in_dim3A_597 = arith.constant 42 : i32
      %broadcast_in_dim3A_598 = vector.broadcast %broadcast_in_dim3A_597 : i32 to vector<16xi32>
      %add3A_599 = arith.constant 42 : i32
      %add3A_600 = vector.broadcast %add3A_599 : i32 to vector<16xi32>
      %add3A_601 = arith.addi %mul3A_22, %add3A_600 : vector<16xi32>
      %gather3A_602 = tpu.vector_load_idx %arg5[%add3A_601] : memref<4096xf32, #tpu.memory_space<vmem>>[vector<16xi32>], vector<16xf32>,
      %gt3A_603 = arith.cmpf ogt, %gather3A_602, %select_n3A_592 : vector<16xf32>
      %select_n3A_604 = arith.select %gt3A_603, %select_n3A_592, %gather3A_602 : vector<16xi1>, vector<16xf32>
      %select_n3A_605 = arith.select %gt3A_603, %select_n3A_593, %broadcast_in_dim3A_598 : vector<16xi1>, vector<16xi32>
      %select_n3A_606 = arith.select %gt3A_603, %gather3A_602, %select_n3A_592 : vector<16xi1>, vector<16xf32>
      %select_n3A_607 = arith.select %gt3A_603, %broadcast_in_dim3A_598, %select_n3A_593 : vector<16xi1>, vector<16xi32>
      %gt3A_608 = arith.cmpf ogt, %select_n3A_604, %select_n3A_595 : vector<16xf32>
      %select_n3A_609 = arith.select %gt3A_608, %select_n3A_604, %select_n3A_595 : vector<16xi1>, vector<16xf32>
      %select_n3A_610 = arith.select %gt3A_608, %select_n3A_605, %select_n3A_596 : vector<16xi1>, vector<16xi32>
      %broadcast_in_dim3A_611 = arith.constant 43 : i32
      %broadcast_in_dim3A_612 = vector.broadcast %broadcast_in_dim3A_611 : i32 to vector<16xi32>
      %add3A_613 = arith.constant 43 : i32
      %add3A_614 = vector.broadcast %add3A_613 : i32 to vector<16xi32>
      %add3A_615 = arith.addi %mul3A_22, %add3A_614 : vector<16xi32>
      %gather3A_616 = tpu.vector_load_idx %arg5[%add3A_615] : memref<4096xf32, #tpu.memory_space<vmem>>[vector<16xi32>], vector<16xf32>,
      %gt3A_617 = arith.cmpf ogt, %gather3A_616, %select_n3A_606 : vector<16xf32>
      %select_n3A_618 = arith.select %gt3A_617, %select_n3A_606, %gather3A_616 : vector<16xi1>, vector<16xf32>
      %select_n3A_619 = arith.select %gt3A_617, %select_n3A_607, %broadcast_in_dim3A_612 : vector<16xi1>, vector<16xi32>
      %select_n3A_620 = arith.select %gt3A_617, %gather3A_616, %select_n3A_606 : vector<16xi1>, vector<16xf32>
      %select_n3A_621 = arith.select %gt3A_617, %broadcast_in_dim3A_612, %select_n3A_607 : vector<16xi1>, vector<16xi32>
      %gt3A_622 = arith.cmpf ogt, %select_n3A_618, %select_n3A_609 : vector<16xf32>
      %select_n3A_623 = arith.select %gt3A_622, %select_n3A_618, %select_n3A_609 : vector<16xi1>, vector<16xf32>
      %select_n3A_624 = arith.select %gt3A_622, %select_n3A_619, %select_n3A_610 : vector<16xi1>, vector<16xi32>
      %broadcast_in_dim3A_625 = arith.constant 44 : i32
      %broadcast_in_dim3A_626 = vector.broadcast %broadcast_in_dim3A_625 : i32 to vector<16xi32>
      %add3A_627 = arith.constant 44 : i32
      %add3A_628 = vector.broadcast %add3A_627 : i32 to vector<16xi32>
      %add3A_629 = arith.addi %mul3A_22, %add3A_628 : vector<16xi32>
      %gather3A_630 = tpu.vector_load_idx %arg5[%add3A_629] : memref<4096xf32, #tpu.memory_space<vmem>>[vector<16xi32>], vector<16xf32>,
      %gt3A_631 = arith.cmpf ogt, %gather3A_630, %select_n3A_620 : vector<16xf32>
      %select_n3A_632 = arith.select %gt3A_631, %select_n3A_620, %gather3A_630 : vector<16xi1>, vector<16xf32>
      %select_n3A_633 = arith.select %gt3A_631, %select_n3A_621, %broadcast_in_dim3A_626 : vector<16xi1>, vector<16xi32>
      %select_n3A_634 = arith.select %gt3A_631, %gather3A_630, %select_n3A_620 : vector<16xi1>, vector<16xf32>
      %select_n3A_635 = arith.select %gt3A_631, %broadcast_in_dim3A_626, %select_n3A_621 : vector<16xi1>, vector<16xi32>
      %gt3A_636 = arith.cmpf ogt, %select_n3A_632, %select_n3A_623 : vector<16xf32>
      %select_n3A_637 = arith.select %gt3A_636, %select_n3A_632, %select_n3A_623 : vector<16xi1>, vector<16xf32>
      %select_n3A_638 = arith.select %gt3A_636, %select_n3A_633, %select_n3A_624 : vector<16xi1>, vector<16xi32>
      %broadcast_in_dim3A_639 = arith.constant 45 : i32
      %broadcast_in_dim3A_640 = vector.broadcast %broadcast_in_dim3A_639 : i32 to vector<16xi32>
      %add3A_641 = arith.constant 45 : i32
      %add3A_642 = vector.broadcast %add3A_641 : i32 to vector<16xi32>
      %add3A_643 = arith.addi %mul3A_22, %add3A_642 : vector<16xi32>
      %gather3A_644 = tpu.vector_load_idx %arg5[%add3A_643] : memref<4096xf32, #tpu.memory_space<vmem>>[vector<16xi32>], vector<16xf32>,
      %gt3A_645 = arith.cmpf ogt, %gather3A_644, %select_n3A_634 : vector<16xf32>
      %select_n3A_646 = arith.select %gt3A_645, %select_n3A_634, %gather3A_644 : vector<16xi1>, vector<16xf32>
      %select_n3A_647 = arith.select %gt3A_645, %select_n3A_635, %broadcast_in_dim3A_640 : vector<16xi1>, vector<16xi32>
      %select_n3A_648 = arith.select %gt3A_645, %gather3A_644, %select_n3A_634 : vector<16xi1>, vector<16xf32>
      %select_n3A_649 = arith.select %gt3A_645, %broadcast_in_dim3A_640, %select_n3A_635 : vector<16xi1>, vector<16xi32>
      %gt3A_650 = arith.cmpf ogt, %select_n3A_646, %select_n3A_637 : vector<16xf32>
      %select_n3A_651 = arith.select %gt3A_650, %select_n3A_646, %select_n3A_637 : vector<16xi1>, vector<16xf32>
      %select_n3A_652 = arith.select %gt3A_650, %select_n3A_647, %select_n3A_638 : vector<16xi1>, vector<16xi32>
      %broadcast_in_dim3A_653 = arith.constant 46 : i32
      %broadcast_in_dim3A_654 = vector.broadcast %broadcast_in_dim3A_653 : i32 to vector<16xi32>
      %add3A_655 = arith.constant 46 : i32
      %add3A_656 = vector.broadcast %add3A_655 : i32 to vector<16xi32>
      %add3A_657 = arith.addi %mul3A_22, %add3A_656 : vector<16xi32>
      %gather3A_658 = tpu.vector_load_idx %arg5[%add3A_657] : memref<4096xf32, #tpu.memory_space<vmem>>[vector<16xi32>], vector<16xf32>,
      %gt3A_659 = arith.cmpf ogt, %gather3A_658, %select_n3A_648 : vector<16xf32>
      %select_n3A_660 = arith.select %gt3A_659, %select_n3A_648, %gather3A_658 : vector<16xi1>, vector<16xf32>
      %select_n3A_661 = arith.select %gt3A_659, %select_n3A_649, %broadcast_in_dim3A_654 : vector<16xi1>, vector<16xi32>
      %select_n3A_662 = arith.select %gt3A_659, %gather3A_658, %select_n3A_648 : vector<16xi1>, vector<16xf32>
      %select_n3A_663 = arith.select %gt3A_659, %broadcast_in_dim3A_654, %select_n3A_649 : vector<16xi1>, vector<16xi32>
      %gt3A_664 = arith.cmpf ogt, %select_n3A_660, %select_n3A_651 : vector<16xf32>
      %select_n3A_665 = arith.select %gt3A_664, %select_n3A_660, %select_n3A_651 : vector<16xi1>, vector<16xf32>
      %select_n3A_666 = arith.select %gt3A_664, %select_n3A_661, %select_n3A_652 : vector<16xi1>, vector<16xi32>
      %broadcast_in_dim3A_667 = arith.constant 47 : i32
      %broadcast_in_dim3A_668 = vector.broadcast %broadcast_in_dim3A_667 : i32 to vector<16xi32>
      %add3A_669 = arith.constant 47 : i32
      %add3A_670 = vector.broadcast %add3A_669 : i32 to vector<16xi32>
      %add3A_671 = arith.addi %mul3A_22, %add3A_670 : vector<16xi32>
      %gather3A_672 = tpu.vector_load_idx %arg5[%add3A_671] : memref<4096xf32, #tpu.memory_space<vmem>>[vector<16xi32>], vector<16xf32>,
      %gt3A_673 = arith.cmpf ogt, %gather3A_672, %select_n3A_662 : vector<16xf32>
      %select_n3A_674 = arith.select %gt3A_673, %select_n3A_662, %gather3A_672 : vector<16xi1>, vector<16xf32>
      %select_n3A_675 = arith.select %gt3A_673, %select_n3A_663, %broadcast_in_dim3A_668 : vector<16xi1>, vector<16xi32>
      %select_n3A_676 = arith.select %gt3A_673, %gather3A_672, %select_n3A_662 : vector<16xi1>, vector<16xf32>
      %select_n3A_677 = arith.select %gt3A_673, %broadcast_in_dim3A_668, %select_n3A_663 : vector<16xi1>, vector<16xi32>
      %gt3A_678 = arith.cmpf ogt, %select_n3A_674, %select_n3A_665 : vector<16xf32>
      %select_n3A_679 = arith.select %gt3A_678, %select_n3A_674, %select_n3A_665 : vector<16xi1>, vector<16xf32>
      %select_n3A_680 = arith.select %gt3A_678, %select_n3A_675, %select_n3A_666 : vector<16xi1>, vector<16xi32>
      %broadcast_in_dim3A_681 = arith.constant 48 : i32
      %broadcast_in_dim3A_682 = vector.broadcast %broadcast_in_dim3A_681 : i32 to vector<16xi32>
      %add3A_683 = arith.constant 48 : i32
      %add3A_684 = vector.broadcast %add3A_683 : i32 to vector<16xi32>
      %add3A_685 = arith.addi %mul3A_22, %add3A_684 : vector<16xi32>
      %gather3A_686 = tpu.vector_load_idx %arg5[%add3A_685] : memref<4096xf32, #tpu.memory_space<vmem>>[vector<16xi32>], vector<16xf32>,
      %gt3A_687 = arith.cmpf ogt, %gather3A_686, %select_n3A_676 : vector<16xf32>
      %select_n3A_688 = arith.select %gt3A_687, %select_n3A_676, %gather3A_686 : vector<16xi1>, vector<16xf32>
      %select_n3A_689 = arith.select %gt3A_687, %select_n3A_677, %broadcast_in_dim3A_682 : vector<16xi1>, vector<16xi32>
      %select_n3A_690 = arith.select %gt3A_687, %gather3A_686, %select_n3A_676 : vector<16xi1>, vector<16xf32>
      %select_n3A_691 = arith.select %gt3A_687, %broadcast_in_dim3A_682, %select_n3A_677 : vector<16xi1>, vector<16xi32>
      %gt3A_692 = arith.cmpf ogt, %select_n3A_688, %select_n3A_679 : vector<16xf32>
      %select_n3A_693 = arith.select %gt3A_692, %select_n3A_688, %select_n3A_679 : vector<16xi1>, vector<16xf32>
      %select_n3A_694 = arith.select %gt3A_692, %select_n3A_689, %select_n3A_680 : vector<16xi1>, vector<16xi32>
      %broadcast_in_dim3A_695 = arith.constant 49 : i32
      %broadcast_in_dim3A_696 = vector.broadcast %broadcast_in_dim3A_695 : i32 to vector<16xi32>
      %add3A_697 = arith.constant 49 : i32
      %add3A_698 = vector.broadcast %add3A_697 : i32 to vector<16xi32>
      %add3A_699 = arith.addi %mul3A_22, %add3A_698 : vector<16xi32>
      %gather3A_700 = tpu.vector_load_idx %arg5[%add3A_699] : memref<4096xf32, #tpu.memory_space<vmem>>[vector<16xi32>], vector<16xf32>,
      %gt3A_701 = arith.cmpf ogt, %gather3A_700, %select_n3A_690 : vector<16xf32>
      %select_n3A_702 = arith.select %gt3A_701, %select_n3A_690, %gather3A_700 : vector<16xi1>, vector<16xf32>
      %select_n3A_703 = arith.select %gt3A_701, %select_n3A_691, %broadcast_in_dim3A_696 : vector<16xi1>, vector<16xi32>
      %select_n3A_704 = arith.select %gt3A_701, %gather3A_700, %select_n3A_690 : vector<16xi1>, vector<16xf32>
      %select_n3A_705 = arith.select %gt3A_701, %broadcast_in_dim3A_696, %select_n3A_691 : vector<16xi1>, vector<16xi32>
      %gt3A_706 = arith.cmpf ogt, %select_n3A_702, %select_n3A_693 : vector<16xf32>
      %select_n3A_707 = arith.select %gt3A_706, %select_n3A_702, %select_n3A_693 : vector<16xi1>, vector<16xf32>
      %select_n3A_708 = arith.select %gt3A_706, %select_n3A_703, %select_n3A_694 : vector<16xi1>, vector<16xi32>
      %broadcast_in_dim3A_709 = arith.constant 50 : i32
      %broadcast_in_dim3A_710 = vector.broadcast %broadcast_in_dim3A_709 : i32 to vector<16xi32>
      %add3A_711 = arith.constant 50 : i32
      %add3A_712 = vector.broadcast %add3A_711 : i32 to vector<16xi32>
      %add3A_713 = arith.addi %mul3A_22, %add3A_712 : vector<16xi32>
      %gather3A_714 = tpu.vector_load_idx %arg5[%add3A_713] : memref<4096xf32, #tpu.memory_space<vmem>>[vector<16xi32>], vector<16xf32>,
      %gt3A_715 = arith.cmpf ogt, %gather3A_714, %select_n3A_704 : vector<16xf32>
      %select_n3A_716 = arith.select %gt3A_715, %select_n3A_704, %gather3A_714 : vector<16xi1>, vector<16xf32>
      %select_n3A_717 = arith.select %gt3A_715, %select_n3A_705, %broadcast_in_dim3A_710 : vector<16xi1>, vector<16xi32>
      %select_n3A_718 = arith.select %gt3A_715, %gather3A_714, %select_n3A_704 : vector<16xi1>, vector<16xf32>
      %select_n3A_719 = arith.select %gt3A_715, %broadcast_in_dim3A_710, %select_n3A_705 : vector<16xi1>, vector<16xi32>
      %gt3A_720 = arith.cmpf ogt, %select_n3A_716, %select_n3A_707 : vector<16xf32>
      %select_n3A_721 = arith.select %gt3A_720, %select_n3A_716, %select_n3A_707 : vector<16xi1>, vector<16xf32>
      %select_n3A_722 = arith.select %gt3A_720, %select_n3A_717, %select_n3A_708 : vector<16xi1>, vector<16xi32>
      %broadcast_in_dim3A_723 = arith.constant 51 : i32
      %broadcast_in_dim3A_724 = vector.broadcast %broadcast_in_dim3A_723 : i32 to vector<16xi32>
      %add3A_725 = arith.constant 51 : i32
      %add3A_726 = vector.broadcast %add3A_725 : i32 to vector<16xi32>
      %add3A_727 = arith.addi %mul3A_22, %add3A_726 : vector<16xi32>
      %gather3A_728 = tpu.vector_load_idx %arg5[%add3A_727] : memref<4096xf32, #tpu.memory_space<vmem>>[vector<16xi32>], vector<16xf32>,
      %gt3A_729 = arith.cmpf ogt, %gather3A_728, %select_n3A_718 : vector<16xf32>
      %select_n3A_730 = arith.select %gt3A_729, %select_n3A_718, %gather3A_728 : vector<16xi1>, vector<16xf32>
      %select_n3A_731 = arith.select %gt3A_729, %select_n3A_719, %broadcast_in_dim3A_724 : vector<16xi1>, vector<16xi32>
      %select_n3A_732 = arith.select %gt3A_729, %gather3A_728, %select_n3A_718 : vector<16xi1>, vector<16xf32>
      %select_n3A_733 = arith.select %gt3A_729, %broadcast_in_dim3A_724, %select_n3A_719 : vector<16xi1>, vector<16xi32>
      %gt3A_734 = arith.cmpf ogt, %select_n3A_730, %select_n3A_721 : vector<16xf32>
      %select_n3A_735 = arith.select %gt3A_734, %select_n3A_730, %select_n3A_721 : vector<16xi1>, vector<16xf32>
      %select_n3A_736 = arith.select %gt3A_734, %select_n3A_731, %select_n3A_722 : vector<16xi1>, vector<16xi32>
      %broadcast_in_dim3A_737 = arith.constant 52 : i32
      %broadcast_in_dim3A_738 = vector.broadcast %broadcast_in_dim3A_737 : i32 to vector<16xi32>
      %add3A_739 = arith.constant 52 : i32
      %add3A_740 = vector.broadcast %add3A_739 : i32 to vector<16xi32>
      %add3A_741 = arith.addi %mul3A_22, %add3A_740 : vector<16xi32>
      %gather3A_742 = tpu.vector_load_idx %arg5[%add3A_741] : memref<4096xf32, #tpu.memory_space<vmem>>[vector<16xi32>], vector<16xf32>,
      %gt3A_743 = arith.cmpf ogt, %gather3A_742, %select_n3A_732 : vector<16xf32>
      %select_n3A_744 = arith.select %gt3A_743, %select_n3A_732, %gather3A_742 : vector<16xi1>, vector<16xf32>
      %select_n3A_745 = arith.select %gt3A_743, %select_n3A_733, %broadcast_in_dim3A_738 : vector<16xi1>, vector<16xi32>
      %select_n3A_746 = arith.select %gt3A_743, %gather3A_742, %select_n3A_732 : vector<16xi1>, vector<16xf32>
      %select_n3A_747 = arith.select %gt3A_743, %broadcast_in_dim3A_738, %select_n3A_733 : vector<16xi1>, vector<16xi32>
      %gt3A_748 = arith.cmpf ogt, %select_n3A_744, %select_n3A_735 : vector<16xf32>
      %select_n3A_749 = arith.select %gt3A_748, %select_n3A_744, %select_n3A_735 : vector<16xi1>, vector<16xf32>
      %select_n3A_750 = arith.select %gt3A_748, %select_n3A_745, %select_n3A_736 : vector<16xi1>, vector<16xi32>
      %broadcast_in_dim3A_751 = arith.constant 53 : i32
      %broadcast_in_dim3A_752 = vector.broadcast %broadcast_in_dim3A_751 : i32 to vector<16xi32>
      %add3A_753 = arith.constant 53 : i32
      %add3A_754 = vector.broadcast %add3A_753 : i32 to vector<16xi32>
      %add3A_755 = arith.addi %mul3A_22, %add3A_754 : vector<16xi32>
      %gather3A_756 = tpu.vector_load_idx %arg5[%add3A_755] : memref<4096xf32, #tpu.memory_space<vmem>>[vector<16xi32>], vector<16xf32>,
      %gt3A_757 = arith.cmpf ogt, %gather3A_756, %select_n3A_746 : vector<16xf32>
      %select_n3A_758 = arith.select %gt3A_757, %select_n3A_746, %gather3A_756 : vector<16xi1>, vector<16xf32>
      %select_n3A_759 = arith.select %gt3A_757, %select_n3A_747, %broadcast_in_dim3A_752 : vector<16xi1>, vector<16xi32>
      %select_n3A_760 = arith.select %gt3A_757, %gather3A_756, %select_n3A_746 : vector<16xi1>, vector<16xf32>
      %select_n3A_761 = arith.select %gt3A_757, %broadcast_in_dim3A_752, %select_n3A_747 : vector<16xi1>, vector<16xi32>
      %gt3A_762 = arith.cmpf ogt, %select_n3A_758, %select_n3A_749 : vector<16xf32>
      %select_n3A_763 = arith.select %gt3A_762, %select_n3A_758, %select_n3A_749 : vector<16xi1>, vector<16xf32>
      %select_n3A_764 = arith.select %gt3A_762, %select_n3A_759, %select_n3A_750 : vector<16xi1>, vector<16xi32>
      %broadcast_in_dim3A_765 = arith.constant 54 : i32
      %broadcast_in_dim3A_766 = vector.broadcast %broadcast_in_dim3A_765 : i32 to vector<16xi32>
      %add3A_767 = arith.constant 54 : i32
      %add3A_768 = vector.broadcast %add3A_767 : i32 to vector<16xi32>
      %add3A_769 = arith.addi %mul3A_22, %add3A_768 : vector<16xi32>
      %gather3A_770 = tpu.vector_load_idx %arg5[%add3A_769] : memref<4096xf32, #tpu.memory_space<vmem>>[vector<16xi32>], vector<16xf32>,
      %gt3A_771 = arith.cmpf ogt, %gather3A_770, %select_n3A_760 : vector<16xf32>
      %select_n3A_772 = arith.select %gt3A_771, %select_n3A_760, %gather3A_770 : vector<16xi1>, vector<16xf32>
      %select_n3A_773 = arith.select %gt3A_771, %select_n3A_761, %broadcast_in_dim3A_766 : vector<16xi1>, vector<16xi32>
      %select_n3A_774 = arith.select %gt3A_771, %gather3A_770, %select_n3A_760 : vector<16xi1>, vector<16xf32>
      %select_n3A_775 = arith.select %gt3A_771, %broadcast_in_dim3A_766, %select_n3A_761 : vector<16xi1>, vector<16xi32>
      %gt3A_776 = arith.cmpf ogt, %select_n3A_772, %select_n3A_763 : vector<16xf32>
      %select_n3A_777 = arith.select %gt3A_776, %select_n3A_772, %select_n3A_763 : vector<16xi1>, vector<16xf32>
      %select_n3A_778 = arith.select %gt3A_776, %select_n3A_773, %select_n3A_764 : vector<16xi1>, vector<16xi32>
      %broadcast_in_dim3A_779 = arith.constant 55 : i32
      %broadcast_in_dim3A_780 = vector.broadcast %broadcast_in_dim3A_779 : i32 to vector<16xi32>
      %add3A_781 = arith.constant 55 : i32
      %add3A_782 = vector.broadcast %add3A_781 : i32 to vector<16xi32>
      %add3A_783 = arith.addi %mul3A_22, %add3A_782 : vector<16xi32>
      %gather3A_784 = tpu.vector_load_idx %arg5[%add3A_783] : memref<4096xf32, #tpu.memory_space<vmem>>[vector<16xi32>], vector<16xf32>,
      %gt3A_785 = arith.cmpf ogt, %gather3A_784, %select_n3A_774 : vector<16xf32>
      %select_n3A_786 = arith.select %gt3A_785, %select_n3A_774, %gather3A_784 : vector<16xi1>, vector<16xf32>
      %select_n3A_787 = arith.select %gt3A_785, %select_n3A_775, %broadcast_in_dim3A_780 : vector<16xi1>, vector<16xi32>
      %select_n3A_788 = arith.select %gt3A_785, %gather3A_784, %select_n3A_774 : vector<16xi1>, vector<16xf32>
      %select_n3A_789 = arith.select %gt3A_785, %broadcast_in_dim3A_780, %select_n3A_775 : vector<16xi1>, vector<16xi32>
      %gt3A_790 = arith.cmpf ogt, %select_n3A_786, %select_n3A_777 : vector<16xf32>
      %select_n3A_791 = arith.select %gt3A_790, %select_n3A_786, %select_n3A_777 : vector<16xi1>, vector<16xf32>
      %select_n3A_792 = arith.select %gt3A_790, %select_n3A_787, %select_n3A_778 : vector<16xi1>, vector<16xi32>
      %broadcast_in_dim3A_793 = arith.constant 56 : i32
      %broadcast_in_dim3A_794 = vector.broadcast %broadcast_in_dim3A_793 : i32 to vector<16xi32>
      %add3A_795 = arith.constant 56 : i32
      %add3A_796 = vector.broadcast %add3A_795 : i32 to vector<16xi32>
      %add3A_797 = arith.addi %mul3A_22, %add3A_796 : vector<16xi32>
      %gather3A_798 = tpu.vector_load_idx %arg5[%add3A_797] : memref<4096xf32, #tpu.memory_space<vmem>>[vector<16xi32>], vector<16xf32>,
      %gt3A_799 = arith.cmpf ogt, %gather3A_798, %select_n3A_788 : vector<16xf32>
      %select_n3A_800 = arith.select %gt3A_799, %select_n3A_788, %gather3A_798 : vector<16xi1>, vector<16xf32>
      %select_n3A_801 = arith.select %gt3A_799, %select_n3A_789, %broadcast_in_dim3A_794 : vector<16xi1>, vector<16xi32>
      %select_n3A_802 = arith.select %gt3A_799, %gather3A_798, %select_n3A_788 : vector<16xi1>, vector<16xf32>
      %select_n3A_803 = arith.select %gt3A_799, %broadcast_in_dim3A_794, %select_n3A_789 : vector<16xi1>, vector<16xi32>
      %gt3A_804 = arith.cmpf ogt, %select_n3A_800, %select_n3A_791 : vector<16xf32>
      %select_n3A_805 = arith.select %gt3A_804, %select_n3A_800, %select_n3A_791 : vector<16xi1>, vector<16xf32>
      %select_n3A_806 = arith.select %gt3A_804, %select_n3A_801, %select_n3A_792 : vector<16xi1>, vector<16xi32>
      %broadcast_in_dim3A_807 = arith.constant 57 : i32
      %broadcast_in_dim3A_808 = vector.broadcast %broadcast_in_dim3A_807 : i32 to vector<16xi32>
      %add3A_809 = arith.constant 57 : i32
      %add3A_810 = vector.broadcast %add3A_809 : i32 to vector<16xi32>
      %add3A_811 = arith.addi %mul3A_22, %add3A_810 : vector<16xi32>
      %gather3A_812 = tpu.vector_load_idx %arg5[%add3A_811] : memref<4096xf32, #tpu.memory_space<vmem>>[vector<16xi32>], vector<16xf32>,
      %gt3A_813 = arith.cmpf ogt, %gather3A_812, %select_n3A_802 : vector<16xf32>
      %select_n3A_814 = arith.select %gt3A_813, %select_n3A_802, %gather3A_812 : vector<16xi1>, vector<16xf32>
      %select_n3A_815 = arith.select %gt3A_813, %select_n3A_803, %broadcast_in_dim3A_808 : vector<16xi1>, vector<16xi32>
      %select_n3A_816 = arith.select %gt3A_813, %gather3A_812, %select_n3A_802 : vector<16xi1>, vector<16xf32>
      %select_n3A_817 = arith.select %gt3A_813, %broadcast_in_dim3A_808, %select_n3A_803 : vector<16xi1>, vector<16xi32>
      %gt3A_818 = arith.cmpf ogt, %select_n3A_814, %select_n3A_805 : vector<16xf32>
      %select_n3A_819 = arith.select %gt3A_818, %select_n3A_814, %select_n3A_805 : vector<16xi1>, vector<16xf32>
      %select_n3A_820 = arith.select %gt3A_818, %select_n3A_815, %select_n3A_806 : vector<16xi1>, vector<16xi32>
      %broadcast_in_dim3A_821 = arith.constant 58 : i32
      %broadcast_in_dim3A_822 = vector.broadcast %broadcast_in_dim3A_821 : i32 to vector<16xi32>
      %add3A_823 = arith.constant 58 : i32
      %add3A_824 = vector.broadcast %add3A_823 : i32 to vector<16xi32>
      %add3A_825 = arith.addi %mul3A_22, %add3A_824 : vector<16xi32>
      %gather3A_826 = tpu.vector_load_idx %arg5[%add3A_825] : memref<4096xf32, #tpu.memory_space<vmem>>[vector<16xi32>], vector<16xf32>,
      %gt3A_827 = arith.cmpf ogt, %gather3A_826, %select_n3A_816 : vector<16xf32>
      %select_n3A_828 = arith.select %gt3A_827, %select_n3A_816, %gather3A_826 : vector<16xi1>, vector<16xf32>
      %select_n3A_829 = arith.select %gt3A_827, %select_n3A_817, %broadcast_in_dim3A_822 : vector<16xi1>, vector<16xi32>
      %select_n3A_830 = arith.select %gt3A_827, %gather3A_826, %select_n3A_816 : vector<16xi1>, vector<16xf32>
      %select_n3A_831 = arith.select %gt3A_827, %broadcast_in_dim3A_822, %select_n3A_817 : vector<16xi1>, vector<16xi32>
      %gt3A_832 = arith.cmpf ogt, %select_n3A_828, %select_n3A_819 : vector<16xf32>
      %select_n3A_833 = arith.select %gt3A_832, %select_n3A_828, %select_n3A_819 : vector<16xi1>, vector<16xf32>
      %select_n3A_834 = arith.select %gt3A_832, %select_n3A_829, %select_n3A_820 : vector<16xi1>, vector<16xi32>
      %broadcast_in_dim3A_835 = arith.constant 59 : i32
      %broadcast_in_dim3A_836 = vector.broadcast %broadcast_in_dim3A_835 : i32 to vector<16xi32>
      %add3A_837 = arith.constant 59 : i32
      %add3A_838 = vector.broadcast %add3A_837 : i32 to vector<16xi32>
      %add3A_839 = arith.addi %mul3A_22, %add3A_838 : vector<16xi32>
      %gather3A_840 = tpu.vector_load_idx %arg5[%add3A_839] : memref<4096xf32, #tpu.memory_space<vmem>>[vector<16xi32>], vector<16xf32>,
      %gt3A_841 = arith.cmpf ogt, %gather3A_840, %select_n3A_830 : vector<16xf32>
      %select_n3A_842 = arith.select %gt3A_841, %select_n3A_830, %gather3A_840 : vector<16xi1>, vector<16xf32>
      %select_n3A_843 = arith.select %gt3A_841, %select_n3A_831, %broadcast_in_dim3A_836 : vector<16xi1>, vector<16xi32>
      %select_n3A_844 = arith.select %gt3A_841, %gather3A_840, %select_n3A_830 : vector<16xi1>, vector<16xf32>
      %select_n3A_845 = arith.select %gt3A_841, %broadcast_in_dim3A_836, %select_n3A_831 : vector<16xi1>, vector<16xi32>
      %gt3A_846 = arith.cmpf ogt, %select_n3A_842, %select_n3A_833 : vector<16xf32>
      %select_n3A_847 = arith.select %gt3A_846, %select_n3A_842, %select_n3A_833 : vector<16xi1>, vector<16xf32>
      %select_n3A_848 = arith.select %gt3A_846, %select_n3A_843, %select_n3A_834 : vector<16xi1>, vector<16xi32>
      %broadcast_in_dim3A_849 = arith.constant 60 : i32
      %broadcast_in_dim3A_850 = vector.broadcast %broadcast_in_dim3A_849 : i32 to vector<16xi32>
      %add3A_851 = arith.constant 60 : i32
      %add3A_852 = vector.broadcast %add3A_851 : i32 to vector<16xi32>
      %add3A_853 = arith.addi %mul3A_22, %add3A_852 : vector<16xi32>
      %gather3A_854 = tpu.vector_load_idx %arg5[%add3A_853] : memref<4096xf32, #tpu.memory_space<vmem>>[vector<16xi32>], vector<16xf32>,
      %gt3A_855 = arith.cmpf ogt, %gather3A_854, %select_n3A_844 : vector<16xf32>
      %select_n3A_856 = arith.select %gt3A_855, %select_n3A_844, %gather3A_854 : vector<16xi1>, vector<16xf32>
      %select_n3A_857 = arith.select %gt3A_855, %select_n3A_845, %broadcast_in_dim3A_850 : vector<16xi1>, vector<16xi32>
      %select_n3A_858 = arith.select %gt3A_855, %gather3A_854, %select_n3A_844 : vector<16xi1>, vector<16xf32>
      %select_n3A_859 = arith.select %gt3A_855, %broadcast_in_dim3A_850, %select_n3A_845 : vector<16xi1>, vector<16xi32>
      %gt3A_860 = arith.cmpf ogt, %select_n3A_856, %select_n3A_847 : vector<16xf32>
      %select_n3A_861 = arith.select %gt3A_860, %select_n3A_856, %select_n3A_847 : vector<16xi1>, vector<16xf32>
      %select_n3A_862 = arith.select %gt3A_860, %select_n3A_857, %select_n3A_848 : vector<16xi1>, vector<16xi32>
      %broadcast_in_dim3A_863 = arith.constant 61 : i32
      %broadcast_in_dim3A_864 = vector.broadcast %broadcast_in_dim3A_863 : i32 to vector<16xi32>
      %add3A_865 = arith.constant 61 : i32
      %add3A_866 = vector.broadcast %add3A_865 : i32 to vector<16xi32>
      %add3A_867 = arith.addi %mul3A_22, %add3A_866 : vector<16xi32>
      %gather3A_868 = tpu.vector_load_idx %arg5[%add3A_867] : memref<4096xf32, #tpu.memory_space<vmem>>[vector<16xi32>], vector<16xf32>,
      %gt3A_869 = arith.cmpf ogt, %gather3A_868, %select_n3A_858 : vector<16xf32>
      %select_n3A_870 = arith.select %gt3A_869, %select_n3A_858, %gather3A_868 : vector<16xi1>, vector<16xf32>
      %select_n3A_871 = arith.select %gt3A_869, %select_n3A_859, %broadcast_in_dim3A_864 : vector<16xi1>, vector<16xi32>
      %select_n3A_872 = arith.select %gt3A_869, %gather3A_868, %select_n3A_858 : vector<16xi1>, vector<16xf32>
      %select_n3A_873 = arith.select %gt3A_869, %broadcast_in_dim3A_864, %select_n3A_859 : vector<16xi1>, vector<16xi32>
      %gt3A_874 = arith.cmpf ogt, %select_n3A_870, %select_n3A_861 : vector<16xf32>
      %select_n3A_875 = arith.select %gt3A_874, %select_n3A_870, %select_n3A_861 : vector<16xi1>, vector<16xf32>
      %select_n3A_876 = arith.select %gt3A_874, %select_n3A_871, %select_n3A_862 : vector<16xi1>, vector<16xi32>
      %broadcast_in_dim3A_877 = arith.constant 62 : i32
      %broadcast_in_dim3A_878 = vector.broadcast %broadcast_in_dim3A_877 : i32 to vector<16xi32>
      %add3A_879 = arith.constant 62 : i32
      %add3A_880 = vector.broadcast %add3A_879 : i32 to vector<16xi32>
      %add3A_881 = arith.addi %mul3A_22, %add3A_880 : vector<16xi32>
      %gather3A_882 = tpu.vector_load_idx %arg5[%add3A_881] : memref<4096xf32, #tpu.memory_space<vmem>>[vector<16xi32>], vector<16xf32>,
      %gt3A_883 = arith.cmpf ogt, %gather3A_882, %select_n3A_872 : vector<16xf32>
      %select_n3A_884 = arith.select %gt3A_883, %select_n3A_872, %gather3A_882 : vector<16xi1>, vector<16xf32>
      %select_n3A_885 = arith.select %gt3A_883, %select_n3A_873, %broadcast_in_dim3A_878 : vector<16xi1>, vector<16xi32>
      %select_n3A_886 = arith.select %gt3A_883, %gather3A_882, %select_n3A_872 : vector<16xi1>, vector<16xf32>
      %select_n3A_887 = arith.select %gt3A_883, %broadcast_in_dim3A_878, %select_n3A_873 : vector<16xi1>, vector<16xi32>
      %gt3A_888 = arith.cmpf ogt, %select_n3A_884, %select_n3A_875 : vector<16xf32>
      %select_n3A_889 = arith.select %gt3A_888, %select_n3A_884, %select_n3A_875 : vector<16xi1>, vector<16xf32>
      %select_n3A_890 = arith.select %gt3A_888, %select_n3A_885, %select_n3A_876 : vector<16xi1>, vector<16xi32>
      %broadcast_in_dim3A_891 = arith.constant 63 : i32
      %broadcast_in_dim3A_892 = vector.broadcast %broadcast_in_dim3A_891 : i32 to vector<16xi32>
      %add3A_893 = arith.constant 63 : i32
      %add3A_894 = vector.broadcast %add3A_893 : i32 to vector<16xi32>
      %add3A_895 = arith.addi %mul3A_22, %add3A_894 : vector<16xi32>
      %gather3A_896 = tpu.vector_load_idx %arg5[%add3A_895] : memref<4096xf32, #tpu.memory_space<vmem>>[vector<16xi32>], vector<16xf32>,
      %gt3A_897 = arith.cmpf ogt, %gather3A_896, %select_n3A_886 : vector<16xf32>
      %select_n3A_898 = arith.select %gt3A_897, %select_n3A_886, %gather3A_896 : vector<16xi1>, vector<16xf32>
      %select_n3A_899 = arith.select %gt3A_897, %select_n3A_887, %broadcast_in_dim3A_892 : vector<16xi1>, vector<16xi32>
      %select_n3A_900 = arith.select %gt3A_897, %gather3A_896, %select_n3A_886 : vector<16xi1>, vector<16xf32>
      %select_n3A_901 = arith.select %gt3A_897, %broadcast_in_dim3A_892, %select_n3A_887 : vector<16xi1>, vector<16xi32>
      %gt3A_902 = arith.cmpf ogt, %select_n3A_898, %select_n3A_889 : vector<16xf32>
      %select_n3A_903 = arith.select %gt3A_902, %select_n3A_898, %select_n3A_889 : vector<16xi1>, vector<16xf32>
      %select_n3A_904 = arith.select %gt3A_902, %select_n3A_899, %select_n3A_890 : vector<16xi1>, vector<16xi32>
      %sub3A = arith.subf %select_n3A_903, %select_n3A_900 : vector<16xf32>
      %exp3A = math.exp %sub3A : vector<16xf32>
      %add3A_905 = arith.constant 1.000000e+00 : f32
      %add3A_906 = vector.broadcast %add3A_905 : f32 to vector<16xf32>
      %add3A_907 = arith.addf %add3A_906, %exp3A : vector<16xf32>
      %div3A = arith.constant 1.000000e+00 : f32
      %div3A_908 = vector.broadcast %div3A : f32 to vector<16xf32>
      %div3A_909 = arith.divf %div3A_908, %add3A_907 : vector<16xf32>
      %sub3A_910 = arith.constant 1.000000e+00 : f32
      %sub3A_911 = vector.broadcast %sub3A_910 : f32 to vector<16xf32>
      %sub3A_912 = arith.subf %sub3A_911, %div3A_909 : vector<16xf32>
      %mul3A_913 = arith.constant 32 : i32
      %mul3A_914 = arith.muli %scan3A_15, %mul3A_913 : i32
      %mul3A_915 = arith.constant 2 : i32
      %mul3A_916 = vector.broadcast %mul3A_915 : i32 to vector<16xi32>
      %mul3A_917 = arith.muli %mul3A_916, %iota3A : vector<16xi32>
      %add3A_918 = vector.broadcast %mul3A_914 : i32 to vector<16xi32>
      %add3A_919 = arith.addi %add3A_918, %mul3A_917 : vector<16xi32>
      tpu.vector_store_idx %arg6[%add3A_919], %select_n3A_901 : memref<128xi32, #tpu.memory_space<vmem>>[vector<16xi32>], vector<16xi32>,
      %add3A_920 = arith.constant 1 : i32
      %add3A_921 = vector.broadcast %add3A_920 : i32 to vector<16xi32>
      %add3A_922 = arith.addi %add3A_919, %add3A_921 : vector<16xi32>
      tpu.vector_store_idx %arg6[%add3A_922], %select_n3A_904 : memref<128xi32, #tpu.memory_space<vmem>>[vector<16xi32>], vector<16xi32>,
      tpu.vector_store_idx %arg7[%add3A_919], %div3A_909 : memref<128xf32, #tpu.memory_space<vmem>>[vector<16xi32>], vector<16xf32>,
      %add3A_923 = arith.constant 1 : i32
      %add3A_924 = vector.broadcast %add3A_923 : i32 to vector<16xi32>
      %add3A_925 = arith.addi %add3A_919, %add3A_924 : vector<16xi32>
      tpu.vector_store_idx %arg7[%add3A_925], %sub3A_912 : memref<128xf32, #tpu.memory_space<vmem>>[vector<16xi32>], vector<16xf32>,
    }
    %scan3A_10 = arith.constant 4 : i32
    %mul3A_11 = arith.constant 2 : i32
    %mul3A_12 = arith.muli %mul3A_11, %mul3A_2 : i32
    "tpu.region"() ({
      %run_scoped3A = tpu.sem_alloc : memref<!tpu.dma_semaphore, #tpu.memory_space<semaphore_mem>>
      %dma_start3A = tpu.memref_slice %arg3[%mul3A_12] : memref<4096xi32, #tpu.memory_space<hbm>> -> memref<128xi32, #tpu.memory_space<hbm>>
      %dma_start3A_15 = tpu.memref_slice %arg3[%mul3A_12] : memref<4096xi32, #tpu.memory_space<hbm>> -> memref<128xi32, #tpu.memory_space<hbm>>
      tpu.enqueue_dma source(%arg6 : memref<128xi32, #tpu.memory_space<vmem>>) target(%dma_start3A_15 : memref<128xi32, #tpu.memory_space<hbm>>) target_semaphore(%run_scoped3A : memref<!tpu.dma_semaphore, #tpu.memory_space<semaphore_mem>>)
      %dma_wait3A = tpu.memref_slice %arg3[%mul3A_12] : memref<4096xi32, #tpu.memory_space<hbm>> -> memref<128xi32, #tpu.memory_space<hbm>>
      %dma_wait3A_16 = tpu.memref_slice %arg3[%mul3A_12] : memref<4096xi32, #tpu.memory_space<hbm>> -> memref<128xi32, #tpu.memory_space<hbm>>
      tpu.wait_dma2 semaphore(%run_scoped3A : memref<!tpu.dma_semaphore, #tpu.memory_space<semaphore_mem>>) src(%arg6 : memref<128xi32, #tpu.memory_space<vmem>>) dst(%dma_wait3A_16 : memref<128xi32, #tpu.memory_space<hbm>>)
      tpu.yield
    }) : () -> ()
    %mul3A_13 = arith.constant 2 : i32
    %mul3A_14 = arith.muli %mul3A_13, %mul3A_2 : i32
    "tpu.region"() ({
      %run_scoped3A = tpu.sem_alloc : memref<!tpu.dma_semaphore, #tpu.memory_space<semaphore_mem>>
      %dma_start3A = tpu.memref_slice %arg4[%mul3A_14] : memref<4096xf32, #tpu.memory_space<hbm>> -> memref<128xf32, #tpu.memory_space<hbm>>
      %dma_start3A_15 = tpu.memref_slice %arg4[%mul3A_14] : memref<4096xf32, #tpu.memory_space<hbm>> -> memref<128xf32, #tpu.memory_space<hbm>>
      tpu.enqueue_dma source(%arg7 : memref<128xf32, #tpu.memory_space<vmem>>) target(%dma_start3A_15 : memref<128xf32, #tpu.memory_space<hbm>>) target_semaphore(%run_scoped3A : memref<!tpu.dma_semaphore, #tpu.memory_space<semaphore_mem>>)
      %dma_wait3A = tpu.memref_slice %arg4[%mul3A_14] : memref<4096xf32, #tpu.memory_space<hbm>> -> memref<128xf32, #tpu.memory_space<hbm>>
      %dma_wait3A_16 = tpu.memref_slice %arg4[%mul3A_14] : memref<4096xf32, #tpu.memory_space<hbm>> -> memref<128xf32, #tpu.memory_space<hbm>>
      tpu.wait_dma2 semaphore(%run_scoped3A : memref<!tpu.dma_semaphore, #tpu.memory_space<semaphore_mem>>) src(%arg7 : memref<128xf32, #tpu.memory_space<vmem>>) dst(%dma_wait3A_16 : memref<128xf32, #tpu.memory_space<hbm>>)
      tpu.yield
    }) : () -> ()
    return
  }
}

module attributes {stable_mosaic.version = 14 : i64} {
  func.func @_matmul_body(%arg0: i32, %arg1: memref<1024x2048xf32, #tpu.memory_space<vmem>>, %arg2: memref<64x2048xf32, #tpu.memory_space<vmem>>, %arg3: memref<1024x64xf32, #tpu.memory_space<vmem>>) attributes {dimension_semantics = [#tpu.dimension_semantics<arbitrary>], iteration_bounds = array<i64: 4>, scalar_prefetch = 0 : i64, scratch_operands = 0 : i64, tpu.core_type = #tpu.core_type<tc>, window_params = [{transform_indices = @transform_0, window_bounds = array<i64: 1024, 2048>}, {pipeline_mode = #tpu.pipeline_mode<synchronous>, transform_indices = @transform_1, window_bounds = array<i64: 64, 2048>}, {transform_indices = @transform_2, window_bounds = array<i64: 1024, 64>}]} {
    %get3A = arith.constant 0 : index
    %get3A_0 = arith.constant 0 : index
    %get3A_1 = vector.load %arg1[%get3A, %get3A_0] : memref<1024x2048xf32, #tpu.memory_space<vmem>>, vector<1024x2048xf32>
    %get3A_2 = arith.constant 0 : index
    %get3A_3 = arith.constant 0 : index
    %get3A_4 = vector.load %arg2[%get3A_2, %get3A_3] : memref<64x2048xf32, #tpu.memory_space<vmem>>, vector<64x2048xf32>
    %dot_general3A = arith.constant dense<0.000000e+00> : vector<1024x64xf32>
    %dot_general3A_5 = tpu.matmul %get3A_1, %get3A_4, %dot_general3A {dimension_numbers = #tpu.dot_dimension_numbers<[1], [1], [0], [0], [0, 0, 1, 0], [], []>, transpose_lhs_hint = false} : vector<1024x2048xf32>, vector<64x2048xf32>, vector<1024x64xf32> -> vector<1024x64xf32>
    %swap3A = arith.constant 0 : index
    %swap3A_6 = arith.constant 0 : index
    %swap3A_7 = vector.load %arg3[%swap3A, %swap3A_6] : memref<1024x64xf32, #tpu.memory_space<vmem>>, vector<1024x64xf32>
    tpu.vector_store %arg3[%swap3A, %swap3A_6], %dot_general3A_5 {strides = array<i32>} : memref<1024x64xf32, #tpu.memory_space<vmem>>, vector<1024x64xf32>,
    return
  }
  func.func @transform_0(%arg0: i32) -> (i32, i32) {
    %add3A = arith.constant 10 : i32
    %add3A_0 = arith.addi %add3A, %arg0 : i32
    %c0_i32 = arith.constant 0 : i32
    %c0_i32_1 = arith.constant 0 : i32
    return %add3A_0, %c0_i32 : i32, i32
  }
  func.func @transform_1(%arg0: i32) -> (i32, i32) {
    %c0_i32 = arith.constant 0 : i32
    %c0_i32_0 = arith.constant 0 : i32
    %c0_i32_1 = arith.constant 0 : i32
    return %c0_i32, %c0_i32_0 : i32, i32
  }
  func.func @transform_2(%arg0: i32) -> (i32, i32) {
    %c0_i32 = arith.constant 0 : i32
    %c0_i32_0 = arith.constant 0 : i32
    return %arg0, %c0_i32 : i32, i32
  }
}

module attributes {stable_mosaic.version = 14 : i64} {
  func.func @_matmul_body(%arg0: i32, %arg1: memref<1024x2048xf32, #tpu.memory_space<vmem>>, %arg2: memref<64x2048xf32, #tpu.memory_space<vmem>>, %arg3: memref<1024x64xf32, #tpu.memory_space<vmem>>) attributes {dimension_semantics = [#tpu.dimension_semantics<arbitrary>], iteration_bounds = array<i64: 10>, scalar_prefetch = 0 : i64, scratch_operands = 0 : i64, tpu.core_type = #tpu.core_type<tc>, window_params = [{transform_indices = @transform_0, window_bounds = array<i64: 1024, 2048>}, {pipeline_mode = #tpu.pipeline_mode<synchronous>, transform_indices = @transform_1, window_bounds = array<i64: 64, 2048>}, {transform_indices = @transform_2, window_bounds = array<i64: 1024, 64>}]} {
    %get3A = arith.constant 0 : index
    %get3A_0 = arith.constant 0 : index
    %get3A_1 = vector.load %arg1[%get3A, %get3A_0] : memref<1024x2048xf32, #tpu.memory_space<vmem>>, vector<1024x2048xf32>
    %get3A_2 = arith.constant 0 : index
    %get3A_3 = arith.constant 0 : index
    %get3A_4 = vector.load %arg2[%get3A_2, %get3A_3] : memref<64x2048xf32, #tpu.memory_space<vmem>>, vector<64x2048xf32>
    %dot_general3A = arith.constant dense<0.000000e+00> : vector<1024x64xf32>
    %dot_general3A_5 = tpu.matmul %get3A_1, %get3A_4, %dot_general3A {dimension_numbers = #tpu.dot_dimension_numbers<[1], [1], [0], [0], [0, 0, 1, 0], [], []>, transpose_lhs_hint = false} : vector<1024x2048xf32>, vector<64x2048xf32>, vector<1024x64xf32> -> vector<1024x64xf32>
    %swap3A = arith.constant 0 : index
    %swap3A_6 = arith.constant 0 : index
    %swap3A_7 = vector.load %arg3[%swap3A, %swap3A_6] : memref<1024x64xf32, #tpu.memory_space<vmem>>, vector<1024x64xf32>
    tpu.vector_store %arg3[%swap3A, %swap3A_6], %dot_general3A_5 {strides = array<i32>} : memref<1024x64xf32, #tpu.memory_space<vmem>>, vector<1024x64xf32>,
    return
  }
  func.func @transform_0(%arg0: i32) -> (i32, i32) {
    %add3A = arith.constant 0 : i32
    %add3A_0 = arith.addi %add3A, %arg0 : i32
    %c0_i32 = arith.constant 0 : i32
    %c0_i32_1 = arith.constant 0 : i32
    return %add3A_0, %c0_i32 : i32, i32
  }
  func.func @transform_1(%arg0: i32) -> (i32, i32) {
    %c0_i32 = arith.constant 0 : i32
    %c0_i32_0 = arith.constant 0 : i32
    %c0_i32_1 = arith.constant 0 : i32
    return %c0_i32, %c0_i32_0 : i32, i32
  }
  func.func @transform_2(%arg0: i32) -> (i32, i32) {
    %c0_i32 = arith.constant 0 : i32
    %c0_i32_0 = arith.constant 0 : i32
    return %arg0, %c0_i32 : i32, i32
  }
}

module attributes {stable_mosaic.version = 14 : i64} {
  func.func @_matmul_body(%arg0: i32, %arg1: memref<1024x2048xf32, #tpu.memory_space<vmem>>, %arg2: memref<64x2048xf32, #tpu.memory_space<vmem>>, %arg3: memref<1024x64xf32, #tpu.memory_space<vmem>>) attributes {dimension_semantics = [#tpu.dimension_semantics<arbitrary>], iteration_bounds = array<i64: 2>, scalar_prefetch = 0 : i64, scratch_operands = 0 : i64, tpu.core_type = #tpu.core_type<tc>, window_params = [{transform_indices = @transform_0, window_bounds = array<i64: 1024, 2048>}, {pipeline_mode = #tpu.pipeline_mode<synchronous>, transform_indices = @transform_1, window_bounds = array<i64: 64, 2048>}, {transform_indices = @transform_2, window_bounds = array<i64: 1024, 64>}]} {
    %get3A = arith.constant 0 : index
    %get3A_0 = arith.constant 0 : index
    %get3A_1 = vector.load %arg1[%get3A, %get3A_0] : memref<1024x2048xf32, #tpu.memory_space<vmem>>, vector<1024x2048xf32>
    %get3A_2 = arith.constant 0 : index
    %get3A_3 = arith.constant 0 : index
    %get3A_4 = vector.load %arg2[%get3A_2, %get3A_3] : memref<64x2048xf32, #tpu.memory_space<vmem>>, vector<64x2048xf32>
    %dot_general3A = arith.constant dense<0.000000e+00> : vector<1024x64xf32>
    %dot_general3A_5 = tpu.matmul %get3A_1, %get3A_4, %dot_general3A {dimension_numbers = #tpu.dot_dimension_numbers<[1], [1], [0], [0], [0, 0, 1, 0], [], []>, transpose_lhs_hint = false} : vector<1024x2048xf32>, vector<64x2048xf32>, vector<1024x64xf32> -> vector<1024x64xf32>
    %swap3A = arith.constant 0 : index
    %swap3A_6 = arith.constant 0 : index
    %swap3A_7 = vector.load %arg3[%swap3A, %swap3A_6] : memref<1024x64xf32, #tpu.memory_space<vmem>>, vector<1024x64xf32>
    tpu.vector_store %arg3[%swap3A, %swap3A_6], %dot_general3A_5 {strides = array<i32>} : memref<1024x64xf32, #tpu.memory_space<vmem>>, vector<1024x64xf32>,
    return
  }
  func.func @transform_0(%arg0: i32) -> (i32, i32) {
    %add3A = arith.constant 14 : i32
    %add3A_0 = arith.addi %add3A, %arg0 : i32
    %c0_i32 = arith.constant 0 : i32
    %c0_i32_1 = arith.constant 0 : i32
    return %add3A_0, %c0_i32 : i32, i32
  }
  func.func @transform_1(%arg0: i32) -> (i32, i32) {
    %c0_i32 = arith.constant 0 : i32
    %c0_i32_0 = arith.constant 0 : i32
    %c0_i32_1 = arith.constant 0 : i32
    return %c0_i32, %c0_i32_0 : i32, i32
  }
  func.func @transform_2(%arg0: i32) -> (i32, i32) {
    %c0_i32 = arith.constant 0 : i32
    %c0_i32_0 = arith.constant 0 : i32
    return %arg0, %c0_i32 : i32, i32
  }
}

</mosaic_0001>

<sc_bundles>
// kernel: kernel.11.cloned.1.call-start
scs
__scs_entry_jumppad:
0x0: {  	(pc) =	sbr.rel $0x88, $3  }
0x1: {  	(tag) =	ssettag $0x0;
	lr =	simm.s32 $0x1  }
0x2: {  	[smem:$0x3F9F] =	sst lr;
	_ =	strace $0xD0000000  }
0x3: {  	_ = 	snop  }
0x4: {  	_ = 	snop  }
0x5: {  	_ = 	snop  }
0x6: {  	_ = 	snop  }
0x7: {  	_ = 	snop  }
__scs_overlays_trampoline_lowered:
0x8: {  	[smem:$0x3FAE] =	sst s0  }
0x9: {  	[smem:$0x3FAF] =	sst s1  }
0xa: {  	[smem:$0x3FB0] =	sst s2  }
0xb: {  	[smem:$0x3FB1] =	sst s3  }
0xc: {  	[smem:$0x3FB2] =	sst s4  }
0xd: {  	[smem:$0x3FB3] =	sst s5  }
0xe: {  	[smem:$0x3FB4] =	sst s6  }
0xf: {  	[smem:$0x3FB5] =	sst s7  }
0x10: {  	[smem:$0x3FB6] =	sst s8  }
0x11: {  	[smem:$0x3FB7] =	sst s9;
	s0 =	simm.s32 @!p0 $0x0  }
0x12: {  	s1 =	sld [smem:$0x3F9D];
	s0 =	simm.s32 @p0 $0x1  }
0x13: {  	[smem:$0x3FB8] =	sst s0;
	s0 =	simm.s32 @!p1 $0x0  }
0x14: {  	s2 =	sld [smem:$0x3F9C];
	s0 =	simm.s32 @p1 $0x1  }
0x15: {  	[smem:$0x3FB9] =	sst s0;
	s0 =	simm.s32 @!p2 $0x0  }
0x16: {  	s3 =	sld [smem:$0x3FDB];
	s0 =	simm.s32 @p2 $0x1  }
0x17: {  	s4 =	simm.s32 $0x1BF5;
	[smem:$0x3FBB] =	sst s0  }
0x18: {  	s0 =	sld [smem:$0x3F9E];
	_ =	swait.ge [sflag:s4], $0x0  }
0x19: {  	s7 =	sld [smem:$0x3F9F]  }
0x1a: {  	s8 =	sadd.s32 $0xFFFFE003, lr  }
0x1b: {  	s9 =	sadd.s32 $0xFFFFFEF7, lr;
	s5 =	simm.s32 $0xFFFFFFFF;
	p2 =	slt.u32 s8, $0xFFFFF086  }
0x1c: {  	p1 =	slt.u32 s9, $0xF7A;
	s5 =	simm.s32 @!p2 $0x0  }
0x1d: {  	s5 =	simm.s32 @p1 $0x1;
	p0 =	seq.s32 s7, s2  }
0x1e: {  	s7 =	smul.u32 @!p0 $0xF7A, s2;
	p2 =	seq.s32 @!p0 s5, $0x0  }
0x1f: {  	s9 =	smul.u32 $0xF7A, s1;
	s8 =	simm.s32 @!p0 $0x1BF5;
	p2 =	por !p2, p0  }
0x20: {  	[sflag:s8] =	ssyncset.s32 @!p0 $0xFFFFF086;
	s6 =	sadd.s32 @!p0 s3, s7;
	s7 =	simm.s32 @!p0 $0x108  }
0x21: {  	s3 =	sadd.s32 s3, s9;
	s6 =	sadd.s32 @!p0 $0x88, s6;
	s7 =	simm.s32 @p2 $0x1082  }
0x22: {  	[simem:s7], [sflag:s8] =	dma.local @!p0 [hbm:s6], $0xF7A  }
0x23: {  	s9 =	sor.u32 $0xD0000000, s2;
	s6 =	simm.s32 $0x108;
	_ =	swait.ge @!p0 [sflag:s8], $0x0  }
0x24: {  	s3 =	sadd.s32 $0x88, s3;
	s6 =	simm.s32 @!p1 $0x1082;
	[sflag:s4] =	ssyncset.s32 $0xFFFFF086  }
0x25: {  	[simem:s6], [sflag:s4] =	dma.local [hbm:s3], $0xF7A  }
0x26: {  	[smem:$0x3F9F] =	sst s1;
	(tag) =	ssettag s2;
	_ =	strace s9  }
0x27: {  	s1 =	sld [smem:$0x3FAF]  }
0x28: {  	s2 =	sld [smem:$0x3FB0]  }
0x29: {  	s4 =	sld [smem:$0x3FB2]  }
0x2a: {  	p0 =	seq.s32 s5, $0x0;
	s5 =	sld [smem:$0x3FB3]  }
0x2b: {  	s6 =	sld [smem:$0x3FB4]  }
0x2c: {  	s7 =	sld [smem:$0x3FB5]  }
0x2d: {  	s3 =	simm.s32 $0x108;
	s8 =	sld [smem:$0x3FB6]  }
0x2e: {  	s3 =	simm.s32 @!p0 $0x1082;
	s9 =	sld [smem:$0x3FB7]  }
0x2f: {  	lr =	sadd.s32 s0, s3;
	s0 =	sld [smem:$0x3FAE]  }
0x30: {  	s3 =	sld [smem:$0x3FB1]  }
0x31: {  	[smem:$0x3FBA] =	sst s10  }
0x32: {  	s10 =	sld [smem:$0x3FB8];
	_ =	sdelay $0x3  }
0x33: {  	p0 =	seq.s32 s10, $0x1;
	s10 =	sld [smem:$0x3FBA];
	_ =	sdelay $0x3  }
0x34: {  	[smem:$0x3FBA] =	sst s10  }
0x35: {  	s10 =	sld [smem:$0x3FB9];
	_ =	sdelay $0x3  }
0x36: {  	p1 =	seq.s32 s10, $0x1;
	s10 =	sld [smem:$0x3FBA];
	_ =	sdelay $0x3  }
0x37: {  	[smem:$0x3FBA] =	sst s10  }
0x38: {  	s10 =	sld [smem:$0x3FBB]  }
0x39: {  	_ = 	snop;
	(pc) =	sbr.ind lr, $3  }
0x3a: {  	_ = 	snop  }
0x3b: {  	_ = 	snop  }
0x3c: {  	p2 =	seq.s32 s10, $0x1;
	s10 =	sld [smem:$0x3FBA]  }
0x3d: {  	_ =	shalt  }
0x3e: {  	_ =	shalt  }
0x3f: {  	_ =	shalt  }
0x40: {  	_ =	shalt  }
0x41: {  	_ =	shalt  }
0x42: {  	_ =	shalt  }
0x43: {  	_ =	shalt  }
0x44: {  	_ =	shalt  }
0x45: {  	_ =	shalt  }
0x46: {  	_ =	shalt  }
0x47: {  	_ =	shalt  }
0x48: {  	_ =	shalt  }
0x49: {  	_ =	shalt  }
0x4a: {  	_ =	shalt  }
0x4b: {  	_ =	shalt  }
0x4c: {  	_ =	shalt  }
0x4d: {  	_ =	shalt  }
0x4e: {  	_ =	shalt  }
0x4f: {  	_ =	shalt  }
0x50: {  	_ =	shalt  }
0x51: {  	_ =	shalt  }
0x52: {  	_ =	shalt  }
0x53: {  	_ =	shalt  }
0x54: {  	_ =	shalt  }
0x55: {  	_ =	shalt  }
0x56: {  	_ =	shalt  }
0x57: {  	_ =	shalt  }
0x58: {  	_ =	shalt  }
0x59: {  	_ =	shalt  }
0x5a: {  	_ =	shalt  }
0x5b: {  	_ =	shalt  }
0x5c: {  	_ =	shalt  }
0x5d: {  	_ =	shalt  }
0x5e: {  	_ =	shalt  }
0x5f: {  	_ =	shalt  }
0x60: {  	_ =	shalt  }
0x61: {  	_ =	shalt  }
0x62: {  	_ =	shalt  }
0x63: {  	_ =	shalt  }
0x64: {  	_ =	shalt  }
0x65: {  	_ =	shalt  }
0x66: {  	_ =	shalt  }
0x67: {  	_ =	shalt  }
0x68: {  	_ =	shalt  }
0x69: {  	_ =	shalt  }
0x6a: {  	_ =	shalt  }
0x6b: {  	_ =	shalt  }
0x6c: {  	_ =	shalt  }
0x6d: {  	_ =	shalt  }
0x6e: {  	_ =	shalt  }
0x6f: {  	_ =	shalt  }
0x70: {  	_ =	shalt  }
0x71: {  	_ =	shalt  }
0x72: {  	_ =	shalt  }
0x73: {  	_ =	shalt  }
0x74: {  	_ =	shalt  }
0x75: {  	_ =	shalt  }
0x76: {  	_ =	shalt  }
0x77: {  	_ =	shalt  }
0x78: {  	_ =	shalt  }
0x79: {  	_ =	shalt  }
0x7a: {  	_ =	shalt  }
0x7b: {  	_ =	shalt  }
0x7c: {  	_ =	shalt  }
0x7d: {  	_ =	shalt  }
0x7e: {  	_ =	shalt  }
0x7f: {  	_ =	shalt  }
0x80: {  	_ =	shalt  }
0x81: {  	_ =	shalt  }
0x82: {  	_ =	shalt  }
0x83: {  	_ =	shalt  }
0x84: {  	_ =	shalt  }
0x85: {  	_ =	shalt  }
0x86: {  	_ =	shalt  }
0x87: {  	_ =	shalt  }
.Lfunc_end0:
.L_simem_size_0:
called_computation.1_lowered:
.L_overlay_start_0:
0x88: {  	s2 =	sld [smem:$0x3FD9]  }
0x89: {  	s3 =	sld [smem:$0x3FFE];
	_ =	sdelay $0x1  }
0x8a: {  	s1 =	srdreg.scid  }
0x8b: {  	s0 =	sand.u32 $0x1, s1  }
0x8c: {  	s17 =	sshll.u32 s0, $0xA;
	s2 =	sadd.s32 s3, s2  }
0x8d: {  	s2 =	sadd.s32 s2, s17  }
0x8e: {  	[smem:$0x3FC6] =	sst s2  }
0x8f: {  	_ = 	snop  }
0x90: {  	(tm) =	ssettm $0x1  }
0x91: {  	s18 =	sld [smem:$0x3FFB];
	_ =	sdelay $0x3  }
0x92: {  	_ =	strace s18  }
0x93: {  	s2 =	sld [smem:$0x3FFC];
	_ =	sdelay $0x3  }
0x94: {  	_ =	strace s2  }
0x95: {  	s2 =	sld [smem:$0x3FFD];
	_ =	sdelay $0x3  }
0x96: {  	_ =	strace s2  }
0x97: {  	_ =	strace $0x8FFFFFFF  }
0x98: {  	s19 =	sld [smem:$0x3FDB];
	_ =	sdelay $0x1  }
0x99: {  	s20 =	simm.s32 $_scs_section_size  }
0x9a: {  	s4 =	simm.s32 $_size__tile_overlayer_lowered;
	s5 =	simm.s32 $_tile_overlayer_lowered  }
0x9b: {  	s6 =	simm.s32 $0x1BFF;
	s21 =	sshll.u32 s5, $0x1;
	s3 =	sadd.s32 s20, s19  }
0x9c: {  	s22 =	simm.s32 $0x0;
	s4 =	sshll.u32 s4, $0x1;
	s5 =	sadd.s32 s21, s3  }
0x9d: {  	[timem:s22], [sflag:s6] =	dma.local [hbm:s5], s4  }
0x9e: {  	_ =	swait.ge [sflag:s6], s4  }
0x9f: {  	s4 =	ssub.s32 $0x0, s4;
	[sflag:s6] =	ssyncset.done $0x0  }
0xa0: {  	[sflag:s6] =	ssyncadd.s32 s4;
	_ =	sdelay $0x1  }
0xa1: {  	s23 =	simm.s32 $0x1B8B  }
0xa2: {  	_ =	swait.ge [sflag:s23], $0x1  }
0xa3: {  	[sflag:s23] =	ssyncset.done $0x0  }
0xa4: {  	[sflag:s23] =	ssyncadd.s32 $0xFFFFFFFF  }
0xa5: {  	s4 =	sld [smem:$0x0]  }
0xa6: {  	s5 =	sand.u32 $0xFFFFFFFE, s1  }
0xa7: {  	p0 =	sne.s32 s1, s5  }
0xa8: {  	s5 =	sshll.u32 @p0 s5, $0xE  }
0xa9: {  	s5 =	sadd.s32 @p0 $0x11B8D, s5;
	s6 =	sshll.u32 @p0 s4, $0x11  }
0xaa: {  	s5 =	sor.u32 @p0 s6, s5  }
0xab: {  	[sflag:s5] =	ssyncadd.remote.s32 @p0 $0x1;
	_ =	sdelay $0x1  }
0xac: {  	s5 =	simm.s32 @p0 $0x1B8D  }
0xad: {  	_ =	swait.eq @p0 [sflag:s5], $0x1  }
0xae: {  	[sflag:s5] =	ssyncadd.s32 @p0 $0xFFFFFFFF  }
0xaf: {  	s6 =	sshll.u32 @!p0 s1, $0xE  }
0xb0: {  	s6 =	sor.u32 @!p0 $0x4000, s6;
	s5 =	simm.s32 @!p0 $0x1B8D  }
0xb1: {  	s4 =	sshll.u32 @!p0 s4, $0x11;
	s6 =	sadd.s32 @!p0 $0x11B8D, s6;
	_ =	swait.eq @!p0 [sflag:s5], $0x1  }
0xb2: {  	s4 =	sor.u32 @!p0 s4, s6;
	[sflag:s5] =	ssyncadd.s32 @!p0 $0xFFFFFFFF  }
0xb3: {  	s25 =	simm.s32 $0x1B8E;
	s24 =	sld [smem:$0x3FFE];
	[sflag:s4] =	ssyncadd.remote.s32 @!p0 $0x1  }
0xb4: {  	s26 =	simm.s32 $execute0_lowered;
	[smem:$0x3FD2] =	sst s25  }
0xb5: {  	s5 =	sshll.u32 s26, $0x1;
	_ =	strace $0x80000049;
	[dreg:$0x1] =	wrdreg $0xFFFFFFFF  }
0xb6: {  	s28 =	simm.s32 $_size_execute0_lowered;
	s3 =	sadd.s32 s3, s5;
	[dreg:$0x0] =	wrdreg $0x0  }
0xb7: {  	s5 =	sshll.u32 s28, $0x1;
	[dreg:$0x2] =	wrdreg s3  }
0xb8: {  	[dreg:$0x3] =	wrdreg s5  }
0xb9: {  	[dreg:$0x4] =	wrdreg $0xC0  }
0xba: {  	_ =	task [dreg:s22], $0x5FFFF  }
0xbb: {  	[dreg:$0x1] =	wrdreg $0xFFFFFFFF  }
0xbc: {  	[dreg:$0x0] =	wrdreg $0x60  }
0xbd: {  	[dreg:$0x2] =	wrdreg s24  }
0xbe: {  	[dreg:$0x3] =	wrdreg $0xA  }
0xbf: {  	_ =	task.clear_ibuf [dreg:s22], $0x4FFFF;
	_ =	strace $0x90000049  }
0xc0: {  	s29 =	simm.s32 $0xA;
	_ =	strace $0x8000004B  }
0xc1: {  	_ =	swait.ge [sflag:s29], $0x1  }
0xc2: {  	[sflag:s29] =	ssyncadd.s32 $0xFFFFFFFF  }
0xc3: {  	_ =	strace $0x9000004B  }
0xc4: {  	_ =	sfence  }
0xc5: {  	s30 =	sld [smem:$0x0];
	_ =	sdelay $0x2  }
0xc6: {  	s31 =	sshll.u32 s1, $0xD;
	s1 =	sshrl.u32 s1, $0x2  }
0xc7: {  	s4 =	sand.u32 $0x4000, s31;
	s1 =	sadd.s32 s1, s30  }
0xc8: {  	s0 =	sor.u32 s4, s0;
	s1 =	sshll.u32 s1, $0x11  }
0xc9: {  	s0 =	sor.u32 s1, s0  }
0xca: {  	s0 =	sadd.s32 $0x8F2B, s0  }
0xcb: {  	[sflag:s0] =	ssyncadd.remote.s32 $0x1  }
0xcc: {  	_ =	sfence.sel $0xFFFF  }
0xcd: {  	[dreg:$0x0] =	wrdreg $0xFFFFFFFF;
	(pc) =	sbr.abs _section_cstart, $3  }
0xce: {  	[dreg:$0x1] =	wrdreg $0xFFFFFFFF  }
0xcf: {  	_ =	task.clear_ibuf [dreg:s22], $0x2FFFF;
	_ =	strace $0x9FFFFFFF  }
0xd0: {  	(tm) =	ssettm $0x7FFFFFFF  }
0xd1: {  	_ =	shalt  }
tec
execute0_lowered:
.L_overlay_start_1:
0x0: {  	(tag) =	ssettag $0x1  }
0x1: {  	s3 =	rddreg [dreg:$0x0]  }
0x2: {  	s0 =	rddreg [dreg:$0x1];
	s2 =	simm.s32 $0x0;
	s4 =	srdreg.scid  }
0x3: {  	s1 =	stileid.u32;
	s8 =	simm.s32 $0x2000;
	s9 =	simm.s32 $0x2100  }
0x4: {  	[smem:$0x7FF] =	sst s2;
	s4 =	sand.u32 $0x1, s4;
	s5 =	sshll.u32 s1, $0x1  }
0x5: {  	s10 =	simm.s32 $0x0;
	_ =	strace $0x8000004A;
	s5 =	sor.u32 s4, s5  }
0x6: {  	v1 =	vlaneseq.u32;
	s4 =	ssub.s32 $0x2, s4;
	s6 =	sshll.u32 s5, $0xA;
	s5 =	sshll.u32 s5, $0x5  }
0x7: {  	v0 =	vmul.u32 $0x2, v1;
	s31 =	sshrl.u32 s4, $0x1;
	s6 =	sadd.s32 s6, s3;
	s5 =	sadd.s32 s5, s3  }
0x8: {  	s7 =	ssub.s32 s4, s31;
	s3 =	sadd.s32 $0x16000, s6;
	s4 =	sadd.s32 $0x1E000, s5  }
0x9: {  	v2 =	vimm.s32 $0x0;
	v1 =	vmul.u32 $0x40, v1;
	v3 =	vor.u32 $0x1, v0;
	s5 =	sadd.s32 $0x1E400, s5;
	s6 =	smax.u32 s7, $0x1;
	s7 =	simm.s32 $0x1  }
.LBB2_1:
0xa: {  	[tilespmem:s2], [sflag:$0x1] =	stream.linear.gather [hbm4b:s3+s2], $0x2000, $0x38;
	[tilespmem:$0x2200] =	vst v63  }
0xb: {  	_ =	swait.ge [sflag:s7], $0x2000  }
0xc: {  	[sflag:s7] =	ssyncset.done $0x0  }
0xd: {  	s11 =	simm.s32 $0x0;
	s12 =	simm.s32 $0x0;
	[sflag:s7] =	ssyncadd.s32 $0xFFFFE000  }
.LBB2_2:
0xe: {  	v4 =	vmov s12  }
0xf: {  	v4 =	vshll.u32 v4, $0x6  }
0x10: {  	v4 =	vor.u32 v1, v4  }
0x11: {  	v5 =	vor.u32 $0x1, v4;
	_ =	sdelay $0x2  }
0x12: {  	v7 =	vor.u32 $0x2, v4  }
0x13: {  	v6 =	vld.idx.msk [tilespmem:v4+s2+$0x0], $0xffff  }
0x14: {  	v8 =	vor.u32 $0x3, v4;
	v9 =	vor.u32 $0x4, v4;
	v51 =	vor.u32 $0x5, v4;
	v5 =	vld.idx.msk [tilespmem:v5+s2+$0x0], $0xffff  }
0x15: {  	v52 =	vor.u32 $0x6, v4;
	v55 =	vor.u32 $0x7, v4;
	v58 =	vor.u32 $0x8, v4  }
0x16: {  	v61 =	vor.u32 $0x9, v4;
	v16 =	vor.u32 $0xA, v4;
	v19 =	vor.u32 $0xB, v4  }
0x17: {  	v22 =	vor.u32 $0xC, v4;
	v25 =	vor.u32 $0xD, v4;
	v28 =	vor.u32 $0xE, v4;
	v7 =	vld.idx.msk [tilespmem:v7+s2+$0x0], $0xffff  }
0x18: {  	v31 =	vor.u32 $0xF, v4;
	v34 =	vor.u32 $0x10, v4;
	v37 =	vor.u32 $0x11, v4  }
0x19: {  	v40 =	vor.u32 $0x12, v4;
	v43 =	vor.u32 $0x13, v4;
	vm0 =	vgt.f32 v5, v6  }
0x1a: {  	v46 =	vor.u32 $0x14, v4;
	v49 =	vor.u32 $0x15, v4;
	vm1 =	vmneg vm0  }
0x1b: {  	v15 =	vor.u32 $0x1E, v4;
	v8 =	vld.idx.msk [tilespmem:v8+s2+$0x0], $0xffff;
	v10 =	vsel vm1, v5, v6;
	v5 =	vsel vm1, v6, v5  }
0x1c: {  	vm2 =	vlt.f32 v10, $-Inf;
	vm3 =	vgt.f32 v10, $-Inf;
	vm8 =	vgt.f32 v7, v5  }
0x1d: {  	v11 =	vsel vm0, $0x1, v2;
	vm2 =	vmor vm3, vm2;
	v13 =	vsel vm8, v5, v7  }
0x1e: {  	v9 =	vld.idx.msk [tilespmem:v9+s2+$0x0], $0xffff;
	v14 =	vnsel vm8, $0x2, v11;
	v5 =	vsel vm8, v7, v5;
	v11 =	vsel vm8, $0x2, v11  }
0x1f: {  	v7 =	vld.idx.msk [tilespmem:v52+s2+$0x0], $0xffff;
	v52 =	vor.u32 $0x16, v4;
	vm7 =	vmand vm1, vm2;
	v10 =	vnsel vm2, $0xFF800000, v10  }
0x20: {  	vm10 =	vgt.f32 v8, v5;
	v12 =	vsel vm7, $0x1, v2;
	vm9 =	vgt.f32 v13, v10  }
0x21: {  	v6 =	vld.idx.msk [tilespmem:v51+s2+$0x0], $0xffff;
	v53 =	vsel vm10, v5, v8;
	v54 =	vnsel vm10, $0x3, v11;
	v5 =	vsel vm10, v8, v5  }
0x22: {  	v11 =	vsel vm10, $0x3, v11;
	v8 =	vld.idx.msk [tilespmem:v55+s2+$0x0], $0xffff;
	v55 =	vor.u32 $0x17, v4;
	v10 =	vsel vm9, v13, v10  }
0x23: {  	v12 =	vsel vm9, v14, v12;
	vm12 =	vgt.f32 v9, v5;
	vm11 =	vgt.f32 v53, v10  }
0x24: {  	v56 =	vsel vm12, v5, v9;
	v57 =	vnsel vm12, $0x4, v11;
	v5 =	vsel vm12, v9, v5  }
0x25: {  	v11 =	vsel vm12, $0x4, v11;
	v9 =	vld.idx.msk [tilespmem:v58+s2+$0x0], $0xffff;
	v58 =	vor.u32 $0x18, v4;
	v10 =	vsel vm11, v53, v10  }
0x26: {  	v12 =	vsel vm11, v54, v12;
	vm14 =	vgt.f32 v6, v5;
	vm13 =	vgt.f32 v56, v10  }
0x27: {  	v59 =	vsel vm14, v5, v6;
	v60 =	vnsel vm14, $0x5, v11;
	v5 =	vsel vm14, v6, v5  }
0x28: {  	v11 =	vsel vm14, $0x5, v11;
	v6 =	vld.idx.msk [tilespmem:v61+s2+$0x0], $0xffff;
	v61 =	vor.u32 $0x19, v4;
	v10 =	vsel vm13, v56, v10  }
0x29: {  	v12 =	vsel vm13, v57, v12;
	vm4 =	vgt.f32 v7, v5;
	vm15 =	vgt.f32 v59, v10  }
0x2a: {  	v62 =	vsel vm4, v5, v7;
	v63 =	vnsel vm4, $0x6, v11;
	v5 =	vsel vm4, v7, v5  }
0x2b: {  	v11 =	vsel vm4, $0x6, v11;
	v7 =	vld.idx.msk [tilespmem:v16+s2+$0x0], $0xffff;
	v16 =	vor.u32 $0x1A, v4;
	v10 =	vsel vm15, v59, v10  }
0x2c: {  	v12 =	vsel vm15, v60, v12;
	vm6 =	vgt.f32 v8, v5;
	vm5 =	vgt.f32 v62, v10  }
0x2d: {  	v17 =	vsel vm6, v5, v8;
	v18 =	vnsel vm6, $0x7, v11;
	v5 =	vsel vm6, v8, v5  }
0x2e: {  	v11 =	vsel vm6, $0x7, v11;
	v10 =	vsel vm5, v62, v10;
	vm8 =	vgt.f32 v9, v5  }
0x2f: {  	v12 =	vsel vm5, v63, v12;
	vm7 =	vgt.f32 v17, v10;
	v20 =	vsel vm8, v5, v9  }
0x30: {  	v21 =	vnsel vm8, $0x8, v11;
	v5 =	vsel vm8, v9, v5;
	v11 =	vsel vm8, $0x8, v11  }
0x31: {  	v10 =	vsel vm7, v17, v10;
	v12 =	vsel vm7, v18, v12;
	vm10 =	vgt.f32 v6, v5  }
0x32: {  	v8 =	vld.idx.msk [tilespmem:v19+s2+$0x0], $0xffff;
	vm9 =	vgt.f32 v20, v10;
	v23 =	vsel vm10, v5, v6;
	v24 =	vnsel vm10, $0x9, v11  }
0x33: {  	v5 =	vsel vm10, v6, v5;
	v11 =	vsel vm10, $0x9, v11;
	v10 =	vsel vm9, v20, v10  }
0x34: {  	v12 =	vsel vm9, v21, v12;
	vm12 =	vgt.f32 v7, v5;
	v20 =	vor.u32 $0x1B, v4  }
0x35: {  	v9 =	vld.idx.msk [tilespmem:v22+s2+$0x0], $0xffff;
	vm11 =	vgt.f32 v23, v10;
	v26 =	vsel vm12, v5, v7;
	v27 =	vnsel vm12, $0xA, v11  }
0x36: {  	v5 =	vsel vm12, v7, v5;
	v11 =	vsel vm12, $0xA, v11;
	v7 =	vld.idx.msk [tilespmem:v28+s2+$0x0], $0xffff;
	v28 =	vor.u32 $0x1D, v4  }
0x37: {  	v10 =	vsel vm11, v23, v10;
	v12 =	vsel vm11, v24, v12;
	vm14 =	vgt.f32 v8, v5  }
0x38: {  	v6 =	vld.idx.msk [tilespmem:v25+s2+$0x0], $0xffff;
	v23 =	vor.u32 $0x1C, v4;
	vm13 =	vgt.f32 v26, v10;
	v29 =	vsel vm14, v5, v8  }
0x39: {  	v30 =	vnsel vm14, $0xB, v11;
	v5 =	vsel vm14, v8, v5;
	v11 =	vsel vm14, $0xB, v11  }
0x3a: {  	v10 =	vsel vm13, v26, v10;
	v12 =	vsel vm13, v27, v12;
	vm4 =	vgt.f32 v9, v5  }
0x3b: {  	vm15 =	vgt.f32 v29, v10;
	v32 =	vsel vm4, v5, v9;
	v33 =	vnsel vm4, $0xC, v11  }
0x3c: {  	v5 =	vsel vm4, v9, v5;
	v11 =	vsel vm4, $0xC, v11;
	v10 =	vsel vm15, v29, v10  }
0x3d: {  	v12 =	vsel vm15, v30, v12;
	vm6 =	vgt.f32 v6, v5;
	vm5 =	vgt.f32 v32, v10  }
0x3e: {  	v8 =	vld.idx.msk [tilespmem:v31+s2+$0x0], $0xffff;
	v35 =	vsel vm6, v5, v6;
	v36 =	vnsel vm6, $0xD, v11;
	v5 =	vsel vm6, v6, v5  }
0x3f: {  	v11 =	vsel vm6, $0xD, v11;
	v6 =	vld.idx.msk [tilespmem:v37+s2+$0x0], $0xffff;
	v37 =	vor.u32 $0x20, v4;
	v10 =	vsel vm5, v32, v10  }
0x40: {  	v9 =	vld.idx.msk [tilespmem:v34+s2+$0x0], $0xffff;
	v12 =	vsel vm5, v33, v12;
	vm8 =	vgt.f32 v7, v5;
	v33 =	vor.u32 $0x1F, v4  }
0x41: {  	vm7 =	vgt.f32 v35, v10;
	v38 =	vsel vm8, v5, v7;
	v39 =	vnsel vm8, $0xE, v11  }
0x42: {  	v5 =	vsel vm8, v7, v5;
	v11 =	vsel vm8, $0xE, v11;
	v10 =	vsel vm7, v35, v10  }
0x43: {  	v12 =	vsel vm7, v36, v12;
	vm10 =	vgt.f32 v8, v5;
	vm9 =	vgt.f32 v38, v10  }
0x44: {  	v41 =	vsel vm10, v5, v8;
	v42 =	vnsel vm10, $0xF, v11;
	v5 =	vsel vm10, v8, v5  }
0x45: {  	v11 =	vsel vm10, $0xF, v11;
	v10 =	vsel vm9, v38, v10;
	vm12 =	vgt.f32 v9, v5  }
0x46: {  	v12 =	vsel vm9, v39, v12;
	vm11 =	vgt.f32 v41, v10;
	v44 =	vsel vm12, v5, v9  }
0x47: {  	v7 =	vld.idx.msk [tilespmem:v40+s2+$0x0], $0xffff;
	v45 =	vnsel vm12, $0x10, v11;
	v5 =	vsel vm12, v9, v5;
	v11 =	vsel vm12, $0x10, v11  }
0x48: {  	v10 =	vsel vm11, v41, v10;
	v12 =	vsel vm11, v42, v12;
	vm14 =	vgt.f32 v6, v5  }
0x49: {  	v41 =	vld.idx.msk [tilespmem:v33+s2+$0x0], $0xffff;
	v42 =	vor.u32 $0x21, v4;
	v33 =	vimm.s32 $0x0;
	vm13 =	vgt.f32 v44, v10  }
0x4a: {  	v8 =	vld.idx.msk [tilespmem:v43+s2+$0x0], $0xffff;
	v47 =	vsel vm14, v5, v6;
	v48 =	vnsel vm14, $0x11, v11;
	v5 =	vsel vm14, v6, v5  }
0x4b: {  	v11 =	vsel vm14, $0x11, v11;
	v10 =	vsel vm13, v44, v10;
	v12 =	vsel vm13, v45, v12  }
0x4c: {  	vm4 =	vgt.f32 v7, v5;
	v44 =	vld.idx.msk [tilespmem:v37+s2+$0x0], $0xffff;
	v45 =	vor.u32 $0x22, v4;
	v37 =	vimm.s32 $0x0  }
0x4d: {  	v9 =	vld.idx.msk [tilespmem:v46+s2+$0x0], $0xffff;
	vm15 =	vgt.f32 v47, v10;
	v50 =	vsel vm4, v5, v7;
	v51 =	vnsel vm4, $0x12, v11  }
0x4e: {  	v5 =	vsel vm4, v7, v5;
	v11 =	vsel vm4, $0x12, v11;
	v10 =	vsel vm15, v47, v10  }
0x4f: {  	v12 =	vsel vm15, v48, v12;
	vm6 =	vgt.f32 v8, v5;
	v48 =	vor.u32 $0x23, v4  }
0x50: {  	v6 =	vld.idx.msk [tilespmem:v49+s2+$0x0], $0xffff;
	vm5 =	vgt.f32 v50, v10;
	v53 =	vsel vm6, v5, v8;
	v54 =	vnsel vm6, $0x13, v11  }
0x51: {  	v5 =	vsel vm6, v8, v5;
	v11 =	vsel vm6, $0x13, v11;
	v8 =	vld.idx.msk [tilespmem:v55+s2+$0x0], $0xffff;
	v55 =	vor.u32 $0x26, v4  }
0x52: {  	v10 =	vsel vm5, v50, v10;
	v12 =	vsel vm5, v51, v12;
	vm8 =	vgt.f32 v9, v5  }
0x53: {  	v7 =	vld.idx.msk [tilespmem:v52+s2+$0x0], $0xffff;
	v51 =	vor.u32 $0x24, v4;
	vm7 =	vgt.f32 v53, v10;
	v56 =	vsel vm8, v5, v9  }
0x54: {  	v57 =	vnsel vm8, $0x14, v11;
	v5 =	vsel vm8, v9, v5;
	v11 =	vsel vm8, $0x14, v11;
	v9 =	vld.idx.msk [tilespmem:v58+s2+$0x0], $0xffff  }
0x55: {  	v50 =	vld.idx.msk [tilespmem:v45+s2+$0x0], $0xffff;
	v58 =	vor.u32 $0x27, v4;
	v45 =	vor.u32 $0x30, v4;
	v10 =	vsel vm7, v53, v10  }
0x56: {  	v12 =	vsel vm7, v54, v12;
	vm10 =	vgt.f32 v6, v5;
	v53 =	vor.u32 $0x25, v4  }
0x57: {  	vm9 =	vgt.f32 v56, v10;
	v59 =	vsel vm10, v5, v6;
	v60 =	vnsel vm10, $0x15, v11  }
0x58: {  	v5 =	vsel vm10, v6, v5;
	v11 =	vsel vm10, $0x15, v11;
	v10 =	vsel vm9, v56, v10  }
0x59: {  	v12 =	vsel vm9, v57, v12;
	vm12 =	vgt.f32 v7, v5;
	vm11 =	vgt.f32 v59, v10  }
0x5a: {  	v62 =	vsel vm12, v5, v7;
	v63 =	vnsel vm12, $0x16, v11;
	v5 =	vsel vm12, v7, v5  }
0x5b: {  	v11 =	vsel vm12, $0x16, v11;
	v7 =	vld.idx.msk [tilespmem:v16+s2+$0x0], $0xffff;
	v16 =	vor.u32 $0x29, v4;
	v10 =	vsel vm11, v59, v10  }
0x5c: {  	v12 =	vsel vm11, v60, v12;
	vm14 =	vgt.f32 v8, v5;
	v60 =	vor.u32 $0x28, v4  }
0x5d: {  	v6 =	vld.idx.msk [tilespmem:v61+s2+$0x0], $0xffff;
	vm13 =	vgt.f32 v62, v10;
	v17 =	vsel vm14, v5, v8;
	v18 =	vnsel vm14, $0x17, v11  }
0x5e: {  	v5 =	vsel vm14, v8, v5;
	v19 =	vsel vm14, $0x17, v11;
	v11 =	vld.idx.msk [tilespmem:v51+s2+$0x0], $0xffff;
	v51 =	vimm.s32 $0x0  }
0x5f: {  	v10 =	vsel vm13, v62, v10;
	v12 =	vsel vm13, v63, v12;
	vm4 =	vgt.f32 v9, v5  }
0x60: {  	v63 =	vimm.s32 $0x0;
	vm15 =	vgt.f32 v17, v10;
	v21 =	vsel vm4, v5, v9  }
0x61: {  	v22 =	vnsel vm4, $0x18, v19;
	v5 =	vsel vm4, v9, v5;
	v8 =	vsel vm4, $0x18, v19  }
0x62: {  	v9 =	vld.idx.msk [tilespmem:v23+s2+$0x0], $0xffff;
	v19 =	vimm.s32 $0x0;
	v23 =	vimm.s32 $0x0;
	v10 =	vsel vm15, v17, v10  }
0x63: {  	v12 =	vsel vm15, v18, v12;
	vm6 =	vgt.f32 v6, v5;
	v18 =	vimm.s32 $0x0  }
0x64: {  	v27 =	vld.idx.msk [tilespmem:v20+s2+$0x0], $0xffff;
	vm5 =	vgt.f32 v21, v10;
	v24 =	vsel vm6, v5, v6;
	v25 =	vnsel vm6, $0x19, v8  }
0x65: {  	v5 =	vsel vm6, v6, v5;
	v26 =	vsel vm6, $0x19, v8;
	v8 =	vld.idx.msk [tilespmem:v53+s2+$0x0], $0xffff;
	v53 =	vor.u32 $0x32, v4  }
0x66: {  	v20 =	vld.idx.msk [tilespmem:v60+s2+$0x0], $0xffff;
	v60 =	vimm.s32 $0x0;
	v10 =	vsel vm5, v21, v10;
	v12 =	vsel vm5, v22, v12  }
0x67: {  	vm8 =	vgt.f32 v7, v5;
	v21 =	vor.u32 $0x2A, v4;
	vm7 =	vgt.f32 v24, v10  }
0x68: {  	v29 =	vsel vm8, v5, v7;
	v30 =	vnsel vm8, $0x1A, v26;
	v5 =	vsel vm8, v7, v5  }
0x69: {  	v6 =	vsel vm8, $0x1A, v26;
	v10 =	vsel vm7, v24, v10;
	v12 =	vsel vm7, v25, v12  }
0x6a: {  	vm10 =	vgt.f32 v27, v5;
	v24 =	vor.u32 $0x2B, v4;
	v25 =	vimm.s32 $0x0  }
0x6b: {  	v36 =	vld.idx.msk [tilespmem:v28+s2+$0x0], $0xffff;
	vm9 =	vgt.f32 v29, v10;
	v34 =	vsel vm10, v5, v27;
	v35 =	vnsel vm10, $0x1B, v6  }
0x6c: {  	v5 =	vsel vm10, v27, v5;
	v6 =	vsel vm10, $0x1B, v6;
	v27 =	vor.u32 $0x2C, v4  }
0x6d: {  	v31 =	vsel vm9, v29, v10;
	v32 =	vsel vm9, v30, v12;
	vm12 =	vgt.f32 v9, v5  }
0x6e: {  	v12 =	vld.idx.msk [tilespmem:v42+s2+$0x0], $0xffff;
	v42 =	vimm.s32 $0x0;
	vm11 =	vgt.f32 v34, v31;
	v39 =	vsel vm12, v5, v9  }
0x6f: {  	v38 =	vld.idx.msk [tilespmem:v15+s2+$0x0], $0xffff;
	v40 =	vnsel vm12, $0x1C, v6;
	v5 =	vsel vm12, v9, v5;
	v6 =	vsel vm12, $0x1C, v6  }
0x70: {  	v7 =	vsel vm11, v34, v31;
	v10 =	vsel vm11, v35, v32;
	vm14 =	vgt.f32 v36, v5  }
0x71: {  	v31 =	vor.u32 $0x2D, v4;
	v32 =	vimm.s32 $0x0;
	v35 =	vor.u32 $0x2E, v4  }
0x72: {  	vm13 =	vgt.f32 v39, v7;
	v43 =	vsel vm14, v5, v36;
	v5 =	vsel vm14, v36, v5  }
0x73: {  	v46 =	vnsel vm14, $0x1D, v6;
	v6 =	vsel vm14, $0x1D, v6;
	v30 =	vld.idx.msk [tilespmem:v24+s2+$0x0], $0xffff;
	v24 =	vor.u32 $0x35, v4  }
0x74: {  	v7 =	vsel vm13, v39, v7;
	v10 =	vsel vm13, v40, v10;
	vm12 =	vgt.f32 v38, v5  }
0x75: {  	v40 =	vor.u32 $0x2F, v4;
	vm15 =	vgt.f32 v43, v7;
	v47 =	vsel vm12, v5, v38  }
0x76: {  	v5 =	vsel vm12, v38, v5;
	v56 =	vnsel vm12, $0x1E, v6;
	v6 =	vsel vm12, $0x1E, v6  }
0x77: {  	v38 =	vimm.s32 $0x0;
	v7 =	vsel vm15, v43, v7;
	vm10 =	vgt.f32 v41, v5  }
0x78: {  	v10 =	vsel vm15, v46, v10;
	v46 =	vimm.s32 $0x0;
	vm13 =	vgt.f32 v47, v7  }
0x79: {  	v49 =	vsel vm10, v5, v41;
	v5 =	vsel vm10, v41, v5;
	v61 =	vnsel vm10, $0x1F, v6  }
0x7a: {  	v6 =	vsel vm10, $0x1F, v6;
	v41 =	vimm.s32 $0x0;
	v7 =	vsel vm13, v47, v7  }
0x7b: {  	vm8 =	vgt.f32 v44, v5;
	v10 =	vsel vm13, v56, v10;
	v47 =	vimm.s32 $0x0  }
0x7c: {  	v56 =	vimm.s32 $0x0;
	vm11 =	vgt.f32 v49, v7;
	v52 =	vsel vm8, v5, v44  }
0x7d: {  	v5 =	vsel vm8, v44, v5;
	v28 =	vnsel vm8, $0x20, v6;
	v6 =	vsel vm8, $0x20, v6  }
0x7e: {  	v44 =	vld.idx.msk [tilespmem:v35+s2+$0x0], $0xffff;
	v35 =	vor.u32 $0x38, v4;
	v7 =	vsel vm11, v49, v7;
	vm6 =	vgt.f32 v12, v5  }
0x7f: {  	v13 =	vld.idx.msk [tilespmem:v48+s2+$0x0], $0xffff;
	v10 =	vsel vm11, v61, v10;
	v49 =	vor.u32 $0x31, v4;
	v61 =	vimm.s32 $0x0  }
0x80: {  	vm9 =	vgt.f32 v52, v7;
	v54 =	vsel vm6, v5, v12;
	v5 =	vsel vm6, v12, v5  }
0x81: {  	v12 =	vld.idx.msk [tilespmem:v55+s2+$0x0], $0xffff;
	v36 =	vnsel vm6, $0x21, v6;
	v6 =	vsel vm6, $0x21, v6;
	v55 =	vimm.s32 $0x0  }
0x82: {  	v7 =	vsel vm9, v52, v7;
	vm4 =	vgt.f32 v50, v5;
	v10 =	vsel vm9, v28, v10  }
0x83: {  	vm7 =	vgt.f32 v54, v7;
	v57 =	vsel vm4, v5, v50;
	v5 =	vsel vm4, v50, v5  }
0x84: {  	v50 =	vimm.s32 $0x0;
	v7 =	vsel vm7, v54, v7;
	vm1 =	vgt.f32 v13, v5  }
0x85: {  	v9 =	vld.idx.msk [tilespmem:v58+s2+$0x0], $0xffff;
	v10 =	vsel vm7, v36, v10;
	v54 =	vnsel vm4, $0x22, v6;
	v6 =	vsel vm4, $0x22, v6  }
0x86: {  	vm3 =	vgt.f32 v57, v7;
	v59 =	vsel vm1, v5, v13;
	v5 =	vsel vm1, v13, v5;
	v13 =	vld.idx.msk [tilespmem:v21+s2+$0x0], $0xffff  }
0x87: {  	v58 =	vld.idx.msk [tilespmem:v49+s2+$0x0], $0xffff;
	v21 =	vimm.s32 $0x0;
	v49 =	vimm.s32 $0x0;
	v7 =	vsel vm3, v57, v7  }
0x88: {  	vm0 =	vgt.f32 v11, v5;
	v10 =	vsel vm3, v54, v10;
	vm5 =	vgt.f32 v59, v7  }
0x89: {  	v62 =	vsel vm0, v5, v11;
	v5 =	vsel vm0, v11, v5;
	v7 =	vsel vm5, v59, v7  }
0x8a: {  	vm2 =	vgt.f32 v8, v5;
	v59 =	vor.u32 $0x33, v4;
	vm12 =	vgt.f32 v62, v7  }
0x8b: {  	v17 =	vsel vm2, v5, v8;
	v5 =	vsel vm2, v8, v5;
	v11 =	vsel vm12, $0xFFFFFFFF, v63  }
0x8c: {  	v7 =	vsel vm12, v62, v7;
	vm12 =	vgt.f32 v12, v5;
	v63 =	vor.u32 $0x34, v4  }
0x8d: {  	vm13 =	vgt.f32 v17, v7;
	v22 =	vsel vm12, v5, v12;
	v5 =	vsel vm12, v12, v5  }
0x8e: {  	[tilespmem:$0x1FDA0] =	vst v11;
	v11 =	vld.idx.msk [tilespmem:v16+s2+$0x0], $0xffff;
	v16 =	vimm.s32 $0x0;
	v8 =	vsel vm13, $0xFFFFFFFF, v18;
	v7 =	vsel vm13, v17, v7  }
0x8f: {  	vm15 =	vgt.f32 v9, v5;
	v17 =	vimm.s32 $0x0;
	[tilespmem:$0x1FDB0] =	vst v8;
	v8 =	vsel vm12, $0xFFFFFFFF, v19  }
0x90: {  	vm14 =	vgt.f32 v22, v7;
	v14 =	vsel vm15, $0xFFFFFFFF, v25;
	v26 =	vsel vm15, v5, v9  }
0x91: {  	v5 =	vsel vm15, v9, v5;
	v25 =	vimm.s32 $0x0;
	v12 =	vsel vm14, $0xFFFFFFFF, v23  }
0x92: {  	v7 =	vsel vm14, v22, v7;
	vm15 =	vgt.f32 v20, v5;
	v22 =	vimm.s32 $0x0  }
0x93: {  	vm10 =	vgt.f32 v26, v7;
	v29 =	vsel vm15, v5, v20;
	v5 =	vsel vm15, v20, v5  }
0x94: {  	v20 =	vnsel vm1, $0x23, v6;
	v6 =	vsel vm1, $0x23, v6;
	v16 =	vsel vm10, $0xFFFFFFFF, v16  }
0x95: {  	v7 =	vsel vm10, v26, v7;
	vm13 =	vgt.f32 v11, v5;
	v26 =	vimm.s32 $0x0  }
0x96: {  	v10 =	vsel vm5, v20, v10;
	v36 =	vnsel vm0, $0x24, v6;
	v6 =	vsel vm0, $0x24, v6  }
0x97: {  	[tilespmem:$0x1FDE0] =	vst v14;
	vm12 =	vgt.f32 v29, v7;
	v14 =	vsel vm13, $0xFFFFFFFF, v33;
	v34 =	vsel vm13, v5, v11  }
0x98: {  	v5 =	vsel vm13, v11, v5;
	v11 =	vld.idx.msk [tilespmem:v45+s2+$0x0], $0xffff;
	v33 =	vimm.s32 $0x0;
	v45 =	vnsel vm2, $0x25, v6  }
0x99: {  	[tilespmem:$0x1FDF0] =	vst v16;
	v6 =	vsel vm2, $0x25, v6;
	v16 =	vsel vm12, $0xFFFFFFFF, v32;
	v7 =	vsel vm12, v29, v7  }
0x9a: {  	vm8 =	vgt.f32 v13, v5;
	v29 =	vor.u32 $0x36, v4;
	v32 =	vor.u32 $0x37, v4  }
0x9b: {  	v9 =	vld.idx.msk [tilespmem:v27+s2+$0x0], $0xffff;
	vm14 =	vgt.f32 v34, v7;
	v39 =	vsel vm8, v5, v13;
	v5 =	vsel vm8, v13, v5  }
0x9c: {  	[tilespmem:$0x1FE00] =	vst v16;
	v13 =	vld.idx.msk [tilespmem:v40+s2+$0x0], $0xffff;
	v40 =	vor.u32 $0x39, v4;
	v16 =	vsel vm14, $0xFFFFFFFF, v37;
	v7 =	vsel vm14, v34, v7  }
0x9d: {  	v37 =	vimm.s32 $0x0;
	[tilespmem:$0x1FE20] =	vst v16;
	v16 =	vsel vm8, $0xFFFFFFFF, v38;
	vm9 =	vgt.f32 v39, v7  }
0x9e: {  	vm8 =	vgt.f32 v30, v5;
	[tilespmem:$0x1FE30] =	vst v16;
	v16 =	vsel vm9, $0xFFFFFFFF, v41;
	v7 =	vsel vm9, v39, v7  }
0x9f: {  	[tilespmem:$0x1FDD0] =	vst v12;
	v12 =	vld.idx.msk [tilespmem:v31+s2+$0x0], $0xffff;
	v43 =	vsel vm8, v5, v30;
	v5 =	vsel vm8, v30, v5;
	v30 =	vimm.s32 $0x0  }
0xa0: {  	v41 =	vimm.s32 $0x0;
	[tilespmem:$0x1FE40] =	vst v16;
	v16 =	vsel vm8, $0xFFFFFFFF, v42;
	vm9 =	vgt.f32 v43, v7  }
0xa1: {  	vm8 =	vgt.f32 v9, v5;
	[tilespmem:$0x1FE50] =	vst v16;
	v16 =	vsel vm9, $0xFFFFFFFF, v46;
	v7 =	vsel vm9, v43, v7  }
0xa2: {  	v48 =	vsel vm8, v5, v9;
	v5 =	vsel vm8, v9, v5;
	v46 =	vimm.s32 $0x0  }
0xa3: {  	v9 =	vld.idx.msk [tilespmem:v59+s2+$0x0], $0xffff;
	v59 =	vor.u32 $0x3E, v4;
	[tilespmem:$0x1FE60] =	vst v16;
	v16 =	vsel vm8, $0xFFFFFFFF, v47;
	vm12 =	vgt.f32 v48, v7  }
0xa4: {  	vm13 =	vgt.f32 v12, v5;
	[tilespmem:$0x1FE70] =	vst v16;
	v16 =	vsel vm12, $0xFFFFFFFF, v50;
	v7 =	vsel vm12, v48, v7  }
0xa5: {  	[tilespmem:$0x1FE10] =	vst v14;
	v14 =	vsel vm13, $0xFFFFFFFF, v51;
	v52 =	vsel vm13, v5, v12;
	v5 =	vsel vm13, v12, v5  }
0xa6: {  	v12 =	vld.idx.msk [tilespmem:v53+s2+$0x0], $0xffff;
	v48 =	vor.u32 $0x3B, v4;
	v53 =	vimm.s32 $0x0;
	vm14 =	vgt.f32 v52, v7  }
0xa7: {  	[tilespmem:$0x1FE80] =	vst v16;
	vm6 =	vgt.f32 v44, v5;
	v16 =	vsel vm14, $0xFFFFFFFF, v55;
	v7 =	vsel vm14, v52, v7  }
0xa8: {  	v57 =	vsel vm6, v5, v44;
	v5 =	vsel vm6, v44, v5;
	v44 =	vor.u32 $0x3A, v4  }
0xa9: {  	v52 =	vor.u32 $0x3C, v4;
	v55 =	vor.u32 $0x3D, v4;
	v4 =	vor.u32 $0x3F, v4  }
0xaa: {  	[tilespmem:$0x1FEA0] =	vst v16;
	v16 =	vsel vm6, $0xFFFFFFFF, v56;
	vm9 =	vgt.f32 v57, v7;
	vm10 =	vgt.f32 v13, v5  }
0xab: {  	v56 =	vimm.s32 $0x0;
	[tilespmem:$0x1FEB0] =	vst v16;
	v16 =	vsel vm9, $0xFFFFFFFF, v60;
	v7 =	vsel vm9, v57, v7  }
0xac: {  	[tilespmem:$0x1FE90] =	vst v14;
	v14 =	vsel vm10, $0xFFFFFFFF, v61;
	v62 =	vsel vm10, v5, v13;
	v5 =	vsel vm10, v13, v5  }
0xad: {  	v42 =	vld [tilespmem:$0x1FDA0];
	v61 =	vimm.s32 $0x0;
	vm4 =	vgt.f32 v62, v7;
	vm3 =	vgt.f32 v11, v5  }
0xae: {  	[tilespmem:$0x1FEC0] =	vst v16;
	v16 =	vsel vm4, $0xFFFFFFFF, v21;
	v7 =	vsel vm4, v62, v7;
	v23 =	vsel vm3, v5, v11  }
0xaf: {  	v57 =	vld [tilespmem:$0x1FDB0];
	v5 =	vsel vm3, v11, v5;
	[tilespmem:$0x1FEE0] =	vst v16;
	v16 =	vsel vm3, $0xFFFFFFFF, v22;
	vm4 =	vgt.f32 v23, v7  }
0xb0: {  	v21 =	vimm.s32 $0x0;
	vm3 =	vgt.f32 v58, v5;
	[tilespmem:$0x1FEF0] =	vst v16;
	v16 =	vsel vm4, $0xFFFFFFFF, v25  }
0xb1: {  	v28 =	vld.idx.msk [tilespmem:v63+s2+$0x0], $0xffff;
	v7 =	vsel vm4, v23, v7;
	v27 =	vsel vm3, v5, v58;
	v5 =	vsel vm3, v58, v5  }
0xb2: {  	v63 =	vld [tilespmem:$0x1FDD0];
	vm4 =	vnez.u8 v42;
	v23 =	vimm.s32 $0x0;
	[tilespmem:$0x1FF00] =	vst v16;
	v16 =	vsel vm3, $0xFFFFFFFF, v26  }
0xb3: {  	vm11 =	vgt.f32 v27, v7;
	vm14 =	vgt.f32 v12, v5;
	v10 =	vsel vm4, v36, v10  }
0xb4: {  	vm7 =	vnez.u8 v57;
	v7 =	vsel vm11, v27, v7;
	v31 =	vsel vm14, v5, v12  }
0xb5: {  	v11 =	vld.idx.msk [tilespmem:v24+s2+$0x0], $0xffff;
	[tilespmem:$0x1FF10] =	vst v16;
	v16 =	vsel vm11, $0xFFFFFFFF, v30;
	v5 =	vsel vm14, v12, v5;
	vm13 =	vgt.f32 v31, v7  }
0xb6: {  	[tilespmem:$0x1FF20] =	vst v16;
	v16 =	vsel vm13, $0xFFFFFFFF, v33;
	v7 =	vsel vm13, v31, v7;
	vm13 =	vgt.f32 v9, v5  }
0xb7: {  	v13 =	vld.idx.msk [tilespmem:v29+s2+$0x0], $0xffff;
	vm4 =	vnez.u8 v63;
	v34 =	vsel vm13, v5, v9;
	v5 =	vsel vm13, v9, v5  }
0xb8: {  	v26 =	vimm.s32 $0x0;
	vm1 =	vgt.f32 v34, v7;
	vm12 =	vgt.f32 v28, v5  }
0xb9: {  	v39 =	vld.idx.msk [tilespmem:v32+s2+$0x0], $0xffff;
	v7 =	vsel vm1, v34, v7;
	v38 =	vsel vm12, v5, v28;
	v5 =	vsel vm12, v28, v5  }
0xba: {  	[tilespmem:$0x1FF30] =	vst v16;
	v16 =	vsel vm1, $0xFFFFFFFF, v37;
	vm1 =	vgt.f32 v38, v7;
	vm11 =	vgt.f32 v11, v5  }
0xbb: {  	[tilespmem:$0x1FDC0] =	vst v8;
	v7 =	vsel vm1, v38, v7;
	v43 =	vsel vm11, v5, v11;
	v5 =	vsel vm11, v11, v5  }
0xbc: {  	v10 =	vsel vm7, v45, v10;
	v9 =	vld.idx.msk [tilespmem:v35+s2+$0x0], $0xffff;
	vm5 =	vgt.f32 v43, v7;
	vm10 =	vgt.f32 v13, v5  }
0xbd: {  	v60 =	vld [tilespmem:$0x1FDC0];
	v7 =	vsel vm5, v43, v7;
	v47 =	vsel vm10, v5, v13;
	v5 =	vsel vm10, v13, v5  }
0xbe: {  	v12 =	vld.idx.msk [tilespmem:v40+s2+$0x0], $0xffff;
	[tilespmem:$0x1FF40] =	vst v16;
	v16 =	vsel vm1, $0xFFFFFFFF, v41;
	vm0 =	vgt.f32 v47, v7;
	vm9 =	vgt.f32 v39, v5  }
0xbf: {  	v19 =	vld [tilespmem:$0x1FDE0];
	[tilespmem:$0x1FF50] =	vst v16;
	v16 =	vsel vm5, $0xFFFFFFFF, v46;
	v7 =	vsel vm0, v47, v7;
	v50 =	vsel vm9, v5, v39  }
0xc0: {  	[tilespmem:$0x1FF60] =	vst v16;
	v16 =	vsel vm0, $0xFFFFFFFF, v49;
	v5 =	vsel vm9, v39, v5;
	vm0 =	vgt.f32 v50, v7  }
0xc1: {  	v51 =	vld.idx.msk [tilespmem:v44+s2+$0x0], $0xffff;
	[tilespmem:$0x1FF70] =	vst v16;
	vm8 =	vgt.f32 v9, v5;
	v16 =	vsel vm0, $0xFFFFFFFF, v53;
	v7 =	vsel vm0, v50, v7  }
0xc2: {  	v20 =	vld [tilespmem:$0x1FDF0];
	v54 =	vsel vm8, v5, v9;
	v5 =	vsel vm8, v9, v5;
	vm0 =	vnez.u8 v60  }
0xc3: {  	vm6 =	vgt.f32 v54, v7;
	vm7 =	vgt.f32 v12, v5;
	v15 =	vnsel vm0, $0x26, v6  }
0xc4: {  	v13 =	vld.idx.msk [tilespmem:v48+s2+$0x0], $0xffff;
	[tilespmem:$0x1FF80] =	vst v16;
	v6 =	vsel vm0, $0x26, v6;
	vm0 =	vnez.u8 v19;
	v16 =	vsel vm6, $0xFFFFFFFF, v56  }
0xc5: {  	v7 =	vsel vm6, v54, v7;
	v58 =	vsel vm7, v5, v12;
	v5 =	vsel vm7, v12, v5  }
0xc6: {  	v10 =	vsel vm4, v15, v10;
	vm1 =	vgt.f32 v58, v7;
	vm6 =	vgt.f32 v51, v5  }
0xc7: {  	v11 =	vld.idx.msk [tilespmem:v52+s2+$0x0], $0xffff;
	vm4 =	vnez.u8 v20;
	v7 =	vsel vm1, v58, v7;
	v62 =	vsel vm6, v5, v51  }
0xc8: {  	[tilespmem:$0x1FF90] =	vst v16;
	v16 =	vsel vm1, $0xFFFFFFFF, v61;
	v5 =	vsel vm6, v51, v5;
	vm5 =	vgt.f32 v62, v7  }
0xc9: {  	[tilespmem:$0x1FFA0] =	vst v16;
	v16 =	vld.idx.msk [tilespmem:v55+s2+$0x0], $0xffff;
	v9 =	vsel vm5, $0xFFFFFFFF, v17;
	v7 =	vsel vm5, v62, v7;
	vm5 =	vgt.f32 v13, v5  }
0xca: {  	v18 =	vsel vm5, v5, v13;
	v5 =	vsel vm5, v13, v5;
	v13 =	vnsel vm0, $0x27, v6  }
0xcb: {  	v12 =	vld.idx.msk [tilespmem:v59+s2+$0x0], $0xffff;
	v6 =	vsel vm0, $0x27, v6;
	v10 =	vsel vm4, v13, v10;
	vm1 =	vgt.f32 v18, v7  }
0xcc: {  	vm4 =	vgt.f32 v11, v5;
	v25 =	vnsel vm15, $0x28, v6;
	v6 =	vsel vm15, $0x28, v6  }
0xcd: {  	v4 =	vld.idx.msk [tilespmem:v4+s2+$0x0], $0xffff;
	v7 =	vsel vm1, v18, v7;
	v22 =	vsel vm4, v5, v11;
	v5 =	vsel vm4, v11, v5  }
0xce: {  	v29 =	vld [tilespmem:$0x1FE00];
	v13 =	vsel vm1, $0xFFFFFFFF, v21;
	vm0 =	vgt.f32 v22, v7;
	vm3 =	vgt.f32 v16, v5  }
0xcf: {  	v7 =	vsel vm0, v22, v7;
	v24 =	vsel vm3, v5, v16;
	v5 =	vsel vm3, v16, v5  }
0xd0: {  	v11 =	vsel vm0, $0xFFFFFFFF, v23;
	vm0 =	vgt.f32 v24, v7;
	vm2 =	vgt.f32 v12, v5  }
0xd1: {  	v7 =	vsel vm0, v24, v7;
	v27 =	vsel vm2, v5, v12;
	v5 =	vsel vm2, v12, v5  }
0xd2: {  	[tilespmem:$0x1FFD0] =	vst v11;
	v11 =	vsel vm0, $0xFFFFFFFF, v26;
	vm0 =	vgt.f32 v27, v7;
	vm1 =	vgt.f32 v4, v5  }
0xd3: {  	v31 =	vld [tilespmem:$0x1FE10];
	vm15 =	vnez.u8 v29;
	v7 =	vsel vm0, v27, v7;
	v30 =	vsel vm1, v5, v4  }
0xd4: {  	v32 =	vld [tilespmem:$0x1FE20];
	v8 =	vsel vm15, v25, v10;
	vm15 =	vgt.f32 v30, v7  }
0xd5: {  	v33 =	vld [tilespmem:$0x1FE30];
	v4 =	vsel vm1, v4, v5;
	v5 =	vsel vm15, v30, v7  }
0xd6: {  	v4 =	vsub.f32 v5, v4;
	v5 =	vld [tilespmem:$0x1FE40]  }
0xd7: {  	v28 =	vimm.s32 $0x0;
	v34 =	vld [tilespmem:$0x1FE50]  }
0xd8: {  	v35 =	vld [tilespmem:$0x1FE60];
	[tilespmem:$0x1FFE0] =	vst v11;
	v11 =	vsel vm0, $0xFFFFFFFF, v28;
	vm0 =	vnez.u8 v31  }
0xd9: {  	v36 =	vld [tilespmem:$0x1FE70];
	v10 =	vnsel vm0, $0x29, v6;
	v6 =	vsel vm0, $0x29, v6;
	vm0 =	vnez.u8 v32  }
0xda: {  	v37 =	vld [tilespmem:$0x1FE80];
	v8 =	vsel vm0, v10, v8;
	vm0 =	vnez.u8 v33;
	v4 =	vmul.f32 $1.442695020e+00, v4  }
0xdb: {  	v38 =	vld [tilespmem:$0x1FE90];
	v7 =	vnsel vm0, $0x2A, v6;
	v6 =	vsel vm0, $0x2A, v6;
	vm0 =	vnez.u8 v5  }
0xdc: {  	(erf) = vpow2.f32 v4;
	v4 =	vld [tilespmem:$0x1FEA0];
	v5 =	vsel vm0, v7, v8;
	vm0 =	vnez.u8 v34  }
0xdd: {  	v7 =	vnsel vm0, $0x2B, v6;
	v6 =	vsel vm0, $0x2B, v6;
	vm0 =	vnez.u8 v35  }
0xde: {  	v5 =	vsel vm0, v7, v5;
	vm0 =	vnez.u8 v36  }
0xdf: {  	v7 =	vnsel vm0, $0x2C, v6;
	v6 =	vsel vm0, $0x2C, v6;
	vm0 =	vnez.u8 v37  }
0xe0: {  	v5 =	vsel vm0, v7, v5;
	vm0 =	vnez.u8 v38  }
0xe1: {  	v7 =	vnsel vm0, $0x2D, v6;
	v6 =	vsel vm0, $0x2D, v6;
	vm0 =	vnez.u8 v4  }
0xe2: {  	v4 =	vsel vm0, v7, v5;
	v5 =	vld [tilespmem:$0x1FEB0]  }
0xe3: {  	v39 =	vld [tilespmem:$0x1FEC0];
	_ =	sdelay $0x3  }
0xe4: {  	vm0 =	vnez.u8 v5  }
0xe5: {  	[tilespmem:$0x1FED0] =	vst v14;
	v5 =	vnsel vm0, $0x2E, v6;
	v6 =	vsel vm0, $0x2E, v6;
	vm0 =	vnez.u8 v39  }
0xe6: {  	v4 =	vsel vm0, v5, v4;
	v5 =	vld [tilespmem:$0x1FED0]  }
0xe7: {  	v40 =	vld [tilespmem:$0x1FEE0];
	_ =	sdelay $0x3  }
0xe8: {  	vm0 =	vnez.u8 v5  }
0xe9: {  	v5 =	vnsel vm0, $0x2F, v6;
	v6 =	vsel vm0, $0x2F, v6;
	vm0 =	vnez.u8 v40  }
0xea: {  	v4 =	vsel vm0, v5, v4;
	v5 =	vld [tilespmem:$0x1FEF0]  }
0xeb: {  	v41 =	vld [tilespmem:$0x1FF00];
	_ =	sdelay $0x3  }
0xec: {  	vm0 =	vnez.u8 v5  }
0xed: {  	v5 =	vnsel vm0, $0x30, v6;
	v6 =	vsel vm0, $0x30, v6;
	vm0 =	vnez.u8 v41  }
0xee: {  	v4 =	vsel vm0, v5, v4;
	v5 =	vld [tilespmem:$0x1FF10]  }
0xef: {  	v42 =	vld [tilespmem:$0x1FF20];
	_ =	sdelay $0x1  }
0xf0: {  	v43 =	vld [tilespmem:$0x1FF30]  }
0xf1: {  	v44 =	vld [tilespmem:$0x1FF40]  }
0xf2: {  	v45 =	vld [tilespmem:$0x1FF50];
	vm0 =	vnez.u8 v5  }
0xf3: {  	v46 =	vld [tilespmem:$0x1FF60];
	v47 =	vpop (erf);
	v5 =	vnsel vm0, $0x31, v6;
	v6 =	vsel vm0, $0x31, v6;
	vm0 =	vnez.u8 v42  }
0xf4: {  	v48 =	vld [tilespmem:$0x1FF70];
	v7 =	vadd.f32 $1.000000000e+00, v47;
	v4 =	vsel vm0, v5, v4  }
0xf5: {  	v49 =	vld [tilespmem:$0x1FF80];
	[tilespmem:$0x1FFC0] =	vst v13;
	v5 =	vnsel vm14, $0x32, v6;
	v6 =	vsel vm14, $0x32, v6;
	vm14 =	vnez.u8 v43  }
0xf6: {  	v55 =	vor.u32 s11, v3;
	[tilespmem:$0x1FFB0] =	vst v9;
	v53 =	vld [tilespmem:$0x1FFC0];
	(erf) = vrcp.f32 v7;
	v4 =	vsel vm14, v5, v4  }
0xf7: {  	v52 =	vld [tilespmem:$0x1FFB0];
	v5 =	vnsel vm13, $0x33, v6;
	v6 =	vsel vm13, $0x33, v6;
	vm13 =	vnez.u8 v44  }
0xf8: {  	v56 =	vld [tilespmem:$0x1FFD0];
	vm14 =	vnez.u8 v45;
	v4 =	vsel vm13, v5, v4;
	v5 =	vnsel vm12, $0x34, v6  }
0xf9: {  	v51 =	vld [tilespmem:$0x1FFA0];
	v6 =	vsel vm12, $0x34, v6;
	vm12 =	vnez.u8 v46;
	vm13 =	vnez.u8 v48  }
0xfa: {  	v50 =	vld [tilespmem:$0x1FF90];
	v4 =	vsel vm14, v5, v4;
	v5 =	vnsel vm11, $0x35, v6;
	v6 =	vsel vm11, $0x35, v6  }
0xfb: {  	vm14 =	vnez.u8 v49;
	vm11 =	vnez.u8 v53;
	v4 =	vsel vm12, v5, v4  }
0xfc: {  	v5 =	vnsel vm10, $0x36, v6;
	v6 =	vsel vm10, $0x36, v6;
	vm10 =	vnez.u8 v52  }
0xfd: {  	v58 =	vld [tilespmem:$0x1FFE0];
	vm12 =	vnez.u8 v56;
	v4 =	vsel vm13, v5, v4;
	v5 =	vnsel vm9, $0x37, v6  }
0xfe: {  	[tilespmem:$0x1FFF0] =	vst v11;
	v6 =	vsel vm9, $0x37, v6;
	vm9 =	vnez.u8 v51;
	v4 =	vsel vm14, v5, v4  }
0xff: {  	v60 =	vld [tilespmem:$0x1FFF0];
	v5 =	vnsel vm8, $0x38, v6;
	v6 =	vsel vm8, $0x38, v6;
	vm8 =	vnez.u8 v50  }
0x100: {  	v4 =	vsel vm8, v5, v4;
	v5 =	vnsel vm7, $0x39, v6;
	v6 =	vsel vm7, $0x39, v6  }
0x101: {  	v4 =	vsel vm9, v5, v4;
	v5 =	vnsel vm6, $0x3A, v6;
	v6 =	vsel vm6, $0x3A, v6  }
0x102: {  	vm13 =	vnez.u8 v58;
	v4 =	vsel vm10, v5, v4;
	v5 =	vnsel vm5, $0x3B, v6  }
0x103: {  	v6 =	vsel vm5, $0x3B, v6;
	v4 =	vsel vm11, v5, v4;
	v5 =	vor.u32 s11, v0  }
0x104: {  	vm14 =	vnez.u8 v60;
	v54 =	vnsel vm4, $0x3C, v6;
	v6 =	vsel vm4, $0x3C, v6  }
0x105: {  	v4 =	vsel vm12, v54, v4;
	v57 =	vnsel vm3, $0x3D, v6;
	v6 =	vsel vm3, $0x3D, v6  }
0x106: {  	p0 =	sne.s32 s12, $0x70;
	v4 =	vsel vm13, v57, v4;
	v59 =	vnsel vm2, $0x3E, v6;
	v6 =	vsel vm2, $0x3E, v6  }
.Ltmp0:
0x107: {  	v4 =	vsel vm14, v59, v4;
	v61 =	vnsel vm1, $0x3F, v6;
	v6 =	vsel vm1, $0x3F, v6;
	(pc) =	sbr.rel @p0 .LBB2_2-.Ltmp0, $4  }
0x108: {  	v62 =	vpop (erf);
	v4 =	vsel vm15, v61, v4;
	[tilespmem:v5+s8+$0x0] =	vst.idx.msk $0xffff, v6  }
0x109: {  	v63 =	vsub.f32 $1.000000000e+00, v62;
	[tilespmem:v55+s8+$0x0] =	vst.idx.msk $0xffff, v4  }
0x10a: {  	[tilespmem:v5+s9+$0x0] =	vst.idx.msk $0xffff, v62  }
0x10b: {  	s12 =	sadd.s32 $0x10, s12;
	s11 =	sadd.s32 $0x20, s11;
	[tilespmem:v55+s9+$0x0] =	vst.idx.msk $0xffff, v63  }
0x10c: {  	[hbm4b:s4+s2] =	stream.linear.scatter [tilespmem:s8], [sflag:$0x1], $0x100, $0x38;
	[tilespmem:$0x2200] =	vst v63  }
0x10d: {  	s10 =	sadd.s32 $0x1, s10;
	_ =	swait.ge [sflag:s7], $0x100  }
0x10e: {  	p0 =	sne.s32 s10, s6;
	[sflag:s7] =	ssyncset.done $0x0  }
.Ltmp1:
0x10f: {  	[sflag:s7] =	ssyncadd.s32 $0xFFFFFF00;
	(pc) =	sbr.rel @p0 .LBB2_1-.Ltmp1, $4  }
0x110: {  	[hbm4b:s5+s2] =	stream.linear.scatter [tilespmem:s9], [sflag:$0x1], $0x100, $0x38;
	[tilespmem:$0x2200] =	vst v63  }
0x111: {  	_ =	swait.ge [sflag:s7], $0x100  }
0x112: {  	[sflag:s7] =	ssyncset.done $0x0  }
0x113: {  	[sflag:s7] =	ssyncadd.s32 $0xFFFFFF00  }
0x114: {  	_ =	sfence.sel $0x180000  }
0x115: {  	[bflag:$0x0] =	sbarrier.arrive $0xFFFF  }
0x116: {  	p0 =	sne.s32 s1, $0x0;
	_ =	strace $0x9000004A  }
0x117: {  	s0 =	sadd.s32 @!p0 $0x100000, s0;
	[bflag:$0x2] =	sbarrier.arrive $0xFFFF  }
0x118: {  	[sflag:s0] =	ssyncadd.tile.s32 @!p0 $0x1;
	_ =	shalt  }
.Lfunc_end2:
_tile_overlayer_lowered:
.L_overlay_start_2:
0x119: {  	(tag) =	ssettag $0x2  }
0x11a: {  	s0 =	rddreg [dreg:$0x0];
	s2 =	stileid.u32  }
0x11b: {  	s1 =	rddreg [dreg:$0x1];
	p0 =	sne.s32 s2, $0x0  }
0x11c: {  	s3 =	rddreg [dreg:$0x2];
	[bflag:$0x3] =	sbarrier.arrive $0xFFFF;
	s2 =	simm.s32 @!p0 $0x1C01  }
0x11d: {  	[timem:s3], [sflag:s2] =	dma.local @!p0 [hbm:s0], s1  }
0x11e: {  	s0 =	simm.s32 @!p0 $0x1  }
0x11f: {  	_ =	swait.ge @!p0 [sflag:s0], s1  }
0x120: {  	s1 =	ssub.s32 @!p0 $0x0, s1;
	[sflag:s0] =	ssyncset.done @!p0 $0x0  }
0x121: {  	[sflag:s0] =	ssyncadd.s32 @!p0 s1  }
0x122: {  	[bflag:$0x3] =	sbarrier.arrive $0xFFFF  }
0x123: {  	_ =	shalt  }

// kernel: kernel.14.cloned.1.call-start
scs
__scs_entry_jumppad:
0x0: {  	(pc) =	sbr.rel $0x88, $3  }
0x1: {  	(tag) =	ssettag $0x0;
	lr =	simm.s32 $0x1  }
0x2: {  	[smem:$0x3F9F] =	sst lr;
	_ =	strace $0xD0000000  }
0x3: {  	_ = 	snop  }
0x4: {  	_ = 	snop  }
0x5: {  	_ = 	snop  }
0x6: {  	_ = 	snop  }
0x7: {  	_ = 	snop  }
__scs_overlays_trampoline_lowered:
0x8: {  	[smem:$0x3FAE] =	sst s0  }
0x9: {  	[smem:$0x3FAF] =	sst s1  }
0xa: {  	[smem:$0x3FB0] =	sst s2  }
0xb: {  	[smem:$0x3FB1] =	sst s3  }
0xc: {  	[smem:$0x3FB2] =	sst s4  }
0xd: {  	[smem:$0x3FB3] =	sst s5  }
0xe: {  	[smem:$0x3FB4] =	sst s6  }
0xf: {  	[smem:$0x3FB5] =	sst s7  }
0x10: {  	[smem:$0x3FB6] =	sst s8  }
0x11: {  	[smem:$0x3FB7] =	sst s9;
	s0 =	simm.s32 @!p0 $0x0  }
0x12: {  	s1 =	sld [smem:$0x3F9D];
	s0 =	simm.s32 @p0 $0x1  }
0x13: {  	[smem:$0x3FB8] =	sst s0;
	s0 =	simm.s32 @!p1 $0x0  }
0x14: {  	s2 =	sld [smem:$0x3F9C];
	s0 =	simm.s32 @p1 $0x1  }
0x15: {  	[smem:$0x3FB9] =	sst s0;
	s0 =	simm.s32 @!p2 $0x0  }
0x16: {  	s3 =	sld [smem:$0x3FDB];
	s0 =	simm.s32 @p2 $0x1  }
0x17: {  	s4 =	simm.s32 $0x1BF5;
	[smem:$0x3FBB] =	sst s0  }
0x18: {  	s0 =	sld [smem:$0x3F9E];
	_ =	swait.ge [sflag:s4], $0x0  }
0x19: {  	s7 =	sld [smem:$0x3F9F]  }
0x1a: {  	s8 =	sadd.s32 $0xFFFFE003, lr  }
0x1b: {  	s9 =	sadd.s32 $0xFFFFFEF7, lr;
	s5 =	simm.s32 $0xFFFFFFFF;
	p2 =	slt.u32 s8, $0xFFFFF086  }
0x1c: {  	p1 =	slt.u32 s9, $0xF7A;
	s5 =	simm.s32 @!p2 $0x0  }
0x1d: {  	s5 =	simm.s32 @p1 $0x1;
	p0 =	seq.s32 s7, s2  }
0x1e: {  	s7 =	smul.u32 @!p0 $0xF7A, s2;
	p2 =	seq.s32 @!p0 s5, $0x0  }
0x1f: {  	s9 =	smul.u32 $0xF7A, s1;
	s8 =	simm.s32 @!p0 $0x1BF5;
	p2 =	por !p2, p0  }
0x20: {  	[sflag:s8] =	ssyncset.s32 @!p0 $0xFFFFF086;
	s6 =	sadd.s32 @!p0 s3, s7;
	s7 =	simm.s32 @!p0 $0x108  }
0x21: {  	s3 =	sadd.s32 s3, s9;
	s6 =	sadd.s32 @!p0 $0x88, s6;
	s7 =	simm.s32 @p2 $0x1082  }
0x22: {  	[simem:s7], [sflag:s8] =	dma.local @!p0 [hbm:s6], $0xF7A  }
0x23: {  	s9 =	sor.u32 $0xD0000000, s2;
	s6 =	simm.s32 $0x108;
	_ =	swait.ge @!p0 [sflag:s8], $0x0  }
0x24: {  	s3 =	sadd.s32 $0x88, s3;
	s6 =	simm.s32 @!p1 $0x1082;
	[sflag:s4] =	ssyncset.s32 $0xFFFFF086  }
0x25: {  	[simem:s6], [sflag:s4] =	dma.local [hbm:s3], $0xF7A  }
0x26: {  	[smem:$0x3F9F] =	sst s1;
	(tag) =	ssettag s2;
	_ =	strace s9  }
0x27: {  	s1 =	sld [smem:$0x3FAF]  }
0x28: {  	s2 =	sld [smem:$0x3FB0]  }
0x29: {  	s4 =	sld [smem:$0x3FB2]  }
0x2a: {  	p0 =	seq.s32 s5, $0x0;
	s5 =	sld [smem:$0x3FB3]  }
0x2b: {  	s6 =	sld [smem:$0x3FB4]  }
0x2c: {  	s7 =	sld [smem:$0x3FB5]  }
0x2d: {  	s3 =	simm.s32 $0x108;
	s8 =	sld [smem:$0x3FB6]  }
0x2e: {  	s3 =	simm.s32 @!p0 $0x1082;
	s9 =	sld [smem:$0x3FB7]  }
0x2f: {  	lr =	sadd.s32 s0, s3;
	s0 =	sld [smem:$0x3FAE]  }
0x30: {  	s3 =	sld [smem:$0x3FB1]  }
0x31: {  	[smem:$0x3FBA] =	sst s10  }
0x32: {  	s10 =	sld [smem:$0x3FB8];
	_ =	sdelay $0x3  }
0x33: {  	p0 =	seq.s32 s10, $0x1;
	s10 =	sld [smem:$0x3FBA];
	_ =	sdelay $0x3  }
0x34: {  	[smem:$0x3FBA] =	sst s10  }
0x35: {  	s10 =	sld [smem:$0x3FB9];
	_ =	sdelay $0x3  }
0x36: {  	p1 =	seq.s32 s10, $0x1;
	s10 =	sld [smem:$0x3FBA];
	_ =	sdelay $0x3  }
0x37: {  	[smem:$0x3FBA] =	sst s10  }
0x38: {  	s10 =	sld [smem:$0x3FBB]  }
0x39: {  	_ = 	snop;
	(pc) =	sbr.ind lr, $3  }
0x3a: {  	_ = 	snop  }
0x3b: {  	_ = 	snop  }
0x3c: {  	p2 =	seq.s32 s10, $0x1;
	s10 =	sld [smem:$0x3FBA]  }
0x3d: {  	_ =	shalt  }
0x3e: {  	_ =	shalt  }
0x3f: {  	_ =	shalt  }
0x40: {  	_ =	shalt  }
0x41: {  	_ =	shalt  }
0x42: {  	_ =	shalt  }
0x43: {  	_ =	shalt  }
0x44: {  	_ =	shalt  }
0x45: {  	_ =	shalt  }
0x46: {  	_ =	shalt  }
0x47: {  	_ =	shalt  }
0x48: {  	_ =	shalt  }
0x49: {  	_ =	shalt  }
0x4a: {  	_ =	shalt  }
0x4b: {  	_ =	shalt  }
0x4c: {  	_ =	shalt  }
0x4d: {  	_ =	shalt  }
0x4e: {  	_ =	shalt  }
0x4f: {  	_ =	shalt  }
0x50: {  	_ =	shalt  }
0x51: {  	_ =	shalt  }
0x52: {  	_ =	shalt  }
0x53: {  	_ =	shalt  }
0x54: {  	_ =	shalt  }
0x55: {  	_ =	shalt  }
0x56: {  	_ =	shalt  }
0x57: {  	_ =	shalt  }
0x58: {  	_ =	shalt  }
0x59: {  	_ =	shalt  }
0x5a: {  	_ =	shalt  }
0x5b: {  	_ =	shalt  }
0x5c: {  	_ =	shalt  }
0x5d: {  	_ =	shalt  }
0x5e: {  	_ =	shalt  }
0x5f: {  	_ =	shalt  }
0x60: {  	_ =	shalt  }
0x61: {  	_ =	shalt  }
0x62: {  	_ =	shalt  }
0x63: {  	_ =	shalt  }
0x64: {  	_ =	shalt  }
0x65: {  	_ =	shalt  }
0x66: {  	_ =	shalt  }
0x67: {  	_ =	shalt  }
0x68: {  	_ =	shalt  }
0x69: {  	_ =	shalt  }
0x6a: {  	_ =	shalt  }
0x6b: {  	_ =	shalt  }
0x6c: {  	_ =	shalt  }
0x6d: {  	_ =	shalt  }
0x6e: {  	_ =	shalt  }
0x6f: {  	_ =	shalt  }
0x70: {  	_ =	shalt  }
0x71: {  	_ =	shalt  }
0x72: {  	_ =	shalt  }
0x73: {  	_ =	shalt  }
0x74: {  	_ =	shalt  }
0x75: {  	_ =	shalt  }
0x76: {  	_ =	shalt  }
0x77: {  	_ =	shalt  }
0x78: {  	_ =	shalt  }
0x79: {  	_ =	shalt  }
0x7a: {  	_ =	shalt  }
0x7b: {  	_ =	shalt  }
0x7c: {  	_ =	shalt  }
0x7d: {  	_ =	shalt  }
0x7e: {  	_ =	shalt  }
0x7f: {  	_ =	shalt  }
0x80: {  	_ =	shalt  }
0x81: {  	_ =	shalt  }
0x82: {  	_ =	shalt  }
0x83: {  	_ =	shalt  }
0x84: {  	_ =	shalt  }
0x85: {  	_ =	shalt  }
0x86: {  	_ =	shalt  }
0x87: {  	_ =	shalt  }
.Lfunc_end0:
.L_simem_size_0:
called_computation.2_lowered:
.L_overlay_start_0:
0x88: {  	s2 =	sld [smem:$0x3FD9]  }
0x89: {  	s3 =	sld [smem:$0x3FFE];
	_ =	sdelay $0x1  }
0x8a: {  	s1 =	srdreg.scid  }
0x8b: {  	s0 =	sand.u32 $0x1, s1  }
0x8c: {  	s17 =	sshll.u32 s0, $0xA;
	s2 =	sadd.s32 s3, s2  }
0x8d: {  	s2 =	sadd.s32 s2, s17  }
0x8e: {  	[smem:$0x3FC6] =	sst s2  }
0x8f: {  	_ = 	snop  }
0x90: {  	(tm) =	ssettm $0x1  }
0x91: {  	s18 =	sld [smem:$0x3FFB];
	_ =	sdelay $0x3  }
0x92: {  	_ =	strace s18  }
0x93: {  	s2 =	sld [smem:$0x3FFC];
	_ =	sdelay $0x3  }
0x94: {  	_ =	strace s2  }
0x95: {  	s2 =	sld [smem:$0x3FFD];
	_ =	sdelay $0x3  }
0x96: {  	_ =	strace s2  }
0x97: {  	_ =	strace $0x8FFFFFFF  }
0x98: {  	s19 =	sld [smem:$0x3FDB];
	_ =	sdelay $0x1  }
0x99: {  	s20 =	simm.s32 $_scs_section_size  }
0x9a: {  	s4 =	simm.s32 $_size__tile_overlayer_lowered;
	s5 =	simm.s32 $_tile_overlayer_lowered  }
0x9b: {  	s6 =	simm.s32 $0x1BFF;
	s21 =	sshll.u32 s5, $0x1;
	s3 =	sadd.s32 s20, s19  }
0x9c: {  	s22 =	simm.s32 $0x0;
	s4 =	sshll.u32 s4, $0x1;
	s5 =	sadd.s32 s21, s3  }
0x9d: {  	[timem:s22], [sflag:s6] =	dma.local [hbm:s5], s4  }
0x9e: {  	_ =	swait.ge [sflag:s6], s4  }
0x9f: {  	s4 =	ssub.s32 $0x0, s4;
	[sflag:s6] =	ssyncset.done $0x0  }
0xa0: {  	[sflag:s6] =	ssyncadd.s32 s4;
	_ =	sdelay $0x1  }
0xa1: {  	s23 =	simm.s32 $0x1B8B  }
0xa2: {  	_ =	swait.ge [sflag:s23], $0x1  }
0xa3: {  	[sflag:s23] =	ssyncset.done $0x0  }
0xa4: {  	[sflag:s23] =	ssyncadd.s32 $0xFFFFFFFF  }
0xa5: {  	s4 =	sld [smem:$0x0]  }
0xa6: {  	s5 =	sand.u32 $0xFFFFFFFE, s1  }
0xa7: {  	p0 =	sne.s32 s1, s5  }
0xa8: {  	s5 =	sshll.u32 @p0 s5, $0xE  }
0xa9: {  	s5 =	sadd.s32 @p0 $0x11B8D, s5;
	s6 =	sshll.u32 @p0 s4, $0x11  }
0xaa: {  	s5 =	sor.u32 @p0 s6, s5  }
0xab: {  	[sflag:s5] =	ssyncadd.remote.s32 @p0 $0x1;
	_ =	sdelay $0x1  }
0xac: {  	s5 =	simm.s32 @p0 $0x1B8D  }
0xad: {  	_ =	swait.eq @p0 [sflag:s5], $0x1  }
0xae: {  	[sflag:s5] =	ssyncadd.s32 @p0 $0xFFFFFFFF  }
0xaf: {  	s6 =	sshll.u32 @!p0 s1, $0xE  }
0xb0: {  	s6 =	sor.u32 @!p0 $0x4000, s6;
	s5 =	simm.s32 @!p0 $0x1B8D  }
0xb1: {  	s4 =	sshll.u32 @!p0 s4, $0x11;
	s6 =	sadd.s32 @!p0 $0x11B8D, s6;
	_ =	swait.eq @!p0 [sflag:s5], $0x1  }
0xb2: {  	s4 =	sor.u32 @!p0 s4, s6;
	[sflag:s5] =	ssyncadd.s32 @!p0 $0xFFFFFFFF  }
0xb3: {  	s25 =	simm.s32 $0x1B8E;
	s24 =	sld [smem:$0x3FFE];
	[sflag:s4] =	ssyncadd.remote.s32 @!p0 $0x1  }
0xb4: {  	s26 =	simm.s32 $execute0_lowered;
	[smem:$0x3FD2] =	sst s25  }
0xb5: {  	s5 =	sshll.u32 s26, $0x1;
	_ =	strace $0x8000004C;
	[dreg:$0x1] =	wrdreg $0xFFFFFFFF  }
0xb6: {  	s28 =	simm.s32 $_size_execute0_lowered;
	s3 =	sadd.s32 s3, s5;
	[dreg:$0x0] =	wrdreg $0x0  }
0xb7: {  	s5 =	sshll.u32 s28, $0x1;
	[dreg:$0x2] =	wrdreg s3  }
0xb8: {  	[dreg:$0x3] =	wrdreg s5  }
0xb9: {  	[dreg:$0x4] =	wrdreg $0xC0  }
0xba: {  	_ =	task [dreg:s22], $0x5FFFF  }
0xbb: {  	[dreg:$0x1] =	wrdreg $0xFFFFFFFF  }
0xbc: {  	[dreg:$0x0] =	wrdreg $0x60  }
0xbd: {  	[dreg:$0x2] =	wrdreg s24  }
0xbe: {  	[dreg:$0x3] =	wrdreg $0xB  }
0xbf: {  	_ =	task.clear_ibuf [dreg:s22], $0x4FFFF;
	_ =	strace $0x9000004C  }
0xc0: {  	s29 =	simm.s32 $0xB;
	_ =	strace $0x8000004E  }
0xc1: {  	_ =	swait.ge [sflag:s29], $0x1  }
0xc2: {  	[sflag:s29] =	ssyncadd.s32 $0xFFFFFFFF  }
0xc3: {  	_ =	strace $0x9000004E  }
0xc4: {  	_ =	sfence  }
0xc5: {  	s30 =	sld [smem:$0x0];
	_ =	sdelay $0x2  }
0xc6: {  	s31 =	sshll.u32 s1, $0xD;
	s1 =	sshrl.u32 s1, $0x2  }
0xc7: {  	s4 =	sand.u32 $0x4000, s31;
	s1 =	sadd.s32 s1, s30  }
0xc8: {  	s0 =	sor.u32 s4, s0;
	s1 =	sshll.u32 s1, $0x11  }
0xc9: {  	s0 =	sor.u32 s1, s0  }
0xca: {  	s0 =	sadd.s32 $0x8F2B, s0  }
0xcb: {  	[sflag:s0] =	ssyncadd.remote.s32 $0x1  }
0xcc: {  	_ =	sfence.sel $0xFFFF  }
0xcd: {  	[dreg:$0x0] =	wrdreg $0xFFFFFFFF;
	(pc) =	sbr.abs _section_cstart, $3  }
0xce: {  	[dreg:$0x1] =	wrdreg $0xFFFFFFFF  }
0xcf: {  	_ =	task.clear_ibuf [dreg:s22], $0x2FFFF;
	_ =	strace $0x9FFFFFFF  }
0xd0: {  	(tm) =	ssettm $0x7FFFFFFF  }
0xd1: {  	_ =	shalt  }
tec
execute0_lowered:
.L_overlay_start_1:
0x0: {  	(tag) =	ssettag $0x1  }
0x1: {  	s3 =	rddreg [dreg:$0x0]  }
0x2: {  	s0 =	rddreg [dreg:$0x1];
	s2 =	simm.s32 $0x0;
	s4 =	srdreg.scid  }
0x3: {  	s1 =	stileid.u32;
	s8 =	simm.s32 $0x1000;
	s9 =	simm.s32 $0x1080  }
0x4: {  	[smem:$0x7FF] =	sst s2;
	s4 =	sand.u32 $0x1, s4;
	s5 =	sshll.u32 s1, $0x1  }
0x5: {  	s10 =	simm.s32 $0x0;
	_ =	strace $0x8000004D;
	s5 =	sor.u32 s4, s5  }
0x6: {  	v1 =	vlaneseq.u32;
	s4 =	ssub.s32 $0x2, s4;
	s6 =	sshll.u32 s5, $0x9;
	s5 =	sshll.u32 s5, $0x4  }
0x7: {  	v0 =	vmul.u32 $0x2, v1;
	s31 =	sshrl.u32 s4, $0x1;
	s6 =	sadd.s32 s6, s3;
	s5 =	sadd.s32 s5, s3  }
0x8: {  	s7 =	ssub.s32 s4, s31;
	s3 =	sadd.s32 $0x1E800, s6;
	s4 =	sadd.s32 $0x22800, s5  }
0x9: {  	v2 =	vimm.s32 $0x0;
	v1 =	vmul.u32 $0x40, v1;
	v3 =	vor.u32 $0x1, v0;
	s5 =	sadd.s32 $0x22A00, s5;
	s6 =	smax.u32 s7, $0x1;
	s7 =	simm.s32 $0x1  }
.LBB2_1:
0xa: {  	[tilespmem:s2], [sflag:$0x1] =	stream.linear.gather [hbm4b:s3+s2], $0x1000, $0x38;
	[tilespmem:$0x1100] =	vst v63  }
0xb: {  	_ =	swait.ge [sflag:s7], $0x1000  }
0xc: {  	[sflag:s7] =	ssyncset.done $0x0  }
0xd: {  	s11 =	simm.s32 $0x0;
	s12 =	simm.s32 $0x0;
	[sflag:s7] =	ssyncadd.s32 $0xFFFFF000  }
.LBB2_2:
0xe: {  	v4 =	vmov s12  }
0xf: {  	v4 =	vshll.u32 v4, $0x6  }
0x10: {  	v4 =	vor.u32 v1, v4  }
0x11: {  	v5 =	vor.u32 $0x1, v4;
	_ =	sdelay $0x2  }
0x12: {  	v7 =	vor.u32 $0x2, v4  }
0x13: {  	v6 =	vld.idx.msk [tilespmem:v4+s2+$0x0], $0xffff  }
0x14: {  	v8 =	vor.u32 $0x3, v4;
	v9 =	vor.u32 $0x4, v4;
	v51 =	vor.u32 $0x5, v4;
	v5 =	vld.idx.msk [tilespmem:v5+s2+$0x0], $0xffff  }
0x15: {  	v52 =	vor.u32 $0x6, v4;
	v55 =	vor.u32 $0x7, v4;
	v58 =	vor.u32 $0x8, v4  }
0x16: {  	v61 =	vor.u32 $0x9, v4;
	v16 =	vor.u32 $0xA, v4;
	v19 =	vor.u32 $0xB, v4  }
0x17: {  	v22 =	vor.u32 $0xC, v4;
	v25 =	vor.u32 $0xD, v4;
	v28 =	vor.u32 $0xE, v4;
	v7 =	vld.idx.msk [tilespmem:v7+s2+$0x0], $0xffff  }
0x18: {  	v31 =	vor.u32 $0xF, v4;
	v34 =	vor.u32 $0x10, v4;
	v37 =	vor.u32 $0x11, v4  }
0x19: {  	v40 =	vor.u32 $0x12, v4;
	v43 =	vor.u32 $0x13, v4;
	vm0 =	vgt.f32 v5, v6  }
0x1a: {  	v46 =	vor.u32 $0x14, v4;
	v49 =	vor.u32 $0x15, v4;
	vm1 =	vmneg vm0  }
0x1b: {  	v15 =	vor.u32 $0x1E, v4;
	v8 =	vld.idx.msk [tilespmem:v8+s2+$0x0], $0xffff;
	v10 =	vsel vm1, v5, v6;
	v5 =	vsel vm1, v6, v5  }
0x1c: {  	vm2 =	vlt.f32 v10, $-Inf;
	vm3 =	vgt.f32 v10, $-Inf;
	vm8 =	vgt.f32 v7, v5  }
0x1d: {  	v11 =	vsel vm0, $0x1, v2;
	vm2 =	vmor vm3, vm2;
	v13 =	vsel vm8, v5, v7  }
0x1e: {  	v9 =	vld.idx.msk [tilespmem:v9+s2+$0x0], $0xffff;
	v14 =	vnsel vm8, $0x2, v11;
	v5 =	vsel vm8, v7, v5;
	v11 =	vsel vm8, $0x2, v11  }
0x1f: {  	v7 =	vld.idx.msk [tilespmem:v52+s2+$0x0], $0xffff;
	v52 =	vor.u32 $0x16, v4;
	vm7 =	vmand vm1, vm2;
	v10 =	vnsel vm2, $0xFF800000, v10  }
0x20: {  	vm10 =	vgt.f32 v8, v5;
	v12 =	vsel vm7, $0x1, v2;
	vm9 =	vgt.f32 v13, v10  }
0x21: {  	v6 =	vld.idx.msk [tilespmem:v51+s2+$0x0], $0xffff;
	v53 =	vsel vm10, v5, v8;
	v54 =	vnsel vm10, $0x3, v11;
	v5 =	vsel vm10, v8, v5  }
0x22: {  	v11 =	vsel vm10, $0x3, v11;
	v8 =	vld.idx.msk [tilespmem:v55+s2+$0x0], $0xffff;
	v55 =	vor.u32 $0x17, v4;
	v10 =	vsel vm9, v13, v10  }
0x23: {  	v12 =	vsel vm9, v14, v12;
	vm12 =	vgt.f32 v9, v5;
	vm11 =	vgt.f32 v53, v10  }
0x24: {  	v56 =	vsel vm12, v5, v9;
	v57 =	vnsel vm12, $0x4, v11;
	v5 =	vsel vm12, v9, v5  }
0x25: {  	v11 =	vsel vm12, $0x4, v11;
	v9 =	vld.idx.msk [tilespmem:v58+s2+$0x0], $0xffff;
	v58 =	vor.u32 $0x18, v4;
	v10 =	vsel vm11, v53, v10  }
0x26: {  	v12 =	vsel vm11, v54, v12;
	vm14 =	vgt.f32 v6, v5;
	vm13 =	vgt.f32 v56, v10  }
0x27: {  	v59 =	vsel vm14, v5, v6;
	v60 =	vnsel vm14, $0x5, v11;
	v5 =	vsel vm14, v6, v5  }
0x28: {  	v11 =	vsel vm14, $0x5, v11;
	v6 =	vld.idx.msk [tilespmem:v61+s2+$0x0], $0xffff;
	v61 =	vor.u32 $0x19, v4;
	v10 =	vsel vm13, v56, v10  }
0x29: {  	v12 =	vsel vm13, v57, v12;
	vm4 =	vgt.f32 v7, v5;
	vm15 =	vgt.f32 v59, v10  }
0x2a: {  	v62 =	vsel vm4, v5, v7;
	v63 =	vnsel vm4, $0x6, v11;
	v5 =	vsel vm4, v7, v5  }
0x2b: {  	v11 =	vsel vm4, $0x6, v11;
	v7 =	vld.idx.msk [tilespmem:v16+s2+$0x0], $0xffff;
	v16 =	vor.u32 $0x1A, v4;
	v10 =	vsel vm15, v59, v10  }
0x2c: {  	v12 =	vsel vm15, v60, v12;
	vm6 =	vgt.f32 v8, v5;
	vm5 =	vgt.f32 v62, v10  }
0x2d: {  	v17 =	vsel vm6, v5, v8;
	v18 =	vnsel vm6, $0x7, v11;
	v5 =	vsel vm6, v8, v5  }
0x2e: {  	v11 =	vsel vm6, $0x7, v11;
	v10 =	vsel vm5, v62, v10;
	vm8 =	vgt.f32 v9, v5  }
0x2f: {  	v12 =	vsel vm5, v63, v12;
	vm7 =	vgt.f32 v17, v10;
	v20 =	vsel vm8, v5, v9  }
0x30: {  	v21 =	vnsel vm8, $0x8, v11;
	v5 =	vsel vm8, v9, v5;
	v11 =	vsel vm8, $0x8, v11  }
0x31: {  	v10 =	vsel vm7, v17, v10;
	v12 =	vsel vm7, v18, v12;
	vm10 =	vgt.f32 v6, v5  }
0x32: {  	v8 =	vld.idx.msk [tilespmem:v19+s2+$0x0], $0xffff;
	vm9 =	vgt.f32 v20, v10;
	v23 =	vsel vm10, v5, v6;
	v24 =	vnsel vm10, $0x9, v11  }
0x33: {  	v5 =	vsel vm10, v6, v5;
	v11 =	vsel vm10, $0x9, v11;
	v10 =	vsel vm9, v20, v10  }
0x34: {  	v12 =	vsel vm9, v21, v12;
	vm12 =	vgt.f32 v7, v5;
	v20 =	vor.u32 $0x1B, v4  }
0x35: {  	v9 =	vld.idx.msk [tilespmem:v22+s2+$0x0], $0xffff;
	vm11 =	vgt.f32 v23, v10;
	v26 =	vsel vm12, v5, v7;
	v27 =	vnsel vm12, $0xA, v11  }
0x36: {  	v5 =	vsel vm12, v7, v5;
	v11 =	vsel vm12, $0xA, v11;
	v7 =	vld.idx.msk [tilespmem:v28+s2+$0x0], $0xffff;
	v28 =	vor.u32 $0x1D, v4  }
0x37: {  	v10 =	vsel vm11, v23, v10;
	v12 =	vsel vm11, v24, v12;
	vm14 =	vgt.f32 v8, v5  }
0x38: {  	v6 =	vld.idx.msk [tilespmem:v25+s2+$0x0], $0xffff;
	v23 =	vor.u32 $0x1C, v4;
	vm13 =	vgt.f32 v26, v10;
	v29 =	vsel vm14, v5, v8  }
0x39: {  	v30 =	vnsel vm14, $0xB, v11;
	v5 =	vsel vm14, v8, v5;
	v11 =	vsel vm14, $0xB, v11  }
0x3a: {  	v10 =	vsel vm13, v26, v10;
	v12 =	vsel vm13, v27, v12;
	vm4 =	vgt.f32 v9, v5  }
0x3b: {  	vm15 =	vgt.f32 v29, v10;
	v32 =	vsel vm4, v5, v9;
	v33 =	vnsel vm4, $0xC, v11  }
0x3c: {  	v5 =	vsel vm4, v9, v5;
	v11 =	vsel vm4, $0xC, v11;
	v10 =	vsel vm15, v29, v10  }
0x3d: {  	v12 =	vsel vm15, v30, v12;
	vm6 =	vgt.f32 v6, v5;
	vm5 =	vgt.f32 v32, v10  }
0x3e: {  	v8 =	vld.idx.msk [tilespmem:v31+s2+$0x0], $0xffff;
	v35 =	vsel vm6, v5, v6;
	v36 =	vnsel vm6, $0xD, v11;
	v5 =	vsel vm6, v6, v5  }
0x3f: {  	v11 =	vsel vm6, $0xD, v11;
	v6 =	vld.idx.msk [tilespmem:v37+s2+$0x0], $0xffff;
	v37 =	vor.u32 $0x20, v4;
	v10 =	vsel vm5, v32, v10  }
0x40: {  	v9 =	vld.idx.msk [tilespmem:v34+s2+$0x0], $0xffff;
	v12 =	vsel vm5, v33, v12;
	vm8 =	vgt.f32 v7, v5;
	v33 =	vor.u32 $0x1F, v4  }
0x41: {  	vm7 =	vgt.f32 v35, v10;
	v38 =	vsel vm8, v5, v7;
	v39 =	vnsel vm8, $0xE, v11  }
0x42: {  	v5 =	vsel vm8, v7, v5;
	v11 =	vsel vm8, $0xE, v11;
	v10 =	vsel vm7, v35, v10  }
0x43: {  	v12 =	vsel vm7, v36, v12;
	vm10 =	vgt.f32 v8, v5;
	vm9 =	vgt.f32 v38, v10  }
0x44: {  	v41 =	vsel vm10, v5, v8;
	v42 =	vnsel vm10, $0xF, v11;
	v5 =	vsel vm10, v8, v5  }
0x45: {  	v11 =	vsel vm10, $0xF, v11;
	v10 =	vsel vm9, v38, v10;
	vm12 =	vgt.f32 v9, v5  }
0x46: {  	v12 =	vsel vm9, v39, v12;
	vm11 =	vgt.f32 v41, v10;
	v44 =	vsel vm12, v5, v9  }
0x47: {  	v7 =	vld.idx.msk [tilespmem:v40+s2+$0x0], $0xffff;
	v45 =	vnsel vm12, $0x10, v11;
	v5 =	vsel vm12, v9, v5;
	v11 =	vsel vm12, $0x10, v11  }
0x48: {  	v10 =	vsel vm11, v41, v10;
	v12 =	vsel vm11, v42, v12;
	vm14 =	vgt.f32 v6, v5  }
0x49: {  	v41 =	vld.idx.msk [tilespmem:v33+s2+$0x0], $0xffff;
	v42 =	vor.u32 $0x21, v4;
	v33 =	vimm.s32 $0x0;
	vm13 =	vgt.f32 v44, v10  }
0x4a: {  	v8 =	vld.idx.msk [tilespmem:v43+s2+$0x0], $0xffff;
	v47 =	vsel vm14, v5, v6;
	v48 =	vnsel vm14, $0x11, v11;
	v5 =	vsel vm14, v6, v5  }
0x4b: {  	v11 =	vsel vm14, $0x11, v11;
	v10 =	vsel vm13, v44, v10;
	v12 =	vsel vm13, v45, v12  }
0x4c: {  	vm4 =	vgt.f32 v7, v5;
	v44 =	vld.idx.msk [tilespmem:v37+s2+$0x0], $0xffff;
	v45 =	vor.u32 $0x22, v4;
	v37 =	vimm.s32 $0x0  }
0x4d: {  	v9 =	vld.idx.msk [tilespmem:v46+s2+$0x0], $0xffff;
	vm15 =	vgt.f32 v47, v10;
	v50 =	vsel vm4, v5, v7;
	v51 =	vnsel vm4, $0x12, v11  }
0x4e: {  	v5 =	vsel vm4, v7, v5;
	v11 =	vsel vm4, $0x12, v11;
	v10 =	vsel vm15, v47, v10  }
0x4f: {  	v12 =	vsel vm15, v48, v12;
	vm6 =	vgt.f32 v8, v5;
	v48 =	vor.u32 $0x23, v4  }
0x50: {  	v6 =	vld.idx.msk [tilespmem:v49+s2+$0x0], $0xffff;
	vm5 =	vgt.f32 v50, v10;
	v53 =	vsel vm6, v5, v8;
	v54 =	vnsel vm6, $0x13, v11  }
0x51: {  	v5 =	vsel vm6, v8, v5;
	v11 =	vsel vm6, $0x13, v11;
	v8 =	vld.idx.msk [tilespmem:v55+s2+$0x0], $0xffff;
	v55 =	vor.u32 $0x26, v4  }
0x52: {  	v10 =	vsel vm5, v50, v10;
	v12 =	vsel vm5, v51, v12;
	vm8 =	vgt.f32 v9, v5  }
0x53: {  	v7 =	vld.idx.msk [tilespmem:v52+s2+$0x0], $0xffff;
	v51 =	vor.u32 $0x24, v4;
	vm7 =	vgt.f32 v53, v10;
	v56 =	vsel vm8, v5, v9  }
0x54: {  	v57 =	vnsel vm8, $0x14, v11;
	v5 =	vsel vm8, v9, v5;
	v11 =	vsel vm8, $0x14, v11;
	v9 =	vld.idx.msk [tilespmem:v58+s2+$0x0], $0xffff  }
0x55: {  	v50 =	vld.idx.msk [tilespmem:v45+s2+$0x0], $0xffff;
	v58 =	vor.u32 $0x27, v4;
	v45 =	vor.u32 $0x30, v4;
	v10 =	vsel vm7, v53, v10  }
0x56: {  	v12 =	vsel vm7, v54, v12;
	vm10 =	vgt.f32 v6, v5;
	v53 =	vor.u32 $0x25, v4  }
0x57: {  	vm9 =	vgt.f32 v56, v10;
	v59 =	vsel vm10, v5, v6;
	v60 =	vnsel vm10, $0x15, v11  }
0x58: {  	v5 =	vsel vm10, v6, v5;
	v11 =	vsel vm10, $0x15, v11;
	v10 =	vsel vm9, v56, v10  }
0x59: {  	v12 =	vsel vm9, v57, v12;
	vm12 =	vgt.f32 v7, v5;
	vm11 =	vgt.f32 v59, v10  }
0x5a: {  	v62 =	vsel vm12, v5, v7;
	v63 =	vnsel vm12, $0x16, v11;
	v5 =	vsel vm12, v7, v5  }
0x5b: {  	v11 =	vsel vm12, $0x16, v11;
	v7 =	vld.idx.msk [tilespmem:v16+s2+$0x0], $0xffff;
	v16 =	vor.u32 $0x29, v4;
	v10 =	vsel vm11, v59, v10  }
0x5c: {  	v12 =	vsel vm11, v60, v12;
	vm14 =	vgt.f32 v8, v5;
	v60 =	vor.u32 $0x28, v4  }
0x5d: {  	v6 =	vld.idx.msk [tilespmem:v61+s2+$0x0], $0xffff;
	vm13 =	vgt.f32 v62, v10;
	v17 =	vsel vm14, v5, v8;
	v18 =	vnsel vm14, $0x17, v11  }
0x5e: {  	v5 =	vsel vm14, v8, v5;
	v19 =	vsel vm14, $0x17, v11;
	v11 =	vld.idx.msk [tilespmem:v51+s2+$0x0], $0xffff;
	v51 =	vimm.s32 $0x0  }
0x5f: {  	v10 =	vsel vm13, v62, v10;
	v12 =	vsel vm13, v63, v12;
	vm4 =	vgt.f32 v9, v5  }
0x60: {  	v63 =	vimm.s32 $0x0;
	vm15 =	vgt.f32 v17, v10;
	v21 =	vsel vm4, v5, v9  }
0x61: {  	v22 =	vnsel vm4, $0x18, v19;
	v5 =	vsel vm4, v9, v5;
	v8 =	vsel vm4, $0x18, v19  }
0x62: {  	v9 =	vld.idx.msk [tilespmem:v23+s2+$0x0], $0xffff;
	v19 =	vimm.s32 $0x0;
	v23 =	vimm.s32 $0x0;
	v10 =	vsel vm15, v17, v10  }
0x63: {  	v12 =	vsel vm15, v18, v12;
	vm6 =	vgt.f32 v6, v5;
	v18 =	vimm.s32 $0x0  }
0x64: {  	v27 =	vld.idx.msk [tilespmem:v20+s2+$0x0], $0xffff;
	vm5 =	vgt.f32 v21, v10;
	v24 =	vsel vm6, v5, v6;
	v25 =	vnsel vm6, $0x19, v8  }
0x65: {  	v5 =	vsel vm6, v6, v5;
	v26 =	vsel vm6, $0x19, v8;
	v8 =	vld.idx.msk [tilespmem:v53+s2+$0x0], $0xffff;
	v53 =	vor.u32 $0x32, v4  }
0x66: {  	v20 =	vld.idx.msk [tilespmem:v60+s2+$0x0], $0xffff;
	v60 =	vimm.s32 $0x0;
	v10 =	vsel vm5, v21, v10;
	v12 =	vsel vm5, v22, v12  }
0x67: {  	vm8 =	vgt.f32 v7, v5;
	v21 =	vor.u32 $0x2A, v4;
	vm7 =	vgt.f32 v24, v10  }
0x68: {  	v29 =	vsel vm8, v5, v7;
	v30 =	vnsel vm8, $0x1A, v26;
	v5 =	vsel vm8, v7, v5  }
0x69: {  	v6 =	vsel vm8, $0x1A, v26;
	v10 =	vsel vm7, v24, v10;
	v12 =	vsel vm7, v25, v12  }
0x6a: {  	vm10 =	vgt.f32 v27, v5;
	v24 =	vor.u32 $0x2B, v4;
	v25 =	vimm.s32 $0x0  }
0x6b: {  	v36 =	vld.idx.msk [tilespmem:v28+s2+$0x0], $0xffff;
	vm9 =	vgt.f32 v29, v10;
	v34 =	vsel vm10, v5, v27;
	v35 =	vnsel vm10, $0x1B, v6  }
0x6c: {  	v5 =	vsel vm10, v27, v5;
	v6 =	vsel vm10, $0x1B, v6;
	v27 =	vor.u32 $0x2C, v4  }
0x6d: {  	v31 =	vsel vm9, v29, v10;
	v32 =	vsel vm9, v30, v12;
	vm12 =	vgt.f32 v9, v5  }
0x6e: {  	v12 =	vld.idx.msk [tilespmem:v42+s2+$0x0], $0xffff;
	v42 =	vimm.s32 $0x0;
	vm11 =	vgt.f32 v34, v31;
	v39 =	vsel vm12, v5, v9  }
0x6f: {  	v38 =	vld.idx.msk [tilespmem:v15+s2+$0x0], $0xffff;
	v40 =	vnsel vm12, $0x1C, v6;
	v5 =	vsel vm12, v9, v5;
	v6 =	vsel vm12, $0x1C, v6  }
0x70: {  	v7 =	vsel vm11, v34, v31;
	v10 =	vsel vm11, v35, v32;
	vm14 =	vgt.f32 v36, v5  }
0x71: {  	v31 =	vor.u32 $0x2D, v4;
	v32 =	vimm.s32 $0x0;
	v35 =	vor.u32 $0x2E, v4  }
0x72: {  	vm13 =	vgt.f32 v39, v7;
	v43 =	vsel vm14, v5, v36;
	v5 =	vsel vm14, v36, v5  }
0x73: {  	v46 =	vnsel vm14, $0x1D, v6;
	v6 =	vsel vm14, $0x1D, v6;
	v30 =	vld.idx.msk [tilespmem:v24+s2+$0x0], $0xffff;
	v24 =	vor.u32 $0x35, v4  }
0x74: {  	v7 =	vsel vm13, v39, v7;
	v10 =	vsel vm13, v40, v10;
	vm12 =	vgt.f32 v38, v5  }
0x75: {  	v40 =	vor.u32 $0x2F, v4;
	vm15 =	vgt.f32 v43, v7;
	v47 =	vsel vm12, v5, v38  }
0x76: {  	v5 =	vsel vm12, v38, v5;
	v56 =	vnsel vm12, $0x1E, v6;
	v6 =	vsel vm12, $0x1E, v6  }
0x77: {  	v38 =	vimm.s32 $0x0;
	v7 =	vsel vm15, v43, v7;
	vm10 =	vgt.f32 v41, v5  }
0x78: {  	v10 =	vsel vm15, v46, v10;
	v46 =	vimm.s32 $0x0;
	vm13 =	vgt.f32 v47, v7  }
0x79: {  	v49 =	vsel vm10, v5, v41;
	v5 =	vsel vm10, v41, v5;
	v61 =	vnsel vm10, $0x1F, v6  }
0x7a: {  	v6 =	vsel vm10, $0x1F, v6;
	v41 =	vimm.s32 $0x0;
	v7 =	vsel vm13, v47, v7  }
0x7b: {  	vm8 =	vgt.f32 v44, v5;
	v10 =	vsel vm13, v56, v10;
	v47 =	vimm.s32 $0x0  }
0x7c: {  	v56 =	vimm.s32 $0x0;
	vm11 =	vgt.f32 v49, v7;
	v52 =	vsel vm8, v5, v44  }
0x7d: {  	v5 =	vsel vm8, v44, v5;
	v28 =	vnsel vm8, $0x20, v6;
	v6 =	vsel vm8, $0x20, v6  }
0x7e: {  	v44 =	vld.idx.msk [tilespmem:v35+s2+$0x0], $0xffff;
	v35 =	vor.u32 $0x38, v4;
	v7 =	vsel vm11, v49, v7;
	vm6 =	vgt.f32 v12, v5  }
0x7f: {  	v13 =	vld.idx.msk [tilespmem:v48+s2+$0x0], $0xffff;
	v10 =	vsel vm11, v61, v10;
	v49 =	vor.u32 $0x31, v4;
	v61 =	vimm.s32 $0x0  }
0x80: {  	vm9 =	vgt.f32 v52, v7;
	v54 =	vsel vm6, v5, v12;
	v5 =	vsel vm6, v12, v5  }
0x81: {  	v12 =	vld.idx.msk [tilespmem:v55+s2+$0x0], $0xffff;
	v36 =	vnsel vm6, $0x21, v6;
	v6 =	vsel vm6, $0x21, v6;
	v55 =	vimm.s32 $0x0  }
0x82: {  	v7 =	vsel vm9, v52, v7;
	vm4 =	vgt.f32 v50, v5;
	v10 =	vsel vm9, v28, v10  }
0x83: {  	vm7 =	vgt.f32 v54, v7;
	v57 =	vsel vm4, v5, v50;
	v5 =	vsel vm4, v50, v5  }
0x84: {  	v50 =	vimm.s32 $0x0;
	v7 =	vsel vm7, v54, v7;
	vm1 =	vgt.f32 v13, v5  }
0x85: {  	v9 =	vld.idx.msk [tilespmem:v58+s2+$0x0], $0xffff;
	v10 =	vsel vm7, v36, v10;
	v54 =	vnsel vm4, $0x22, v6;
	v6 =	vsel vm4, $0x22, v6  }
0x86: {  	vm3 =	vgt.f32 v57, v7;
	v59 =	vsel vm1, v5, v13;
	v5 =	vsel vm1, v13, v5;
	v13 =	vld.idx.msk [tilespmem:v21+s2+$0x0], $0xffff  }
0x87: {  	v58 =	vld.idx.msk [tilespmem:v49+s2+$0x0], $0xffff;
	v21 =	vimm.s32 $0x0;
	v49 =	vimm.s32 $0x0;
	v7 =	vsel vm3, v57, v7  }
0x88: {  	vm0 =	vgt.f32 v11, v5;
	v10 =	vsel vm3, v54, v10;
	vm5 =	vgt.f32 v59, v7  }
0x89: {  	v62 =	vsel vm0, v5, v11;
	v5 =	vsel vm0, v11, v5;
	v7 =	vsel vm5, v59, v7  }
0x8a: {  	vm2 =	vgt.f32 v8, v5;
	v59 =	vor.u32 $0x33, v4;
	vm12 =	vgt.f32 v62, v7  }
0x8b: {  	v17 =	vsel vm2, v5, v8;
	v5 =	vsel vm2, v8, v5;
	v11 =	vsel vm12, $0xFFFFFFFF, v63  }
0x8c: {  	v7 =	vsel vm12, v62, v7;
	vm12 =	vgt.f32 v12, v5;
	v63 =	vor.u32 $0x34, v4  }
0x8d: {  	vm13 =	vgt.f32 v17, v7;
	v22 =	vsel vm12, v5, v12;
	v5 =	vsel vm12, v12, v5  }
0x8e: {  	[tilespmem:$0x1FDA0] =	vst v11;
	v11 =	vld.idx.msk [tilespmem:v16+s2+$0x0], $0xffff;
	v16 =	vimm.s32 $0x0;
	v8 =	vsel vm13, $0xFFFFFFFF, v18;
	v7 =	vsel vm13, v17, v7  }
0x8f: {  	vm15 =	vgt.f32 v9, v5;
	v17 =	vimm.s32 $0x0;
	[tilespmem:$0x1FDB0] =	vst v8;
	v8 =	vsel vm12, $0xFFFFFFFF, v19  }
0x90: {  	vm14 =	vgt.f32 v22, v7;
	v14 =	vsel vm15, $0xFFFFFFFF, v25;
	v26 =	vsel vm15, v5, v9  }
0x91: {  	v5 =	vsel vm15, v9, v5;
	v25 =	vimm.s32 $0x0;
	v12 =	vsel vm14, $0xFFFFFFFF, v23  }
0x92: {  	v7 =	vsel vm14, v22, v7;
	vm15 =	vgt.f32 v20, v5;
	v22 =	vimm.s32 $0x0  }
0x93: {  	vm10 =	vgt.f32 v26, v7;
	v29 =	vsel vm15, v5, v20;
	v5 =	vsel vm15, v20, v5  }
0x94: {  	v20 =	vnsel vm1, $0x23, v6;
	v6 =	vsel vm1, $0x23, v6;
	v16 =	vsel vm10, $0xFFFFFFFF, v16  }
0x95: {  	v7 =	vsel vm10, v26, v7;
	vm13 =	vgt.f32 v11, v5;
	v26 =	vimm.s32 $0x0  }
0x96: {  	v10 =	vsel vm5, v20, v10;
	v36 =	vnsel vm0, $0x24, v6;
	v6 =	vsel vm0, $0x24, v6  }
0x97: {  	[tilespmem:$0x1FDE0] =	vst v14;
	vm12 =	vgt.f32 v29, v7;
	v14 =	vsel vm13, $0xFFFFFFFF, v33;
	v34 =	vsel vm13, v5, v11  }
0x98: {  	v5 =	vsel vm13, v11, v5;
	v11 =	vld.idx.msk [tilespmem:v45+s2+$0x0], $0xffff;
	v33 =	vimm.s32 $0x0;
	v45 =	vnsel vm2, $0x25, v6  }
0x99: {  	[tilespmem:$0x1FDF0] =	vst v16;
	v6 =	vsel vm2, $0x25, v6;
	v16 =	vsel vm12, $0xFFFFFFFF, v32;
	v7 =	vsel vm12, v29, v7  }
0x9a: {  	vm8 =	vgt.f32 v13, v5;
	v29 =	vor.u32 $0x36, v4;
	v32 =	vor.u32 $0x37, v4  }
0x9b: {  	v9 =	vld.idx.msk [tilespmem:v27+s2+$0x0], $0xffff;
	vm14 =	vgt.f32 v34, v7;
	v39 =	vsel vm8, v5, v13;
	v5 =	vsel vm8, v13, v5  }
0x9c: {  	[tilespmem:$0x1FE00] =	vst v16;
	v13 =	vld.idx.msk [tilespmem:v40+s2+$0x0], $0xffff;
	v40 =	vor.u32 $0x39, v4;
	v16 =	vsel vm14, $0xFFFFFFFF, v37;
	v7 =	vsel vm14, v34, v7  }
0x9d: {  	v37 =	vimm.s32 $0x0;
	[tilespmem:$0x1FE20] =	vst v16;
	v16 =	vsel vm8, $0xFFFFFFFF, v38;
	vm9 =	vgt.f32 v39, v7  }
0x9e: {  	vm8 =	vgt.f32 v30, v5;
	[tilespmem:$0x1FE30] =	vst v16;
	v16 =	vsel vm9, $0xFFFFFFFF, v41;
	v7 =	vsel vm9, v39, v7  }
0x9f: {  	[tilespmem:$0x1FDD0] =	vst v12;
	v12 =	vld.idx.msk [tilespmem:v31+s2+$0x0], $0xffff;
	v43 =	vsel vm8, v5, v30;
	v5 =	vsel vm8, v30, v5;
	v30 =	vimm.s32 $0x0  }
0xa0: {  	v41 =	vimm.s32 $0x0;
	[tilespmem:$0x1FE40] =	vst v16;
	v16 =	vsel vm8, $0xFFFFFFFF, v42;
	vm9 =	vgt.f32 v43, v7  }
0xa1: {  	vm8 =	vgt.f32 v9, v5;
	[tilespmem:$0x1FE50] =	vst v16;
	v16 =	vsel vm9, $0xFFFFFFFF, v46;
	v7 =	vsel vm9, v43, v7  }
0xa2: {  	v48 =	vsel vm8, v5, v9;
	v5 =	vsel vm8, v9, v5;
	v46 =	vimm.s32 $0x0  }
0xa3: {  	v9 =	vld.idx.msk [tilespmem:v59+s2+$0x0], $0xffff;
	v59 =	vor.u32 $0x3E, v4;
	[tilespmem:$0x1FE60] =	vst v16;
	v16 =	vsel vm8, $0xFFFFFFFF, v47;
	vm12 =	vgt.f32 v48, v7  }
0xa4: {  	vm13 =	vgt.f32 v12, v5;
	[tilespmem:$0x1FE70] =	vst v16;
	v16 =	vsel vm12, $0xFFFFFFFF, v50;
	v7 =	vsel vm12, v48, v7  }
0xa5: {  	[tilespmem:$0x1FE10] =	vst v14;
	v14 =	vsel vm13, $0xFFFFFFFF, v51;
	v52 =	vsel vm13, v5, v12;
	v5 =	vsel vm13, v12, v5  }
0xa6: {  	v12 =	vld.idx.msk [tilespmem:v53+s2+$0x0], $0xffff;
	v48 =	vor.u32 $0x3B, v4;
	v53 =	vimm.s32 $0x0;
	vm14 =	vgt.f32 v52, v7  }
0xa7: {  	[tilespmem:$0x1FE80] =	vst v16;
	vm6 =	vgt.f32 v44, v5;
	v16 =	vsel vm14, $0xFFFFFFFF, v55;
	v7 =	vsel vm14, v52, v7  }
0xa8: {  	v57 =	vsel vm6, v5, v44;
	v5 =	vsel vm6, v44, v5;
	v44 =	vor.u32 $0x3A, v4  }
0xa9: {  	v52 =	vor.u32 $0x3C, v4;
	v55 =	vor.u32 $0x3D, v4;
	v4 =	vor.u32 $0x3F, v4  }
0xaa: {  	[tilespmem:$0x1FEA0] =	vst v16;
	v16 =	vsel vm6, $0xFFFFFFFF, v56;
	vm9 =	vgt.f32 v57, v7;
	vm10 =	vgt.f32 v13, v5  }
0xab: {  	v56 =	vimm.s32 $0x0;
	[tilespmem:$0x1FEB0] =	vst v16;
	v16 =	vsel vm9, $0xFFFFFFFF, v60;
	v7 =	vsel vm9, v57, v7  }
0xac: {  	[tilespmem:$0x1FE90] =	vst v14;
	v14 =	vsel vm10, $0xFFFFFFFF, v61;
	v62 =	vsel vm10, v5, v13;
	v5 =	vsel vm10, v13, v5  }
0xad: {  	v42 =	vld [tilespmem:$0x1FDA0];
	v61 =	vimm.s32 $0x0;
	vm4 =	vgt.f32 v62, v7;
	vm3 =	vgt.f32 v11, v5  }
0xae: {  	[tilespmem:$0x1FEC0] =	vst v16;
	v16 =	vsel vm4, $0xFFFFFFFF, v21;
	v7 =	vsel vm4, v62, v7;
	v23 =	vsel vm3, v5, v11  }
0xaf: {  	v57 =	vld [tilespmem:$0x1FDB0];
	v5 =	vsel vm3, v11, v5;
	[tilespmem:$0x1FEE0] =	vst v16;
	v16 =	vsel vm3, $0xFFFFFFFF, v22;
	vm4 =	vgt.f32 v23, v7  }
0xb0: {  	v21 =	vimm.s32 $0x0;
	vm3 =	vgt.f32 v58, v5;
	[tilespmem:$0x1FEF0] =	vst v16;
	v16 =	vsel vm4, $0xFFFFFFFF, v25  }
0xb1: {  	v28 =	vld.idx.msk [tilespmem:v63+s2+$0x0], $0xffff;
	v7 =	vsel vm4, v23, v7;
	v27 =	vsel vm3, v5, v58;
	v5 =	vsel vm3, v58, v5  }
0xb2: {  	v63 =	vld [tilespmem:$0x1FDD0];
	vm4 =	vnez.u8 v42;
	v23 =	vimm.s32 $0x0;
	[tilespmem:$0x1FF00] =	vst v16;
	v16 =	vsel vm3, $0xFFFFFFFF, v26  }
0xb3: {  	vm11 =	vgt.f32 v27, v7;
	vm14 =	vgt.f32 v12, v5;
	v10 =	vsel vm4, v36, v10  }
0xb4: {  	vm7 =	vnez.u8 v57;
	v7 =	vsel vm11, v27, v7;
	v31 =	vsel vm14, v5, v12  }
0xb5: {  	v11 =	vld.idx.msk [tilespmem:v24+s2+$0x0], $0xffff;
	[tilespmem:$0x1FF10] =	vst v16;
	v16 =	vsel vm11, $0xFFFFFFFF, v30;
	v5 =	vsel vm14, v12, v5;
	vm13 =	vgt.f32 v31, v7  }
0xb6: {  	[tilespmem:$0x1FF20] =	vst v16;
	v16 =	vsel vm13, $0xFFFFFFFF, v33;
	v7 =	vsel vm13, v31, v7;
	vm13 =	vgt.f32 v9, v5  }
0xb7: {  	v13 =	vld.idx.msk [tilespmem:v29+s2+$0x0], $0xffff;
	vm4 =	vnez.u8 v63;
	v34 =	vsel vm13, v5, v9;
	v5 =	vsel vm13, v9, v5  }
0xb8: {  	v26 =	vimm.s32 $0x0;
	vm1 =	vgt.f32 v34, v7;
	vm12 =	vgt.f32 v28, v5  }
0xb9: {  	v39 =	vld.idx.msk [tilespmem:v32+s2+$0x0], $0xffff;
	v7 =	vsel vm1, v34, v7;
	v38 =	vsel vm12, v5, v28;
	v5 =	vsel vm12, v28, v5  }
0xba: {  	[tilespmem:$0x1FF30] =	vst v16;
	v16 =	vsel vm1, $0xFFFFFFFF, v37;
	vm1 =	vgt.f32 v38, v7;
	vm11 =	vgt.f32 v11, v5  }
0xbb: {  	[tilespmem:$0x1FDC0] =	vst v8;
	v7 =	vsel vm1, v38, v7;
	v43 =	vsel vm11, v5, v11;
	v5 =	vsel vm11, v11, v5  }
0xbc: {  	v10 =	vsel vm7, v45, v10;
	v9 =	vld.idx.msk [tilespmem:v35+s2+$0x0], $0xffff;
	vm5 =	vgt.f32 v43, v7;
	vm10 =	vgt.f32 v13, v5  }
0xbd: {  	v60 =	vld [tilespmem:$0x1FDC0];
	v7 =	vsel vm5, v43, v7;
	v47 =	vsel vm10, v5, v13;
	v5 =	vsel vm10, v13, v5  }
0xbe: {  	v12 =	vld.idx.msk [tilespmem:v40+s2+$0x0], $0xffff;
	[tilespmem:$0x1FF40] =	vst v16;
	v16 =	vsel vm1, $0xFFFFFFFF, v41;
	vm0 =	vgt.f32 v47, v7;
	vm9 =	vgt.f32 v39, v5  }
0xbf: {  	v19 =	vld [tilespmem:$0x1FDE0];
	[tilespmem:$0x1FF50] =	vst v16;
	v16 =	vsel vm5, $0xFFFFFFFF, v46;
	v7 =	vsel vm0, v47, v7;
	v50 =	vsel vm9, v5, v39  }
0xc0: {  	[tilespmem:$0x1FF60] =	vst v16;
	v16 =	vsel vm0, $0xFFFFFFFF, v49;
	v5 =	vsel vm9, v39, v5;
	vm0 =	vgt.f32 v50, v7  }
0xc1: {  	v51 =	vld.idx.msk [tilespmem:v44+s2+$0x0], $0xffff;
	[tilespmem:$0x1FF70] =	vst v16;
	vm8 =	vgt.f32 v9, v5;
	v16 =	vsel vm0, $0xFFFFFFFF, v53;
	v7 =	vsel vm0, v50, v7  }
0xc2: {  	v20 =	vld [tilespmem:$0x1FDF0];
	v54 =	vsel vm8, v5, v9;
	v5 =	vsel vm8, v9, v5;
	vm0 =	vnez.u8 v60  }
0xc3: {  	vm6 =	vgt.f32 v54, v7;
	vm7 =	vgt.f32 v12, v5;
	v15 =	vnsel vm0, $0x26, v6  }
0xc4: {  	v13 =	vld.idx.msk [tilespmem:v48+s2+$0x0], $0xffff;
	[tilespmem:$0x1FF80] =	vst v16;
	v6 =	vsel vm0, $0x26, v6;
	vm0 =	vnez.u8 v19;
	v16 =	vsel vm6, $0xFFFFFFFF, v56  }
0xc5: {  	v7 =	vsel vm6, v54, v7;
	v58 =	vsel vm7, v5, v12;
	v5 =	vsel vm7, v12, v5  }
0xc6: {  	v10 =	vsel vm4, v15, v10;
	vm1 =	vgt.f32 v58, v7;
	vm6 =	vgt.f32 v51, v5  }
0xc7: {  	v11 =	vld.idx.msk [tilespmem:v52+s2+$0x0], $0xffff;
	vm4 =	vnez.u8 v20;
	v7 =	vsel vm1, v58, v7;
	v62 =	vsel vm6, v5, v51  }
0xc8: {  	[tilespmem:$0x1FF90] =	vst v16;
	v16 =	vsel vm1, $0xFFFFFFFF, v61;
	v5 =	vsel vm6, v51, v5;
	vm5 =	vgt.f32 v62, v7  }
0xc9: {  	[tilespmem:$0x1FFA0] =	vst v16;
	v16 =	vld.idx.msk [tilespmem:v55+s2+$0x0], $0xffff;
	v9 =	vsel vm5, $0xFFFFFFFF, v17;
	v7 =	vsel vm5, v62, v7;
	vm5 =	vgt.f32 v13, v5  }
0xca: {  	v18 =	vsel vm5, v5, v13;
	v5 =	vsel vm5, v13, v5;
	v13 =	vnsel vm0, $0x27, v6  }
0xcb: {  	v12 =	vld.idx.msk [tilespmem:v59+s2+$0x0], $0xffff;
	v6 =	vsel vm0, $0x27, v6;
	v10 =	vsel vm4, v13, v10;
	vm1 =	vgt.f32 v18, v7  }
0xcc: {  	vm4 =	vgt.f32 v11, v5;
	v25 =	vnsel vm15, $0x28, v6;
	v6 =	vsel vm15, $0x28, v6  }
0xcd: {  	v4 =	vld.idx.msk [tilespmem:v4+s2+$0x0], $0xffff;
	v7 =	vsel vm1, v18, v7;
	v22 =	vsel vm4, v5, v11;
	v5 =	vsel vm4, v11, v5  }
0xce: {  	v29 =	vld [tilespmem:$0x1FE00];
	v13 =	vsel vm1, $0xFFFFFFFF, v21;
	vm0 =	vgt.f32 v22, v7;
	vm3 =	vgt.f32 v16, v5  }
0xcf: {  	v7 =	vsel vm0, v22, v7;
	v24 =	vsel vm3, v5, v16;
	v5 =	vsel vm3, v16, v5  }
0xd0: {  	v11 =	vsel vm0, $0xFFFFFFFF, v23;
	vm0 =	vgt.f32 v24, v7;
	vm2 =	vgt.f32 v12, v5  }
0xd1: {  	v7 =	vsel vm0, v24, v7;
	v27 =	vsel vm2, v5, v12;
	v5 =	vsel vm2, v12, v5  }
0xd2: {  	[tilespmem:$0x1FFD0] =	vst v11;
	v11 =	vsel vm0, $0xFFFFFFFF, v26;
	vm0 =	vgt.f32 v27, v7;
	vm1 =	vgt.f32 v4, v5  }
0xd3: {  	v31 =	vld [tilespmem:$0x1FE10];
	vm15 =	vnez.u8 v29;
	v7 =	vsel vm0, v27, v7;
	v30 =	vsel vm1, v5, v4  }
0xd4: {  	v32 =	vld [tilespmem:$0x1FE20];
	v8 =	vsel vm15, v25, v10;
	vm15 =	vgt.f32 v30, v7  }
0xd5: {  	v33 =	vld [tilespmem:$0x1FE30];
	v4 =	vsel vm1, v4, v5;
	v5 =	vsel vm15, v30, v7  }
0xd6: {  	v4 =	vsub.f32 v5, v4;
	v5 =	vld [tilespmem:$0x1FE40]  }
0xd7: {  	v28 =	vimm.s32 $0x0;
	v34 =	vld [tilespmem:$0x1FE50]  }
0xd8: {  	v35 =	vld [tilespmem:$0x1FE60];
	[tilespmem:$0x1FFE0] =	vst v11;
	v11 =	vsel vm0, $0xFFFFFFFF, v28;
	vm0 =	vnez.u8 v31  }
0xd9: {  	v36 =	vld [tilespmem:$0x1FE70];
	v10 =	vnsel vm0, $0x29, v6;
	v6 =	vsel vm0, $0x29, v6;
	vm0 =	vnez.u8 v32  }
0xda: {  	v37 =	vld [tilespmem:$0x1FE80];
	v8 =	vsel vm0, v10, v8;
	vm0 =	vnez.u8 v33;
	v4 =	vmul.f32 $1.442695020e+00, v4  }
0xdb: {  	v38 =	vld [tilespmem:$0x1FE90];
	v7 =	vnsel vm0, $0x2A, v6;
	v6 =	vsel vm0, $0x2A, v6;
	vm0 =	vnez.u8 v5  }
0xdc: {  	(erf) = vpow2.f32 v4;
	v4 =	vld [tilespmem:$0x1FEA0];
	v5 =	vsel vm0, v7, v8;
	vm0 =	vnez.u8 v34  }
0xdd: {  	v7 =	vnsel vm0, $0x2B, v6;
	v6 =	vsel vm0, $0x2B, v6;
	vm0 =	vnez.u8 v35  }
0xde: {  	v5 =	vsel vm0, v7, v5;
	vm0 =	vnez.u8 v36  }
0xdf: {  	v7 =	vnsel vm0, $0x2C, v6;
	v6 =	vsel vm0, $0x2C, v6;
	vm0 =	vnez.u8 v37  }
0xe0: {  	v5 =	vsel vm0, v7, v5;
	vm0 =	vnez.u8 v38  }
0xe1: {  	v7 =	vnsel vm0, $0x2D, v6;
	v6 =	vsel vm0, $0x2D, v6;
	vm0 =	vnez.u8 v4  }
0xe2: {  	v4 =	vsel vm0, v7, v5;
	v5 =	vld [tilespmem:$0x1FEB0]  }
0xe3: {  	v39 =	vld [tilespmem:$0x1FEC0];
	_ =	sdelay $0x3  }
0xe4: {  	vm0 =	vnez.u8 v5  }
0xe5: {  	[tilespmem:$0x1FED0] =	vst v14;
	v5 =	vnsel vm0, $0x2E, v6;
	v6 =	vsel vm0, $0x2E, v6;
	vm0 =	vnez.u8 v39  }
0xe6: {  	v4 =	vsel vm0, v5, v4;
	v5 =	vld [tilespmem:$0x1FED0]  }
0xe7: {  	v40 =	vld [tilespmem:$0x1FEE0];
	_ =	sdelay $0x3  }
0xe8: {  	vm0 =	vnez.u8 v5  }
0xe9: {  	v5 =	vnsel vm0, $0x2F, v6;
	v6 =	vsel vm0, $0x2F, v6;
	vm0 =	vnez.u8 v40  }
0xea: {  	v4 =	vsel vm0, v5, v4;
	v5 =	vld [tilespmem:$0x1FEF0]  }
0xeb: {  	v41 =	vld [tilespmem:$0x1FF00];
	_ =	sdelay $0x3  }
0xec: {  	vm0 =	vnez.u8 v5  }
0xed: {  	v5 =	vnsel vm0, $0x30, v6;
	v6 =	vsel vm0, $0x30, v6;
	vm0 =	vnez.u8 v41  }
0xee: {  	v4 =	vsel vm0, v5, v4;
	v5 =	vld [tilespmem:$0x1FF10]  }
0xef: {  	v42 =	vld [tilespmem:$0x1FF20];
	_ =	sdelay $0x1  }
0xf0: {  	v43 =	vld [tilespmem:$0x1FF30]  }
0xf1: {  	v44 =	vld [tilespmem:$0x1FF40]  }
0xf2: {  	v45 =	vld [tilespmem:$0x1FF50];
	vm0 =	vnez.u8 v5  }
0xf3: {  	v46 =	vld [tilespmem:$0x1FF60];
	v47 =	vpop (erf);
	v5 =	vnsel vm0, $0x31, v6;
	v6 =	vsel vm0, $0x31, v6;
	vm0 =	vnez.u8 v42  }
0xf4: {  	v48 =	vld [tilespmem:$0x1FF70];
	v7 =	vadd.f32 $1.000000000e+00, v47;
	v4 =	vsel vm0, v5, v4  }
0xf5: {  	v49 =	vld [tilespmem:$0x1FF80];
	[tilespmem:$0x1FFC0] =	vst v13;
	v5 =	vnsel vm14, $0x32, v6;
	v6 =	vsel vm14, $0x32, v6;
	vm14 =	vnez.u8 v43  }
0xf6: {  	v55 =	vor.u32 s11, v3;
	[tilespmem:$0x1FFB0] =	vst v9;
	v53 =	vld [tilespmem:$0x1FFC0];
	(erf) = vrcp.f32 v7;
	v4 =	vsel vm14, v5, v4  }
0xf7: {  	v52 =	vld [tilespmem:$0x1FFB0];
	v5 =	vnsel vm13, $0x33, v6;
	v6 =	vsel vm13, $0x33, v6;
	vm13 =	vnez.u8 v44  }
0xf8: {  	v56 =	vld [tilespmem:$0x1FFD0];
	vm14 =	vnez.u8 v45;
	v4 =	vsel vm13, v5, v4;
	v5 =	vnsel vm12, $0x34, v6  }
0xf9: {  	v51 =	vld [tilespmem:$0x1FFA0];
	v6 =	vsel vm12, $0x34, v6;
	vm12 =	vnez.u8 v46;
	vm13 =	vnez.u8 v48  }
0xfa: {  	v50 =	vld [tilespmem:$0x1FF90];
	v4 =	vsel vm14, v5, v4;
	v5 =	vnsel vm11, $0x35, v6;
	v6 =	vsel vm11, $0x35, v6  }
0xfb: {  	vm14 =	vnez.u8 v49;
	vm11 =	vnez.u8 v53;
	v4 =	vsel vm12, v5, v4  }
0xfc: {  	v5 =	vnsel vm10, $0x36, v6;
	v6 =	vsel vm10, $0x36, v6;
	vm10 =	vnez.u8 v52  }
0xfd: {  	v58 =	vld [tilespmem:$0x1FFE0];
	vm12 =	vnez.u8 v56;
	v4 =	vsel vm13, v5, v4;
	v5 =	vnsel vm9, $0x37, v6  }
0xfe: {  	[tilespmem:$0x1FFF0] =	vst v11;
	v6 =	vsel vm9, $0x37, v6;
	vm9 =	vnez.u8 v51;
	v4 =	vsel vm14, v5, v4  }
0xff: {  	v60 =	vld [tilespmem:$0x1FFF0];
	v5 =	vnsel vm8, $0x38, v6;
	v6 =	vsel vm8, $0x38, v6;
	vm8 =	vnez.u8 v50  }
0x100: {  	v4 =	vsel vm8, v5, v4;
	v5 =	vnsel vm7, $0x39, v6;
	v6 =	vsel vm7, $0x39, v6  }
0x101: {  	v4 =	vsel vm9, v5, v4;
	v5 =	vnsel vm6, $0x3A, v6;
	v6 =	vsel vm6, $0x3A, v6  }
0x102: {  	vm13 =	vnez.u8 v58;
	v4 =	vsel vm10, v5, v4;
	v5 =	vnsel vm5, $0x3B, v6  }
0x103: {  	v6 =	vsel vm5, $0x3B, v6;
	v4 =	vsel vm11, v5, v4;
	v5 =	vor.u32 s11, v0  }
0x104: {  	vm14 =	vnez.u8 v60;
	v54 =	vnsel vm4, $0x3C, v6;
	v6 =	vsel vm4, $0x3C, v6  }
0x105: {  	v4 =	vsel vm12, v54, v4;
	v57 =	vnsel vm3, $0x3D, v6;
	v6 =	vsel vm3, $0x3D, v6  }
0x106: {  	p0 =	sne.s32 s12, $0x30;
	v4 =	vsel vm13, v57, v4;
	v59 =	vnsel vm2, $0x3E, v6;
	v6 =	vsel vm2, $0x3E, v6  }
.Ltmp0:
0x107: {  	v4 =	vsel vm14, v59, v4;
	v61 =	vnsel vm1, $0x3F, v6;
	v6 =	vsel vm1, $0x3F, v6;
	(pc) =	sbr.rel @p0 .LBB2_2-.Ltmp0, $4  }
0x108: {  	v62 =	vpop (erf);
	v4 =	vsel vm15, v61, v4;
	[tilespmem:v5+s8+$0x0] =	vst.idx.msk $0xffff, v6  }
0x109: {  	v63 =	vsub.f32 $1.000000000e+00, v62;
	[tilespmem:v55+s8+$0x0] =	vst.idx.msk $0xffff, v4  }
0x10a: {  	[tilespmem:v5+s9+$0x0] =	vst.idx.msk $0xffff, v62  }
0x10b: {  	s12 =	sadd.s32 $0x10, s12;
	s11 =	sadd.s32 $0x20, s11;
	[tilespmem:v55+s9+$0x0] =	vst.idx.msk $0xffff, v63  }
0x10c: {  	[hbm4b:s4+s2] =	stream.linear.scatter [tilespmem:s8], [sflag:$0x1], $0x80, $0x38;
	[tilespmem:$0x1100] =	vst v63  }
0x10d: {  	s10 =	sadd.s32 $0x1, s10;
	_ =	swait.ge [sflag:s7], $0x80  }
0x10e: {  	p0 =	sne.s32 s10, s6;
	[sflag:s7] =	ssyncset.done $0x0  }
.Ltmp1:
0x10f: {  	[sflag:s7] =	ssyncadd.s32 $0xFFFFFF80;
	(pc) =	sbr.rel @p0 .LBB2_1-.Ltmp1, $4  }
0x110: {  	[hbm4b:s5+s2] =	stream.linear.scatter [tilespmem:s9], [sflag:$0x1], $0x80, $0x38;
	[tilespmem:$0x1100] =	vst v63  }
0x111: {  	_ =	swait.ge [sflag:s7], $0x80  }
0x112: {  	[sflag:s7] =	ssyncset.done $0x0  }
0x113: {  	[sflag:s7] =	ssyncadd.s32 $0xFFFFFF80  }
0x114: {  	_ =	sfence.sel $0x180000  }
0x115: {  	[bflag:$0x0] =	sbarrier.arrive $0xFFFF  }
0x116: {  	p0 =	sne.s32 s1, $0x0;
	_ =	strace $0x9000004D  }
0x117: {  	s0 =	sadd.s32 @!p0 $0x100000, s0;
	[bflag:$0x2] =	sbarrier.arrive $0xFFFF  }
0x118: {  	[sflag:s0] =	ssyncadd.tile.s32 @!p0 $0x1;
	_ =	shalt  }
.Lfunc_end2:
_tile_overlayer_lowered:
.L_overlay_start_2:
0x119: {  	(tag) =	ssettag $0x2  }
0x11a: {  	s0 =	rddreg [dreg:$0x0];
	s2 =	stileid.u32  }
0x11b: {  	s1 =	rddreg [dreg:$0x1];
	p0 =	sne.s32 s2, $0x0  }
0x11c: {  	s3 =	rddreg [dreg:$0x2];
	[bflag:$0x3] =	sbarrier.arrive $0xFFFF;
	s2 =	simm.s32 @!p0 $0x1C01  }
0x11d: {  	[timem:s3], [sflag:s2] =	dma.local @!p0 [hbm:s0], s1  }
0x11e: {  	s0 =	simm.s32 @!p0 $0x1  }
0x11f: {  	_ =	swait.ge @!p0 [sflag:s0], s1  }
0x120: {  	s1 =	ssub.s32 @!p0 $0x0, s1;
	[sflag:s0] =	ssyncset.done @!p0 $0x0  }
0x121: {  	[sflag:s0] =	ssyncadd.s32 @!p0 s1  }
0x122: {  	[bflag:$0x3] =	sbarrier.arrive $0xFFFF  }
0x123: {  	_ =	shalt  }

// kernel: kernel.8.cloned.1.call-start
scs
__scs_entry_jumppad:
0x0: {  	(pc) =	sbr.rel $0x88, $3  }
0x1: {  	(tag) =	ssettag $0x0;
	lr =	simm.s32 $0x1  }
0x2: {  	[smem:$0x3F9F] =	sst lr;
	_ =	strace $0xD0000000  }
0x3: {  	_ = 	snop  }
0x4: {  	_ = 	snop  }
0x5: {  	_ = 	snop  }
0x6: {  	_ = 	snop  }
0x7: {  	_ = 	snop  }
__scs_overlays_trampoline_lowered:
0x8: {  	[smem:$0x3FAE] =	sst s0  }
0x9: {  	[smem:$0x3FAF] =	sst s1  }
0xa: {  	[smem:$0x3FB0] =	sst s2  }
0xb: {  	[smem:$0x3FB1] =	sst s3  }
0xc: {  	[smem:$0x3FB2] =	sst s4  }
0xd: {  	[smem:$0x3FB3] =	sst s5  }
0xe: {  	[smem:$0x3FB4] =	sst s6  }
0xf: {  	[smem:$0x3FB5] =	sst s7  }
0x10: {  	[smem:$0x3FB6] =	sst s8  }
0x11: {  	[smem:$0x3FB7] =	sst s9;
	s0 =	simm.s32 @!p0 $0x0  }
0x12: {  	s1 =	sld [smem:$0x3F9D];
	s0 =	simm.s32 @p0 $0x1  }
0x13: {  	[smem:$0x3FB8] =	sst s0;
	s0 =	simm.s32 @!p1 $0x0  }
0x14: {  	s2 =	sld [smem:$0x3F9C];
	s0 =	simm.s32 @p1 $0x1  }
0x15: {  	[smem:$0x3FB9] =	sst s0;
	s0 =	simm.s32 @!p2 $0x0  }
0x16: {  	s3 =	sld [smem:$0x3FDB];
	s0 =	simm.s32 @p2 $0x1  }
0x17: {  	s4 =	simm.s32 $0x1BF5;
	[smem:$0x3FBB] =	sst s0  }
0x18: {  	s0 =	sld [smem:$0x3F9E];
	_ =	swait.ge [sflag:s4], $0x0  }
0x19: {  	s7 =	sld [smem:$0x3F9F]  }
0x1a: {  	s8 =	sadd.s32 $0xFFFFE003, lr  }
0x1b: {  	s9 =	sadd.s32 $0xFFFFFEF7, lr;
	s5 =	simm.s32 $0xFFFFFFFF;
	p2 =	slt.u32 s8, $0xFFFFF086  }
0x1c: {  	p1 =	slt.u32 s9, $0xF7A;
	s5 =	simm.s32 @!p2 $0x0  }
0x1d: {  	s5 =	simm.s32 @p1 $0x1;
	p0 =	seq.s32 s7, s2  }
0x1e: {  	s7 =	smul.u32 @!p0 $0xF7A, s2;
	p2 =	seq.s32 @!p0 s5, $0x0  }
0x1f: {  	s9 =	smul.u32 $0xF7A, s1;
	s8 =	simm.s32 @!p0 $0x1BF5;
	p2 =	por !p2, p0  }
0x20: {  	[sflag:s8] =	ssyncset.s32 @!p0 $0xFFFFF086;
	s6 =	sadd.s32 @!p0 s3, s7;
	s7 =	simm.s32 @!p0 $0x108  }
0x21: {  	s3 =	sadd.s32 s3, s9;
	s6 =	sadd.s32 @!p0 $0x88, s6;
	s7 =	simm.s32 @p2 $0x1082  }
0x22: {  	[simem:s7], [sflag:s8] =	dma.local @!p0 [hbm:s6], $0xF7A  }
0x23: {  	s9 =	sor.u32 $0xD0000000, s2;
	s6 =	simm.s32 $0x108;
	_ =	swait.ge @!p0 [sflag:s8], $0x0  }
0x24: {  	s3 =	sadd.s32 $0x88, s3;
	s6 =	simm.s32 @!p1 $0x1082;
	[sflag:s4] =	ssyncset.s32 $0xFFFFF086  }
0x25: {  	[simem:s6], [sflag:s4] =	dma.local [hbm:s3], $0xF7A  }
0x26: {  	[smem:$0x3F9F] =	sst s1;
	(tag) =	ssettag s2;
	_ =	strace s9  }
0x27: {  	s1 =	sld [smem:$0x3FAF]  }
0x28: {  	s2 =	sld [smem:$0x3FB0]  }
0x29: {  	s4 =	sld [smem:$0x3FB2]  }
0x2a: {  	p0 =	seq.s32 s5, $0x0;
	s5 =	sld [smem:$0x3FB3]  }
0x2b: {  	s6 =	sld [smem:$0x3FB4]  }
0x2c: {  	s7 =	sld [smem:$0x3FB5]  }
0x2d: {  	s3 =	simm.s32 $0x108;
	s8 =	sld [smem:$0x3FB6]  }
0x2e: {  	s3 =	simm.s32 @!p0 $0x1082;
	s9 =	sld [smem:$0x3FB7]  }
0x2f: {  	lr =	sadd.s32 s0, s3;
	s0 =	sld [smem:$0x3FAE]  }
0x30: {  	s3 =	sld [smem:$0x3FB1]  }
0x31: {  	[smem:$0x3FBA] =	sst s10  }
0x32: {  	s10 =	sld [smem:$0x3FB8];
	_ =	sdelay $0x3  }
0x33: {  	p0 =	seq.s32 s10, $0x1;
	s10 =	sld [smem:$0x3FBA];
	_ =	sdelay $0x3  }
0x34: {  	[smem:$0x3FBA] =	sst s10  }
0x35: {  	s10 =	sld [smem:$0x3FB9];
	_ =	sdelay $0x3  }
0x36: {  	p1 =	seq.s32 s10, $0x1;
	s10 =	sld [smem:$0x3FBA];
	_ =	sdelay $0x3  }
0x37: {  	[smem:$0x3FBA] =	sst s10  }
0x38: {  	s10 =	sld [smem:$0x3FBB]  }
0x39: {  	_ = 	snop;
	(pc) =	sbr.ind lr, $3  }
0x3a: {  	_ = 	snop  }
0x3b: {  	_ = 	snop  }
0x3c: {  	p2 =	seq.s32 s10, $0x1;
	s10 =	sld [smem:$0x3FBA]  }
0x3d: {  	_ =	shalt  }
0x3e: {  	_ =	shalt  }
0x3f: {  	_ =	shalt  }
0x40: {  	_ =	shalt  }
0x41: {  	_ =	shalt  }
0x42: {  	_ =	shalt  }
0x43: {  	_ =	shalt  }
0x44: {  	_ =	shalt  }
0x45: {  	_ =	shalt  }
0x46: {  	_ =	shalt  }
0x47: {  	_ =	shalt  }
0x48: {  	_ =	shalt  }
0x49: {  	_ =	shalt  }
0x4a: {  	_ =	shalt  }
0x4b: {  	_ =	shalt  }
0x4c: {  	_ =	shalt  }
0x4d: {  	_ =	shalt  }
0x4e: {  	_ =	shalt  }
0x4f: {  	_ =	shalt  }
0x50: {  	_ =	shalt  }
0x51: {  	_ =	shalt  }
0x52: {  	_ =	shalt  }
0x53: {  	_ =	shalt  }
0x54: {  	_ =	shalt  }
0x55: {  	_ =	shalt  }
0x56: {  	_ =	shalt  }
0x57: {  	_ =	shalt  }
0x58: {  	_ =	shalt  }
0x59: {  	_ =	shalt  }
0x5a: {  	_ =	shalt  }
0x5b: {  	_ =	shalt  }
0x5c: {  	_ =	shalt  }
0x5d: {  	_ =	shalt  }
0x5e: {  	_ =	shalt  }
0x5f: {  	_ =	shalt  }
0x60: {  	_ =	shalt  }
0x61: {  	_ =	shalt  }
0x62: {  	_ =	shalt  }
0x63: {  	_ =	shalt  }
0x64: {  	_ =	shalt  }
0x65: {  	_ =	shalt  }
0x66: {  	_ =	shalt  }
0x67: {  	_ =	shalt  }
0x68: {  	_ =	shalt  }
0x69: {  	_ =	shalt  }
0x6a: {  	_ =	shalt  }
0x6b: {  	_ =	shalt  }
0x6c: {  	_ =	shalt  }
0x6d: {  	_ =	shalt  }
0x6e: {  	_ =	shalt  }
0x6f: {  	_ =	shalt  }
0x70: {  	_ =	shalt  }
0x71: {  	_ =	shalt  }
0x72: {  	_ =	shalt  }
0x73: {  	_ =	shalt  }
0x74: {  	_ =	shalt  }
0x75: {  	_ =	shalt  }
0x76: {  	_ =	shalt  }
0x77: {  	_ =	shalt  }
0x78: {  	_ =	shalt  }
0x79: {  	_ =	shalt  }
0x7a: {  	_ =	shalt  }
0x7b: {  	_ =	shalt  }
0x7c: {  	_ =	shalt  }
0x7d: {  	_ =	shalt  }
0x7e: {  	_ =	shalt  }
0x7f: {  	_ =	shalt  }
0x80: {  	_ =	shalt  }
0x81: {  	_ =	shalt  }
0x82: {  	_ =	shalt  }
0x83: {  	_ =	shalt  }
0x84: {  	_ =	shalt  }
0x85: {  	_ =	shalt  }
0x86: {  	_ =	shalt  }
0x87: {  	_ =	shalt  }
.Lfunc_end0:
.L_simem_size_0:
called_computation_lowered:
.L_overlay_start_0:
0x88: {  	s2 =	sld [smem:$0x3FD9]  }
0x89: {  	s3 =	sld [smem:$0x3FFE];
	_ =	sdelay $0x1  }
0x8a: {  	s1 =	srdreg.scid  }
0x8b: {  	s0 =	sand.u32 $0x1, s1  }
0x8c: {  	s14 =	sshll.u32 s0, $0xA;
	s2 =	sadd.s32 s3, s2  }
0x8d: {  	s2 =	sadd.s32 s2, s14  }
0x8e: {  	[smem:$0x3FC6] =	sst s2  }
0x8f: {  	_ = 	snop  }
0x90: {  	s2 =	sld [smem:$0x3FD0];
	_ =	sdelay $0x2  }
0x91: {  	s15 =	simm.s32 $0xC;
	s4 =	simm.s32 $0x10  }
0x92: {  	[smem:s4], [sflag:s15] =	dma.local [hbm:s2], $0x1  }
0x93: {  	_ =	swait.eq [sflag:s15], $0x1  }
0x94: {  	[sflag:s15] =	ssyncset.done $0x0  }
0x95: {  	s16 =	sld [smem:$0x10];
	[sflag:s15] =	ssyncadd.s32 $0xFFFFFFFF  }
0x96: {  	s17 =	sld [smem:$0x11];
	(tm) =	ssettm $0x1  }
0x97: {  	s18 =	sld [smem:$0x3FFB];
	_ =	sdelay $0x3  }
0x98: {  	_ =	strace s18  }
0x99: {  	s4 =	sld [smem:$0x3FFC];
	_ =	sdelay $0x3  }
0x9a: {  	_ =	strace s4  }
0x9b: {  	s4 =	sld [smem:$0x3FFD];
	_ =	sdelay $0x3  }
0x9c: {  	_ =	strace s4  }
0x9d: {  	_ =	strace $0x8FFFFFFF  }
0x9e: {  	s19 =	sld [smem:$0x3FDB];
	_ =	sdelay $0x1  }
0x9f: {  	s5 =	simm.s32 $_scs_section_size  }
0xa0: {  	s6 =	simm.s32 $_size__tile_overlayer_lowered;
	s7 =	simm.s32 $_tile_overlayer_lowered  }
0xa1: {  	s22 =	simm.s32 $0x1BFF;
	s21 =	sshll.u32 s7, $0x1;
	s4 =	sadd.s32 s5, s19  }
0xa2: {  	s8 =	simm.s32 $0x0;
	s20 =	sshll.u32 s6, $0x1;
	s6 =	sadd.s32 s21, s4  }
0xa3: {  	[timem:s8], [sflag:s22] =	dma.local [hbm:s6], s20  }
0xa4: {  	_ =	swait.ge [sflag:s22], s20  }
0xa5: {  	s5 =	ssub.s32 $0x0, s20;
	[sflag:s22] =	ssyncset.done $0x0  }
0xa6: {  	[sflag:s22] =	ssyncadd.s32 s5;
	_ =	sdelay $0x1  }
0xa7: {  	s23 =	simm.s32 $0x1B8B  }
0xa8: {  	_ =	swait.ge [sflag:s23], $0x1  }
0xa9: {  	[sflag:s23] =	ssyncset.done $0x0  }
0xaa: {  	s25 =	simm.s32 $0x1B8E;
	s24 =	sld [smem:$0x3FFE];
	[sflag:s23] =	ssyncadd.s32 $0xFFFFFFFF  }
0xab: {  	s26 =	simm.s32 $execute0_lowered;
	[smem:$0x3FD2] =	sst s25  }
0xac: {  	s6 =	sshll.u32 s26, $0x1;
	_ =	strace $0x80000046;
	[dreg:$0x1] =	wrdreg $0xFFFFFFFF  }
0xad: {  	s28 =	simm.s32 $_size_execute0_lowered;
	s4 =	sadd.s32 s4, s6;
	[dreg:$0x0] =	wrdreg $0x0  }
0xae: {  	s6 =	sshll.u32 s28, $0x1;
	[dreg:$0x2] =	wrdreg s4  }
0xaf: {  	[dreg:$0x3] =	wrdreg s6  }
0xb0: {  	[dreg:$0x4] =	wrdreg $0xC0  }
0xb1: {  	_ =	task [dreg:s8], $0x5FFFF  }
0xb2: {  	[dreg:$0x1] =	wrdreg $0xFFFFFFFF  }
0xb3: {  	[dreg:$0x0] =	wrdreg $0x60  }
0xb4: {  	[dreg:$0x2] =	wrdreg s24  }
0xb5: {  	[dreg:$0x3] =	wrdreg s17  }
0xb6: {  	[dreg:$0x4] =	wrdreg s16  }
0xb7: {  	[dreg:$0x5] =	wrdreg $0x9  }
0xb8: {  	_ =	task.clear_ibuf [dreg:s8], $0x6FFFF;
	_ =	strace $0x90000046  }
0xb9: {  	s29 =	simm.s32 $0x9;
	_ =	strace $0x80000048  }
0xba: {  	_ =	swait.ge [sflag:s29], $0x1  }
0xbb: {  	[sflag:s29] =	ssyncadd.s32 $0xFFFFFFFF  }
0xbc: {  	_ =	strace $0x90000048  }
0xbd: {  	_ =	sfence  }
0xbe: {  	s30 =	sld [smem:$0x0];
	_ =	sdelay $0x2  }
0xbf: {  	s31 =	sshll.u32 s1, $0xD;
	s1 =	sshrl.u32 s1, $0x2  }
0xc0: {  	s3 =	sand.u32 $0x4000, s31;
	s1 =	sadd.s32 s1, s30  }
0xc1: {  	s0 =	sor.u32 s3, s0;
	s1 =	sshll.u32 s1, $0x11  }
0xc2: {  	s0 =	sor.u32 s1, s0  }
0xc3: {  	s0 =	sadd.s32 $0x8F2B, s0  }
0xc4: {  	[sflag:s0] =	ssyncadd.remote.s32 $0x1  }
0xc5: {  	_ =	sfence.sel $0xFFFF  }
0xc6: {  	[dreg:$0x0] =	wrdreg $0xFFFFFFFF;
	(pc) =	sbr.abs _section_cstart, $3  }
0xc7: {  	[dreg:$0x1] =	wrdreg $0xFFFFFFFF  }
0xc8: {  	_ =	task.clear_ibuf [dreg:s8], $0x2FFFF;
	_ =	strace $0x9FFFFFFF  }
0xc9: {  	(tm) =	ssettm $0x7FFFFFFF  }
tec
execute0_lowered:
.L_overlay_start_1:
0x0: {  	(tag) =	ssettag $0x1  }
0x1: {  	s3 =	rddreg [dreg:$0x0]  }
0x2: {  	s1 =	srdreg.scid;
	s4 =	rddreg [dreg:$0x1]  }
0x3: {  	s0 =	stileid.u32;
	s6 =	rddreg [dreg:$0x2]  }
0x4: {  	s2 =	simm.s32 $0x0;
	s5 =	sand.u32 $0x1, s1;
	s30 =	sshll.u32 s0, $0x1  }
0x5: {  	s9 =	simm.s32 $0x5280;
	s10 =	simm.s32 $0x0;
	s7 =	sor.u32 s5, s30  }
0x6: {  	s1 =	rddreg [dreg:$0x3];
	s5 =	ssub.s32 $0x2, s5;
	s8 =	smul.u32 $0xA00, s7  }
0x7: {  	v1 =	vlaneseq.u32;
	[smem:$0x7FF] =	sst s2;
	s7 =	smul.u32 $0x50, s7;
	s31 =	sshrl.u32 s5, $0x1  }
0x8: {  	v0 =	vmul.u32 $0x2, v1;
	_ =	strace $0x80000047;
	s3 =	sadd.s32 s8, s3;
	s8 =	ssub.s32 s5, s31  }
0x9: {  	s4 =	sadd.s32 s4, s7;
	s5 =	sadd.s32 s6, s7;
	s7 =	simm.s32 $0x1  }
0xa: {  	v2 =	vimm.s32 $0x0;
	v1 =	vmul.u32 $0x40, v1;
	v3 =	vor.u32 $0x1, v0;
	s3 =	sadd.s32 $0x2000, s3;
	s6 =	smax.u32 s8, $0x1;
	s8 =	simm.s32 $0x5000  }
.LBB2_1:
0xb: {  	[tilespmem:s2], [sflag:$0x1] =	stream.linear.gather [hbm4b:s3+s2], $0x5000, $0x38;
	[tilespmem:$0x5500] =	vst v63  }
0xc: {  	_ =	swait.ge [sflag:s7], $0x5000  }
0xd: {  	[sflag:s7] =	ssyncset.done $0x0  }
0xe: {  	s11 =	simm.s32 $0x0;
	s12 =	simm.s32 $0x0;
	[sflag:s7] =	ssyncadd.s32 $0xFFFFB000  }
.LBB2_2:
0xf: {  	v4 =	vmov s12  }
0x10: {  	v4 =	vshll.u32 v4, $0x6  }
0x11: {  	v4 =	vor.u32 v1, v4  }
0x12: {  	v5 =	vor.u32 $0x1, v4;
	_ =	sdelay $0x2  }
0x13: {  	v7 =	vor.u32 $0x2, v4  }
0x14: {  	v6 =	vld.idx.msk [tilespmem:v4+s2+$0x0], $0xffff  }
0x15: {  	v8 =	vor.u32 $0x3, v4;
	v9 =	vor.u32 $0x4, v4;
	v51 =	vor.u32 $0x5, v4;
	v5 =	vld.idx.msk [tilespmem:v5+s2+$0x0], $0xffff  }
0x16: {  	v52 =	vor.u32 $0x6, v4;
	v55 =	vor.u32 $0x7, v4;
	v58 =	vor.u32 $0x8, v4  }
0x17: {  	v61 =	vor.u32 $0x9, v4;
	v16 =	vor.u32 $0xA, v4;
	v19 =	vor.u32 $0xB, v4  }
0x18: {  	v22 =	vor.u32 $0xC, v4;
	v25 =	vor.u32 $0xD, v4;
	v28 =	vor.u32 $0xE, v4;
	v7 =	vld.idx.msk [tilespmem:v7+s2+$0x0], $0xffff  }
0x19: {  	v31 =	vor.u32 $0xF, v4;
	v34 =	vor.u32 $0x10, v4;
	v37 =	vor.u32 $0x11, v4  }
0x1a: {  	v40 =	vor.u32 $0x12, v4;
	v43 =	vor.u32 $0x13, v4;
	vm0 =	vgt.f32 v5, v6  }
0x1b: {  	v46 =	vor.u32 $0x14, v4;
	v49 =	vor.u32 $0x15, v4;
	vm1 =	vmneg vm0  }
0x1c: {  	v15 =	vor.u32 $0x1E, v4;
	v8 =	vld.idx.msk [tilespmem:v8+s2+$0x0], $0xffff;
	v10 =	vsel vm1, v5, v6;
	v5 =	vsel vm1, v6, v5  }
0x1d: {  	vm2 =	vlt.f32 v10, $-Inf;
	vm3 =	vgt.f32 v10, $-Inf;
	vm8 =	vgt.f32 v7, v5  }
0x1e: {  	v11 =	vsel vm0, $0x1, v2;
	vm2 =	vmor vm3, vm2;
	v13 =	vsel vm8, v5, v7  }
0x1f: {  	v9 =	vld.idx.msk [tilespmem:v9+s2+$0x0], $0xffff;
	v14 =	vnsel vm8, $0x2, v11;
	v5 =	vsel vm8, v7, v5;
	v11 =	vsel vm8, $0x2, v11  }
0x20: {  	v7 =	vld.idx.msk [tilespmem:v52+s2+$0x0], $0xffff;
	v52 =	vor.u32 $0x16, v4;
	vm7 =	vmand vm1, vm2;
	v10 =	vnsel vm2, $0xFF800000, v10  }
0x21: {  	vm10 =	vgt.f32 v8, v5;
	v12 =	vsel vm7, $0x1, v2;
	vm9 =	vgt.f32 v13, v10  }
0x22: {  	v6 =	vld.idx.msk [tilespmem:v51+s2+$0x0], $0xffff;
	v53 =	vsel vm10, v5, v8;
	v54 =	vnsel vm10, $0x3, v11;
	v5 =	vsel vm10, v8, v5  }
0x23: {  	v11 =	vsel vm10, $0x3, v11;
	v8 =	vld.idx.msk [tilespmem:v55+s2+$0x0], $0xffff;
	v55 =	vor.u32 $0x17, v4;
	v10 =	vsel vm9, v13, v10  }
0x24: {  	v12 =	vsel vm9, v14, v12;
	vm12 =	vgt.f32 v9, v5;
	vm11 =	vgt.f32 v53, v10  }
0x25: {  	v56 =	vsel vm12, v5, v9;
	v57 =	vnsel vm12, $0x4, v11;
	v5 =	vsel vm12, v9, v5  }
0x26: {  	v11 =	vsel vm12, $0x4, v11;
	v9 =	vld.idx.msk [tilespmem:v58+s2+$0x0], $0xffff;
	v58 =	vor.u32 $0x18, v4;
	v10 =	vsel vm11, v53, v10  }
0x27: {  	v12 =	vsel vm11, v54, v12;
	vm14 =	vgt.f32 v6, v5;
	vm13 =	vgt.f32 v56, v10  }
0x28: {  	v59 =	vsel vm14, v5, v6;
	v60 =	vnsel vm14, $0x5, v11;
	v5 =	vsel vm14, v6, v5  }
0x29: {  	v11 =	vsel vm14, $0x5, v11;
	v6 =	vld.idx.msk [tilespmem:v61+s2+$0x0], $0xffff;
	v61 =	vor.u32 $0x19, v4;
	v10 =	vsel vm13, v56, v10  }
0x2a: {  	v12 =	vsel vm13, v57, v12;
	vm4 =	vgt.f32 v7, v5;
	vm15 =	vgt.f32 v59, v10  }
0x2b: {  	v62 =	vsel vm4, v5, v7;
	v63 =	vnsel vm4, $0x6, v11;
	v5 =	vsel vm4, v7, v5  }
0x2c: {  	v11 =	vsel vm4, $0x6, v11;
	v7 =	vld.idx.msk [tilespmem:v16+s2+$0x0], $0xffff;
	v16 =	vor.u32 $0x1A, v4;
	v10 =	vsel vm15, v59, v10  }
0x2d: {  	v12 =	vsel vm15, v60, v12;
	vm6 =	vgt.f32 v8, v5;
	vm5 =	vgt.f32 v62, v10  }
0x2e: {  	v17 =	vsel vm6, v5, v8;
	v18 =	vnsel vm6, $0x7, v11;
	v5 =	vsel vm6, v8, v5  }
0x2f: {  	v11 =	vsel vm6, $0x7, v11;
	v10 =	vsel vm5, v62, v10;
	vm8 =	vgt.f32 v9, v5  }
0x30: {  	v12 =	vsel vm5, v63, v12;
	vm7 =	vgt.f32 v17, v10;
	v20 =	vsel vm8, v5, v9  }
0x31: {  	v21 =	vnsel vm8, $0x8, v11;
	v5 =	vsel vm8, v9, v5;
	v11 =	vsel vm8, $0x8, v11  }
0x32: {  	v10 =	vsel vm7, v17, v10;
	v12 =	vsel vm7, v18, v12;
	vm10 =	vgt.f32 v6, v5  }
0x33: {  	v8 =	vld.idx.msk [tilespmem:v19+s2+$0x0], $0xffff;
	vm9 =	vgt.f32 v20, v10;
	v23 =	vsel vm10, v5, v6;
	v24 =	vnsel vm10, $0x9, v11  }
0x34: {  	v5 =	vsel vm10, v6, v5;
	v11 =	vsel vm10, $0x9, v11;
	v10 =	vsel vm9, v20, v10  }
0x35: {  	v12 =	vsel vm9, v21, v12;
	vm12 =	vgt.f32 v7, v5;
	v20 =	vor.u32 $0x1B, v4  }
0x36: {  	v9 =	vld.idx.msk [tilespmem:v22+s2+$0x0], $0xffff;
	vm11 =	vgt.f32 v23, v10;
	v26 =	vsel vm12, v5, v7;
	v27 =	vnsel vm12, $0xA, v11  }
0x37: {  	v5 =	vsel vm12, v7, v5;
	v11 =	vsel vm12, $0xA, v11;
	v7 =	vld.idx.msk [tilespmem:v28+s2+$0x0], $0xffff;
	v28 =	vor.u32 $0x1D, v4  }
0x38: {  	v10 =	vsel vm11, v23, v10;
	v12 =	vsel vm11, v24, v12;
	vm14 =	vgt.f32 v8, v5  }
0x39: {  	v6 =	vld.idx.msk [tilespmem:v25+s2+$0x0], $0xffff;
	v23 =	vor.u32 $0x1C, v4;
	vm13 =	vgt.f32 v26, v10;
	v29 =	vsel vm14, v5, v8  }
0x3a: {  	v30 =	vnsel vm14, $0xB, v11;
	v5 =	vsel vm14, v8, v5;
	v11 =	vsel vm14, $0xB, v11  }
0x3b: {  	v10 =	vsel vm13, v26, v10;
	v12 =	vsel vm13, v27, v12;
	vm4 =	vgt.f32 v9, v5  }
0x3c: {  	vm15 =	vgt.f32 v29, v10;
	v32 =	vsel vm4, v5, v9;
	v33 =	vnsel vm4, $0xC, v11  }
0x3d: {  	v5 =	vsel vm4, v9, v5;
	v11 =	vsel vm4, $0xC, v11;
	v10 =	vsel vm15, v29, v10  }
0x3e: {  	v12 =	vsel vm15, v30, v12;
	vm6 =	vgt.f32 v6, v5;
	vm5 =	vgt.f32 v32, v10  }
0x3f: {  	v8 =	vld.idx.msk [tilespmem:v31+s2+$0x0], $0xffff;
	v35 =	vsel vm6, v5, v6;
	v36 =	vnsel vm6, $0xD, v11;
	v5 =	vsel vm6, v6, v5  }
0x40: {  	v11 =	vsel vm6, $0xD, v11;
	v6 =	vld.idx.msk [tilespmem:v37+s2+$0x0], $0xffff;
	v37 =	vor.u32 $0x20, v4;
	v10 =	vsel vm5, v32, v10  }
0x41: {  	v9 =	vld.idx.msk [tilespmem:v34+s2+$0x0], $0xffff;
	v12 =	vsel vm5, v33, v12;
	vm8 =	vgt.f32 v7, v5;
	v33 =	vor.u32 $0x1F, v4  }
0x42: {  	vm7 =	vgt.f32 v35, v10;
	v38 =	vsel vm8, v5, v7;
	v39 =	vnsel vm8, $0xE, v11  }
0x43: {  	v5 =	vsel vm8, v7, v5;
	v11 =	vsel vm8, $0xE, v11;
	v10 =	vsel vm7, v35, v10  }
0x44: {  	v12 =	vsel vm7, v36, v12;
	vm10 =	vgt.f32 v8, v5;
	vm9 =	vgt.f32 v38, v10  }
0x45: {  	v41 =	vsel vm10, v5, v8;
	v42 =	vnsel vm10, $0xF, v11;
	v5 =	vsel vm10, v8, v5  }
0x46: {  	v11 =	vsel vm10, $0xF, v11;
	v10 =	vsel vm9, v38, v10;
	vm12 =	vgt.f32 v9, v5  }
0x47: {  	v12 =	vsel vm9, v39, v12;
	vm11 =	vgt.f32 v41, v10;
	v44 =	vsel vm12, v5, v9  }
0x48: {  	v7 =	vld.idx.msk [tilespmem:v40+s2+$0x0], $0xffff;
	v45 =	vnsel vm12, $0x10, v11;
	v5 =	vsel vm12, v9, v5;
	v11 =	vsel vm12, $0x10, v11  }
0x49: {  	v10 =	vsel vm11, v41, v10;
	v12 =	vsel vm11, v42, v12;
	vm14 =	vgt.f32 v6, v5  }
0x4a: {  	v41 =	vld.idx.msk [tilespmem:v33+s2+$0x0], $0xffff;
	v42 =	vor.u32 $0x21, v4;
	v33 =	vimm.s32 $0x0;
	vm13 =	vgt.f32 v44, v10  }
0x4b: {  	v8 =	vld.idx.msk [tilespmem:v43+s2+$0x0], $0xffff;
	v47 =	vsel vm14, v5, v6;
	v48 =	vnsel vm14, $0x11, v11;
	v5 =	vsel vm14, v6, v5  }
0x4c: {  	v11 =	vsel vm14, $0x11, v11;
	v10 =	vsel vm13, v44, v10;
	v12 =	vsel vm13, v45, v12  }
0x4d: {  	vm4 =	vgt.f32 v7, v5;
	v44 =	vld.idx.msk [tilespmem:v37+s2+$0x0], $0xffff;
	v45 =	vor.u32 $0x22, v4;
	v37 =	vimm.s32 $0x0  }
0x4e: {  	v9 =	vld.idx.msk [tilespmem:v46+s2+$0x0], $0xffff;
	vm15 =	vgt.f32 v47, v10;
	v50 =	vsel vm4, v5, v7;
	v51 =	vnsel vm4, $0x12, v11  }
0x4f: {  	v5 =	vsel vm4, v7, v5;
	v11 =	vsel vm4, $0x12, v11;
	v10 =	vsel vm15, v47, v10  }
0x50: {  	v12 =	vsel vm15, v48, v12;
	vm6 =	vgt.f32 v8, v5;
	v48 =	vor.u32 $0x23, v4  }
0x51: {  	v6 =	vld.idx.msk [tilespmem:v49+s2+$0x0], $0xffff;
	vm5 =	vgt.f32 v50, v10;
	v53 =	vsel vm6, v5, v8;
	v54 =	vnsel vm6, $0x13, v11  }
0x52: {  	v5 =	vsel vm6, v8, v5;
	v11 =	vsel vm6, $0x13, v11;
	v8 =	vld.idx.msk [tilespmem:v55+s2+$0x0], $0xffff;
	v55 =	vor.u32 $0x26, v4  }
0x53: {  	v10 =	vsel vm5, v50, v10;
	v12 =	vsel vm5, v51, v12;
	vm8 =	vgt.f32 v9, v5  }
0x54: {  	v7 =	vld.idx.msk [tilespmem:v52+s2+$0x0], $0xffff;
	v51 =	vor.u32 $0x24, v4;
	vm7 =	vgt.f32 v53, v10;
	v56 =	vsel vm8, v5, v9  }
0x55: {  	v57 =	vnsel vm8, $0x14, v11;
	v5 =	vsel vm8, v9, v5;
	v11 =	vsel vm8, $0x14, v11;
	v9 =	vld.idx.msk [tilespmem:v58+s2+$0x0], $0xffff  }
0x56: {  	v50 =	vld.idx.msk [tilespmem:v45+s2+$0x0], $0xffff;
	v58 =	vor.u32 $0x27, v4;
	v45 =	vor.u32 $0x30, v4;
	v10 =	vsel vm7, v53, v10  }
0x57: {  	v12 =	vsel vm7, v54, v12;
	vm10 =	vgt.f32 v6, v5;
	v53 =	vor.u32 $0x25, v4  }
0x58: {  	vm9 =	vgt.f32 v56, v10;
	v59 =	vsel vm10, v5, v6;
	v60 =	vnsel vm10, $0x15, v11  }
0x59: {  	v5 =	vsel vm10, v6, v5;
	v11 =	vsel vm10, $0x15, v11;
	v10 =	vsel vm9, v56, v10  }
0x5a: {  	v12 =	vsel vm9, v57, v12;
	vm12 =	vgt.f32 v7, v5;
	vm11 =	vgt.f32 v59, v10  }
0x5b: {  	v62 =	vsel vm12, v5, v7;
	v63 =	vnsel vm12, $0x16, v11;
	v5 =	vsel vm12, v7, v5  }
0x5c: {  	v11 =	vsel vm12, $0x16, v11;
	v7 =	vld.idx.msk [tilespmem:v16+s2+$0x0], $0xffff;
	v16 =	vor.u32 $0x29, v4;
	v10 =	vsel vm11, v59, v10  }
0x5d: {  	v12 =	vsel vm11, v60, v12;
	vm14 =	vgt.f32 v8, v5;
	v60 =	vor.u32 $0x28, v4  }
0x5e: {  	v6 =	vld.idx.msk [tilespmem:v61+s2+$0x0], $0xffff;
	vm13 =	vgt.f32 v62, v10;
	v17 =	vsel vm14, v5, v8;
	v18 =	vnsel vm14, $0x17, v11  }
0x5f: {  	v5 =	vsel vm14, v8, v5;
	v19 =	vsel vm14, $0x17, v11;
	v11 =	vld.idx.msk [tilespmem:v51+s2+$0x0], $0xffff;
	v51 =	vimm.s32 $0x0  }
0x60: {  	v10 =	vsel vm13, v62, v10;
	v12 =	vsel vm13, v63, v12;
	vm4 =	vgt.f32 v9, v5  }
0x61: {  	v63 =	vimm.s32 $0x0;
	vm15 =	vgt.f32 v17, v10;
	v21 =	vsel vm4, v5, v9  }
0x62: {  	v22 =	vnsel vm4, $0x18, v19;
	v5 =	vsel vm4, v9, v5;
	v8 =	vsel vm4, $0x18, v19  }
0x63: {  	v9 =	vld.idx.msk [tilespmem:v23+s2+$0x0], $0xffff;
	v19 =	vimm.s32 $0x0;
	v23 =	vimm.s32 $0x0;
	v10 =	vsel vm15, v17, v10  }
0x64: {  	v12 =	vsel vm15, v18, v12;
	vm6 =	vgt.f32 v6, v5;
	v18 =	vimm.s32 $0x0  }
0x65: {  	v27 =	vld.idx.msk [tilespmem:v20+s2+$0x0], $0xffff;
	vm5 =	vgt.f32 v21, v10;
	v24 =	vsel vm6, v5, v6;
	v25 =	vnsel vm6, $0x19, v8  }
0x66: {  	v5 =	vsel vm6, v6, v5;
	v26 =	vsel vm6, $0x19, v8;
	v8 =	vld.idx.msk [tilespmem:v53+s2+$0x0], $0xffff;
	v53 =	vor.u32 $0x32, v4  }
0x67: {  	v20 =	vld.idx.msk [tilespmem:v60+s2+$0x0], $0xffff;
	v60 =	vimm.s32 $0x0;
	v10 =	vsel vm5, v21, v10;
	v12 =	vsel vm5, v22, v12  }
0x68: {  	vm8 =	vgt.f32 v7, v5;
	v21 =	vor.u32 $0x2A, v4;
	vm7 =	vgt.f32 v24, v10  }
0x69: {  	v29 =	vsel vm8, v5, v7;
	v30 =	vnsel vm8, $0x1A, v26;
	v5 =	vsel vm8, v7, v5  }
0x6a: {  	v6 =	vsel vm8, $0x1A, v26;
	v10 =	vsel vm7, v24, v10;
	v12 =	vsel vm7, v25, v12  }
0x6b: {  	vm10 =	vgt.f32 v27, v5;
	v24 =	vor.u32 $0x2B, v4;
	v25 =	vimm.s32 $0x0  }
0x6c: {  	v36 =	vld.idx.msk [tilespmem:v28+s2+$0x0], $0xffff;
	vm9 =	vgt.f32 v29, v10;
	v34 =	vsel vm10, v5, v27;
	v35 =	vnsel vm10, $0x1B, v6  }
0x6d: {  	v5 =	vsel vm10, v27, v5;
	v6 =	vsel vm10, $0x1B, v6;
	v27 =	vor.u32 $0x2C, v4  }
0x6e: {  	v31 =	vsel vm9, v29, v10;
	v32 =	vsel vm9, v30, v12;
	vm12 =	vgt.f32 v9, v5  }
0x6f: {  	v12 =	vld.idx.msk [tilespmem:v42+s2+$0x0], $0xffff;
	v42 =	vimm.s32 $0x0;
	vm11 =	vgt.f32 v34, v31;
	v39 =	vsel vm12, v5, v9  }
0x70: {  	v38 =	vld.idx.msk [tilespmem:v15+s2+$0x0], $0xffff;
	v40 =	vnsel vm12, $0x1C, v6;
	v5 =	vsel vm12, v9, v5;
	v6 =	vsel vm12, $0x1C, v6  }
0x71: {  	v7 =	vsel vm11, v34, v31;
	v10 =	vsel vm11, v35, v32;
	vm14 =	vgt.f32 v36, v5  }
0x72: {  	v31 =	vor.u32 $0x2D, v4;
	v32 =	vimm.s32 $0x0;
	v35 =	vor.u32 $0x2E, v4  }
0x73: {  	vm13 =	vgt.f32 v39, v7;
	v43 =	vsel vm14, v5, v36;
	v5 =	vsel vm14, v36, v5  }
0x74: {  	v46 =	vnsel vm14, $0x1D, v6;
	v6 =	vsel vm14, $0x1D, v6;
	v30 =	vld.idx.msk [tilespmem:v24+s2+$0x0], $0xffff;
	v24 =	vor.u32 $0x35, v4  }
0x75: {  	v7 =	vsel vm13, v39, v7;
	v10 =	vsel vm13, v40, v10;
	vm12 =	vgt.f32 v38, v5  }
0x76: {  	v40 =	vor.u32 $0x2F, v4;
	vm15 =	vgt.f32 v43, v7;
	v47 =	vsel vm12, v5, v38  }
0x77: {  	v5 =	vsel vm12, v38, v5;
	v56 =	vnsel vm12, $0x1E, v6;
	v6 =	vsel vm12, $0x1E, v6  }
0x78: {  	v38 =	vimm.s32 $0x0;
	v7 =	vsel vm15, v43, v7;
	vm10 =	vgt.f32 v41, v5  }
0x79: {  	v10 =	vsel vm15, v46, v10;
	v46 =	vimm.s32 $0x0;
	vm13 =	vgt.f32 v47, v7  }
0x7a: {  	v49 =	vsel vm10, v5, v41;
	v5 =	vsel vm10, v41, v5;
	v61 =	vnsel vm10, $0x1F, v6  }
0x7b: {  	v6 =	vsel vm10, $0x1F, v6;
	v41 =	vimm.s32 $0x0;
	v7 =	vsel vm13, v47, v7  }
0x7c: {  	vm8 =	vgt.f32 v44, v5;
	v10 =	vsel vm13, v56, v10;
	v47 =	vimm.s32 $0x0  }
0x7d: {  	v56 =	vimm.s32 $0x0;
	vm11 =	vgt.f32 v49, v7;
	v52 =	vsel vm8, v5, v44  }
0x7e: {  	v5 =	vsel vm8, v44, v5;
	v28 =	vnsel vm8, $0x20, v6;
	v6 =	vsel vm8, $0x20, v6  }
0x7f: {  	v44 =	vld.idx.msk [tilespmem:v35+s2+$0x0], $0xffff;
	v35 =	vor.u32 $0x38, v4;
	v7 =	vsel vm11, v49, v7;
	vm6 =	vgt.f32 v12, v5  }
0x80: {  	v13 =	vld.idx.msk [tilespmem:v48+s2+$0x0], $0xffff;
	v10 =	vsel vm11, v61, v10;
	v49 =	vor.u32 $0x31, v4;
	v61 =	vimm.s32 $0x0  }
0x81: {  	vm9 =	vgt.f32 v52, v7;
	v54 =	vsel vm6, v5, v12;
	v5 =	vsel vm6, v12, v5  }
0x82: {  	v12 =	vld.idx.msk [tilespmem:v55+s2+$0x0], $0xffff;
	v36 =	vnsel vm6, $0x21, v6;
	v6 =	vsel vm6, $0x21, v6;
	v55 =	vimm.s32 $0x0  }
0x83: {  	v7 =	vsel vm9, v52, v7;
	vm4 =	vgt.f32 v50, v5;
	v10 =	vsel vm9, v28, v10  }
0x84: {  	vm7 =	vgt.f32 v54, v7;
	v57 =	vsel vm4, v5, v50;
	v5 =	vsel vm4, v50, v5  }
0x85: {  	v50 =	vimm.s32 $0x0;
	v7 =	vsel vm7, v54, v7;
	vm1 =	vgt.f32 v13, v5  }
0x86: {  	v9 =	vld.idx.msk [tilespmem:v58+s2+$0x0], $0xffff;
	v10 =	vsel vm7, v36, v10;
	v54 =	vnsel vm4, $0x22, v6;
	v6 =	vsel vm4, $0x22, v6  }
0x87: {  	vm3 =	vgt.f32 v57, v7;
	v59 =	vsel vm1, v5, v13;
	v5 =	vsel vm1, v13, v5;
	v13 =	vld.idx.msk [tilespmem:v21+s2+$0x0], $0xffff  }
0x88: {  	v58 =	vld.idx.msk [tilespmem:v49+s2+$0x0], $0xffff;
	v21 =	vimm.s32 $0x0;
	v49 =	vimm.s32 $0x0;
	v7 =	vsel vm3, v57, v7  }
0x89: {  	vm0 =	vgt.f32 v11, v5;
	v10 =	vsel vm3, v54, v10;
	vm5 =	vgt.f32 v59, v7  }
0x8a: {  	v62 =	vsel vm0, v5, v11;
	v5 =	vsel vm0, v11, v5;
	v7 =	vsel vm5, v59, v7  }
0x8b: {  	vm2 =	vgt.f32 v8, v5;
	v59 =	vor.u32 $0x33, v4;
	vm12 =	vgt.f32 v62, v7  }
0x8c: {  	v17 =	vsel vm2, v5, v8;
	v5 =	vsel vm2, v8, v5;
	v11 =	vsel vm12, $0xFFFFFFFF, v63  }
0x8d: {  	v7 =	vsel vm12, v62, v7;
	vm12 =	vgt.f32 v12, v5;
	v63 =	vor.u32 $0x34, v4  }
0x8e: {  	vm13 =	vgt.f32 v17, v7;
	v22 =	vsel vm12, v5, v12;
	v5 =	vsel vm12, v12, v5  }
0x8f: {  	[tilespmem:$0x1FDA0] =	vst v11;
	v11 =	vld.idx.msk [tilespmem:v16+s2+$0x0], $0xffff;
	v16 =	vimm.s32 $0x0;
	v8 =	vsel vm13, $0xFFFFFFFF, v18;
	v7 =	vsel vm13, v17, v7  }
0x90: {  	vm15 =	vgt.f32 v9, v5;
	v17 =	vimm.s32 $0x0;
	[tilespmem:$0x1FDB0] =	vst v8;
	v8 =	vsel vm12, $0xFFFFFFFF, v19  }
0x91: {  	vm14 =	vgt.f32 v22, v7;
	v14 =	vsel vm15, $0xFFFFFFFF, v25;
	v26 =	vsel vm15, v5, v9  }
0x92: {  	v5 =	vsel vm15, v9, v5;
	v25 =	vimm.s32 $0x0;
	v12 =	vsel vm14, $0xFFFFFFFF, v23  }
0x93: {  	v7 =	vsel vm14, v22, v7;
	vm15 =	vgt.f32 v20, v5;
	v22 =	vimm.s32 $0x0  }
0x94: {  	vm10 =	vgt.f32 v26, v7;
	v29 =	vsel vm15, v5, v20;
	v5 =	vsel vm15, v20, v5  }
0x95: {  	v20 =	vnsel vm1, $0x23, v6;
	v6 =	vsel vm1, $0x23, v6;
	v16 =	vsel vm10, $0xFFFFFFFF, v16  }
0x96: {  	v7 =	vsel vm10, v26, v7;
	vm13 =	vgt.f32 v11, v5;
	v26 =	vimm.s32 $0x0  }
0x97: {  	v10 =	vsel vm5, v20, v10;
	v36 =	vnsel vm0, $0x24, v6;
	v6 =	vsel vm0, $0x24, v6  }
0x98: {  	[tilespmem:$0x1FDE0] =	vst v14;
	vm12 =	vgt.f32 v29, v7;
	v14 =	vsel vm13, $0xFFFFFFFF, v33;
	v34 =	vsel vm13, v5, v11  }
0x99: {  	v5 =	vsel vm13, v11, v5;
	v11 =	vld.idx.msk [tilespmem:v45+s2+$0x0], $0xffff;
	v33 =	vimm.s32 $0x0;
	v45 =	vnsel vm2, $0x25, v6  }
0x9a: {  	[tilespmem:$0x1FDF0] =	vst v16;
	v6 =	vsel vm2, $0x25, v6;
	v16 =	vsel vm12, $0xFFFFFFFF, v32;
	v7 =	vsel vm12, v29, v7  }
0x9b: {  	vm8 =	vgt.f32 v13, v5;
	v29 =	vor.u32 $0x36, v4;
	v32 =	vor.u32 $0x37, v4  }
0x9c: {  	v9 =	vld.idx.msk [tilespmem:v27+s2+$0x0], $0xffff;
	vm14 =	vgt.f32 v34, v7;
	v39 =	vsel vm8, v5, v13;
	v5 =	vsel vm8, v13, v5  }
0x9d: {  	[tilespmem:$0x1FE00] =	vst v16;
	v13 =	vld.idx.msk [tilespmem:v40+s2+$0x0], $0xffff;
	v40 =	vor.u32 $0x39, v4;
	v16 =	vsel vm14, $0xFFFFFFFF, v37;
	v7 =	vsel vm14, v34, v7  }
0x9e: {  	v37 =	vimm.s32 $0x0;
	[tilespmem:$0x1FE20] =	vst v16;
	v16 =	vsel vm8, $0xFFFFFFFF, v38;
	vm9 =	vgt.f32 v39, v7  }
0x9f: {  	vm8 =	vgt.f32 v30, v5;
	[tilespmem:$0x1FE30] =	vst v16;
	v16 =	vsel vm9, $0xFFFFFFFF, v41;
	v7 =	vsel vm9, v39, v7  }
0xa0: {  	[tilespmem:$0x1FDD0] =	vst v12;
	v12 =	vld.idx.msk [tilespmem:v31+s2+$0x0], $0xffff;
	v43 =	vsel vm8, v5, v30;
	v5 =	vsel vm8, v30, v5;
	v30 =	vimm.s32 $0x0  }
0xa1: {  	v41 =	vimm.s32 $0x0;
	[tilespmem:$0x1FE40] =	vst v16;
	v16 =	vsel vm8, $0xFFFFFFFF, v42;
	vm9 =	vgt.f32 v43, v7  }
0xa2: {  	vm8 =	vgt.f32 v9, v5;
	[tilespmem:$0x1FE50] =	vst v16;
	v16 =	vsel vm9, $0xFFFFFFFF, v46;
	v7 =	vsel vm9, v43, v7  }
0xa3: {  	v48 =	vsel vm8, v5, v9;
	v5 =	vsel vm8, v9, v5;
	v46 =	vimm.s32 $0x0  }
0xa4: {  	v9 =	vld.idx.msk [tilespmem:v59+s2+$0x0], $0xffff;
	v59 =	vor.u32 $0x3E, v4;
	[tilespmem:$0x1FE60] =	vst v16;
	v16 =	vsel vm8, $0xFFFFFFFF, v47;
	vm12 =	vgt.f32 v48, v7  }
0xa5: {  	vm13 =	vgt.f32 v12, v5;
	[tilespmem:$0x1FE70] =	vst v16;
	v16 =	vsel vm12, $0xFFFFFFFF, v50;
	v7 =	vsel vm12, v48, v7  }
0xa6: {  	[tilespmem:$0x1FE10] =	vst v14;
	v14 =	vsel vm13, $0xFFFFFFFF, v51;
	v52 =	vsel vm13, v5, v12;
	v5 =	vsel vm13, v12, v5  }
0xa7: {  	v12 =	vld.idx.msk [tilespmem:v53+s2+$0x0], $0xffff;
	v48 =	vor.u32 $0x3B, v4;
	v53 =	vimm.s32 $0x0;
	vm14 =	vgt.f32 v52, v7  }
0xa8: {  	[tilespmem:$0x1FE80] =	vst v16;
	vm6 =	vgt.f32 v44, v5;
	v16 =	vsel vm14, $0xFFFFFFFF, v55;
	v7 =	vsel vm14, v52, v7  }
0xa9: {  	v57 =	vsel vm6, v5, v44;
	v5 =	vsel vm6, v44, v5;
	v44 =	vor.u32 $0x3A, v4  }
0xaa: {  	v52 =	vor.u32 $0x3C, v4;
	v55 =	vor.u32 $0x3D, v4;
	v4 =	vor.u32 $0x3F, v4  }
0xab: {  	[tilespmem:$0x1FEA0] =	vst v16;
	v16 =	vsel vm6, $0xFFFFFFFF, v56;
	vm9 =	vgt.f32 v57, v7;
	vm10 =	vgt.f32 v13, v5  }
0xac: {  	v56 =	vimm.s32 $0x0;
	[tilespmem:$0x1FEB0] =	vst v16;
	v16 =	vsel vm9, $0xFFFFFFFF, v60;
	v7 =	vsel vm9, v57, v7  }
0xad: {  	[tilespmem:$0x1FE90] =	vst v14;
	v14 =	vsel vm10, $0xFFFFFFFF, v61;
	v62 =	vsel vm10, v5, v13;
	v5 =	vsel vm10, v13, v5  }
0xae: {  	v42 =	vld [tilespmem:$0x1FDA0];
	v61 =	vimm.s32 $0x0;
	vm4 =	vgt.f32 v62, v7;
	vm3 =	vgt.f32 v11, v5  }
0xaf: {  	[tilespmem:$0x1FEC0] =	vst v16;
	v16 =	vsel vm4, $0xFFFFFFFF, v21;
	v7 =	vsel vm4, v62, v7;
	v23 =	vsel vm3, v5, v11  }
0xb0: {  	v57 =	vld [tilespmem:$0x1FDB0];
	v5 =	vsel vm3, v11, v5;
	[tilespmem:$0x1FEE0] =	vst v16;
	v16 =	vsel vm3, $0xFFFFFFFF, v22;
	vm4 =	vgt.f32 v23, v7  }
0xb1: {  	v21 =	vimm.s32 $0x0;
	vm3 =	vgt.f32 v58, v5;
	[tilespmem:$0x1FEF0] =	vst v16;
	v16 =	vsel vm4, $0xFFFFFFFF, v25  }
0xb2: {  	v28 =	vld.idx.msk [tilespmem:v63+s2+$0x0], $0xffff;
	v7 =	vsel vm4, v23, v7;
	v27 =	vsel vm3, v5, v58;
	v5 =	vsel vm3, v58, v5  }
0xb3: {  	v63 =	vld [tilespmem:$0x1FDD0];
	vm4 =	vnez.u8 v42;
	v23 =	vimm.s32 $0x0;
	[tilespmem:$0x1FF00] =	vst v16;
	v16 =	vsel vm3, $0xFFFFFFFF, v26  }
0xb4: {  	vm11 =	vgt.f32 v27, v7;
	vm14 =	vgt.f32 v12, v5;
	v10 =	vsel vm4, v36, v10  }
0xb5: {  	vm7 =	vnez.u8 v57;
	v7 =	vsel vm11, v27, v7;
	v31 =	vsel vm14, v5, v12  }
0xb6: {  	v11 =	vld.idx.msk [tilespmem:v24+s2+$0x0], $0xffff;
	[tilespmem:$0x1FF10] =	vst v16;
	v16 =	vsel vm11, $0xFFFFFFFF, v30;
	v5 =	vsel vm14, v12, v5;
	vm13 =	vgt.f32 v31, v7  }
0xb7: {  	[tilespmem:$0x1FF20] =	vst v16;
	v16 =	vsel vm13, $0xFFFFFFFF, v33;
	v7 =	vsel vm13, v31, v7;
	vm13 =	vgt.f32 v9, v5  }
0xb8: {  	v13 =	vld.idx.msk [tilespmem:v29+s2+$0x0], $0xffff;
	vm4 =	vnez.u8 v63;
	v34 =	vsel vm13, v5, v9;
	v5 =	vsel vm13, v9, v5  }
0xb9: {  	v26 =	vimm.s32 $0x0;
	vm1 =	vgt.f32 v34, v7;
	vm12 =	vgt.f32 v28, v5  }
0xba: {  	v39 =	vld.idx.msk [tilespmem:v32+s2+$0x0], $0xffff;
	v7 =	vsel vm1, v34, v7;
	v38 =	vsel vm12, v5, v28;
	v5 =	vsel vm12, v28, v5  }
0xbb: {  	[tilespmem:$0x1FF30] =	vst v16;
	v16 =	vsel vm1, $0xFFFFFFFF, v37;
	vm1 =	vgt.f32 v38, v7;
	vm11 =	vgt.f32 v11, v5  }
0xbc: {  	[tilespmem:$0x1FDC0] =	vst v8;
	v7 =	vsel vm1, v38, v7;
	v43 =	vsel vm11, v5, v11;
	v5 =	vsel vm11, v11, v5  }
0xbd: {  	v10 =	vsel vm7, v45, v10;
	v9 =	vld.idx.msk [tilespmem:v35+s2+$0x0], $0xffff;
	vm5 =	vgt.f32 v43, v7;
	vm10 =	vgt.f32 v13, v5  }
0xbe: {  	v60 =	vld [tilespmem:$0x1FDC0];
	v7 =	vsel vm5, v43, v7;
	v47 =	vsel vm10, v5, v13;
	v5 =	vsel vm10, v13, v5  }
0xbf: {  	v12 =	vld.idx.msk [tilespmem:v40+s2+$0x0], $0xffff;
	[tilespmem:$0x1FF40] =	vst v16;
	v16 =	vsel vm1, $0xFFFFFFFF, v41;
	vm0 =	vgt.f32 v47, v7;
	vm9 =	vgt.f32 v39, v5  }
0xc0: {  	v19 =	vld [tilespmem:$0x1FDE0];
	[tilespmem:$0x1FF50] =	vst v16;
	v16 =	vsel vm5, $0xFFFFFFFF, v46;
	v7 =	vsel vm0, v47, v7;
	v50 =	vsel vm9, v5, v39  }
0xc1: {  	[tilespmem:$0x1FF60] =	vst v16;
	v16 =	vsel vm0, $0xFFFFFFFF, v49;
	v5 =	vsel vm9, v39, v5;
	vm0 =	vgt.f32 v50, v7  }
0xc2: {  	v51 =	vld.idx.msk [tilespmem:v44+s2+$0x0], $0xffff;
	[tilespmem:$0x1FF70] =	vst v16;
	vm8 =	vgt.f32 v9, v5;
	v16 =	vsel vm0, $0xFFFFFFFF, v53;
	v7 =	vsel vm0, v50, v7  }
0xc3: {  	v20 =	vld [tilespmem:$0x1FDF0];
	v54 =	vsel vm8, v5, v9;
	v5 =	vsel vm8, v9, v5;
	vm0 =	vnez.u8 v60  }
0xc4: {  	vm6 =	vgt.f32 v54, v7;
	vm7 =	vgt.f32 v12, v5;
	v15 =	vnsel vm0, $0x26, v6  }
0xc5: {  	v13 =	vld.idx.msk [tilespmem:v48+s2+$0x0], $0xffff;
	[tilespmem:$0x1FF80] =	vst v16;
	v6 =	vsel vm0, $0x26, v6;
	vm0 =	vnez.u8 v19;
	v16 =	vsel vm6, $0xFFFFFFFF, v56  }
0xc6: {  	v7 =	vsel vm6, v54, v7;
	v58 =	vsel vm7, v5, v12;
	v5 =	vsel vm7, v12, v5  }
0xc7: {  	v10 =	vsel vm4, v15, v10;
	vm1 =	vgt.f32 v58, v7;
	vm6 =	vgt.f32 v51, v5  }
0xc8: {  	v11 =	vld.idx.msk [tilespmem:v52+s2+$0x0], $0xffff;
	vm4 =	vnez.u8 v20;
	v7 =	vsel vm1, v58, v7;
	v62 =	vsel vm6, v5, v51  }
0xc9: {  	[tilespmem:$0x1FF90] =	vst v16;
	v16 =	vsel vm1, $0xFFFFFFFF, v61;
	v5 =	vsel vm6, v51, v5;
	vm5 =	vgt.f32 v62, v7  }
0xca: {  	[tilespmem:$0x1FFA0] =	vst v16;
	v16 =	vld.idx.msk [tilespmem:v55+s2+$0x0], $0xffff;
	v9 =	vsel vm5, $0xFFFFFFFF, v17;
	v7 =	vsel vm5, v62, v7;
	vm5 =	vgt.f32 v13, v5  }
0xcb: {  	v18 =	vsel vm5, v5, v13;
	v5 =	vsel vm5, v13, v5;
	v13 =	vnsel vm0, $0x27, v6  }
0xcc: {  	v12 =	vld.idx.msk [tilespmem:v59+s2+$0x0], $0xffff;
	v6 =	vsel vm0, $0x27, v6;
	v10 =	vsel vm4, v13, v10;
	vm1 =	vgt.f32 v18, v7  }
0xcd: {  	vm4 =	vgt.f32 v11, v5;
	v25 =	vnsel vm15, $0x28, v6;
	v6 =	vsel vm15, $0x28, v6  }
0xce: {  	v4 =	vld.idx.msk [tilespmem:v4+s2+$0x0], $0xffff;
	v7 =	vsel vm1, v18, v7;
	v22 =	vsel vm4, v5, v11;
	v5 =	vsel vm4, v11, v5  }
0xcf: {  	v29 =	vld [tilespmem:$0x1FE00];
	v13 =	vsel vm1, $0xFFFFFFFF, v21;
	vm0 =	vgt.f32 v22, v7;
	vm3 =	vgt.f32 v16, v5  }
0xd0: {  	v7 =	vsel vm0, v22, v7;
	v24 =	vsel vm3, v5, v16;
	v5 =	vsel vm3, v16, v5  }
0xd1: {  	v11 =	vsel vm0, $0xFFFFFFFF, v23;
	vm0 =	vgt.f32 v24, v7;
	vm2 =	vgt.f32 v12, v5  }
0xd2: {  	v7 =	vsel vm0, v24, v7;
	v27 =	vsel vm2, v5, v12;
	v5 =	vsel vm2, v12, v5  }
0xd3: {  	[tilespmem:$0x1FFD0] =	vst v11;
	v11 =	vsel vm0, $0xFFFFFFFF, v26;
	vm0 =	vgt.f32 v27, v7;
	vm1 =	vgt.f32 v4, v5  }
0xd4: {  	v31 =	vld [tilespmem:$0x1FE10];
	vm15 =	vnez.u8 v29;
	v7 =	vsel vm0, v27, v7;
	v30 =	vsel vm1, v5, v4  }
0xd5: {  	v32 =	vld [tilespmem:$0x1FE20];
	v8 =	vsel vm15, v25, v10;
	vm15 =	vgt.f32 v30, v7  }
0xd6: {  	v33 =	vld [tilespmem:$0x1FE30];
	v4 =	vsel vm1, v4, v5;
	v5 =	vsel vm15, v30, v7  }
0xd7: {  	v4 =	vsub.f32 v5, v4;
	v5 =	vld [tilespmem:$0x1FE40]  }
0xd8: {  	v28 =	vimm.s32 $0x0;
	v34 =	vld [tilespmem:$0x1FE50]  }
0xd9: {  	v35 =	vld [tilespmem:$0x1FE60];
	[tilespmem:$0x1FFE0] =	vst v11;
	v11 =	vsel vm0, $0xFFFFFFFF, v28;
	vm0 =	vnez.u8 v31  }
0xda: {  	v36 =	vld [tilespmem:$0x1FE70];
	v10 =	vnsel vm0, $0x29, v6;
	v6 =	vsel vm0, $0x29, v6;
	vm0 =	vnez.u8 v32  }
0xdb: {  	v37 =	vld [tilespmem:$0x1FE80];
	v8 =	vsel vm0, v10, v8;
	vm0 =	vnez.u8 v33;
	v4 =	vmul.f32 $1.442695020e+00, v4  }
0xdc: {  	v38 =	vld [tilespmem:$0x1FE90];
	v7 =	vnsel vm0, $0x2A, v6;
	v6 =	vsel vm0, $0x2A, v6;
	vm0 =	vnez.u8 v5  }
0xdd: {  	(erf) = vpow2.f32 v4;
	v4 =	vld [tilespmem:$0x1FEA0];
	v5 =	vsel vm0, v7, v8;
	vm0 =	vnez.u8 v34  }
0xde: {  	v7 =	vnsel vm0, $0x2B, v6;
	v6 =	vsel vm0, $0x2B, v6;
	vm0 =	vnez.u8 v35  }
0xdf: {  	v5 =	vsel vm0, v7, v5;
	vm0 =	vnez.u8 v36  }
0xe0: {  	v7 =	vnsel vm0, $0x2C, v6;
	v6 =	vsel vm0, $0x2C, v6;
	vm0 =	vnez.u8 v37  }
0xe1: {  	v5 =	vsel vm0, v7, v5;
	vm0 =	vnez.u8 v38  }
0xe2: {  	v7 =	vnsel vm0, $0x2D, v6;
	v6 =	vsel vm0, $0x2D, v6;
	vm0 =	vnez.u8 v4  }
0xe3: {  	v4 =	vsel vm0, v7, v5;
	v5 =	vld [tilespmem:$0x1FEB0]  }
0xe4: {  	v39 =	vld [tilespmem:$0x1FEC0];
	_ =	sdelay $0x3  }
0xe5: {  	vm0 =	vnez.u8 v5  }
0xe6: {  	[tilespmem:$0x1FED0] =	vst v14;
	v5 =	vnsel vm0, $0x2E, v6;
	v6 =	vsel vm0, $0x2E, v6;
	vm0 =	vnez.u8 v39  }
0xe7: {  	v4 =	vsel vm0, v5, v4;
	v5 =	vld [tilespmem:$0x1FED0]  }
0xe8: {  	v40 =	vld [tilespmem:$0x1FEE0];
	_ =	sdelay $0x3  }
0xe9: {  	vm0 =	vnez.u8 v5  }
0xea: {  	v5 =	vnsel vm0, $0x2F, v6;
	v6 =	vsel vm0, $0x2F, v6;
	vm0 =	vnez.u8 v40  }
0xeb: {  	v4 =	vsel vm0, v5, v4;
	v5 =	vld [tilespmem:$0x1FEF0]  }
0xec: {  	v41 =	vld [tilespmem:$0x1FF00];
	_ =	sdelay $0x3  }
0xed: {  	vm0 =	vnez.u8 v5  }
0xee: {  	v5 =	vnsel vm0, $0x30, v6;
	v6 =	vsel vm0, $0x30, v6;
	vm0 =	vnez.u8 v41  }
0xef: {  	v4 =	vsel vm0, v5, v4;
	v5 =	vld [tilespmem:$0x1FF10]  }
0xf0: {  	v42 =	vld [tilespmem:$0x1FF20];
	_ =	sdelay $0x1  }
0xf1: {  	v43 =	vld [tilespmem:$0x1FF30]  }
0xf2: {  	v44 =	vld [tilespmem:$0x1FF40]  }
0xf3: {  	v45 =	vld [tilespmem:$0x1FF50];
	vm0 =	vnez.u8 v5  }
0xf4: {  	v46 =	vld [tilespmem:$0x1FF60];
	v47 =	vpop (erf);
	v5 =	vnsel vm0, $0x31, v6;
	v6 =	vsel vm0, $0x31, v6;
	vm0 =	vnez.u8 v42  }
0xf5: {  	v48 =	vld [tilespmem:$0x1FF70];
	v7 =	vadd.f32 $1.000000000e+00, v47;
	v4 =	vsel vm0, v5, v4  }
0xf6: {  	v49 =	vld [tilespmem:$0x1FF80];
	[tilespmem:$0x1FFC0] =	vst v13;
	v5 =	vnsel vm14, $0x32, v6;
	v6 =	vsel vm14, $0x32, v6;
	vm14 =	vnez.u8 v43  }
0xf7: {  	v55 =	vor.u32 s11, v3;
	[tilespmem:$0x1FFB0] =	vst v9;
	v53 =	vld [tilespmem:$0x1FFC0];
	(erf) = vrcp.f32 v7;
	v4 =	vsel vm14, v5, v4  }
0xf8: {  	v52 =	vld [tilespmem:$0x1FFB0];
	v5 =	vnsel vm13, $0x33, v6;
	v6 =	vsel vm13, $0x33, v6;
	vm13 =	vnez.u8 v44  }
0xf9: {  	v56 =	vld [tilespmem:$0x1FFD0];
	vm14 =	vnez.u8 v45;
	v4 =	vsel vm13, v5, v4;
	v5 =	vnsel vm12, $0x34, v6  }
0xfa: {  	v51 =	vld [tilespmem:$0x1FFA0];
	v6 =	vsel vm12, $0x34, v6;
	vm12 =	vnez.u8 v46;
	vm13 =	vnez.u8 v48  }
0xfb: {  	v50 =	vld [tilespmem:$0x1FF90];
	v4 =	vsel vm14, v5, v4;
	v5 =	vnsel vm11, $0x35, v6;
	v6 =	vsel vm11, $0x35, v6  }
0xfc: {  	vm14 =	vnez.u8 v49;
	vm11 =	vnez.u8 v53;
	v4 =	vsel vm12, v5, v4  }
0xfd: {  	v5 =	vnsel vm10, $0x36, v6;
	v6 =	vsel vm10, $0x36, v6;
	vm10 =	vnez.u8 v52  }
0xfe: {  	v58 =	vld [tilespmem:$0x1FFE0];
	vm12 =	vnez.u8 v56;
	v4 =	vsel vm13, v5, v4;
	v5 =	vnsel vm9, $0x37, v6  }
0xff: {  	[tilespmem:$0x1FFF0] =	vst v11;
	v6 =	vsel vm9, $0x37, v6;
	vm9 =	vnez.u8 v51;
	v4 =	vsel vm14, v5, v4  }
0x100: {  	v60 =	vld [tilespmem:$0x1FFF0];
	v5 =	vnsel vm8, $0x38, v6;
	v6 =	vsel vm8, $0x38, v6;
	vm8 =	vnez.u8 v50  }
0x101: {  	v4 =	vsel vm8, v5, v4;
	v5 =	vnsel vm7, $0x39, v6;
	v6 =	vsel vm7, $0x39, v6  }
0x102: {  	v4 =	vsel vm9, v5, v4;
	v5 =	vnsel vm6, $0x3A, v6;
	v6 =	vsel vm6, $0x3A, v6  }
0x103: {  	vm13 =	vnez.u8 v58;
	v4 =	vsel vm10, v5, v4;
	v5 =	vnsel vm5, $0x3B, v6  }
0x104: {  	v6 =	vsel vm5, $0x3B, v6;
	v4 =	vsel vm11, v5, v4;
	v5 =	vor.u32 s11, v0  }
0x105: {  	vm14 =	vnez.u8 v60;
	v54 =	vnsel vm4, $0x3C, v6;
	v6 =	vsel vm4, $0x3C, v6  }
0x106: {  	v4 =	vsel vm12, v54, v4;
	v57 =	vnsel vm3, $0x3D, v6;
	v6 =	vsel vm3, $0x3D, v6  }
0x107: {  	p0 =	sne.s32 s12, $0x130;
	v4 =	vsel vm13, v57, v4;
	v59 =	vnsel vm2, $0x3E, v6;
	v6 =	vsel vm2, $0x3E, v6  }
.Ltmp0:
0x108: {  	v4 =	vsel vm14, v59, v4;
	v61 =	vnsel vm1, $0x3F, v6;
	v6 =	vsel vm1, $0x3F, v6;
	(pc) =	sbr.rel @p0 .LBB2_2-.Ltmp0, $4  }
0x109: {  	v62 =	vpop (erf);
	v4 =	vsel vm15, v61, v4;
	[tilespmem:v5+s8+$0x0] =	vst.idx.msk $0xffff, v6  }
0x10a: {  	v63 =	vsub.f32 $1.000000000e+00, v62;
	[tilespmem:v55+s8+$0x0] =	vst.idx.msk $0xffff, v4  }
0x10b: {  	[tilespmem:v5+s9+$0x0] =	vst.idx.msk $0xffff, v62  }
0x10c: {  	s12 =	sadd.s32 $0x10, s12;
	s11 =	sadd.s32 $0x20, s11;
	[tilespmem:v55+s9+$0x0] =	vst.idx.msk $0xffff, v63  }
0x10d: {  	[hbm4b:s4+s2] =	stream.linear.scatter [tilespmem:s8], [sflag:$0x1], $0x280, $0x38;
	[tilespmem:$0x5500] =	vst v63  }
0x10e: {  	s10 =	sadd.s32 $0x1, s10;
	_ =	swait.ge [sflag:s7], $0x280  }
0x10f: {  	p0 =	sne.s32 s10, s6;
	[sflag:s7] =	ssyncset.done $0x0  }
.Ltmp1:
0x110: {  	[sflag:s7] =	ssyncadd.s32 $0xFFFFFD80;
	(pc) =	sbr.rel @p0 .LBB2_1-.Ltmp1, $4  }
0x111: {  	[hbm4b:s5+s2] =	stream.linear.scatter [tilespmem:s9], [sflag:$0x1], $0x280, $0x38;
	[tilespmem:$0x5500] =	vst v63  }
0x112: {  	_ =	swait.ge [sflag:s7], $0x280  }
0x113: {  	[sflag:s7] =	ssyncset.done $0x0  }
0x114: {  	[sflag:s7] =	ssyncadd.s32 $0xFFFFFD80  }
0x115: {  	_ =	sfence.sel $0x180000  }
0x116: {  	[bflag:$0x0] =	sbarrier.arrive $0xFFFF  }
0x117: {  	p0 =	sne.s32 s0, $0x0;
	_ =	strace $0x90000047  }
0x118: {  	s0 =	sadd.s32 @!p0 $0x100000, s1;
	[bflag:$0x2] =	sbarrier.arrive $0xFFFF  }
0x119: {  	[sflag:s0] =	ssyncadd.tile.s32 @!p0 $0x1;
	_ =	shalt  }
.Lfunc_end2:
_tile_overlayer_lowered:
.L_overlay_start_2:
0x11a: {  	(tag) =	ssettag $0x2  }
0x11b: {  	s0 =	rddreg [dreg:$0x0];
	s2 =	stileid.u32  }
0x11c: {  	s1 =	rddreg [dreg:$0x1];
	p0 =	sne.s32 s2, $0x0  }
0x11d: {  	s3 =	rddreg [dreg:$0x2];
	[bflag:$0x3] =	sbarrier.arrive $0xFFFF;
	s2 =	simm.s32 @!p0 $0x1C01  }
0x11e: {  	[timem:s3], [sflag:s2] =	dma.local @!p0 [hbm:s0], s1  }
0x11f: {  	s0 =	simm.s32 @!p0 $0x1  }
0x120: {  	_ =	swait.ge @!p0 [sflag:s0], s1  }
0x121: {  	s1 =	ssub.s32 @!p0 $0x0, s1;
	[sflag:s0] =	ssyncset.done @!p0 $0x0  }
0x122: {  	[sflag:s0] =	ssyncadd.s32 @!p0 s1  }
0x123: {  	[bflag:$0x3] =	sbarrier.arrive $0xFFFF  }
0x124: {  	_ =	shalt  }

</sc_bundles>
